<compile_context>
chip_gen: v7x
topology: tpu7x:2x2x1
jax: 0.10.2.dev20260603
libtpu: 0.0.44.dev20260713+nightly
codegen_flags: <defaults>
</compile_context>

<pallas_src>
import functools

import jax
import jax.numpy as jnp
from jax import lax
from jax.experimental import pallas as pl
from jax.experimental.pallas import tpu as pltpu
from jax.experimental.pallas import tpu_sc as plsc

N = 65536
D = 512
M = 8192
BR = 1024
ROWS = N // 128



def _score_body(feat_ref, coord_ref, W1_ref, b1_ref, W2_ref, b2_ref, out_ref):
    x = jnp.concatenate([feat_ref[...], coord_ref[...]], axis=1)
    h = lax.dot_general(x, W1_ref[...], (((1,), (0,)), ((), ())),
                        preferred_element_type=jnp.float32)
    h = jnp.maximum(h + b1_ref[...], 0.0)
    s = lax.dot_general(W2_ref[...], h, (((0,), (1,)), ((), ())),
                        preferred_element_type=jnp.float32)
    out_ref[...] = (s + b2_ref[...])[None]


def _scores(feat, coord, W1, b1, W2, b2):
    grid = N // BR
    out = pl.pallas_call(
        _score_body,
        grid=(grid,),
        in_specs=[pl.BlockSpec((BR, D), lambda i: (i, 0)),
                  pl.BlockSpec((BR, 3), lambda i: (i, 0)),
                  pl.BlockSpec((D + 3, D), lambda i: (0, 0)),
                  pl.BlockSpec((1, D), lambda i: (0, 0)),
                  pl.BlockSpec((D, 1), lambda i: (0, 0)),
                  pl.BlockSpec((1, 1), lambda i: (0, 0))],
        out_specs=pl.BlockSpec((1, 1, BR), lambda i: (i, 0, 0)),
        out_shape=jax.ShapeDtypeStruct((grid, 1, BR), jnp.float32),
    )(feat, coord, W1, b1.reshape(1, D), W2, b2.reshape(1, 1))
    return out.reshape(ROWS, 128)



MR = M // 128


def _cmp_first(ka, ia, kb, ib):
    return (ka > kb) | ((ka == kb) & (ia < ib))


def _shift_left_flat(x, s):
    if s < 128:
        a = pltpu.roll(x, 128 - s, 1)
        b = pltpu.roll(a, ROWS - 1, 0)
        c = lax.broadcasted_iota(jnp.int32, x.shape, 1)
        return jnp.where(c < 128 - s, a, b)
    t = s // 128
    return pltpu.roll(x, ROWS - t, 0)


def _partner(x, s):
    if s < 128:
        lo = pltpu.roll(x, 128 - s, 1)
        hi = pltpu.roll(x, s, 1)
        cbit = (lax.broadcasted_iota(jnp.int32, x.shape, 1) & s) == 0
    else:
        t = s // 128
        lo = pltpu.roll(x, x.shape[0] - t, 0)
        hi = pltpu.roll(x, t, 0)
        cbit = (lax.broadcasted_iota(jnp.int32, x.shape, 0) & t) == 0
    return jnp.where(cbit, lo, hi)


def _excl_cumsum_flat(m_f32):
    c1 = lax.broadcasted_iota(jnp.int32, (128, 128), 0)
    c2 = lax.broadcasted_iota(jnp.int32, (128, 128), 1)
    P = (c1 < c2).astype(jnp.float32)
    rowpre = lax.dot_general(m_f32, P, (((1,), (0,)), ((), ())),
                             preferred_element_type=jnp.float32)
    r1 = lax.broadcasted_iota(jnp.int32, (ROWS, ROWS), 0)
    r2 = lax.broadcasted_iota(jnp.int32, (ROWS, ROWS), 1)
    Q = (r2 < r1).astype(jnp.float32)
    rowsum = jnp.sum(m_f32, axis=1, keepdims=True)
    roff = lax.dot_general(Q, rowsum, (((1,), (0,)), ((), ())),
                           preferred_element_type=jnp.float32)
    return rowpre + roff


def _k2_body(score_ref, idx_out_ref):
    sc = score_ref[...]
    b = pltpu.bitcast(sc, jnp.int32)
    u = jnp.where(b < 0, b ^ 0x7FFFFFFF, b)
    ridx = lax.broadcasted_iota(jnp.int32, u.shape, 0)
    cidx = lax.broadcasted_iota(jnp.int32, u.shape, 1)
    idx = ridx * 128 + cidx

    nonneg = jnp.sum((u >= 0).astype(jnp.int32))
    T = jnp.where(nonneg >= M, 0, jnp.int32(-2147483648))
    for bit in range(30, -1, -1):
        cand = T | (1 << bit)
        cnt = jnp.sum((u >= cand).astype(jnp.int32))
        T = jnp.where(cnt >= M, cand, T)

    gt = u > T
    eq = u == T
    extra = (M - jnp.sum(gt.astype(jnp.int32))).astype(jnp.float32)
    eq_rank = _excl_cumsum_flat(eq.astype(jnp.float32))
    win = gt | (eq & (eq_rank < extra))

    wrank = _excl_cumsum_flat(win.astype(jnp.float32)).astype(jnp.int32)
    d = jnp.where(win, idx - wrank, 0)
    winl = win.astype(jnp.int32)
    for bit in range(16):
        s2 = 1 << bit
        iu = _shift_left_flat(u, s2)
        ii = _shift_left_flat(idx, s2)
        iw = _shift_left_flat(winl, s2)
        idd = _shift_left_flat(d, s2)
        move_in = (iw == 1) & (((idd >> bit) & 1) == 1)
        u = jnp.where(move_in, iu, u)
        idx = jnp.where(move_in, ii, idx)
        newd = jnp.where(move_in, idd, d)
        neww = jnp.where(move_in, 1,
                         jnp.where((winl == 1) & (((d >> bit) & 1) == 0),
                                   winl, 0))
        d = newd
        winl = neww

    ku = u[:MR, :]
    ki = idx[:MR, :]
    rr = lax.broadcasted_iota(jnp.int32, ku.shape, 0)
    cc = lax.broadcasted_iota(jnp.int32, ku.shape, 1)
    for kk in range(1, 14):
        k = 1 << kk
        if k < 128:
            region_desc = (cc & k) == 0
        else:
            region_desc = (rr & (k // 128)) == 0
        for j in range(kk - 1, -1, -1):
            st = 1 << j
            if st < 128:
                low = (cc & st) == 0
            else:
                low = (rr & (st // 128)) == 0
            pk = _partner(ku, st)
            pi = _partner(ki, st)
            take_max = region_desc == low
            self_first = _cmp_first(ku, ki, pk, pi)
            keep = take_max == self_first
            ku = jnp.where(keep, ku, pk)
            ki = jnp.where(keep, ki, pi)
    idx_out_ref[...] = ki


def _top_idx(scores):
    return pl.pallas_call(
        _k2_body,
        in_specs=[pl.BlockSpec((ROWS, 128), lambda: (0, 0))],
        out_specs=pl.BlockSpec((MR, 128), lambda: (0, 0)),
        out_shape=jax.ShapeDtypeStruct((MR, 128), jnp.int32),
    )(scores)



@functools.cache
def _make_gather():
    info = plsc.get_sparse_core_info()
    NC, NS = info.num_cores, info.num_subcores
    NW = NC * NS
    b_per_w = M // NW
    CH = 128
    NCH = b_per_w // CH
    mesh = plsc.VectorSubcoreMesh(core_axis_name="c", subcore_axis_name="s")

    @functools.partial(
        pl.kernel, mesh=mesh,
        out_type=[jax.ShapeDtypeStruct((M, D), jnp.float32),
                  jax.ShapeDtypeStruct((M, 128), jnp.float32)],
        scratch_types=[pltpu.VMEM((b_per_w,), jnp.int32),
                       pltpu.VMEM((CH, D), jnp.float32),
                       pltpu.VMEM((b_per_w, 128), jnp.float32),
                       pltpu.SemaphoreType.DMA,
                       pltpu.SemaphoreType.DMA],
    )
    def gather(feat_hbm, coordp_hbm, idx_hbm, out_f_hbm, out_c_hbm,
               idx_v, rows_v, crows_v, sem, csem):
        wid = lax.axis_index("s") * NC + lax.axis_index("c")
        base = wid * b_per_w
        pltpu.sync_copy(idx_hbm.at[pl.ds(base, b_per_w)], idx_v)
        for ch in range(NCH):
            idx_ch = idx_v.at[pl.ds(ch * CH, CH)]
            pltpu.async_copy(feat_hbm.at[idx_ch], rows_v, sem).wait()
            pltpu.sync_copy(rows_v, out_f_hbm.at[pl.ds(base + ch * CH, CH)])
            pltpu.async_copy(coordp_hbm.at[idx_ch],
                             crows_v.at[pl.ds(ch * CH, CH)], csem).wait()
        pltpu.sync_copy(crows_v, out_c_hbm.at[pl.ds(base, b_per_w)])

    return gather



def kernel(feat_list, coord_list, W1, b1, W2, b2):
    feat = feat_list[0]
    coord = coord_list[0]
    scores = _scores(feat, coord, W1, b1, W2, b2)
    top = _top_idx(scores).reshape(M)
    coordp = jnp.pad(coord, ((0, 0), (0, 125)))
    out_f, out_c = _make_gather()(feat, coordp, top)
    return out_f[None], out_c[:, :3][None]

# --- scband reference (transcript-rebuilt; emitter-appended) ---
"""Pipeline reference for scband-point-prefilter-12816182411310 (READ-ONLY COPY).

The authoritative reference and input builder live on the scoring server;
editing this copy changes nothing except your own understanding.
"""

import jax, jax.numpy as jnp
import numpy as np

NUM_CANDIDATES = 8192

def setup_inputs(seed: int = 0) -> dict:
    key = jax.random.key(seed)
    k1, k2, k3, k4 = jax.random.split(key, 4)
    B, N, D = 1, 65536, 512
    feat_list = jax.random.normal(k1, (B, N, D), dtype=jnp.float32)
    coord_list = jax.random.normal(k2, (B, N, 3), dtype=jnp.float32)
    # score_mlp params: Linear(D+3 -> D), ReLU, Linear(D -> 1)
    W1 = jax.random.normal(k3, (D + 3, D), dtype=jnp.float32) / np.sqrt(D + 3)
    b1 = jnp.zeros((D,), dtype=jnp.float32)
    W2 = jax.random.normal(k4, (D, 1), dtype=jnp.float32) / np.sqrt(D)
    b2 = jnp.zeros((1,), dtype=jnp.float32)
    return {"feat_list": feat_list, "coord_list": coord_list,
            "W1": W1, "b1": b1, "W2": W2, "b2": b2}

def reference(feat_list, coord_list, W1, b1, W2, b2):
    # PointPrefilter forward, mode='surface':
    # for each cloud: score = MLP(cat([feat, coord])); idx = topk(score, M); gather.
    B = feat_list.shape[0]
    M = min(NUM_CANDIDATES, feat_list.shape[1])
    feats = []
    coords = []
    for i in range(B):
        feat = feat_list[i]   # (N, D)
        coord = coord_list[i]  # (N, 3)
        h = jnp.concatenate([feat, coord], axis=-1) @ W1 + b1
        h = jnp.maximum(h, 0.0)
        score = (h @ W2 + b2)[:, 0]  # (N,)
        _, idx = jax.lax.top_k(score, M)  # largest=True
        feats.append(jnp.take(feat, idx, axis=0))
        coords.append(jnp.take(coord, idx, axis=0))
    return (jnp.stack(feats, axis=0), jnp.stack(coords, axis=0))

if __name__ == "__main__":
    import jax
    _d = setup_inputs()
    print(jax.jit(kernel)(*tuple(_d.values())))

</pallas_src>

<mosaic_0001>
#map = affine_map<(d0, d1) -> (0, 0)>
#map1 = affine_map<(d0, d1) -> (0)>
module attributes {stable_mosaic.version = 14 : i64} {
  func.func @gather(%arg0: i32, %arg1: i32, %arg2: memref<65536x512xf32, #tpu.memory_space<hbm>>, %arg3: memref<65536x128xf32, #tpu.memory_space<hbm>>, %arg4: memref<8192xi32, #tpu.memory_space<hbm>>, %arg5: memref<8192x512xf32, #tpu.memory_space<hbm>>, %arg6: memref<8192x128xf32, #tpu.memory_space<hbm>>, %arg7: memref<256xi32, #tpu.memory_space<vmem>>, %arg8: memref<128x512xf32, #tpu.memory_space<vmem>>, %arg9: memref<256x128xf32, #tpu.memory_space<vmem>>, %arg10: memref<!tpu.dma_semaphore, #tpu.memory_space<semaphore_mem>>, %arg11: memref<!tpu.dma_semaphore, #tpu.memory_space<semaphore_mem>>) attributes {dimension_semantics = [#tpu.dimension_semantics<core_parallel>, #tpu.dimension_semantics<subcore_parallel>], iteration_bounds = array<i64: 2, 16>, scalar_prefetch = 0 : i64, scratch_operands = 5 : i64, tpu.core_type = #tpu.core_type<sc_vector_subcore>, window_params = [{transform_indices = #map}, {transform_indices = #map}, {transform_indices = #map1}, {transform_indices = #map}, {transform_indices = #map}]} {
    %mul3A = arith.constant 2 : i32
    %mul3A_0 = arith.muli %arg1, %mul3A : i32
    %add3A = arith.addi %mul3A_0, %arg0 : i32
    %mul3A_1 = arith.constant 256 : i32
    %mul3A_2 = arith.muli %add3A, %mul3A_1 : i32
    "tpu.region"() ({
      %run_scoped3A = tpu.sem_alloc : memref<!tpu.dma_semaphore, #tpu.memory_space<semaphore_mem>>
      %dma_start3A_57 = tpu.memref_slice %arg4[%mul3A_2] : memref<8192xi32, #tpu.memory_space<hbm>> -> memref<256xi32, #tpu.memory_space<hbm>>
      %dma_start3A_58 = tpu.memref_slice %arg4[%mul3A_2] : memref<8192xi32, #tpu.memory_space<hbm>> -> memref<256xi32, #tpu.memory_space<hbm>>
      tpu.enqueue_dma source(%dma_start3A_58 : memref<256xi32, #tpu.memory_space<hbm>>) target(%arg7 : memref<256xi32, #tpu.memory_space<vmem>>) target_semaphore(%run_scoped3A : memref<!tpu.dma_semaphore, #tpu.memory_space<semaphore_mem>>)
      %dma_wait3A_59 = tpu.memref_slice %arg4[%mul3A_2] : memref<8192xi32, #tpu.memory_space<hbm>> -> memref<256xi32, #tpu.memory_space<hbm>>
      %dma_wait3A_60 = tpu.memref_slice %arg4[%mul3A_2] : memref<8192xi32, #tpu.memory_space<hbm>> -> memref<256xi32, #tpu.memory_space<hbm>>
      tpu.wait_dma2 semaphore(%run_scoped3A : memref<!tpu.dma_semaphore, #tpu.memory_space<semaphore_mem>>) src(%dma_wait3A_60 : memref<256xi32, #tpu.memory_space<hbm>>) dst(%arg7 : memref<256xi32, #tpu.memory_space<vmem>>)
      tpu.yield
    }) : () -> ()
    %dma_start3A = arith.constant 0 : i32
    %dma_start3A_3 = tpu.memref_slice %arg7[%dma_start3A] : memref<256xi32, #tpu.memory_space<vmem>> -> memref<128xi32, #tpu.memory_space<vmem>>
    %dma_start3A_4 = arith.constant 0 : i32
    %dma_start3A_5 = arith.constant 0 : i32
    %dma_start3A_6 = tpu.memref_slice %arg2[%dma_start3A_4, %dma_start3A_5] : memref<65536x512xf32, #tpu.memory_space<hbm>> -> memref<65536x512xf32, #tpu.memory_space<hbm>>
    tpu.enqueue_indirect_dma source(%dma_start3A_6 : memref<65536x512xf32, #tpu.memory_space<hbm>>) target(%arg8 : memref<128x512xf32, #tpu.memory_space<vmem>>) offsets(%dma_start3A_3 : memref<128xi32, #tpu.memory_space<vmem>>) semaphore(%arg10 : memref<!tpu.dma_semaphore, #tpu.memory_space<semaphore_mem>>)
    %dma_wait3A = arith.constant 0 : i32
    %dma_wait3A_7 = tpu.memref_slice %arg7[%dma_wait3A] : memref<256xi32, #tpu.memory_space<vmem>> -> memref<128xi32, #tpu.memory_space<vmem>>
    %dma_wait3A_8 = arith.constant 0 : i32
    %dma_wait3A_9 = arith.constant 0 : i32
    %dma_wait3A_10 = tpu.memref_slice %arg2[%dma_wait3A_8, %dma_wait3A_9] : memref<65536x512xf32, #tpu.memory_space<hbm>> -> memref<65536x512xf32, #tpu.memory_space<hbm>>
    tpu.wait_indirect_dma semaphore(%arg10 : memref<!tpu.dma_semaphore, #tpu.memory_space<semaphore_mem>>) src(%dma_wait3A_10 : memref<65536x512xf32, #tpu.memory_space<hbm>>) dst(%arg8 : memref<128x512xf32, #tpu.memory_space<vmem>>)
    %add3A_11 = arith.constant 0 : i32
    %add3A_12 = arith.addi %mul3A_2, %add3A_11 : i32
    "tpu.region"() ({
      %run_scoped3A = tpu.sem_alloc : memref<!tpu.dma_semaphore, #tpu.memory_space<semaphore_mem>>
      %dma_start3A_57 = arith.constant 0 : i32
      %dma_start3A_58 = tpu.memref_slice %arg5[%add3A_12, %dma_start3A_57] : memref<8192x512xf32, #tpu.memory_space<hbm>> -> memref<128x512xf32, #tpu.memory_space<hbm>>
      %dma_start3A_59 = arith.constant 0 : i32
      %dma_start3A_60 = tpu.memref_slice %arg5[%add3A_12, %dma_start3A_59] : memref<8192x512xf32, #tpu.memory_space<hbm>> -> memref<128x512xf32, #tpu.memory_space<hbm>>
      tpu.enqueue_dma source(%arg8 : memref<128x512xf32, #tpu.memory_space<vmem>>) target(%dma_start3A_60 : memref<128x512xf32, #tpu.memory_space<hbm>>) target_semaphore(%run_scoped3A : memref<!tpu.dma_semaphore, #tpu.memory_space<semaphore_mem>>)
      %dma_wait3A_61 = arith.constant 0 : i32
      %dma_wait3A_62 = tpu.memref_slice %arg5[%add3A_12, %dma_wait3A_61] : memref<8192x512xf32, #tpu.memory_space<hbm>> -> memref<128x512xf32, #tpu.memory_space<hbm>>
      %dma_wait3A_63 = arith.constant 0 : i32
      %dma_wait3A_64 = tpu.memref_slice %arg5[%add3A_12, %dma_wait3A_63] : memref<8192x512xf32, #tpu.memory_space<hbm>> -> memref<128x512xf32, #tpu.memory_space<hbm>>
      tpu.wait_dma2 semaphore(%run_scoped3A : memref<!tpu.dma_semaphore, #tpu.memory_space<semaphore_mem>>) src(%arg8 : memref<128x512xf32, #tpu.memory_space<vmem>>) dst(%dma_wait3A_64 : memref<128x512xf32, #tpu.memory_space<hbm>>)
      tpu.yield
    }) : () -> ()
    %dma_start3A_13 = arith.constant 0 : i32
    %dma_start3A_14 = arith.constant 0 : i32
    %dma_start3A_15 = tpu.memref_slice %arg9[%dma_start3A_13, %dma_start3A_14] : memref<256x128xf32, #tpu.memory_space<vmem>> -> memref<128x128xf32, #tpu.memory_space<vmem>>
    %dma_start3A_16 = arith.constant 0 : i32
    %dma_start3A_17 = tpu.memref_slice %arg7[%dma_start3A_16] : memref<256xi32, #tpu.memory_space<vmem>> -> memref<128xi32, #tpu.memory_space<vmem>>
    %dma_start3A_18 = arith.constant 0 : i32
    %dma_start3A_19 = arith.constant 0 : i32
    %dma_start3A_20 = tpu.memref_slice %arg3[%dma_start3A_18, %dma_start3A_19] : memref<65536x128xf32, #tpu.memory_space<hbm>> -> memref<65536x128xf32, #tpu.memory_space<hbm>>
    tpu.enqueue_indirect_dma source(%dma_start3A_20 : memref<65536x128xf32, #tpu.memory_space<hbm>>) target(%dma_start3A_15 : memref<128x128xf32, #tpu.memory_space<vmem>>) offsets(%dma_start3A_17 : memref<128xi32, #tpu.memory_space<vmem>>) semaphore(%arg11 : memref<!tpu.dma_semaphore, #tpu.memory_space<semaphore_mem>>)
    %dma_wait3A_21 = arith.constant 0 : i32
    %dma_wait3A_22 = arith.constant 0 : i32
    %dma_wait3A_23 = tpu.memref_slice %arg9[%dma_wait3A_21, %dma_wait3A_22] : memref<256x128xf32, #tpu.memory_space<vmem>> -> memref<128x128xf32, #tpu.memory_space<vmem>>
    %dma_wait3A_24 = arith.constant 0 : i32
    %dma_wait3A_25 = tpu.memref_slice %arg7[%dma_wait3A_24] : memref<256xi32, #tpu.memory_space<vmem>> -> memref<128xi32, #tpu.memory_space<vmem>>
    %dma_wait3A_26 = arith.constant 0 : i32
    %dma_wait3A_27 = arith.constant 0 : i32
    %dma_wait3A_28 = tpu.memref_slice %arg3[%dma_wait3A_26, %dma_wait3A_27] : memref<65536x128xf32, #tpu.memory_space<hbm>> -> memref<65536x128xf32, #tpu.memory_space<hbm>>
    tpu.wait_indirect_dma semaphore(%arg11 : memref<!tpu.dma_semaphore, #tpu.memory_space<semaphore_mem>>) src(%dma_wait3A_28 : memref<65536x128xf32, #tpu.memory_space<hbm>>) dst(%dma_wait3A_23 : memref<128x128xf32, #tpu.memory_space<vmem>>)
    %dma_start3A_29 = arith.constant 128 : i32
    %dma_start3A_30 = tpu.memref_slice %arg7[%dma_start3A_29] : memref<256xi32, #tpu.memory_space<vmem>> -> memref<128xi32, #tpu.memory_space<vmem>>
    %dma_start3A_31 = arith.constant 0 : i32
    %dma_start3A_32 = arith.constant 0 : i32
    %dma_start3A_33 = tpu.memref_slice %arg2[%dma_start3A_31, %dma_start3A_32] : memref<65536x512xf32, #tpu.memory_space<hbm>> -> memref<65536x512xf32, #tpu.memory_space<hbm>>
    tpu.enqueue_indirect_dma source(%dma_start3A_33 : memref<65536x512xf32, #tpu.memory_space<hbm>>) target(%arg8 : memref<128x512xf32, #tpu.memory_space<vmem>>) offsets(%dma_start3A_30 : memref<128xi32, #tpu.memory_space<vmem>>) semaphore(%arg10 : memref<!tpu.dma_semaphore, #tpu.memory_space<semaphore_mem>>)
    %dma_wait3A_34 = arith.constant 128 : i32
    %dma_wait3A_35 = tpu.memref_slice %arg7[%dma_wait3A_34] : memref<256xi32, #tpu.memory_space<vmem>> -> memref<128xi32, #tpu.memory_space<vmem>>
    %dma_wait3A_36 = arith.constant 0 : i32
    %dma_wait3A_37 = arith.constant 0 : i32
    %dma_wait3A_38 = tpu.memref_slice %arg2[%dma_wait3A_36, %dma_wait3A_37] : memref<65536x512xf32, #tpu.memory_space<hbm>> -> memref<65536x512xf32, #tpu.memory_space<hbm>>
    tpu.wait_indirect_dma semaphore(%arg10 : memref<!tpu.dma_semaphore, #tpu.memory_space<semaphore_mem>>) src(%dma_wait3A_38 : memref<65536x512xf32, #tpu.memory_space<hbm>>) dst(%arg8 : memref<128x512xf32, #tpu.memory_space<vmem>>)
    %add3A_39 = arith.constant 128 : i32
    %add3A_40 = arith.addi %mul3A_2, %add3A_39 : i32
    "tpu.region"() ({
      %run_scoped3A = tpu.sem_alloc : memref<!tpu.dma_semaphore, #tpu.memory_space<semaphore_mem>>
      %dma_start3A_57 = arith.constant 0 : i32
      %dma_start3A_58 = tpu.memref_slice %arg5[%add3A_40, %dma_start3A_57] : memref<8192x512xf32, #tpu.memory_space<hbm>> -> memref<128x512xf32, #tpu.memory_space<hbm>>
      %dma_start3A_59 = arith.constant 0 : i32
      %dma_start3A_60 = tpu.memref_slice %arg5[%add3A_40, %dma_start3A_59] : memref<8192x512xf32, #tpu.memory_space<hbm>> -> memref<128x512xf32, #tpu.memory_space<hbm>>
      tpu.enqueue_dma source(%arg8 : memref<128x512xf32, #tpu.memory_space<vmem>>) target(%dma_start3A_60 : memref<128x512xf32, #tpu.memory_space<hbm>>) target_semaphore(%run_scoped3A : memref<!tpu.dma_semaphore, #tpu.memory_space<semaphore_mem>>)
      %dma_wait3A_61 = arith.constant 0 : i32
      %dma_wait3A_62 = tpu.memref_slice %arg5[%add3A_40, %dma_wait3A_61] : memref<8192x512xf32, #tpu.memory_space<hbm>> -> memref<128x512xf32, #tpu.memory_space<hbm>>
      %dma_wait3A_63 = arith.constant 0 : i32
      %dma_wait3A_64 = tpu.memref_slice %arg5[%add3A_40, %dma_wait3A_63] : memref<8192x512xf32, #tpu.memory_space<hbm>> -> memref<128x512xf32, #tpu.memory_space<hbm>>
      tpu.wait_dma2 semaphore(%run_scoped3A : memref<!tpu.dma_semaphore, #tpu.memory_space<semaphore_mem>>) src(%arg8 : memref<128x512xf32, #tpu.memory_space<vmem>>) dst(%dma_wait3A_64 : memref<128x512xf32, #tpu.memory_space<hbm>>)
      tpu.yield
    }) : () -> ()
    %dma_start3A_41 = arith.constant 128 : i32
    %dma_start3A_42 = arith.constant 0 : i32
    %dma_start3A_43 = tpu.memref_slice %arg9[%dma_start3A_41, %dma_start3A_42] : memref<256x128xf32, #tpu.memory_space<vmem>> -> memref<128x128xf32, #tpu.memory_space<vmem>>
    %dma_start3A_44 = arith.constant 128 : i32
    %dma_start3A_45 = tpu.memref_slice %arg7[%dma_start3A_44] : memref<256xi32, #tpu.memory_space<vmem>> -> memref<128xi32, #tpu.memory_space<vmem>>
    %dma_start3A_46 = arith.constant 0 : i32
    %dma_start3A_47 = arith.constant 0 : i32
    %dma_start3A_48 = tpu.memref_slice %arg3[%dma_start3A_46, %dma_start3A_47] : memref<65536x128xf32, #tpu.memory_space<hbm>> -> memref<65536x128xf32, #tpu.memory_space<hbm>>
    tpu.enqueue_indirect_dma source(%dma_start3A_48 : memref<65536x128xf32, #tpu.memory_space<hbm>>) target(%dma_start3A_43 : memref<128x128xf32, #tpu.memory_space<vmem>>) offsets(%dma_start3A_45 : memref<128xi32, #tpu.memory_space<vmem>>) semaphore(%arg11 : memref<!tpu.dma_semaphore, #tpu.memory_space<semaphore_mem>>)
    %dma_wait3A_49 = arith.constant 128 : i32
    %dma_wait3A_50 = arith.constant 0 : i32
    %dma_wait3A_51 = tpu.memref_slice %arg9[%dma_wait3A_49, %dma_wait3A_50] : memref<256x128xf32, #tpu.memory_space<vmem>> -> memref<128x128xf32, #tpu.memory_space<vmem>>
    %dma_wait3A_52 = arith.constant 128 : i32
    %dma_wait3A_53 = tpu.memref_slice %arg7[%dma_wait3A_52] : memref<256xi32, #tpu.memory_space<vmem>> -> memref<128xi32, #tpu.memory_space<vmem>>
    %dma_wait3A_54 = arith.constant 0 : i32
    %dma_wait3A_55 = arith.constant 0 : i32
    %dma_wait3A_56 = tpu.memref_slice %arg3[%dma_wait3A_54, %dma_wait3A_55] : memref<65536x128xf32, #tpu.memory_space<hbm>> -> memref<65536x128xf32, #tpu.memory_space<hbm>>
    tpu.wait_indirect_dma semaphore(%arg11 : memref<!tpu.dma_semaphore, #tpu.memory_space<semaphore_mem>>) src(%dma_wait3A_56 : memref<65536x128xf32, #tpu.memory_space<hbm>>) dst(%dma_wait3A_51 : memref<128x128xf32, #tpu.memory_space<vmem>>)
    "tpu.region"() ({
      %run_scoped3A = tpu.sem_alloc : memref<!tpu.dma_semaphore, #tpu.memory_space<semaphore_mem>>
      %dma_start3A_57 = arith.constant 0 : i32
      %dma_start3A_58 = tpu.memref_slice %arg6[%mul3A_2, %dma_start3A_57] : memref<8192x128xf32, #tpu.memory_space<hbm>> -> memref<256x128xf32, #tpu.memory_space<hbm>>
      %dma_start3A_59 = arith.constant 0 : i32
      %dma_start3A_60 = tpu.memref_slice %arg6[%mul3A_2, %dma_start3A_59] : memref<8192x128xf32, #tpu.memory_space<hbm>> -> memref<256x128xf32, #tpu.memory_space<hbm>>
      tpu.enqueue_dma source(%arg9 : memref<256x128xf32, #tpu.memory_space<vmem>>) target(%dma_start3A_60 : memref<256x128xf32, #tpu.memory_space<hbm>>) target_semaphore(%run_scoped3A : memref<!tpu.dma_semaphore, #tpu.memory_space<semaphore_mem>>)
      %dma_wait3A_61 = arith.constant 0 : i32
      %dma_wait3A_62 = tpu.memref_slice %arg6[%mul3A_2, %dma_wait3A_61] : memref<8192x128xf32, #tpu.memory_space<hbm>> -> memref<256x128xf32, #tpu.memory_space<hbm>>
      %dma_wait3A_63 = arith.constant 0 : i32
      %dma_wait3A_64 = tpu.memref_slice %arg6[%mul3A_2, %dma_wait3A_63] : memref<8192x128xf32, #tpu.memory_space<hbm>> -> memref<256x128xf32, #tpu.memory_space<hbm>>
      tpu.wait_dma2 semaphore(%run_scoped3A : memref<!tpu.dma_semaphore, #tpu.memory_space<semaphore_mem>>) src(%arg9 : memref<256x128xf32, #tpu.memory_space<vmem>>) dst(%dma_wait3A_64 : memref<256x128xf32, #tpu.memory_space<hbm>>)
      tpu.yield
    }) : () -> ()
    return
  }
}

module attributes {stable_mosaic.version = 14 : i64} {
  func.func @_score_body(%arg0: i32, %arg1: memref<1024x512xf32, #tpu.memory_space<vmem>>, %arg2: memref<1024x3xf32, #tpu.memory_space<vmem>>, %arg3: memref<515x512xf32, #tpu.memory_space<vmem>>, %arg4: memref<1x512xf32, #tpu.memory_space<vmem>>, %arg5: memref<512x1xf32, #tpu.memory_space<vmem>>, %arg6: memref<1x1xf32, #tpu.memory_space<vmem>>, %arg7: memref<1x1x1024xf32, #tpu.memory_space<vmem>>) attributes {dimension_semantics = [#tpu.dimension_semantics<arbitrary>], iteration_bounds = array<i64: 64>, scalar_prefetch = 0 : i64, scratch_operands = 0 : i64, tpu.core_type = #tpu.core_type<tc>, window_params = [{transform_indices = @transform_0, window_bounds = array<i64: 1024, 512>}, {transform_indices = @transform_1, window_bounds = array<i64: 1024, 3>}, {pipeline_mode = #tpu.pipeline_mode<synchronous>, transform_indices = @transform_2, window_bounds = array<i64: 515, 512>}, {pipeline_mode = #tpu.pipeline_mode<synchronous>, transform_indices = @transform_3, window_bounds = array<i64: 1, 512>}, {pipeline_mode = #tpu.pipeline_mode<synchronous>, transform_indices = @transform_4, window_bounds = array<i64: 512, 1>}, {pipeline_mode = #tpu.pipeline_mode<synchronous>, transform_indices = @transform_5, window_bounds = array<i64: 1, 1>}, {transform_indices = @transform_6, window_bounds = array<i64: 1, 1, 1024>}]} {
    %get3A = arith.constant 0 : index
    %get3A_0 = arith.constant 0 : index
    %get3A_1 = vector.load %arg1[%get3A, %get3A_0] : memref<1024x512xf32, #tpu.memory_space<vmem>>, vector<1024x512xf32>
    %get3A_2 = arith.constant 0 : index
    %get3A_3 = arith.constant 0 : index
    %get3A_4 = vector.load %arg2[%get3A_2, %get3A_3] : memref<1024x3xf32, #tpu.memory_space<vmem>>, vector<1024x3xf32>
    %concatenate3A = tpu.concatenate %get3A_1, %get3A_4 in 1 : vector<1024x512xf32>, vector<1024x3xf32> -> vector<1024x515xf32>
    %get3A_5 = arith.constant 0 : index
    %get3A_6 = arith.constant 0 : index
    %get3A_7 = vector.load %arg3[%get3A_5, %get3A_6] : memref<515x512xf32, #tpu.memory_space<vmem>>, vector<515x512xf32>
    %dot_general3A = arith.constant dense<0.000000e+00> : vector<1024x512xf32>
    %dot_general3A_8 = tpu.matmul %concatenate3A, %get3A_7, %dot_general3A {dimension_numbers = #tpu.dot_dimension_numbers<[1], [0], [0], [1], [0, 0, 1, 1], [], []>, transpose_lhs_hint = false} : vector<1024x515xf32>, vector<515x512xf32>, vector<1024x512xf32> -> vector<1024x512xf32>
    %get3A_9 = arith.constant 0 : index
    %get3A_10 = arith.constant 0 : index
    %get3A_11 = vector.load %arg4[%get3A_9, %get3A_10] : memref<1x512xf32, #tpu.memory_space<vmem>>, vector<1x512xf32>
    %add3A = vector.broadcast %get3A_11 : vector<1x512xf32> to vector<1024x512xf32>
    %add3A_12 = arith.addf %dot_general3A_8, %add3A : vector<1024x512xf32>
    %max3A = arith.constant 0.000000e+00 : f32
    %max3A_13 = vector.broadcast %max3A : f32 to vector<1024x512xf32>
    %max3A_14 = arith.maximumf %add3A_12, %max3A_13 : vector<1024x512xf32>
    %get3A_15 = arith.constant 0 : index
    %get3A_16 = arith.constant 0 : index
    %get3A_17 = vector.load %arg5[%get3A_15, %get3A_16] : memref<512x1xf32, #tpu.memory_space<vmem>>, vector<512x1xf32>
    %dot_general3A_18 = arith.constant dense<0.000000e+00> : vector<1x1024xf32>
    %dot_general3A_19 = tpu.matmul %get3A_17, %max3A_14, %dot_general3A_18 {dimension_numbers = #tpu.dot_dimension_numbers<[0], [1], [1], [0], [0, 1, 1, 0], [], []>, transpose_lhs_hint = false} : vector<512x1xf32>, vector<1024x512xf32>, vector<1x1024xf32> -> vector<1x1024xf32>
    %get3A_20 = arith.constant 0 : index
    %get3A_21 = arith.constant 0 : index
    %get3A_22 = vector.load %arg6[%get3A_20, %get3A_21] : memref<1x1xf32, #tpu.memory_space<vmem>>, vector<1x1xf32>
    %add3A_23 = vector.broadcast %get3A_22 : vector<1x1xf32> to vector<1x1024xf32>
    %add3A_24 = arith.addf %dot_general3A_19, %add3A_23 : vector<1x1024xf32>
    %broadcast_in_dim3A = vector.shape_cast %add3A_24 : vector<1x1024xf32> to vector<1x1x1024xf32>
    %swap3A = arith.constant 0 : index
    %swap3A_25 = arith.constant 0 : index
    %swap3A_26 = arith.constant 0 : index
    %swap3A_27 = vector.load %arg7[%swap3A, %swap3A_25, %swap3A_26] : memref<1x1x1024xf32, #tpu.memory_space<vmem>>, vector<1x1x1024xf32>
    tpu.vector_store %arg7[%swap3A, %swap3A_25, %swap3A_26], %broadcast_in_dim3A {strides = array<i32>} : memref<1x1x1024xf32, #tpu.memory_space<vmem>>, vector<1x1x1024xf32>,
    return
  }
  func.func @transform_0(%arg0: i32) -> (i32, i32) {
    %c0_i32 = arith.constant 0 : i32
    %c0_i32_0 = arith.constant 0 : i32
    return %arg0, %c0_i32 : i32, i32
  }
  func.func @transform_1(%arg0: i32) -> (i32, i32) {
    %c0_i32 = arith.constant 0 : i32
    %c0_i32_0 = arith.constant 0 : i32
    return %arg0, %c0_i32 : i32, i32
  }
  func.func @transform_2(%arg0: i32) -> (i32, i32) {
    %c0_i32 = arith.constant 0 : i32
    %c0_i32_0 = arith.constant 0 : i32
    %c0_i32_1 = arith.constant 0 : i32
    return %c0_i32, %c0_i32_0 : i32, i32
  }
  func.func @transform_3(%arg0: i32) -> (i32, i32) {
    %c0_i32 = arith.constant 0 : i32
    %c0_i32_0 = arith.constant 0 : i32
    %c0_i32_1 = arith.constant 0 : i32
    return %c0_i32, %c0_i32_0 : i32, i32
  }
  func.func @transform_4(%arg0: i32) -> (i32, i32) {
    %c0_i32 = arith.constant 0 : i32
    %c0_i32_0 = arith.constant 0 : i32
    %c0_i32_1 = arith.constant 0 : i32
    return %c0_i32, %c0_i32_0 : i32, i32
  }
  func.func @transform_5(%arg0: i32) -> (i32, i32) {
    %c0_i32 = arith.constant 0 : i32
    %c0_i32_0 = arith.constant 0 : i32
    %c0_i32_1 = arith.constant 0 : i32
    return %c0_i32, %c0_i32_0 : i32, i32
  }
  func.func @transform_6(%arg0: i32) -> (i32, i32, i32) {
    %c0_i32 = arith.constant 0 : i32
    %c0_i32_0 = arith.constant 0 : i32
    %c0_i32_1 = arith.constant 0 : i32
    return %arg0, %c0_i32, %c0_i32_0 : i32, i32, i32
  }
}

module attributes {stable_mosaic.version = 14 : i64} {
  func.func @_k2_body(%arg0: memref<512x128xf32, #tpu.memory_space<vmem>>, %arg1: memref<64x128xi32, #tpu.memory_space<vmem>>) attributes {dimension_semantics = [], scalar_prefetch = 0 : i64, scratch_operands = 0 : i64, tpu.core_type = #tpu.core_type<tc>} {
    %get3A = arith.constant 0 : index
    %get3A_0 = arith.constant 0 : index
    %get3A_1 = vector.load %arg0[%get3A, %get3A_0] : memref<512x128xf32, #tpu.memory_space<vmem>>, vector<512x128xf32>
    %bitcast3A = tpu.bitcast %get3A_1 : vector<512x128xf32> -> vector<512x128xi32>
    %lt3A = arith.constant 0 : i32
    %lt3A_2 = vector.broadcast %lt3A : i32 to vector<512x128xi32>
    %lt3A_3 = arith.cmpi slt, %bitcast3A, %lt3A_2 : vector<512x128xi32>
    %xor3A = arith.constant 2147483647 : i32
    %xor3A_4 = vector.broadcast %xor3A : i32 to vector<512x128xi32>
    %xor3A_5 = arith.xori %bitcast3A, %xor3A_4 : vector<512x128xi32>
    %select_n3A = arith.select %lt3A_3, %xor3A_5, %bitcast3A : vector<512x128xi1>, vector<512x128xi32>
    %iota3A = tpu.iota {dimensions = array<i32: 0>} : vector<512x128xi32>
    %iota3A_6 = tpu.iota {dimensions = array<i32: 1>} : vector<512x128xi32>
    %mul3A = arith.constant 128 : i32
    %mul3A_7 = vector.broadcast %mul3A : i32 to vector<512x128xi32>
    %mul3A_8 = arith.muli %iota3A, %mul3A_7 : vector<512x128xi32>
    %add3A = arith.addi %mul3A_8, %iota3A_6 : vector<512x128xi32>
    %ge3A = arith.constant 0 : i32
    %ge3A_9 = vector.broadcast %ge3A : i32 to vector<512x128xi32>
    %ge3A_10 = arith.cmpi sge, %select_n3A, %ge3A_9 : vector<512x128xi32>
    %convert_element_type3A = arith.extui %ge3A_10 : vector<512x128xi1> to vector<512x128xi32>
    %reduce_sum3A = vector.shape_cast %convert_element_type3A : vector<512x128xi32> to vector<1x512x128xi32>
    %reduce_sum3A_11 = arith.constant dense<0> : vector<1xi32>
    %reduce_sum3A_12 = vector.multi_reduction <add>, %reduce_sum3A, %reduce_sum3A_11 [1, 2] : vector<1x512x128xi32> to vector<1xi32>
    %reduce_sum3A_13 = vector.shape_cast %reduce_sum3A_12 : vector<1xi32> to vector<1x1x1xi32>
    %reduce_sum3A_14 = vector.extract %reduce_sum3A_13[0, 0, 0] : i32 from vector<1x1x1xi32>
    %ge3A_15 = arith.constant 8192 : i32
    %ge3A_16 = arith.cmpi sge, %reduce_sum3A_14, %ge3A_15 : i32
    %jit3A = arith.constant 0 : i32
    %jit3A_17 = arith.constant -2147483648 : i32
    %select_n3A_18 = arith.select %ge3A_16, %jit3A, %jit3A_17 : i32
    %or3A = arith.constant 1073741824 : i32
    %or3A_19 = arith.ori %select_n3A_18, %or3A : i32
    %ge3A_20 = vector.broadcast %or3A_19 : i32 to vector<512x128xi32>
    %ge3A_21 = arith.cmpi sge, %select_n3A, %ge3A_20 : vector<512x128xi32>
    %convert_element_type3A_22 = arith.extui %ge3A_21 : vector<512x128xi1> to vector<512x128xi32>
    %reduce_sum3A_23 = vector.shape_cast %convert_element_type3A_22 : vector<512x128xi32> to vector<1x512x128xi32>
    %reduce_sum3A_24 = arith.constant dense<0> : vector<1xi32>
    %reduce_sum3A_25 = vector.multi_reduction <add>, %reduce_sum3A_23, %reduce_sum3A_24 [1, 2] : vector<1x512x128xi32> to vector<1xi32>
    %reduce_sum3A_26 = vector.shape_cast %reduce_sum3A_25 : vector<1xi32> to vector<1x1x1xi32>
    %reduce_sum3A_27 = vector.extract %reduce_sum3A_26[0, 0, 0] : i32 from vector<1x1x1xi32>
    %ge3A_28 = arith.constant 8192 : i32
    %ge3A_29 = arith.cmpi sge, %reduce_sum3A_27, %ge3A_28 : i32
    %select_n3A_30 = arith.select %ge3A_29, %or3A_19, %select_n3A_18 : i32
    %or3A_31 = arith.constant 536870912 : i32
    %or3A_32 = arith.ori %select_n3A_30, %or3A_31 : i32
    %ge3A_33 = vector.broadcast %or3A_32 : i32 to vector<512x128xi32>
    %ge3A_34 = arith.cmpi sge, %select_n3A, %ge3A_33 : vector<512x128xi32>
    %convert_element_type3A_35 = arith.extui %ge3A_34 : vector<512x128xi1> to vector<512x128xi32>
    %reduce_sum3A_36 = vector.shape_cast %convert_element_type3A_35 : vector<512x128xi32> to vector<1x512x128xi32>
    %reduce_sum3A_37 = arith.constant dense<0> : vector<1xi32>
    %reduce_sum3A_38 = vector.multi_reduction <add>, %reduce_sum3A_36, %reduce_sum3A_37 [1, 2] : vector<1x512x128xi32> to vector<1xi32>
    %reduce_sum3A_39 = vector.shape_cast %reduce_sum3A_38 : vector<1xi32> to vector<1x1x1xi32>
    %reduce_sum3A_40 = vector.extract %reduce_sum3A_39[0, 0, 0] : i32 from vector<1x1x1xi32>
    %ge3A_41 = arith.constant 8192 : i32
    %ge3A_42 = arith.cmpi sge, %reduce_sum3A_40, %ge3A_41 : i32
    %select_n3A_43 = arith.select %ge3A_42, %or3A_32, %select_n3A_30 : i32
    %or3A_44 = arith.constant 268435456 : i32
    %or3A_45 = arith.ori %select_n3A_43, %or3A_44 : i32
    %ge3A_46 = vector.broadcast %or3A_45 : i32 to vector<512x128xi32>
    %ge3A_47 = arith.cmpi sge, %select_n3A, %ge3A_46 : vector<512x128xi32>
    %convert_element_type3A_48 = arith.extui %ge3A_47 : vector<512x128xi1> to vector<512x128xi32>
    %reduce_sum3A_49 = vector.shape_cast %convert_element_type3A_48 : vector<512x128xi32> to vector<1x512x128xi32>
    %reduce_sum3A_50 = arith.constant dense<0> : vector<1xi32>
    %reduce_sum3A_51 = vector.multi_reduction <add>, %reduce_sum3A_49, %reduce_sum3A_50 [1, 2] : vector<1x512x128xi32> to vector<1xi32>
    %reduce_sum3A_52 = vector.shape_cast %reduce_sum3A_51 : vector<1xi32> to vector<1x1x1xi32>
    %reduce_sum3A_53 = vector.extract %reduce_sum3A_52[0, 0, 0] : i32 from vector<1x1x1xi32>
    %ge3A_54 = arith.constant 8192 : i32
    %ge3A_55 = arith.cmpi sge, %reduce_sum3A_53, %ge3A_54 : i32
    %select_n3A_56 = arith.select %ge3A_55, %or3A_45, %select_n3A_43 : i32
    %or3A_57 = arith.constant 134217728 : i32
    %or3A_58 = arith.ori %select_n3A_56, %or3A_57 : i32
    %ge3A_59 = vector.broadcast %or3A_58 : i32 to vector<512x128xi32>
    %ge3A_60 = arith.cmpi sge, %select_n3A, %ge3A_59 : vector<512x128xi32>
    %convert_element_type3A_61 = arith.extui %ge3A_60 : vector<512x128xi1> to vector<512x128xi32>
    %reduce_sum3A_62 = vector.shape_cast %convert_element_type3A_61 : vector<512x128xi32> to vector<1x512x128xi32>
    %reduce_sum3A_63 = arith.constant dense<0> : vector<1xi32>
    %reduce_sum3A_64 = vector.multi_reduction <add>, %reduce_sum3A_62, %reduce_sum3A_63 [1, 2] : vector<1x512x128xi32> to vector<1xi32>
    %reduce_sum3A_65 = vector.shape_cast %reduce_sum3A_64 : vector<1xi32> to vector<1x1x1xi32>
    %reduce_sum3A_66 = vector.extract %reduce_sum3A_65[0, 0, 0] : i32 from vector<1x1x1xi32>
    %ge3A_67 = arith.constant 8192 : i32
    %ge3A_68 = arith.cmpi sge, %reduce_sum3A_66, %ge3A_67 : i32
    %select_n3A_69 = arith.select %ge3A_68, %or3A_58, %select_n3A_56 : i32
    %or3A_70 = arith.constant 67108864 : i32
    %or3A_71 = arith.ori %select_n3A_69, %or3A_70 : i32
    %ge3A_72 = vector.broadcast %or3A_71 : i32 to vector<512x128xi32>
    %ge3A_73 = arith.cmpi sge, %select_n3A, %ge3A_72 : vector<512x128xi32>
    %convert_element_type3A_74 = arith.extui %ge3A_73 : vector<512x128xi1> to vector<512x128xi32>
    %reduce_sum3A_75 = vector.shape_cast %convert_element_type3A_74 : vector<512x128xi32> to vector<1x512x128xi32>
    %reduce_sum3A_76 = arith.constant dense<0> : vector<1xi32>
    %reduce_sum3A_77 = vector.multi_reduction <add>, %reduce_sum3A_75, %reduce_sum3A_76 [1, 2] : vector<1x512x128xi32> to vector<1xi32>
    %reduce_sum3A_78 = vector.shape_cast %reduce_sum3A_77 : vector<1xi32> to vector<1x1x1xi32>
    %reduce_sum3A_79 = vector.extract %reduce_sum3A_78[0, 0, 0] : i32 from vector<1x1x1xi32>
    %ge3A_80 = arith.constant 8192 : i32
    %ge3A_81 = arith.cmpi sge, %reduce_sum3A_79, %ge3A_80 : i32
    %select_n3A_82 = arith.select %ge3A_81, %or3A_71, %select_n3A_69 : i32
    %or3A_83 = arith.constant 33554432 : i32
    %or3A_84 = arith.ori %select_n3A_82, %or3A_83 : i32
    %ge3A_85 = vector.broadcast %or3A_84 : i32 to vector<512x128xi32>
    %ge3A_86 = arith.cmpi sge, %select_n3A, %ge3A_85 : vector<512x128xi32>
    %convert_element_type3A_87 = arith.extui %ge3A_86 : vector<512x128xi1> to vector<512x128xi32>
    %reduce_sum3A_88 = vector.shape_cast %convert_element_type3A_87 : vector<512x128xi32> to vector<1x512x128xi32>
    %reduce_sum3A_89 = arith.constant dense<0> : vector<1xi32>
    %reduce_sum3A_90 = vector.multi_reduction <add>, %reduce_sum3A_88, %reduce_sum3A_89 [1, 2] : vector<1x512x128xi32> to vector<1xi32>
    %reduce_sum3A_91 = vector.shape_cast %reduce_sum3A_90 : vector<1xi32> to vector<1x1x1xi32>
    %reduce_sum3A_92 = vector.extract %reduce_sum3A_91[0, 0, 0] : i32 from vector<1x1x1xi32>
    %ge3A_93 = arith.constant 8192 : i32
    %ge3A_94 = arith.cmpi sge, %reduce_sum3A_92, %ge3A_93 : i32
    %select_n3A_95 = arith.select %ge3A_94, %or3A_84, %select_n3A_82 : i32
    %or3A_96 = arith.constant 16777216 : i32
    %or3A_97 = arith.ori %select_n3A_95, %or3A_96 : i32
    %ge3A_98 = vector.broadcast %or3A_97 : i32 to vector<512x128xi32>
    %ge3A_99 = arith.cmpi sge, %select_n3A, %ge3A_98 : vector<512x128xi32>
    %convert_element_type3A_100 = arith.extui %ge3A_99 : vector<512x128xi1> to vector<512x128xi32>
    %reduce_sum3A_101 = vector.shape_cast %convert_element_type3A_100 : vector<512x128xi32> to vector<1x512x128xi32>
    %reduce_sum3A_102 = arith.constant dense<0> : vector<1xi32>
    %reduce_sum3A_103 = vector.multi_reduction <add>, %reduce_sum3A_101, %reduce_sum3A_102 [1, 2] : vector<1x512x128xi32> to vector<1xi32>
    %reduce_sum3A_104 = vector.shape_cast %reduce_sum3A_103 : vector<1xi32> to vector<1x1x1xi32>
    %reduce_sum3A_105 = vector.extract %reduce_sum3A_104[0, 0, 0] : i32 from vector<1x1x1xi32>
    %ge3A_106 = arith.constant 8192 : i32
    %ge3A_107 = arith.cmpi sge, %reduce_sum3A_105, %ge3A_106 : i32
    %select_n3A_108 = arith.select %ge3A_107, %or3A_97, %select_n3A_95 : i32
    %or3A_109 = arith.constant 8388608 : i32
    %or3A_110 = arith.ori %select_n3A_108, %or3A_109 : i32
    %ge3A_111 = vector.broadcast %or3A_110 : i32 to vector<512x128xi32>
    %ge3A_112 = arith.cmpi sge, %select_n3A, %ge3A_111 : vector<512x128xi32>
    %convert_element_type3A_113 = arith.extui %ge3A_112 : vector<512x128xi1> to vector<512x128xi32>
    %reduce_sum3A_114 = vector.shape_cast %convert_element_type3A_113 : vector<512x128xi32> to vector<1x512x128xi32>
    %reduce_sum3A_115 = arith.constant dense<0> : vector<1xi32>
    %reduce_sum3A_116 = vector.multi_reduction <add>, %reduce_sum3A_114, %reduce_sum3A_115 [1, 2] : vector<1x512x128xi32> to vector<1xi32>
    %reduce_sum3A_117 = vector.shape_cast %reduce_sum3A_116 : vector<1xi32> to vector<1x1x1xi32>
    %reduce_sum3A_118 = vector.extract %reduce_sum3A_117[0, 0, 0] : i32 from vector<1x1x1xi32>
    %ge3A_119 = arith.constant 8192 : i32
    %ge3A_120 = arith.cmpi sge, %reduce_sum3A_118, %ge3A_119 : i32
    %select_n3A_121 = arith.select %ge3A_120, %or3A_110, %select_n3A_108 : i32
    %or3A_122 = arith.constant 4194304 : i32
    %or3A_123 = arith.ori %select_n3A_121, %or3A_122 : i32
    %ge3A_124 = vector.broadcast %or3A_123 : i32 to vector<512x128xi32>
    %ge3A_125 = arith.cmpi sge, %select_n3A, %ge3A_124 : vector<512x128xi32>
    %convert_element_type3A_126 = arith.extui %ge3A_125 : vector<512x128xi1> to vector<512x128xi32>
    %reduce_sum3A_127 = vector.shape_cast %convert_element_type3A_126 : vector<512x128xi32> to vector<1x512x128xi32>
    %reduce_sum3A_128 = arith.constant dense<0> : vector<1xi32>
    %reduce_sum3A_129 = vector.multi_reduction <add>, %reduce_sum3A_127, %reduce_sum3A_128 [1, 2] : vector<1x512x128xi32> to vector<1xi32>
    %reduce_sum3A_130 = vector.shape_cast %reduce_sum3A_129 : vector<1xi32> to vector<1x1x1xi32>
    %reduce_sum3A_131 = vector.extract %reduce_sum3A_130[0, 0, 0] : i32 from vector<1x1x1xi32>
    %ge3A_132 = arith.constant 8192 : i32
    %ge3A_133 = arith.cmpi sge, %reduce_sum3A_131, %ge3A_132 : i32
    %select_n3A_134 = arith.select %ge3A_133, %or3A_123, %select_n3A_121 : i32
    %or3A_135 = arith.constant 2097152 : i32
    %or3A_136 = arith.ori %select_n3A_134, %or3A_135 : i32
    %ge3A_137 = vector.broadcast %or3A_136 : i32 to vector<512x128xi32>
    %ge3A_138 = arith.cmpi sge, %select_n3A, %ge3A_137 : vector<512x128xi32>
    %convert_element_type3A_139 = arith.extui %ge3A_138 : vector<512x128xi1> to vector<512x128xi32>
    %reduce_sum3A_140 = vector.shape_cast %convert_element_type3A_139 : vector<512x128xi32> to vector<1x512x128xi32>
    %reduce_sum3A_141 = arith.constant dense<0> : vector<1xi32>
    %reduce_sum3A_142 = vector.multi_reduction <add>, %reduce_sum3A_140, %reduce_sum3A_141 [1, 2] : vector<1x512x128xi32> to vector<1xi32>
    %reduce_sum3A_143 = vector.shape_cast %reduce_sum3A_142 : vector<1xi32> to vector<1x1x1xi32>
    %reduce_sum3A_144 = vector.extract %reduce_sum3A_143[0, 0, 0] : i32 from vector<1x1x1xi32>
    %ge3A_145 = arith.constant 8192 : i32
    %ge3A_146 = arith.cmpi sge, %reduce_sum3A_144, %ge3A_145 : i32
    %select_n3A_147 = arith.select %ge3A_146, %or3A_136, %select_n3A_134 : i32
    %or3A_148 = arith.constant 1048576 : i32
    %or3A_149 = arith.ori %select_n3A_147, %or3A_148 : i32
    %ge3A_150 = vector.broadcast %or3A_149 : i32 to vector<512x128xi32>
    %ge3A_151 = arith.cmpi sge, %select_n3A, %ge3A_150 : vector<512x128xi32>
    %convert_element_type3A_152 = arith.extui %ge3A_151 : vector<512x128xi1> to vector<512x128xi32>
    %reduce_sum3A_153 = vector.shape_cast %convert_element_type3A_152 : vector<512x128xi32> to vector<1x512x128xi32>
    %reduce_sum3A_154 = arith.constant dense<0> : vector<1xi32>
    %reduce_sum3A_155 = vector.multi_reduction <add>, %reduce_sum3A_153, %reduce_sum3A_154 [1, 2] : vector<1x512x128xi32> to vector<1xi32>
    %reduce_sum3A_156 = vector.shape_cast %reduce_sum3A_155 : vector<1xi32> to vector<1x1x1xi32>
    %reduce_sum3A_157 = vector.extract %reduce_sum3A_156[0, 0, 0] : i32 from vector<1x1x1xi32>
    %ge3A_158 = arith.constant 8192 : i32
    %ge3A_159 = arith.cmpi sge, %reduce_sum3A_157, %ge3A_158 : i32
    %select_n3A_160 = arith.select %ge3A_159, %or3A_149, %select_n3A_147 : i32
    %or3A_161 = arith.constant 524288 : i32
    %or3A_162 = arith.ori %select_n3A_160, %or3A_161 : i32
    %ge3A_163 = vector.broadcast %or3A_162 : i32 to vector<512x128xi32>
    %ge3A_164 = arith.cmpi sge, %select_n3A, %ge3A_163 : vector<512x128xi32>
    %convert_element_type3A_165 = arith.extui %ge3A_164 : vector<512x128xi1> to vector<512x128xi32>
    %reduce_sum3A_166 = vector.shape_cast %convert_element_type3A_165 : vector<512x128xi32> to vector<1x512x128xi32>
    %reduce_sum3A_167 = arith.constant dense<0> : vector<1xi32>
    %reduce_sum3A_168 = vector.multi_reduction <add>, %reduce_sum3A_166, %reduce_sum3A_167 [1, 2] : vector<1x512x128xi32> to vector<1xi32>
    %reduce_sum3A_169 = vector.shape_cast %reduce_sum3A_168 : vector<1xi32> to vector<1x1x1xi32>
    %reduce_sum3A_170 = vector.extract %reduce_sum3A_169[0, 0, 0] : i32 from vector<1x1x1xi32>
    %ge3A_171 = arith.constant 8192 : i32
    %ge3A_172 = arith.cmpi sge, %reduce_sum3A_170, %ge3A_171 : i32
    %select_n3A_173 = arith.select %ge3A_172, %or3A_162, %select_n3A_160 : i32
    %or3A_174 = arith.constant 262144 : i32
    %or3A_175 = arith.ori %select_n3A_173, %or3A_174 : i32
    %ge3A_176 = vector.broadcast %or3A_175 : i32 to vector<512x128xi32>
    %ge3A_177 = arith.cmpi sge, %select_n3A, %ge3A_176 : vector<512x128xi32>
    %convert_element_type3A_178 = arith.extui %ge3A_177 : vector<512x128xi1> to vector<512x128xi32>
    %reduce_sum3A_179 = vector.shape_cast %convert_element_type3A_178 : vector<512x128xi32> to vector<1x512x128xi32>
    %reduce_sum3A_180 = arith.constant dense<0> : vector<1xi32>
    %reduce_sum3A_181 = vector.multi_reduction <add>, %reduce_sum3A_179, %reduce_sum3A_180 [1, 2] : vector<1x512x128xi32> to vector<1xi32>
    %reduce_sum3A_182 = vector.shape_cast %reduce_sum3A_181 : vector<1xi32> to vector<1x1x1xi32>
    %reduce_sum3A_183 = vector.extract %reduce_sum3A_182[0, 0, 0] : i32 from vector<1x1x1xi32>
    %ge3A_184 = arith.constant 8192 : i32
    %ge3A_185 = arith.cmpi sge, %reduce_sum3A_183, %ge3A_184 : i32
    %select_n3A_186 = arith.select %ge3A_185, %or3A_175, %select_n3A_173 : i32
    %or3A_187 = arith.constant 131072 : i32
    %or3A_188 = arith.ori %select_n3A_186, %or3A_187 : i32
    %ge3A_189 = vector.broadcast %or3A_188 : i32 to vector<512x128xi32>
    %ge3A_190 = arith.cmpi sge, %select_n3A, %ge3A_189 : vector<512x128xi32>
    %convert_element_type3A_191 = arith.extui %ge3A_190 : vector<512x128xi1> to vector<512x128xi32>
    %reduce_sum3A_192 = vector.shape_cast %convert_element_type3A_191 : vector<512x128xi32> to vector<1x512x128xi32>
    %reduce_sum3A_193 = arith.constant dense<0> : vector<1xi32>
    %reduce_sum3A_194 = vector.multi_reduction <add>, %reduce_sum3A_192, %reduce_sum3A_193 [1, 2] : vector<1x512x128xi32> to vector<1xi32>
    %reduce_sum3A_195 = vector.shape_cast %reduce_sum3A_194 : vector<1xi32> to vector<1x1x1xi32>
    %reduce_sum3A_196 = vector.extract %reduce_sum3A_195[0, 0, 0] : i32 from vector<1x1x1xi32>
    %ge3A_197 = arith.constant 8192 : i32
    %ge3A_198 = arith.cmpi sge, %reduce_sum3A_196, %ge3A_197 : i32
    %select_n3A_199 = arith.select %ge3A_198, %or3A_188, %select_n3A_186 : i32
    %or3A_200 = arith.constant 65536 : i32
    %or3A_201 = arith.ori %select_n3A_199, %or3A_200 : i32
    %ge3A_202 = vector.broadcast %or3A_201 : i32 to vector<512x128xi32>
    %ge3A_203 = arith.cmpi sge, %select_n3A, %ge3A_202 : vector<512x128xi32>
    %convert_element_type3A_204 = arith.extui %ge3A_203 : vector<512x128xi1> to vector<512x128xi32>
    %reduce_sum3A_205 = vector.shape_cast %convert_element_type3A_204 : vector<512x128xi32> to vector<1x512x128xi32>
    %reduce_sum3A_206 = arith.constant dense<0> : vector<1xi32>
    %reduce_sum3A_207 = vector.multi_reduction <add>, %reduce_sum3A_205, %reduce_sum3A_206 [1, 2] : vector<1x512x128xi32> to vector<1xi32>
    %reduce_sum3A_208 = vector.shape_cast %reduce_sum3A_207 : vector<1xi32> to vector<1x1x1xi32>
    %reduce_sum3A_209 = vector.extract %reduce_sum3A_208[0, 0, 0] : i32 from vector<1x1x1xi32>
    %ge3A_210 = arith.constant 8192 : i32
    %ge3A_211 = arith.cmpi sge, %reduce_sum3A_209, %ge3A_210 : i32
    %select_n3A_212 = arith.select %ge3A_211, %or3A_201, %select_n3A_199 : i32
    %or3A_213 = arith.constant 32768 : i32
    %or3A_214 = arith.ori %select_n3A_212, %or3A_213 : i32
    %ge3A_215 = vector.broadcast %or3A_214 : i32 to vector<512x128xi32>
    %ge3A_216 = arith.cmpi sge, %select_n3A, %ge3A_215 : vector<512x128xi32>
    %convert_element_type3A_217 = arith.extui %ge3A_216 : vector<512x128xi1> to vector<512x128xi32>
    %reduce_sum3A_218 = vector.shape_cast %convert_element_type3A_217 : vector<512x128xi32> to vector<1x512x128xi32>
    %reduce_sum3A_219 = arith.constant dense<0> : vector<1xi32>
    %reduce_sum3A_220 = vector.multi_reduction <add>, %reduce_sum3A_218, %reduce_sum3A_219 [1, 2] : vector<1x512x128xi32> to vector<1xi32>
    %reduce_sum3A_221 = vector.shape_cast %reduce_sum3A_220 : vector<1xi32> to vector<1x1x1xi32>
    %reduce_sum3A_222 = vector.extract %reduce_sum3A_221[0, 0, 0] : i32 from vector<1x1x1xi32>
    %ge3A_223 = arith.constant 8192 : i32
    %ge3A_224 = arith.cmpi sge, %reduce_sum3A_222, %ge3A_223 : i32
    %select_n3A_225 = arith.select %ge3A_224, %or3A_214, %select_n3A_212 : i32
    %or3A_226 = arith.constant 16384 : i32
    %or3A_227 = arith.ori %select_n3A_225, %or3A_226 : i32
    %ge3A_228 = vector.broadcast %or3A_227 : i32 to vector<512x128xi32>
    %ge3A_229 = arith.cmpi sge, %select_n3A, %ge3A_228 : vector<512x128xi32>
    %convert_element_type3A_230 = arith.extui %ge3A_229 : vector<512x128xi1> to vector<512x128xi32>
    %reduce_sum3A_231 = vector.shape_cast %convert_element_type3A_230 : vector<512x128xi32> to vector<1x512x128xi32>
    %reduce_sum3A_232 = arith.constant dense<0> : vector<1xi32>
    %reduce_sum3A_233 = vector.multi_reduction <add>, %reduce_sum3A_231, %reduce_sum3A_232 [1, 2] : vector<1x512x128xi32> to vector<1xi32>
    %reduce_sum3A_234 = vector.shape_cast %reduce_sum3A_233 : vector<1xi32> to vector<1x1x1xi32>
    %reduce_sum3A_235 = vector.extract %reduce_sum3A_234[0, 0, 0] : i32 from vector<1x1x1xi32>
    %ge3A_236 = arith.constant 8192 : i32
    %ge3A_237 = arith.cmpi sge, %reduce_sum3A_235, %ge3A_236 : i32
    %select_n3A_238 = arith.select %ge3A_237, %or3A_227, %select_n3A_225 : i32
    %or3A_239 = arith.constant 8192 : i32
    %or3A_240 = arith.ori %select_n3A_238, %or3A_239 : i32
    %ge3A_241 = vector.broadcast %or3A_240 : i32 to vector<512x128xi32>
    %ge3A_242 = arith.cmpi sge, %select_n3A, %ge3A_241 : vector<512x128xi32>
    %convert_element_type3A_243 = arith.extui %ge3A_242 : vector<512x128xi1> to vector<512x128xi32>
    %reduce_sum3A_244 = vector.shape_cast %convert_element_type3A_243 : vector<512x128xi32> to vector<1x512x128xi32>
    %reduce_sum3A_245 = arith.constant dense<0> : vector<1xi32>
    %reduce_sum3A_246 = vector.multi_reduction <add>, %reduce_sum3A_244, %reduce_sum3A_245 [1, 2] : vector<1x512x128xi32> to vector<1xi32>
    %reduce_sum3A_247 = vector.shape_cast %reduce_sum3A_246 : vector<1xi32> to vector<1x1x1xi32>
    %reduce_sum3A_248 = vector.extract %reduce_sum3A_247[0, 0, 0] : i32 from vector<1x1x1xi32>
    %ge3A_249 = arith.constant 8192 : i32
    %ge3A_250 = arith.cmpi sge, %reduce_sum3A_248, %ge3A_249 : i32
    %select_n3A_251 = arith.select %ge3A_250, %or3A_240, %select_n3A_238 : i32
    %or3A_252 = arith.constant 4096 : i32
    %or3A_253 = arith.ori %select_n3A_251, %or3A_252 : i32
    %ge3A_254 = vector.broadcast %or3A_253 : i32 to vector<512x128xi32>
    %ge3A_255 = arith.cmpi sge, %select_n3A, %ge3A_254 : vector<512x128xi32>
    %convert_element_type3A_256 = arith.extui %ge3A_255 : vector<512x128xi1> to vector<512x128xi32>
    %reduce_sum3A_257 = vector.shape_cast %convert_element_type3A_256 : vector<512x128xi32> to vector<1x512x128xi32>
    %reduce_sum3A_258 = arith.constant dense<0> : vector<1xi32>
    %reduce_sum3A_259 = vector.multi_reduction <add>, %reduce_sum3A_257, %reduce_sum3A_258 [1, 2] : vector<1x512x128xi32> to vector<1xi32>
    %reduce_sum3A_260 = vector.shape_cast %reduce_sum3A_259 : vector<1xi32> to vector<1x1x1xi32>
    %reduce_sum3A_261 = vector.extract %reduce_sum3A_260[0, 0, 0] : i32 from vector<1x1x1xi32>
    %ge3A_262 = arith.constant 8192 : i32
    %ge3A_263 = arith.cmpi sge, %reduce_sum3A_261, %ge3A_262 : i32
    %select_n3A_264 = arith.select %ge3A_263, %or3A_253, %select_n3A_251 : i32
    %or3A_265 = arith.constant 2048 : i32
    %or3A_266 = arith.ori %select_n3A_264, %or3A_265 : i32
    %ge3A_267 = vector.broadcast %or3A_266 : i32 to vector<512x128xi32>
    %ge3A_268 = arith.cmpi sge, %select_n3A, %ge3A_267 : vector<512x128xi32>
    %convert_element_type3A_269 = arith.extui %ge3A_268 : vector<512x128xi1> to vector<512x128xi32>
    %reduce_sum3A_270 = vector.shape_cast %convert_element_type3A_269 : vector<512x128xi32> to vector<1x512x128xi32>
    %reduce_sum3A_271 = arith.constant dense<0> : vector<1xi32>
    %reduce_sum3A_272 = vector.multi_reduction <add>, %reduce_sum3A_270, %reduce_sum3A_271 [1, 2] : vector<1x512x128xi32> to vector<1xi32>
    %reduce_sum3A_273 = vector.shape_cast %reduce_sum3A_272 : vector<1xi32> to vector<1x1x1xi32>
    %reduce_sum3A_274 = vector.extract %reduce_sum3A_273[0, 0, 0] : i32 from vector<1x1x1xi32>
    %ge3A_275 = arith.constant 8192 : i32
    %ge3A_276 = arith.cmpi sge, %reduce_sum3A_274, %ge3A_275 : i32
    %select_n3A_277 = arith.select %ge3A_276, %or3A_266, %select_n3A_264 : i32
    %or3A_278 = arith.constant 1024 : i32
    %or3A_279 = arith.ori %select_n3A_277, %or3A_278 : i32
    %ge3A_280 = vector.broadcast %or3A_279 : i32 to vector<512x128xi32>
    %ge3A_281 = arith.cmpi sge, %select_n3A, %ge3A_280 : vector<512x128xi32>
    %convert_element_type3A_282 = arith.extui %ge3A_281 : vector<512x128xi1> to vector<512x128xi32>
    %reduce_sum3A_283 = vector.shape_cast %convert_element_type3A_282 : vector<512x128xi32> to vector<1x512x128xi32>
    %reduce_sum3A_284 = arith.constant dense<0> : vector<1xi32>
    %reduce_sum3A_285 = vector.multi_reduction <add>, %reduce_sum3A_283, %reduce_sum3A_284 [1, 2] : vector<1x512x128xi32> to vector<1xi32>
    %reduce_sum3A_286 = vector.shape_cast %reduce_sum3A_285 : vector<1xi32> to vector<1x1x1xi32>
    %reduce_sum3A_287 = vector.extract %reduce_sum3A_286[0, 0, 0] : i32 from vector<1x1x1xi32>
    %ge3A_288 = arith.constant 8192 : i32
    %ge3A_289 = arith.cmpi sge, %reduce_sum3A_287, %ge3A_288 : i32
    %select_n3A_290 = arith.select %ge3A_289, %or3A_279, %select_n3A_277 : i32
    %or3A_291 = arith.constant 512 : i32
    %or3A_292 = arith.ori %select_n3A_290, %or3A_291 : i32
    %ge3A_293 = vector.broadcast %or3A_292 : i32 to vector<512x128xi32>
    %ge3A_294 = arith.cmpi sge, %select_n3A, %ge3A_293 : vector<512x128xi32>
    %convert_element_type3A_295 = arith.extui %ge3A_294 : vector<512x128xi1> to vector<512x128xi32>
    %reduce_sum3A_296 = vector.shape_cast %convert_element_type3A_295 : vector<512x128xi32> to vector<1x512x128xi32>
    %reduce_sum3A_297 = arith.constant dense<0> : vector<1xi32>
    %reduce_sum3A_298 = vector.multi_reduction <add>, %reduce_sum3A_296, %reduce_sum3A_297 [1, 2] : vector<1x512x128xi32> to vector<1xi32>
    %reduce_sum3A_299 = vector.shape_cast %reduce_sum3A_298 : vector<1xi32> to vector<1x1x1xi32>
    %reduce_sum3A_300 = vector.extract %reduce_sum3A_299[0, 0, 0] : i32 from vector<1x1x1xi32>
    %ge3A_301 = arith.constant 8192 : i32
    %ge3A_302 = arith.cmpi sge, %reduce_sum3A_300, %ge3A_301 : i32
    %select_n3A_303 = arith.select %ge3A_302, %or3A_292, %select_n3A_290 : i32
    %or3A_304 = arith.constant 256 : i32
    %or3A_305 = arith.ori %select_n3A_303, %or3A_304 : i32
    %ge3A_306 = vector.broadcast %or3A_305 : i32 to vector<512x128xi32>
    %ge3A_307 = arith.cmpi sge, %select_n3A, %ge3A_306 : vector<512x128xi32>
    %convert_element_type3A_308 = arith.extui %ge3A_307 : vector<512x128xi1> to vector<512x128xi32>
    %reduce_sum3A_309 = vector.shape_cast %convert_element_type3A_308 : vector<512x128xi32> to vector<1x512x128xi32>
    %reduce_sum3A_310 = arith.constant dense<0> : vector<1xi32>
    %reduce_sum3A_311 = vector.multi_reduction <add>, %reduce_sum3A_309, %reduce_sum3A_310 [1, 2] : vector<1x512x128xi32> to vector<1xi32>
    %reduce_sum3A_312 = vector.shape_cast %reduce_sum3A_311 : vector<1xi32> to vector<1x1x1xi32>
    %reduce_sum3A_313 = vector.extract %reduce_sum3A_312[0, 0, 0] : i32 from vector<1x1x1xi32>
    %ge3A_314 = arith.constant 8192 : i32
    %ge3A_315 = arith.cmpi sge, %reduce_sum3A_313, %ge3A_314 : i32
    %select_n3A_316 = arith.select %ge3A_315, %or3A_305, %select_n3A_303 : i32
    %or3A_317 = arith.constant 128 : i32
    %or3A_318 = arith.ori %select_n3A_316, %or3A_317 : i32
    %ge3A_319 = vector.broadcast %or3A_318 : i32 to vector<512x128xi32>
    %ge3A_320 = arith.cmpi sge, %select_n3A, %ge3A_319 : vector<512x128xi32>
    %convert_element_type3A_321 = arith.extui %ge3A_320 : vector<512x128xi1> to vector<512x128xi32>
    %reduce_sum3A_322 = vector.shape_cast %convert_element_type3A_321 : vector<512x128xi32> to vector<1x512x128xi32>
    %reduce_sum3A_323 = arith.constant dense<0> : vector<1xi32>
    %reduce_sum3A_324 = vector.multi_reduction <add>, %reduce_sum3A_322, %reduce_sum3A_323 [1, 2] : vector<1x512x128xi32> to vector<1xi32>
    %reduce_sum3A_325 = vector.shape_cast %reduce_sum3A_324 : vector<1xi32> to vector<1x1x1xi32>
    %reduce_sum3A_326 = vector.extract %reduce_sum3A_325[0, 0, 0] : i32 from vector<1x1x1xi32>
    %ge3A_327 = arith.constant 8192 : i32
    %ge3A_328 = arith.cmpi sge, %reduce_sum3A_326, %ge3A_327 : i32
    %select_n3A_329 = arith.select %ge3A_328, %or3A_318, %select_n3A_316 : i32
    %or3A_330 = arith.constant 64 : i32
    %or3A_331 = arith.ori %select_n3A_329, %or3A_330 : i32
    %ge3A_332 = vector.broadcast %or3A_331 : i32 to vector<512x128xi32>
    %ge3A_333 = arith.cmpi sge, %select_n3A, %ge3A_332 : vector<512x128xi32>
    %convert_element_type3A_334 = arith.extui %ge3A_333 : vector<512x128xi1> to vector<512x128xi32>
    %reduce_sum3A_335 = vector.shape_cast %convert_element_type3A_334 : vector<512x128xi32> to vector<1x512x128xi32>
    %reduce_sum3A_336 = arith.constant dense<0> : vector<1xi32>
    %reduce_sum3A_337 = vector.multi_reduction <add>, %reduce_sum3A_335, %reduce_sum3A_336 [1, 2] : vector<1x512x128xi32> to vector<1xi32>
    %reduce_sum3A_338 = vector.shape_cast %reduce_sum3A_337 : vector<1xi32> to vector<1x1x1xi32>
    %reduce_sum3A_339 = vector.extract %reduce_sum3A_338[0, 0, 0] : i32 from vector<1x1x1xi32>
    %ge3A_340 = arith.constant 8192 : i32
    %ge3A_341 = arith.cmpi sge, %reduce_sum3A_339, %ge3A_340 : i32
    %select_n3A_342 = arith.select %ge3A_341, %or3A_331, %select_n3A_329 : i32
    %or3A_343 = arith.constant 32 : i32
    %or3A_344 = arith.ori %select_n3A_342, %or3A_343 : i32
    %ge3A_345 = vector.broadcast %or3A_344 : i32 to vector<512x128xi32>
    %ge3A_346 = arith.cmpi sge, %select_n3A, %ge3A_345 : vector<512x128xi32>
    %convert_element_type3A_347 = arith.extui %ge3A_346 : vector<512x128xi1> to vector<512x128xi32>
    %reduce_sum3A_348 = vector.shape_cast %convert_element_type3A_347 : vector<512x128xi32> to vector<1x512x128xi32>
    %reduce_sum3A_349 = arith.constant dense<0> : vector<1xi32>
    %reduce_sum3A_350 = vector.multi_reduction <add>, %reduce_sum3A_348, %reduce_sum3A_349 [1, 2] : vector<1x512x128xi32> to vector<1xi32>
    %reduce_sum3A_351 = vector.shape_cast %reduce_sum3A_350 : vector<1xi32> to vector<1x1x1xi32>
    %reduce_sum3A_352 = vector.extract %reduce_sum3A_351[0, 0, 0] : i32 from vector<1x1x1xi32>
    %ge3A_353 = arith.constant 8192 : i32
    %ge3A_354 = arith.cmpi sge, %reduce_sum3A_352, %ge3A_353 : i32
    %select_n3A_355 = arith.select %ge3A_354, %or3A_344, %select_n3A_342 : i32
    %or3A_356 = arith.constant 16 : i32
    %or3A_357 = arith.ori %select_n3A_355, %or3A_356 : i32
    %ge3A_358 = vector.broadcast %or3A_357 : i32 to vector<512x128xi32>
    %ge3A_359 = arith.cmpi sge, %select_n3A, %ge3A_358 : vector<512x128xi32>
    %convert_element_type3A_360 = arith.extui %ge3A_359 : vector<512x128xi1> to vector<512x128xi32>
    %reduce_sum3A_361 = vector.shape_cast %convert_element_type3A_360 : vector<512x128xi32> to vector<1x512x128xi32>
    %reduce_sum3A_362 = arith.constant dense<0> : vector<1xi32>
    %reduce_sum3A_363 = vector.multi_reduction <add>, %reduce_sum3A_361, %reduce_sum3A_362 [1, 2] : vector<1x512x128xi32> to vector<1xi32>
    %reduce_sum3A_364 = vector.shape_cast %reduce_sum3A_363 : vector<1xi32> to vector<1x1x1xi32>
    %reduce_sum3A_365 = vector.extract %reduce_sum3A_364[0, 0, 0] : i32 from vector<1x1x1xi32>
    %ge3A_366 = arith.constant 8192 : i32
    %ge3A_367 = arith.cmpi sge, %reduce_sum3A_365, %ge3A_366 : i32
    %select_n3A_368 = arith.select %ge3A_367, %or3A_357, %select_n3A_355 : i32
    %or3A_369 = arith.constant 8 : i32
    %or3A_370 = arith.ori %select_n3A_368, %or3A_369 : i32
    %ge3A_371 = vector.broadcast %or3A_370 : i32 to vector<512x128xi32>
    %ge3A_372 = arith.cmpi sge, %select_n3A, %ge3A_371 : vector<512x128xi32>
    %convert_element_type3A_373 = arith.extui %ge3A_372 : vector<512x128xi1> to vector<512x128xi32>
    %reduce_sum3A_374 = vector.shape_cast %convert_element_type3A_373 : vector<512x128xi32> to vector<1x512x128xi32>
    %reduce_sum3A_375 = arith.constant dense<0> : vector<1xi32>
    %reduce_sum3A_376 = vector.multi_reduction <add>, %reduce_sum3A_374, %reduce_sum3A_375 [1, 2] : vector<1x512x128xi32> to vector<1xi32>
    %reduce_sum3A_377 = vector.shape_cast %reduce_sum3A_376 : vector<1xi32> to vector<1x1x1xi32>
    %reduce_sum3A_378 = vector.extract %reduce_sum3A_377[0, 0, 0] : i32 from vector<1x1x1xi32>
    %ge3A_379 = arith.constant 8192 : i32
    %ge3A_380 = arith.cmpi sge, %reduce_sum3A_378, %ge3A_379 : i32
    %select_n3A_381 = arith.select %ge3A_380, %or3A_370, %select_n3A_368 : i32
    %or3A_382 = arith.constant 4 : i32
    %or3A_383 = arith.ori %select_n3A_381, %or3A_382 : i32
    %ge3A_384 = vector.broadcast %or3A_383 : i32 to vector<512x128xi32>
    %ge3A_385 = arith.cmpi sge, %select_n3A, %ge3A_384 : vector<512x128xi32>
    %convert_element_type3A_386 = arith.extui %ge3A_385 : vector<512x128xi1> to vector<512x128xi32>
    %reduce_sum3A_387 = vector.shape_cast %convert_element_type3A_386 : vector<512x128xi32> to vector<1x512x128xi32>
    %reduce_sum3A_388 = arith.constant dense<0> : vector<1xi32>
    %reduce_sum3A_389 = vector.multi_reduction <add>, %reduce_sum3A_387, %reduce_sum3A_388 [1, 2] : vector<1x512x128xi32> to vector<1xi32>
    %reduce_sum3A_390 = vector.shape_cast %reduce_sum3A_389 : vector<1xi32> to vector<1x1x1xi32>
    %reduce_sum3A_391 = vector.extract %reduce_sum3A_390[0, 0, 0] : i32 from vector<1x1x1xi32>
    %ge3A_392 = arith.constant 8192 : i32
    %ge3A_393 = arith.cmpi sge, %reduce_sum3A_391, %ge3A_392 : i32
    %select_n3A_394 = arith.select %ge3A_393, %or3A_383, %select_n3A_381 : i32
    %or3A_395 = arith.constant 2 : i32
    %or3A_396 = arith.ori %select_n3A_394, %or3A_395 : i32
    %ge3A_397 = vector.broadcast %or3A_396 : i32 to vector<512x128xi32>
    %ge3A_398 = arith.cmpi sge, %select_n3A, %ge3A_397 : vector<512x128xi32>
    %convert_element_type3A_399 = arith.extui %ge3A_398 : vector<512x128xi1> to vector<512x128xi32>
    %reduce_sum3A_400 = vector.shape_cast %convert_element_type3A_399 : vector<512x128xi32> to vector<1x512x128xi32>
    %reduce_sum3A_401 = arith.constant dense<0> : vector<1xi32>
    %reduce_sum3A_402 = vector.multi_reduction <add>, %reduce_sum3A_400, %reduce_sum3A_401 [1, 2] : vector<1x512x128xi32> to vector<1xi32>
    %reduce_sum3A_403 = vector.shape_cast %reduce_sum3A_402 : vector<1xi32> to vector<1x1x1xi32>
    %reduce_sum3A_404 = vector.extract %reduce_sum3A_403[0, 0, 0] : i32 from vector<1x1x1xi32>
    %ge3A_405 = arith.constant 8192 : i32
    %ge3A_406 = arith.cmpi sge, %reduce_sum3A_404, %ge3A_405 : i32
    %select_n3A_407 = arith.select %ge3A_406, %or3A_396, %select_n3A_394 : i32
    %or3A_408 = arith.constant 1 : i32
    %or3A_409 = arith.ori %select_n3A_407, %or3A_408 : i32
    %ge3A_410 = vector.broadcast %or3A_409 : i32 to vector<512x128xi32>
    %ge3A_411 = arith.cmpi sge, %select_n3A, %ge3A_410 : vector<512x128xi32>
    %convert_element_type3A_412 = arith.extui %ge3A_411 : vector<512x128xi1> to vector<512x128xi32>
    %reduce_sum3A_413 = vector.shape_cast %convert_element_type3A_412 : vector<512x128xi32> to vector<1x512x128xi32>
    %reduce_sum3A_414 = arith.constant dense<0> : vector<1xi32>
    %reduce_sum3A_415 = vector.multi_reduction <add>, %reduce_sum3A_413, %reduce_sum3A_414 [1, 2] : vector<1x512x128xi32> to vector<1xi32>
    %reduce_sum3A_416 = vector.shape_cast %reduce_sum3A_415 : vector<1xi32> to vector<1x1x1xi32>
    %reduce_sum3A_417 = vector.extract %reduce_sum3A_416[0, 0, 0] : i32 from vector<1x1x1xi32>
    %ge3A_418 = arith.constant 8192 : i32
    %ge3A_419 = arith.cmpi sge, %reduce_sum3A_417, %ge3A_418 : i32
    %select_n3A_420 = arith.select %ge3A_419, %or3A_409, %select_n3A_407 : i32
    %gt3A = vector.broadcast %select_n3A_420 : i32 to vector<512x128xi32>
    %gt3A_421 = arith.cmpi sgt, %select_n3A, %gt3A : vector<512x128xi32>
    %eq3A = vector.broadcast %select_n3A_420 : i32 to vector<512x128xi32>
    %eq3A_422 = arith.cmpi eq, %select_n3A, %eq3A : vector<512x128xi32>
    %convert_element_type3A_423 = arith.extui %gt3A_421 : vector<512x128xi1> to vector<512x128xi32>
    %reduce_sum3A_424 = vector.shape_cast %convert_element_type3A_423 : vector<512x128xi32> to vector<1x512x128xi32>
    %reduce_sum3A_425 = arith.constant dense<0> : vector<1xi32>
    %reduce_sum3A_426 = vector.multi_reduction <add>, %reduce_sum3A_424, %reduce_sum3A_425 [1, 2] : vector<1x512x128xi32> to vector<1xi32>
    %reduce_sum3A_427 = vector.shape_cast %reduce_sum3A_426 : vector<1xi32> to vector<1x1x1xi32>
    %reduce_sum3A_428 = vector.extract %reduce_sum3A_427[0, 0, 0] : i32 from vector<1x1x1xi32>
    %sub3A = arith.constant 8192 : i32
    %sub3A_429 = arith.subi %sub3A, %reduce_sum3A_428 : i32
    %convert_element_type3A_430 = arith.sitofp %sub3A_429 : i32 to f32
    %convert_element_type3A_431 = arith.extui %eq3A_422 : vector<512x128xi1> to vector<512x128xi32>
    %convert_element_type3A_432 = arith.sitofp %convert_element_type3A_431 : vector<512x128xi32> to vector<512x128xf32>
    %iota3A_433 = tpu.iota {dimensions = array<i32: 0>} : vector<128x128xi32>
    %iota3A_434 = tpu.iota {dimensions = array<i32: 1>} : vector<128x128xi32>
    %lt3A_435 = arith.cmpi slt, %iota3A_433, %iota3A_434 : vector<128x128xi32>
    %convert_element_type3A_436 = arith.extui %lt3A_435 : vector<128x128xi1> to vector<128x128xi32>
    %convert_element_type3A_437 = arith.sitofp %convert_element_type3A_436 : vector<128x128xi32> to vector<128x128xf32>
    %dot_general3A = arith.constant dense<0.000000e+00> : vector<512x128xf32>
    %dot_general3A_438 = tpu.matmul %convert_element_type3A_432, %convert_element_type3A_437, %dot_general3A {dimension_numbers = #tpu.dot_dimension_numbers<[1], [0], [0], [1], [0, 0, 1, 1], [], []>, transpose_lhs_hint = false} : vector<512x128xf32>, vector<128x128xf32>, vector<512x128xf32> -> vector<512x128xf32>
    %iota3A_439 = tpu.iota {dimensions = array<i32: 0>} : vector<512x512xi32>
    %iota3A_440 = tpu.iota {dimensions = array<i32: 1>} : vector<512x512xi32>
    %lt3A_441 = arith.cmpi slt, %iota3A_440, %iota3A_439 : vector<512x512xi32>
    %convert_element_type3A_442 = arith.extui %lt3A_441 : vector<512x512xi1> to vector<512x512xi32>
    %convert_element_type3A_443 = arith.sitofp %convert_element_type3A_442 : vector<512x512xi32> to vector<512x512xf32>
    %reduce_sum3A_444 = arith.constant dense<0.000000e+00> : vector<512xf32>
    %reduce_sum3A_445 = vector.multi_reduction <add>, %convert_element_type3A_432, %reduce_sum3A_444 [1] : vector<512x128xf32> to vector<512xf32>
    %broadcast_in_dim3A = vector.shape_cast %reduce_sum3A_445 : vector<512xf32> to vector<512x1xf32>
    %dot_general3A_446 = arith.constant dense<0.000000e+00> : vector<512x1xf32>
    %dot_general3A_447 = tpu.matmul %convert_element_type3A_443, %broadcast_in_dim3A, %dot_general3A_446 {dimension_numbers = #tpu.dot_dimension_numbers<[1], [0], [0], [1], [0, 0, 1, 1], [], []>, transpose_lhs_hint = false} : vector<512x512xf32>, vector<512x1xf32>, vector<512x1xf32> -> vector<512x1xf32>
    %add3A_448 = vector.broadcast %dot_general3A_447 : vector<512x1xf32> to vector<512x128xf32>
    %add3A_449 = arith.addf %dot_general3A_438, %add3A_448 : vector<512x128xf32>
    %lt3A_450 = vector.broadcast %convert_element_type3A_430 : f32 to vector<512x128xf32>
    %lt3A_451 = arith.cmpf olt, %add3A_449, %lt3A_450 : vector<512x128xf32>
    %and3A = arith.andi %eq3A_422, %lt3A_451 : vector<512x128xi1>
    %or3A_452 = arith.ori %gt3A_421, %and3A : vector<512x128xi1>
    %convert_element_type3A_453 = arith.extui %or3A_452 : vector<512x128xi1> to vector<512x128xi32>
    %convert_element_type3A_454 = arith.sitofp %convert_element_type3A_453 : vector<512x128xi32> to vector<512x128xf32>
    %iota3A_455 = tpu.iota {dimensions = array<i32: 0>} : vector<128x128xi32>
    %iota3A_456 = tpu.iota {dimensions = array<i32: 1>} : vector<128x128xi32>
    %lt3A_457 = arith.cmpi slt, %iota3A_455, %iota3A_456 : vector<128x128xi32>
    %convert_element_type3A_458 = arith.extui %lt3A_457 : vector<128x128xi1> to vector<128x128xi32>
    %convert_element_type3A_459 = arith.sitofp %convert_element_type3A_458 : vector<128x128xi32> to vector<128x128xf32>
    %dot_general3A_460 = arith.constant dense<0.000000e+00> : vector<512x128xf32>
    %dot_general3A_461 = tpu.matmul %convert_element_type3A_454, %convert_element_type3A_459, %dot_general3A_460 {dimension_numbers = #tpu.dot_dimension_numbers<[1], [0], [0], [1], [0, 0, 1, 1], [], []>, transpose_lhs_hint = false} : vector<512x128xf32>, vector<128x128xf32>, vector<512x128xf32> -> vector<512x128xf32>
    %iota3A_462 = tpu.iota {dimensions = array<i32: 0>} : vector<512x512xi32>
    %iota3A_463 = tpu.iota {dimensions = array<i32: 1>} : vector<512x512xi32>
    %lt3A_464 = arith.cmpi slt, %iota3A_463, %iota3A_462 : vector<512x512xi32>
    %convert_element_type3A_465 = arith.extui %lt3A_464 : vector<512x512xi1> to vector<512x512xi32>
    %convert_element_type3A_466 = arith.sitofp %convert_element_type3A_465 : vector<512x512xi32> to vector<512x512xf32>
    %reduce_sum3A_467 = arith.constant dense<0.000000e+00> : vector<512xf32>
    %reduce_sum3A_468 = vector.multi_reduction <add>, %convert_element_type3A_454, %reduce_sum3A_467 [1] : vector<512x128xf32> to vector<512xf32>
    %broadcast_in_dim3A_469 = vector.shape_cast %reduce_sum3A_468 : vector<512xf32> to vector<512x1xf32>
    %dot_general3A_470 = arith.constant dense<0.000000e+00> : vector<512x1xf32>
    %dot_general3A_471 = tpu.matmul %convert_element_type3A_466, %broadcast_in_dim3A_469, %dot_general3A_470 {dimension_numbers = #tpu.dot_dimension_numbers<[1], [0], [0], [1], [0, 0, 1, 1], [], []>, transpose_lhs_hint = false} : vector<512x512xf32>, vector<512x1xf32>, vector<512x1xf32> -> vector<512x1xf32>
    %add3A_472 = vector.broadcast %dot_general3A_471 : vector<512x1xf32> to vector<512x128xf32>
    %add3A_473 = arith.addf %dot_general3A_461, %add3A_472 : vector<512x128xf32>
    %convert_element_type3A_474 = arith.fptosi %add3A_473 : vector<512x128xf32> to vector<512x128xi32>
    %sub3A_475 = arith.subi %add3A, %convert_element_type3A_474 : vector<512x128xi32>
    %jit3A_476 = arith.constant 0 : i32
    %broadcast_in_dim3A_477 = vector.broadcast %jit3A_476 : i32 to vector<512x128xi32>
    %select_n3A_478 = arith.select %or3A_452, %sub3A_475, %broadcast_in_dim3A_477 : vector<512x128xi1>, vector<512x128xi32>
    %convert_element_type3A_479 = arith.extui %or3A_452 : vector<512x128xi1> to vector<512x128xi32>
    %roll3A = arith.constant 127 : i32
    %roll3A_480 = tpu.dynamic_rotate %select_n3A by %roll3A dim 1 : vector<512x128xi32>, i32 -> vector<512x128xi32>
    %roll3A_481 = arith.constant 511 : i32
    %roll3A_482 = tpu.dynamic_rotate %roll3A_480 by %roll3A_481 dim 0 : vector<512x128xi32>, i32 -> vector<512x128xi32>
    %iota3A_483 = tpu.iota {dimensions = array<i32: 1>} : vector<512x128xi32>
    %lt3A_484 = arith.constant 127 : i32
    %lt3A_485 = vector.broadcast %lt3A_484 : i32 to vector<512x128xi32>
    %lt3A_486 = arith.cmpi slt, %iota3A_483, %lt3A_485 : vector<512x128xi32>
    %select_n3A_487 = arith.select %lt3A_486, %roll3A_480, %roll3A_482 : vector<512x128xi1>, vector<512x128xi32>
    %roll3A_488 = arith.constant 127 : i32
    %roll3A_489 = tpu.dynamic_rotate %add3A by %roll3A_488 dim 1 : vector<512x128xi32>, i32 -> vector<512x128xi32>
    %roll3A_490 = arith.constant 511 : i32
    %roll3A_491 = tpu.dynamic_rotate %roll3A_489 by %roll3A_490 dim 0 : vector<512x128xi32>, i32 -> vector<512x128xi32>
    %iota3A_492 = tpu.iota {dimensions = array<i32: 1>} : vector<512x128xi32>
    %lt3A_493 = arith.constant 127 : i32
    %lt3A_494 = vector.broadcast %lt3A_493 : i32 to vector<512x128xi32>
    %lt3A_495 = arith.cmpi slt, %iota3A_492, %lt3A_494 : vector<512x128xi32>
    %select_n3A_496 = arith.select %lt3A_495, %roll3A_489, %roll3A_491 : vector<512x128xi1>, vector<512x128xi32>
    %roll3A_497 = arith.constant 127 : i32
    %roll3A_498 = tpu.dynamic_rotate %convert_element_type3A_479 by %roll3A_497 dim 1 : vector<512x128xi32>, i32 -> vector<512x128xi32>
    %roll3A_499 = arith.constant 511 : i32
    %roll3A_500 = tpu.dynamic_rotate %roll3A_498 by %roll3A_499 dim 0 : vector<512x128xi32>, i32 -> vector<512x128xi32>
    %iota3A_501 = tpu.iota {dimensions = array<i32: 1>} : vector<512x128xi32>
    %lt3A_502 = arith.constant 127 : i32
    %lt3A_503 = vector.broadcast %lt3A_502 : i32 to vector<512x128xi32>
    %lt3A_504 = arith.cmpi slt, %iota3A_501, %lt3A_503 : vector<512x128xi32>
    %select_n3A_505 = arith.select %lt3A_504, %roll3A_498, %roll3A_500 : vector<512x128xi1>, vector<512x128xi32>
    %roll3A_506 = arith.constant 127 : i32
    %roll3A_507 = tpu.dynamic_rotate %select_n3A_478 by %roll3A_506 dim 1 : vector<512x128xi32>, i32 -> vector<512x128xi32>
    %roll3A_508 = arith.constant 511 : i32
    %roll3A_509 = tpu.dynamic_rotate %roll3A_507 by %roll3A_508 dim 0 : vector<512x128xi32>, i32 -> vector<512x128xi32>
    %iota3A_510 = tpu.iota {dimensions = array<i32: 1>} : vector<512x128xi32>
    %lt3A_511 = arith.constant 127 : i32
    %lt3A_512 = vector.broadcast %lt3A_511 : i32 to vector<512x128xi32>
    %lt3A_513 = arith.cmpi slt, %iota3A_510, %lt3A_512 : vector<512x128xi32>
    %select_n3A_514 = arith.select %lt3A_513, %roll3A_507, %roll3A_509 : vector<512x128xi1>, vector<512x128xi32>
    %eq3A_515 = arith.constant 1 : i32
    %eq3A_516 = vector.broadcast %eq3A_515 : i32 to vector<512x128xi32>
    %eq3A_517 = arith.cmpi eq, %select_n3A_505, %eq3A_516 : vector<512x128xi32>
    %shift_right_arithmetic3A = arith.constant 0 : i32
    %shift_right_arithmetic3A_518 = vector.broadcast %shift_right_arithmetic3A : i32 to vector<512x128xi32>
    %shift_right_arithmetic3A_519 = arith.shrsi %select_n3A_514, %shift_right_arithmetic3A_518 : vector<512x128xi32>
    %and3A_520 = arith.constant 1 : i32
    %and3A_521 = vector.broadcast %and3A_520 : i32 to vector<512x128xi32>
    %and3A_522 = arith.andi %shift_right_arithmetic3A_519, %and3A_521 : vector<512x128xi32>
    %eq3A_523 = arith.constant 1 : i32
    %eq3A_524 = vector.broadcast %eq3A_523 : i32 to vector<512x128xi32>
    %eq3A_525 = arith.cmpi eq, %and3A_522, %eq3A_524 : vector<512x128xi32>
    %and3A_526 = arith.andi %eq3A_517, %eq3A_525 : vector<512x128xi1>
    %select_n3A_527 = arith.select %and3A_526, %select_n3A_487, %select_n3A : vector<512x128xi1>, vector<512x128xi32>
    %select_n3A_528 = arith.select %and3A_526, %select_n3A_496, %add3A : vector<512x128xi1>, vector<512x128xi32>
    %select_n3A_529 = arith.select %and3A_526, %select_n3A_514, %select_n3A_478 : vector<512x128xi1>, vector<512x128xi32>
    %eq3A_530 = arith.constant 1 : i32
    %eq3A_531 = vector.broadcast %eq3A_530 : i32 to vector<512x128xi32>
    %eq3A_532 = arith.cmpi eq, %convert_element_type3A_479, %eq3A_531 : vector<512x128xi32>
    %shift_right_arithmetic3A_533 = arith.constant 0 : i32
    %shift_right_arithmetic3A_534 = vector.broadcast %shift_right_arithmetic3A_533 : i32 to vector<512x128xi32>
    %shift_right_arithmetic3A_535 = arith.shrsi %select_n3A_478, %shift_right_arithmetic3A_534 : vector<512x128xi32>
    %and3A_536 = arith.constant 1 : i32
    %and3A_537 = vector.broadcast %and3A_536 : i32 to vector<512x128xi32>
    %and3A_538 = arith.andi %shift_right_arithmetic3A_535, %and3A_537 : vector<512x128xi32>
    %eq3A_539 = arith.constant 0 : i32
    %eq3A_540 = vector.broadcast %eq3A_539 : i32 to vector<512x128xi32>
    %eq3A_541 = arith.cmpi eq, %and3A_538, %eq3A_540 : vector<512x128xi32>
    %and3A_542 = arith.andi %eq3A_532, %eq3A_541 : vector<512x128xi1>
    %jit3A_543 = arith.constant 0 : i32
    %broadcast_in_dim3A_544 = vector.broadcast %jit3A_543 : i32 to vector<512x128xi32>
    %select_n3A_545 = arith.select %and3A_542, %convert_element_type3A_479, %broadcast_in_dim3A_544 : vector<512x128xi1>, vector<512x128xi32>
    %jit3A_546 = arith.constant 1 : i32
    %broadcast_in_dim3A_547 = vector.broadcast %jit3A_546 : i32 to vector<512x128xi32>
    %select_n3A_548 = arith.select %and3A_526, %broadcast_in_dim3A_547, %select_n3A_545 : vector<512x128xi1>, vector<512x128xi32>
    %roll3A_549 = arith.constant 126 : i32
    %roll3A_550 = tpu.dynamic_rotate %select_n3A_527 by %roll3A_549 dim 1 : vector<512x128xi32>, i32 -> vector<512x128xi32>
    %roll3A_551 = arith.constant 511 : i32
    %roll3A_552 = tpu.dynamic_rotate %roll3A_550 by %roll3A_551 dim 0 : vector<512x128xi32>, i32 -> vector<512x128xi32>
    %iota3A_553 = tpu.iota {dimensions = array<i32: 1>} : vector<512x128xi32>
    %lt3A_554 = arith.constant 126 : i32
    %lt3A_555 = vector.broadcast %lt3A_554 : i32 to vector<512x128xi32>
    %lt3A_556 = arith.cmpi slt, %iota3A_553, %lt3A_555 : vector<512x128xi32>
    %select_n3A_557 = arith.select %lt3A_556, %roll3A_550, %roll3A_552 : vector<512x128xi1>, vector<512x128xi32>
    %roll3A_558 = arith.constant 126 : i32
    %roll3A_559 = tpu.dynamic_rotate %select_n3A_528 by %roll3A_558 dim 1 : vector<512x128xi32>, i32 -> vector<512x128xi32>
    %roll3A_560 = arith.constant 511 : i32
    %roll3A_561 = tpu.dynamic_rotate %roll3A_559 by %roll3A_560 dim 0 : vector<512x128xi32>, i32 -> vector<512x128xi32>
    %iota3A_562 = tpu.iota {dimensions = array<i32: 1>} : vector<512x128xi32>
    %lt3A_563 = arith.constant 126 : i32
    %lt3A_564 = vector.broadcast %lt3A_563 : i32 to vector<512x128xi32>
    %lt3A_565 = arith.cmpi slt, %iota3A_562, %lt3A_564 : vector<512x128xi32>
    %select_n3A_566 = arith.select %lt3A_565, %roll3A_559, %roll3A_561 : vector<512x128xi1>, vector<512x128xi32>
    %roll3A_567 = arith.constant 126 : i32
    %roll3A_568 = tpu.dynamic_rotate %select_n3A_548 by %roll3A_567 dim 1 : vector<512x128xi32>, i32 -> vector<512x128xi32>
    %roll3A_569 = arith.constant 511 : i32
    %roll3A_570 = tpu.dynamic_rotate %roll3A_568 by %roll3A_569 dim 0 : vector<512x128xi32>, i32 -> vector<512x128xi32>
    %iota3A_571 = tpu.iota {dimensions = array<i32: 1>} : vector<512x128xi32>
    %lt3A_572 = arith.constant 126 : i32
    %lt3A_573 = vector.broadcast %lt3A_572 : i32 to vector<512x128xi32>
    %lt3A_574 = arith.cmpi slt, %iota3A_571, %lt3A_573 : vector<512x128xi32>
    %select_n3A_575 = arith.select %lt3A_574, %roll3A_568, %roll3A_570 : vector<512x128xi1>, vector<512x128xi32>
    %roll3A_576 = arith.constant 126 : i32
    %roll3A_577 = tpu.dynamic_rotate %select_n3A_529 by %roll3A_576 dim 1 : vector<512x128xi32>, i32 -> vector<512x128xi32>
    %roll3A_578 = arith.constant 511 : i32
    %roll3A_579 = tpu.dynamic_rotate %roll3A_577 by %roll3A_578 dim 0 : vector<512x128xi32>, i32 -> vector<512x128xi32>
    %iota3A_580 = tpu.iota {dimensions = array<i32: 1>} : vector<512x128xi32>
    %lt3A_581 = arith.constant 126 : i32
    %lt3A_582 = vector.broadcast %lt3A_581 : i32 to vector<512x128xi32>
    %lt3A_583 = arith.cmpi slt, %iota3A_580, %lt3A_582 : vector<512x128xi32>
    %select_n3A_584 = arith.select %lt3A_583, %roll3A_577, %roll3A_579 : vector<512x128xi1>, vector<512x128xi32>
    %eq3A_585 = arith.constant 1 : i32
    %eq3A_586 = vector.broadcast %eq3A_585 : i32 to vector<512x128xi32>
    %eq3A_587 = arith.cmpi eq, %select_n3A_575, %eq3A_586 : vector<512x128xi32>
    %shift_right_arithmetic3A_588 = arith.constant 1 : i32
    %shift_right_arithmetic3A_589 = vector.broadcast %shift_right_arithmetic3A_588 : i32 to vector<512x128xi32>
    %shift_right_arithmetic3A_590 = arith.shrsi %select_n3A_584, %shift_right_arithmetic3A_589 : vector<512x128xi32>
    %and3A_591 = arith.constant 1 : i32
    %and3A_592 = vector.broadcast %and3A_591 : i32 to vector<512x128xi32>
    %and3A_593 = arith.andi %shift_right_arithmetic3A_590, %and3A_592 : vector<512x128xi32>
    %eq3A_594 = arith.constant 1 : i32
    %eq3A_595 = vector.broadcast %eq3A_594 : i32 to vector<512x128xi32>
    %eq3A_596 = arith.cmpi eq, %and3A_593, %eq3A_595 : vector<512x128xi32>
    %and3A_597 = arith.andi %eq3A_587, %eq3A_596 : vector<512x128xi1>
    %select_n3A_598 = arith.select %and3A_597, %select_n3A_557, %select_n3A_527 : vector<512x128xi1>, vector<512x128xi32>
    %select_n3A_599 = arith.select %and3A_597, %select_n3A_566, %select_n3A_528 : vector<512x128xi1>, vector<512x128xi32>
    %select_n3A_600 = arith.select %and3A_597, %select_n3A_584, %select_n3A_529 : vector<512x128xi1>, vector<512x128xi32>
    %eq3A_601 = arith.constant 1 : i32
    %eq3A_602 = vector.broadcast %eq3A_601 : i32 to vector<512x128xi32>
    %eq3A_603 = arith.cmpi eq, %select_n3A_548, %eq3A_602 : vector<512x128xi32>
    %shift_right_arithmetic3A_604 = arith.constant 1 : i32
    %shift_right_arithmetic3A_605 = vector.broadcast %shift_right_arithmetic3A_604 : i32 to vector<512x128xi32>
    %shift_right_arithmetic3A_606 = arith.shrsi %select_n3A_529, %shift_right_arithmetic3A_605 : vector<512x128xi32>
    %and3A_607 = arith.constant 1 : i32
    %and3A_608 = vector.broadcast %and3A_607 : i32 to vector<512x128xi32>
    %and3A_609 = arith.andi %shift_right_arithmetic3A_606, %and3A_608 : vector<512x128xi32>
    %eq3A_610 = arith.constant 0 : i32
    %eq3A_611 = vector.broadcast %eq3A_610 : i32 to vector<512x128xi32>
    %eq3A_612 = arith.cmpi eq, %and3A_609, %eq3A_611 : vector<512x128xi32>
    %and3A_613 = arith.andi %eq3A_603, %eq3A_612 : vector<512x128xi1>
    %jit3A_614 = arith.constant 0 : i32
    %broadcast_in_dim3A_615 = vector.broadcast %jit3A_614 : i32 to vector<512x128xi32>
    %select_n3A_616 = arith.select %and3A_613, %select_n3A_548, %broadcast_in_dim3A_615 : vector<512x128xi1>, vector<512x128xi32>
    %jit3A_617 = arith.constant 1 : i32
    %broadcast_in_dim3A_618 = vector.broadcast %jit3A_617 : i32 to vector<512x128xi32>
    %select_n3A_619 = arith.select %and3A_597, %broadcast_in_dim3A_618, %select_n3A_616 : vector<512x128xi1>, vector<512x128xi32>
    %roll3A_620 = arith.constant 124 : i32
    %roll3A_621 = tpu.dynamic_rotate %select_n3A_598 by %roll3A_620 dim 1 : vector<512x128xi32>, i32 -> vector<512x128xi32>
    %roll3A_622 = arith.constant 511 : i32
    %roll3A_623 = tpu.dynamic_rotate %roll3A_621 by %roll3A_622 dim 0 : vector<512x128xi32>, i32 -> vector<512x128xi32>
    %iota3A_624 = tpu.iota {dimensions = array<i32: 1>} : vector<512x128xi32>
    %lt3A_625 = arith.constant 124 : i32
    %lt3A_626 = vector.broadcast %lt3A_625 : i32 to vector<512x128xi32>
    %lt3A_627 = arith.cmpi slt, %iota3A_624, %lt3A_626 : vector<512x128xi32>
    %select_n3A_628 = arith.select %lt3A_627, %roll3A_621, %roll3A_623 : vector<512x128xi1>, vector<512x128xi32>
    %roll3A_629 = arith.constant 124 : i32
    %roll3A_630 = tpu.dynamic_rotate %select_n3A_599 by %roll3A_629 dim 1 : vector<512x128xi32>, i32 -> vector<512x128xi32>
    %roll3A_631 = arith.constant 511 : i32
    %roll3A_632 = tpu.dynamic_rotate %roll3A_630 by %roll3A_631 dim 0 : vector<512x128xi32>, i32 -> vector<512x128xi32>
    %iota3A_633 = tpu.iota {dimensions = array<i32: 1>} : vector<512x128xi32>
    %lt3A_634 = arith.constant 124 : i32
    %lt3A_635 = vector.broadcast %lt3A_634 : i32 to vector<512x128xi32>
    %lt3A_636 = arith.cmpi slt, %iota3A_633, %lt3A_635 : vector<512x128xi32>
    %select_n3A_637 = arith.select %lt3A_636, %roll3A_630, %roll3A_632 : vector<512x128xi1>, vector<512x128xi32>
    %roll3A_638 = arith.constant 124 : i32
    %roll3A_639 = tpu.dynamic_rotate %select_n3A_619 by %roll3A_638 dim 1 : vector<512x128xi32>, i32 -> vector<512x128xi32>
    %roll3A_640 = arith.constant 511 : i32
    %roll3A_641 = tpu.dynamic_rotate %roll3A_639 by %roll3A_640 dim 0 : vector<512x128xi32>, i32 -> vector<512x128xi32>
    %iota3A_642 = tpu.iota {dimensions = array<i32: 1>} : vector<512x128xi32>
    %lt3A_643 = arith.constant 124 : i32
    %lt3A_644 = vector.broadcast %lt3A_643 : i32 to vector<512x128xi32>
    %lt3A_645 = arith.cmpi slt, %iota3A_642, %lt3A_644 : vector<512x128xi32>
    %select_n3A_646 = arith.select %lt3A_645, %roll3A_639, %roll3A_641 : vector<512x128xi1>, vector<512x128xi32>
    %roll3A_647 = arith.constant 124 : i32
    %roll3A_648 = tpu.dynamic_rotate %select_n3A_600 by %roll3A_647 dim 1 : vector<512x128xi32>, i32 -> vector<512x128xi32>
    %roll3A_649 = arith.constant 511 : i32
    %roll3A_650 = tpu.dynamic_rotate %roll3A_648 by %roll3A_649 dim 0 : vector<512x128xi32>, i32 -> vector<512x128xi32>
    %iota3A_651 = tpu.iota {dimensions = array<i32: 1>} : vector<512x128xi32>
    %lt3A_652 = arith.constant 124 : i32
    %lt3A_653 = vector.broadcast %lt3A_652 : i32 to vector<512x128xi32>
    %lt3A_654 = arith.cmpi slt, %iota3A_651, %lt3A_653 : vector<512x128xi32>
    %select_n3A_655 = arith.select %lt3A_654, %roll3A_648, %roll3A_650 : vector<512x128xi1>, vector<512x128xi32>
    %eq3A_656 = arith.constant 1 : i32
    %eq3A_657 = vector.broadcast %eq3A_656 : i32 to vector<512x128xi32>
    %eq3A_658 = arith.cmpi eq, %select_n3A_646, %eq3A_657 : vector<512x128xi32>
    %shift_right_arithmetic3A_659 = arith.constant 2 : i32
    %shift_right_arithmetic3A_660 = vector.broadcast %shift_right_arithmetic3A_659 : i32 to vector<512x128xi32>
    %shift_right_arithmetic3A_661 = arith.shrsi %select_n3A_655, %shift_right_arithmetic3A_660 : vector<512x128xi32>
    %and3A_662 = arith.constant 1 : i32
    %and3A_663 = vector.broadcast %and3A_662 : i32 to vector<512x128xi32>
    %and3A_664 = arith.andi %shift_right_arithmetic3A_661, %and3A_663 : vector<512x128xi32>
    %eq3A_665 = arith.constant 1 : i32
    %eq3A_666 = vector.broadcast %eq3A_665 : i32 to vector<512x128xi32>
    %eq3A_667 = arith.cmpi eq, %and3A_664, %eq3A_666 : vector<512x128xi32>
    %and3A_668 = arith.andi %eq3A_658, %eq3A_667 : vector<512x128xi1>
    %select_n3A_669 = arith.select %and3A_668, %select_n3A_628, %select_n3A_598 : vector<512x128xi1>, vector<512x128xi32>
    %select_n3A_670 = arith.select %and3A_668, %select_n3A_637, %select_n3A_599 : vector<512x128xi1>, vector<512x128xi32>
    %select_n3A_671 = arith.select %and3A_668, %select_n3A_655, %select_n3A_600 : vector<512x128xi1>, vector<512x128xi32>
    %eq3A_672 = arith.constant 1 : i32
    %eq3A_673 = vector.broadcast %eq3A_672 : i32 to vector<512x128xi32>
    %eq3A_674 = arith.cmpi eq, %select_n3A_619, %eq3A_673 : vector<512x128xi32>
    %shift_right_arithmetic3A_675 = arith.constant 2 : i32
    %shift_right_arithmetic3A_676 = vector.broadcast %shift_right_arithmetic3A_675 : i32 to vector<512x128xi32>
    %shift_right_arithmetic3A_677 = arith.shrsi %select_n3A_600, %shift_right_arithmetic3A_676 : vector<512x128xi32>
    %and3A_678 = arith.constant 1 : i32
    %and3A_679 = vector.broadcast %and3A_678 : i32 to vector<512x128xi32>
    %and3A_680 = arith.andi %shift_right_arithmetic3A_677, %and3A_679 : vector<512x128xi32>
    %eq3A_681 = arith.constant 0 : i32
    %eq3A_682 = vector.broadcast %eq3A_681 : i32 to vector<512x128xi32>
    %eq3A_683 = arith.cmpi eq, %and3A_680, %eq3A_682 : vector<512x128xi32>
    %and3A_684 = arith.andi %eq3A_674, %eq3A_683 : vector<512x128xi1>
    %jit3A_685 = arith.constant 0 : i32
    %broadcast_in_dim3A_686 = vector.broadcast %jit3A_685 : i32 to vector<512x128xi32>
    %select_n3A_687 = arith.select %and3A_684, %select_n3A_619, %broadcast_in_dim3A_686 : vector<512x128xi1>, vector<512x128xi32>
    %jit3A_688 = arith.constant 1 : i32
    %broadcast_in_dim3A_689 = vector.broadcast %jit3A_688 : i32 to vector<512x128xi32>
    %select_n3A_690 = arith.select %and3A_668, %broadcast_in_dim3A_689, %select_n3A_687 : vector<512x128xi1>, vector<512x128xi32>
    %roll3A_691 = arith.constant 120 : i32
    %roll3A_692 = tpu.dynamic_rotate %select_n3A_669 by %roll3A_691 dim 1 : vector<512x128xi32>, i32 -> vector<512x128xi32>
    %roll3A_693 = arith.constant 511 : i32
    %roll3A_694 = tpu.dynamic_rotate %roll3A_692 by %roll3A_693 dim 0 : vector<512x128xi32>, i32 -> vector<512x128xi32>
    %iota3A_695 = tpu.iota {dimensions = array<i32: 1>} : vector<512x128xi32>
    %lt3A_696 = arith.constant 120 : i32
    %lt3A_697 = vector.broadcast %lt3A_696 : i32 to vector<512x128xi32>
    %lt3A_698 = arith.cmpi slt, %iota3A_695, %lt3A_697 : vector<512x128xi32>
    %select_n3A_699 = arith.select %lt3A_698, %roll3A_692, %roll3A_694 : vector<512x128xi1>, vector<512x128xi32>
    %roll3A_700 = arith.constant 120 : i32
    %roll3A_701 = tpu.dynamic_rotate %select_n3A_670 by %roll3A_700 dim 1 : vector<512x128xi32>, i32 -> vector<512x128xi32>
    %roll3A_702 = arith.constant 511 : i32
    %roll3A_703 = tpu.dynamic_rotate %roll3A_701 by %roll3A_702 dim 0 : vector<512x128xi32>, i32 -> vector<512x128xi32>
    %iota3A_704 = tpu.iota {dimensions = array<i32: 1>} : vector<512x128xi32>
    %lt3A_705 = arith.constant 120 : i32
    %lt3A_706 = vector.broadcast %lt3A_705 : i32 to vector<512x128xi32>
    %lt3A_707 = arith.cmpi slt, %iota3A_704, %lt3A_706 : vector<512x128xi32>
    %select_n3A_708 = arith.select %lt3A_707, %roll3A_701, %roll3A_703 : vector<512x128xi1>, vector<512x128xi32>
    %roll3A_709 = arith.constant 120 : i32
    %roll3A_710 = tpu.dynamic_rotate %select_n3A_690 by %roll3A_709 dim 1 : vector<512x128xi32>, i32 -> vector<512x128xi32>
    %roll3A_711 = arith.constant 511 : i32
    %roll3A_712 = tpu.dynamic_rotate %roll3A_710 by %roll3A_711 dim 0 : vector<512x128xi32>, i32 -> vector<512x128xi32>
    %iota3A_713 = tpu.iota {dimensions = array<i32: 1>} : vector<512x128xi32>
    %lt3A_714 = arith.constant 120 : i32
    %lt3A_715 = vector.broadcast %lt3A_714 : i32 to vector<512x128xi32>
    %lt3A_716 = arith.cmpi slt, %iota3A_713, %lt3A_715 : vector<512x128xi32>
    %select_n3A_717 = arith.select %lt3A_716, %roll3A_710, %roll3A_712 : vector<512x128xi1>, vector<512x128xi32>
    %roll3A_718 = arith.constant 120 : i32
    %roll3A_719 = tpu.dynamic_rotate %select_n3A_671 by %roll3A_718 dim 1 : vector<512x128xi32>, i32 -> vector<512x128xi32>
    %roll3A_720 = arith.constant 511 : i32
    %roll3A_721 = tpu.dynamic_rotate %roll3A_719 by %roll3A_720 dim 0 : vector<512x128xi32>, i32 -> vector<512x128xi32>
    %iota3A_722 = tpu.iota {dimensions = array<i32: 1>} : vector<512x128xi32>
    %lt3A_723 = arith.constant 120 : i32
    %lt3A_724 = vector.broadcast %lt3A_723 : i32 to vector<512x128xi32>
    %lt3A_725 = arith.cmpi slt, %iota3A_722, %lt3A_724 : vector<512x128xi32>
    %select_n3A_726 = arith.select %lt3A_725, %roll3A_719, %roll3A_721 : vector<512x128xi1>, vector<512x128xi32>
    %eq3A_727 = arith.constant 1 : i32
    %eq3A_728 = vector.broadcast %eq3A_727 : i32 to vector<512x128xi32>
    %eq3A_729 = arith.cmpi eq, %select_n3A_717, %eq3A_728 : vector<512x128xi32>
    %shift_right_arithmetic3A_730 = arith.constant 3 : i32
    %shift_right_arithmetic3A_731 = vector.broadcast %shift_right_arithmetic3A_730 : i32 to vector<512x128xi32>
    %shift_right_arithmetic3A_732 = arith.shrsi %select_n3A_726, %shift_right_arithmetic3A_731 : vector<512x128xi32>
    %and3A_733 = arith.constant 1 : i32
    %and3A_734 = vector.broadcast %and3A_733 : i32 to vector<512x128xi32>
    %and3A_735 = arith.andi %shift_right_arithmetic3A_732, %and3A_734 : vector<512x128xi32>
    %eq3A_736 = arith.constant 1 : i32
    %eq3A_737 = vector.broadcast %eq3A_736 : i32 to vector<512x128xi32>
    %eq3A_738 = arith.cmpi eq, %and3A_735, %eq3A_737 : vector<512x128xi32>
    %and3A_739 = arith.andi %eq3A_729, %eq3A_738 : vector<512x128xi1>
    %select_n3A_740 = arith.select %and3A_739, %select_n3A_699, %select_n3A_669 : vector<512x128xi1>, vector<512x128xi32>
    %select_n3A_741 = arith.select %and3A_739, %select_n3A_708, %select_n3A_670 : vector<512x128xi1>, vector<512x128xi32>
    %select_n3A_742 = arith.select %and3A_739, %select_n3A_726, %select_n3A_671 : vector<512x128xi1>, vector<512x128xi32>
    %eq3A_743 = arith.constant 1 : i32
    %eq3A_744 = vector.broadcast %eq3A_743 : i32 to vector<512x128xi32>
    %eq3A_745 = arith.cmpi eq, %select_n3A_690, %eq3A_744 : vector<512x128xi32>
    %shift_right_arithmetic3A_746 = arith.constant 3 : i32
    %shift_right_arithmetic3A_747 = vector.broadcast %shift_right_arithmetic3A_746 : i32 to vector<512x128xi32>
    %shift_right_arithmetic3A_748 = arith.shrsi %select_n3A_671, %shift_right_arithmetic3A_747 : vector<512x128xi32>
    %and3A_749 = arith.constant 1 : i32
    %and3A_750 = vector.broadcast %and3A_749 : i32 to vector<512x128xi32>
    %and3A_751 = arith.andi %shift_right_arithmetic3A_748, %and3A_750 : vector<512x128xi32>
    %eq3A_752 = arith.constant 0 : i32
    %eq3A_753 = vector.broadcast %eq3A_752 : i32 to vector<512x128xi32>
    %eq3A_754 = arith.cmpi eq, %and3A_751, %eq3A_753 : vector<512x128xi32>
    %and3A_755 = arith.andi %eq3A_745, %eq3A_754 : vector<512x128xi1>
    %jit3A_756 = arith.constant 0 : i32
    %broadcast_in_dim3A_757 = vector.broadcast %jit3A_756 : i32 to vector<512x128xi32>
    %select_n3A_758 = arith.select %and3A_755, %select_n3A_690, %broadcast_in_dim3A_757 : vector<512x128xi1>, vector<512x128xi32>
    %jit3A_759 = arith.constant 1 : i32
    %broadcast_in_dim3A_760 = vector.broadcast %jit3A_759 : i32 to vector<512x128xi32>
    %select_n3A_761 = arith.select %and3A_739, %broadcast_in_dim3A_760, %select_n3A_758 : vector<512x128xi1>, vector<512x128xi32>
    %roll3A_762 = arith.constant 112 : i32
    %roll3A_763 = tpu.dynamic_rotate %select_n3A_740 by %roll3A_762 dim 1 : vector<512x128xi32>, i32 -> vector<512x128xi32>
    %roll3A_764 = arith.constant 511 : i32
    %roll3A_765 = tpu.dynamic_rotate %roll3A_763 by %roll3A_764 dim 0 : vector<512x128xi32>, i32 -> vector<512x128xi32>
    %iota3A_766 = tpu.iota {dimensions = array<i32: 1>} : vector<512x128xi32>
    %lt3A_767 = arith.constant 112 : i32
    %lt3A_768 = vector.broadcast %lt3A_767 : i32 to vector<512x128xi32>
    %lt3A_769 = arith.cmpi slt, %iota3A_766, %lt3A_768 : vector<512x128xi32>
    %select_n3A_770 = arith.select %lt3A_769, %roll3A_763, %roll3A_765 : vector<512x128xi1>, vector<512x128xi32>
    %roll3A_771 = arith.constant 112 : i32
    %roll3A_772 = tpu.dynamic_rotate %select_n3A_741 by %roll3A_771 dim 1 : vector<512x128xi32>, i32 -> vector<512x128xi32>
    %roll3A_773 = arith.constant 511 : i32
    %roll3A_774 = tpu.dynamic_rotate %roll3A_772 by %roll3A_773 dim 0 : vector<512x128xi32>, i32 -> vector<512x128xi32>
    %iota3A_775 = tpu.iota {dimensions = array<i32: 1>} : vector<512x128xi32>
    %lt3A_776 = arith.constant 112 : i32
    %lt3A_777 = vector.broadcast %lt3A_776 : i32 to vector<512x128xi32>
    %lt3A_778 = arith.cmpi slt, %iota3A_775, %lt3A_777 : vector<512x128xi32>
    %select_n3A_779 = arith.select %lt3A_778, %roll3A_772, %roll3A_774 : vector<512x128xi1>, vector<512x128xi32>
    %roll3A_780 = arith.constant 112 : i32
    %roll3A_781 = tpu.dynamic_rotate %select_n3A_761 by %roll3A_780 dim 1 : vector<512x128xi32>, i32 -> vector<512x128xi32>
    %roll3A_782 = arith.constant 511 : i32
    %roll3A_783 = tpu.dynamic_rotate %roll3A_781 by %roll3A_782 dim 0 : vector<512x128xi32>, i32 -> vector<512x128xi32>
    %iota3A_784 = tpu.iota {dimensions = array<i32: 1>} : vector<512x128xi32>
    %lt3A_785 = arith.constant 112 : i32
    %lt3A_786 = vector.broadcast %lt3A_785 : i32 to vector<512x128xi32>
    %lt3A_787 = arith.cmpi slt, %iota3A_784, %lt3A_786 : vector<512x128xi32>
    %select_n3A_788 = arith.select %lt3A_787, %roll3A_781, %roll3A_783 : vector<512x128xi1>, vector<512x128xi32>
    %roll3A_789 = arith.constant 112 : i32
    %roll3A_790 = tpu.dynamic_rotate %select_n3A_742 by %roll3A_789 dim 1 : vector<512x128xi32>, i32 -> vector<512x128xi32>
    %roll3A_791 = arith.constant 511 : i32
    %roll3A_792 = tpu.dynamic_rotate %roll3A_790 by %roll3A_791 dim 0 : vector<512x128xi32>, i32 -> vector<512x128xi32>
    %iota3A_793 = tpu.iota {dimensions = array<i32: 1>} : vector<512x128xi32>
    %lt3A_794 = arith.constant 112 : i32
    %lt3A_795 = vector.broadcast %lt3A_794 : i32 to vector<512x128xi32>
    %lt3A_796 = arith.cmpi slt, %iota3A_793, %lt3A_795 : vector<512x128xi32>
    %select_n3A_797 = arith.select %lt3A_796, %roll3A_790, %roll3A_792 : vector<512x128xi1>, vector<512x128xi32>
    %eq3A_798 = arith.constant 1 : i32
    %eq3A_799 = vector.broadcast %eq3A_798 : i32 to vector<512x128xi32>
    %eq3A_800 = arith.cmpi eq, %select_n3A_788, %eq3A_799 : vector<512x128xi32>
    %shift_right_arithmetic3A_801 = arith.constant 4 : i32
    %shift_right_arithmetic3A_802 = vector.broadcast %shift_right_arithmetic3A_801 : i32 to vector<512x128xi32>
    %shift_right_arithmetic3A_803 = arith.shrsi %select_n3A_797, %shift_right_arithmetic3A_802 : vector<512x128xi32>
    %and3A_804 = arith.constant 1 : i32
    %and3A_805 = vector.broadcast %and3A_804 : i32 to vector<512x128xi32>
    %and3A_806 = arith.andi %shift_right_arithmetic3A_803, %and3A_805 : vector<512x128xi32>
    %eq3A_807 = arith.constant 1 : i32
    %eq3A_808 = vector.broadcast %eq3A_807 : i32 to vector<512x128xi32>
    %eq3A_809 = arith.cmpi eq, %and3A_806, %eq3A_808 : vector<512x128xi32>
    %and3A_810 = arith.andi %eq3A_800, %eq3A_809 : vector<512x128xi1>
    %select_n3A_811 = arith.select %and3A_810, %select_n3A_770, %select_n3A_740 : vector<512x128xi1>, vector<512x128xi32>
    %select_n3A_812 = arith.select %and3A_810, %select_n3A_779, %select_n3A_741 : vector<512x128xi1>, vector<512x128xi32>
    %select_n3A_813 = arith.select %and3A_810, %select_n3A_797, %select_n3A_742 : vector<512x128xi1>, vector<512x128xi32>
    %eq3A_814 = arith.constant 1 : i32
    %eq3A_815 = vector.broadcast %eq3A_814 : i32 to vector<512x128xi32>
    %eq3A_816 = arith.cmpi eq, %select_n3A_761, %eq3A_815 : vector<512x128xi32>
    %shift_right_arithmetic3A_817 = arith.constant 4 : i32
    %shift_right_arithmetic3A_818 = vector.broadcast %shift_right_arithmetic3A_817 : i32 to vector<512x128xi32>
    %shift_right_arithmetic3A_819 = arith.shrsi %select_n3A_742, %shift_right_arithmetic3A_818 : vector<512x128xi32>
    %and3A_820 = arith.constant 1 : i32
    %and3A_821 = vector.broadcast %and3A_820 : i32 to vector<512x128xi32>
    %and3A_822 = arith.andi %shift_right_arithmetic3A_819, %and3A_821 : vector<512x128xi32>
    %eq3A_823 = arith.constant 0 : i32
    %eq3A_824 = vector.broadcast %eq3A_823 : i32 to vector<512x128xi32>
    %eq3A_825 = arith.cmpi eq, %and3A_822, %eq3A_824 : vector<512x128xi32>
    %and3A_826 = arith.andi %eq3A_816, %eq3A_825 : vector<512x128xi1>
    %jit3A_827 = arith.constant 0 : i32
    %broadcast_in_dim3A_828 = vector.broadcast %jit3A_827 : i32 to vector<512x128xi32>
    %select_n3A_829 = arith.select %and3A_826, %select_n3A_761, %broadcast_in_dim3A_828 : vector<512x128xi1>, vector<512x128xi32>
    %jit3A_830 = arith.constant 1 : i32
    %broadcast_in_dim3A_831 = vector.broadcast %jit3A_830 : i32 to vector<512x128xi32>
    %select_n3A_832 = arith.select %and3A_810, %broadcast_in_dim3A_831, %select_n3A_829 : vector<512x128xi1>, vector<512x128xi32>
    %roll3A_833 = arith.constant 96 : i32
    %roll3A_834 = tpu.dynamic_rotate %select_n3A_811 by %roll3A_833 dim 1 : vector<512x128xi32>, i32 -> vector<512x128xi32>
    %roll3A_835 = arith.constant 511 : i32
    %roll3A_836 = tpu.dynamic_rotate %roll3A_834 by %roll3A_835 dim 0 : vector<512x128xi32>, i32 -> vector<512x128xi32>
    %iota3A_837 = tpu.iota {dimensions = array<i32: 1>} : vector<512x128xi32>
    %lt3A_838 = arith.constant 96 : i32
    %lt3A_839 = vector.broadcast %lt3A_838 : i32 to vector<512x128xi32>
    %lt3A_840 = arith.cmpi slt, %iota3A_837, %lt3A_839 : vector<512x128xi32>
    %select_n3A_841 = arith.select %lt3A_840, %roll3A_834, %roll3A_836 : vector<512x128xi1>, vector<512x128xi32>
    %roll3A_842 = arith.constant 96 : i32
    %roll3A_843 = tpu.dynamic_rotate %select_n3A_812 by %roll3A_842 dim 1 : vector<512x128xi32>, i32 -> vector<512x128xi32>
    %roll3A_844 = arith.constant 511 : i32
    %roll3A_845 = tpu.dynamic_rotate %roll3A_843 by %roll3A_844 dim 0 : vector<512x128xi32>, i32 -> vector<512x128xi32>
    %iota3A_846 = tpu.iota {dimensions = array<i32: 1>} : vector<512x128xi32>
    %lt3A_847 = arith.constant 96 : i32
    %lt3A_848 = vector.broadcast %lt3A_847 : i32 to vector<512x128xi32>
    %lt3A_849 = arith.cmpi slt, %iota3A_846, %lt3A_848 : vector<512x128xi32>
    %select_n3A_850 = arith.select %lt3A_849, %roll3A_843, %roll3A_845 : vector<512x128xi1>, vector<512x128xi32>
    %roll3A_851 = arith.constant 96 : i32
    %roll3A_852 = tpu.dynamic_rotate %select_n3A_832 by %roll3A_851 dim 1 : vector<512x128xi32>, i32 -> vector<512x128xi32>
    %roll3A_853 = arith.constant 511 : i32
    %roll3A_854 = tpu.dynamic_rotate %roll3A_852 by %roll3A_853 dim 0 : vector<512x128xi32>, i32 -> vector<512x128xi32>
    %iota3A_855 = tpu.iota {dimensions = array<i32: 1>} : vector<512x128xi32>
    %lt3A_856 = arith.constant 96 : i32
    %lt3A_857 = vector.broadcast %lt3A_856 : i32 to vector<512x128xi32>
    %lt3A_858 = arith.cmpi slt, %iota3A_855, %lt3A_857 : vector<512x128xi32>
    %select_n3A_859 = arith.select %lt3A_858, %roll3A_852, %roll3A_854 : vector<512x128xi1>, vector<512x128xi32>
    %roll3A_860 = arith.constant 96 : i32
    %roll3A_861 = tpu.dynamic_rotate %select_n3A_813 by %roll3A_860 dim 1 : vector<512x128xi32>, i32 -> vector<512x128xi32>
    %roll3A_862 = arith.constant 511 : i32
    %roll3A_863 = tpu.dynamic_rotate %roll3A_861 by %roll3A_862 dim 0 : vector<512x128xi32>, i32 -> vector<512x128xi32>
    %iota3A_864 = tpu.iota {dimensions = array<i32: 1>} : vector<512x128xi32>
    %lt3A_865 = arith.constant 96 : i32
    %lt3A_866 = vector.broadcast %lt3A_865 : i32 to vector<512x128xi32>
    %lt3A_867 = arith.cmpi slt, %iota3A_864, %lt3A_866 : vector<512x128xi32>
    %select_n3A_868 = arith.select %lt3A_867, %roll3A_861, %roll3A_863 : vector<512x128xi1>, vector<512x128xi32>
    %eq3A_869 = arith.constant 1 : i32
    %eq3A_870 = vector.broadcast %eq3A_869 : i32 to vector<512x128xi32>
    %eq3A_871 = arith.cmpi eq, %select_n3A_859, %eq3A_870 : vector<512x128xi32>
    %shift_right_arithmetic3A_872 = arith.constant 5 : i32
    %shift_right_arithmetic3A_873 = vector.broadcast %shift_right_arithmetic3A_872 : i32 to vector<512x128xi32>
    %shift_right_arithmetic3A_874 = arith.shrsi %select_n3A_868, %shift_right_arithmetic3A_873 : vector<512x128xi32>
    %and3A_875 = arith.constant 1 : i32
    %and3A_876 = vector.broadcast %and3A_875 : i32 to vector<512x128xi32>
    %and3A_877 = arith.andi %shift_right_arithmetic3A_874, %and3A_876 : vector<512x128xi32>
    %eq3A_878 = arith.constant 1 : i32
    %eq3A_879 = vector.broadcast %eq3A_878 : i32 to vector<512x128xi32>
    %eq3A_880 = arith.cmpi eq, %and3A_877, %eq3A_879 : vector<512x128xi32>
    %and3A_881 = arith.andi %eq3A_871, %eq3A_880 : vector<512x128xi1>
    %select_n3A_882 = arith.select %and3A_881, %select_n3A_841, %select_n3A_811 : vector<512x128xi1>, vector<512x128xi32>
    %select_n3A_883 = arith.select %and3A_881, %select_n3A_850, %select_n3A_812 : vector<512x128xi1>, vector<512x128xi32>
    %select_n3A_884 = arith.select %and3A_881, %select_n3A_868, %select_n3A_813 : vector<512x128xi1>, vector<512x128xi32>
    %eq3A_885 = arith.constant 1 : i32
    %eq3A_886 = vector.broadcast %eq3A_885 : i32 to vector<512x128xi32>
    %eq3A_887 = arith.cmpi eq, %select_n3A_832, %eq3A_886 : vector<512x128xi32>
    %shift_right_arithmetic3A_888 = arith.constant 5 : i32
    %shift_right_arithmetic3A_889 = vector.broadcast %shift_right_arithmetic3A_888 : i32 to vector<512x128xi32>
    %shift_right_arithmetic3A_890 = arith.shrsi %select_n3A_813, %shift_right_arithmetic3A_889 : vector<512x128xi32>
    %and3A_891 = arith.constant 1 : i32
    %and3A_892 = vector.broadcast %and3A_891 : i32 to vector<512x128xi32>
    %and3A_893 = arith.andi %shift_right_arithmetic3A_890, %and3A_892 : vector<512x128xi32>
    %eq3A_894 = arith.constant 0 : i32
    %eq3A_895 = vector.broadcast %eq3A_894 : i32 to vector<512x128xi32>
    %eq3A_896 = arith.cmpi eq, %and3A_893, %eq3A_895 : vector<512x128xi32>
    %and3A_897 = arith.andi %eq3A_887, %eq3A_896 : vector<512x128xi1>
    %jit3A_898 = arith.constant 0 : i32
    %broadcast_in_dim3A_899 = vector.broadcast %jit3A_898 : i32 to vector<512x128xi32>
    %select_n3A_900 = arith.select %and3A_897, %select_n3A_832, %broadcast_in_dim3A_899 : vector<512x128xi1>, vector<512x128xi32>
    %jit3A_901 = arith.constant 1 : i32
    %broadcast_in_dim3A_902 = vector.broadcast %jit3A_901 : i32 to vector<512x128xi32>
    %select_n3A_903 = arith.select %and3A_881, %broadcast_in_dim3A_902, %select_n3A_900 : vector<512x128xi1>, vector<512x128xi32>
    %roll3A_904 = arith.constant 64 : i32
    %roll3A_905 = tpu.dynamic_rotate %select_n3A_882 by %roll3A_904 dim 1 : vector<512x128xi32>, i32 -> vector<512x128xi32>
    %roll3A_906 = arith.constant 511 : i32
    %roll3A_907 = tpu.dynamic_rotate %roll3A_905 by %roll3A_906 dim 0 : vector<512x128xi32>, i32 -> vector<512x128xi32>
    %iota3A_908 = tpu.iota {dimensions = array<i32: 1>} : vector<512x128xi32>
    %lt3A_909 = arith.constant 64 : i32
    %lt3A_910 = vector.broadcast %lt3A_909 : i32 to vector<512x128xi32>
    %lt3A_911 = arith.cmpi slt, %iota3A_908, %lt3A_910 : vector<512x128xi32>
    %select_n3A_912 = arith.select %lt3A_911, %roll3A_905, %roll3A_907 : vector<512x128xi1>, vector<512x128xi32>
    %roll3A_913 = arith.constant 64 : i32
    %roll3A_914 = tpu.dynamic_rotate %select_n3A_883 by %roll3A_913 dim 1 : vector<512x128xi32>, i32 -> vector<512x128xi32>
    %roll3A_915 = arith.constant 511 : i32
    %roll3A_916 = tpu.dynamic_rotate %roll3A_914 by %roll3A_915 dim 0 : vector<512x128xi32>, i32 -> vector<512x128xi32>
    %iota3A_917 = tpu.iota {dimensions = array<i32: 1>} : vector<512x128xi32>
    %lt3A_918 = arith.constant 64 : i32
    %lt3A_919 = vector.broadcast %lt3A_918 : i32 to vector<512x128xi32>
    %lt3A_920 = arith.cmpi slt, %iota3A_917, %lt3A_919 : vector<512x128xi32>
    %select_n3A_921 = arith.select %lt3A_920, %roll3A_914, %roll3A_916 : vector<512x128xi1>, vector<512x128xi32>
    %roll3A_922 = arith.constant 64 : i32
    %roll3A_923 = tpu.dynamic_rotate %select_n3A_903 by %roll3A_922 dim 1 : vector<512x128xi32>, i32 -> vector<512x128xi32>
    %roll3A_924 = arith.constant 511 : i32
    %roll3A_925 = tpu.dynamic_rotate %roll3A_923 by %roll3A_924 dim 0 : vector<512x128xi32>, i32 -> vector<512x128xi32>
    %iota3A_926 = tpu.iota {dimensions = array<i32: 1>} : vector<512x128xi32>
    %lt3A_927 = arith.constant 64 : i32
    %lt3A_928 = vector.broadcast %lt3A_927 : i32 to vector<512x128xi32>
    %lt3A_929 = arith.cmpi slt, %iota3A_926, %lt3A_928 : vector<512x128xi32>
    %select_n3A_930 = arith.select %lt3A_929, %roll3A_923, %roll3A_925 : vector<512x128xi1>, vector<512x128xi32>
    %roll3A_931 = arith.constant 64 : i32
    %roll3A_932 = tpu.dynamic_rotate %select_n3A_884 by %roll3A_931 dim 1 : vector<512x128xi32>, i32 -> vector<512x128xi32>
    %roll3A_933 = arith.constant 511 : i32
    %roll3A_934 = tpu.dynamic_rotate %roll3A_932 by %roll3A_933 dim 0 : vector<512x128xi32>, i32 -> vector<512x128xi32>
    %iota3A_935 = tpu.iota {dimensions = array<i32: 1>} : vector<512x128xi32>
    %lt3A_936 = arith.constant 64 : i32
    %lt3A_937 = vector.broadcast %lt3A_936 : i32 to vector<512x128xi32>
    %lt3A_938 = arith.cmpi slt, %iota3A_935, %lt3A_937 : vector<512x128xi32>
    %select_n3A_939 = arith.select %lt3A_938, %roll3A_932, %roll3A_934 : vector<512x128xi1>, vector<512x128xi32>
    %eq3A_940 = arith.constant 1 : i32
    %eq3A_941 = vector.broadcast %eq3A_940 : i32 to vector<512x128xi32>
    %eq3A_942 = arith.cmpi eq, %select_n3A_930, %eq3A_941 : vector<512x128xi32>
    %shift_right_arithmetic3A_943 = arith.constant 6 : i32
    %shift_right_arithmetic3A_944 = vector.broadcast %shift_right_arithmetic3A_943 : i32 to vector<512x128xi32>
    %shift_right_arithmetic3A_945 = arith.shrsi %select_n3A_939, %shift_right_arithmetic3A_944 : vector<512x128xi32>
    %and3A_946 = arith.constant 1 : i32
    %and3A_947 = vector.broadcast %and3A_946 : i32 to vector<512x128xi32>
    %and3A_948 = arith.andi %shift_right_arithmetic3A_945, %and3A_947 : vector<512x128xi32>
    %eq3A_949 = arith.constant 1 : i32
    %eq3A_950 = vector.broadcast %eq3A_949 : i32 to vector<512x128xi32>
    %eq3A_951 = arith.cmpi eq, %and3A_948, %eq3A_950 : vector<512x128xi32>
    %and3A_952 = arith.andi %eq3A_942, %eq3A_951 : vector<512x128xi1>
    %select_n3A_953 = arith.select %and3A_952, %select_n3A_912, %select_n3A_882 : vector<512x128xi1>, vector<512x128xi32>
    %select_n3A_954 = arith.select %and3A_952, %select_n3A_921, %select_n3A_883 : vector<512x128xi1>, vector<512x128xi32>
    %select_n3A_955 = arith.select %and3A_952, %select_n3A_939, %select_n3A_884 : vector<512x128xi1>, vector<512x128xi32>
    %eq3A_956 = arith.constant 1 : i32
    %eq3A_957 = vector.broadcast %eq3A_956 : i32 to vector<512x128xi32>
    %eq3A_958 = arith.cmpi eq, %select_n3A_903, %eq3A_957 : vector<512x128xi32>
    %shift_right_arithmetic3A_959 = arith.constant 6 : i32
    %shift_right_arithmetic3A_960 = vector.broadcast %shift_right_arithmetic3A_959 : i32 to vector<512x128xi32>
    %shift_right_arithmetic3A_961 = arith.shrsi %select_n3A_884, %shift_right_arithmetic3A_960 : vector<512x128xi32>
    %and3A_962 = arith.constant 1 : i32
    %and3A_963 = vector.broadcast %and3A_962 : i32 to vector<512x128xi32>
    %and3A_964 = arith.andi %shift_right_arithmetic3A_961, %and3A_963 : vector<512x128xi32>
    %eq3A_965 = arith.constant 0 : i32
    %eq3A_966 = vector.broadcast %eq3A_965 : i32 to vector<512x128xi32>
    %eq3A_967 = arith.cmpi eq, %and3A_964, %eq3A_966 : vector<512x128xi32>
    %and3A_968 = arith.andi %eq3A_958, %eq3A_967 : vector<512x128xi1>
    %jit3A_969 = arith.constant 0 : i32
    %broadcast_in_dim3A_970 = vector.broadcast %jit3A_969 : i32 to vector<512x128xi32>
    %select_n3A_971 = arith.select %and3A_968, %select_n3A_903, %broadcast_in_dim3A_970 : vector<512x128xi1>, vector<512x128xi32>
    %jit3A_972 = arith.constant 1 : i32
    %broadcast_in_dim3A_973 = vector.broadcast %jit3A_972 : i32 to vector<512x128xi32>
    %select_n3A_974 = arith.select %and3A_952, %broadcast_in_dim3A_973, %select_n3A_971 : vector<512x128xi1>, vector<512x128xi32>
    %roll3A_975 = arith.constant 511 : i32
    %roll3A_976 = tpu.dynamic_rotate %select_n3A_953 by %roll3A_975 dim 0 : vector<512x128xi32>, i32 -> vector<512x128xi32>
    %roll3A_977 = arith.constant 511 : i32
    %roll3A_978 = tpu.dynamic_rotate %select_n3A_954 by %roll3A_977 dim 0 : vector<512x128xi32>, i32 -> vector<512x128xi32>
    %roll3A_979 = arith.constant 511 : i32
    %roll3A_980 = tpu.dynamic_rotate %select_n3A_974 by %roll3A_979 dim 0 : vector<512x128xi32>, i32 -> vector<512x128xi32>
    %roll3A_981 = arith.constant 511 : i32
    %roll3A_982 = tpu.dynamic_rotate %select_n3A_955 by %roll3A_981 dim 0 : vector<512x128xi32>, i32 -> vector<512x128xi32>
    %eq3A_983 = arith.constant 1 : i32
    %eq3A_984 = vector.broadcast %eq3A_983 : i32 to vector<512x128xi32>
    %eq3A_985 = arith.cmpi eq, %roll3A_980, %eq3A_984 : vector<512x128xi32>
    %shift_right_arithmetic3A_986 = arith.constant 7 : i32
    %shift_right_arithmetic3A_987 = vector.broadcast %shift_right_arithmetic3A_986 : i32 to vector<512x128xi32>
    %shift_right_arithmetic3A_988 = arith.shrsi %roll3A_982, %shift_right_arithmetic3A_987 : vector<512x128xi32>
    %and3A_989 = arith.constant 1 : i32
    %and3A_990 = vector.broadcast %and3A_989 : i32 to vector<512x128xi32>
    %and3A_991 = arith.andi %shift_right_arithmetic3A_988, %and3A_990 : vector<512x128xi32>
    %eq3A_992 = arith.constant 1 : i32
    %eq3A_993 = vector.broadcast %eq3A_992 : i32 to vector<512x128xi32>
    %eq3A_994 = arith.cmpi eq, %and3A_991, %eq3A_993 : vector<512x128xi32>
    %and3A_995 = arith.andi %eq3A_985, %eq3A_994 : vector<512x128xi1>
    %select_n3A_996 = arith.select %and3A_995, %roll3A_976, %select_n3A_953 : vector<512x128xi1>, vector<512x128xi32>
    %select_n3A_997 = arith.select %and3A_995, %roll3A_978, %select_n3A_954 : vector<512x128xi1>, vector<512x128xi32>
    %select_n3A_998 = arith.select %and3A_995, %roll3A_982, %select_n3A_955 : vector<512x128xi1>, vector<512x128xi32>
    %eq3A_999 = arith.constant 1 : i32
    %eq3A_1000 = vector.broadcast %eq3A_999 : i32 to vector<512x128xi32>
    %eq3A_1001 = arith.cmpi eq, %select_n3A_974, %eq3A_1000 : vector<512x128xi32>
    %shift_right_arithmetic3A_1002 = arith.constant 7 : i32
    %shift_right_arithmetic3A_1003 = vector.broadcast %shift_right_arithmetic3A_1002 : i32 to vector<512x128xi32>
    %shift_right_arithmetic3A_1004 = arith.shrsi %select_n3A_955, %shift_right_arithmetic3A_1003 : vector<512x128xi32>
    %and3A_1005 = arith.constant 1 : i32
    %and3A_1006 = vector.broadcast %and3A_1005 : i32 to vector<512x128xi32>
    %and3A_1007 = arith.andi %shift_right_arithmetic3A_1004, %and3A_1006 : vector<512x128xi32>
    %eq3A_1008 = arith.constant 0 : i32
    %eq3A_1009 = vector.broadcast %eq3A_1008 : i32 to vector<512x128xi32>
    %eq3A_1010 = arith.cmpi eq, %and3A_1007, %eq3A_1009 : vector<512x128xi32>
    %and3A_1011 = arith.andi %eq3A_1001, %eq3A_1010 : vector<512x128xi1>
    %jit3A_1012 = arith.constant 0 : i32
    %broadcast_in_dim3A_1013 = vector.broadcast %jit3A_1012 : i32 to vector<512x128xi32>
    %select_n3A_1014 = arith.select %and3A_1011, %select_n3A_974, %broadcast_in_dim3A_1013 : vector<512x128xi1>, vector<512x128xi32>
    %jit3A_1015 = arith.constant 1 : i32
    %broadcast_in_dim3A_1016 = vector.broadcast %jit3A_1015 : i32 to vector<512x128xi32>
    %select_n3A_1017 = arith.select %and3A_995, %broadcast_in_dim3A_1016, %select_n3A_1014 : vector<512x128xi1>, vector<512x128xi32>
    %roll3A_1018 = arith.constant 510 : i32
    %roll3A_1019 = tpu.dynamic_rotate %select_n3A_996 by %roll3A_1018 dim 0 : vector<512x128xi32>, i32 -> vector<512x128xi32>
    %roll3A_1020 = arith.constant 510 : i32
    %roll3A_1021 = tpu.dynamic_rotate %select_n3A_997 by %roll3A_1020 dim 0 : vector<512x128xi32>, i32 -> vector<512x128xi32>
    %roll3A_1022 = arith.constant 510 : i32
    %roll3A_1023 = tpu.dynamic_rotate %select_n3A_1017 by %roll3A_1022 dim 0 : vector<512x128xi32>, i32 -> vector<512x128xi32>
    %roll3A_1024 = arith.constant 510 : i32
    %roll3A_1025 = tpu.dynamic_rotate %select_n3A_998 by %roll3A_1024 dim 0 : vector<512x128xi32>, i32 -> vector<512x128xi32>
    %eq3A_1026 = arith.constant 1 : i32
    %eq3A_1027 = vector.broadcast %eq3A_1026 : i32 to vector<512x128xi32>
    %eq3A_1028 = arith.cmpi eq, %roll3A_1023, %eq3A_1027 : vector<512x128xi32>
    %shift_right_arithmetic3A_1029 = arith.constant 8 : i32
    %shift_right_arithmetic3A_1030 = vector.broadcast %shift_right_arithmetic3A_1029 : i32 to vector<512x128xi32>
    %shift_right_arithmetic3A_1031 = arith.shrsi %roll3A_1025, %shift_right_arithmetic3A_1030 : vector<512x128xi32>
    %and3A_1032 = arith.constant 1 : i32
    %and3A_1033 = vector.broadcast %and3A_1032 : i32 to vector<512x128xi32>
    %and3A_1034 = arith.andi %shift_right_arithmetic3A_1031, %and3A_1033 : vector<512x128xi32>
    %eq3A_1035 = arith.constant 1 : i32
    %eq3A_1036 = vector.broadcast %eq3A_1035 : i32 to vector<512x128xi32>
    %eq3A_1037 = arith.cmpi eq, %and3A_1034, %eq3A_1036 : vector<512x128xi32>
    %and3A_1038 = arith.andi %eq3A_1028, %eq3A_1037 : vector<512x128xi1>
    %select_n3A_1039 = arith.select %and3A_1038, %roll3A_1019, %select_n3A_996 : vector<512x128xi1>, vector<512x128xi32>
    %select_n3A_1040 = arith.select %and3A_1038, %roll3A_1021, %select_n3A_997 : vector<512x128xi1>, vector<512x128xi32>
    %select_n3A_1041 = arith.select %and3A_1038, %roll3A_1025, %select_n3A_998 : vector<512x128xi1>, vector<512x128xi32>
    %eq3A_1042 = arith.constant 1 : i32
    %eq3A_1043 = vector.broadcast %eq3A_1042 : i32 to vector<512x128xi32>
    %eq3A_1044 = arith.cmpi eq, %select_n3A_1017, %eq3A_1043 : vector<512x128xi32>
    %shift_right_arithmetic3A_1045 = arith.constant 8 : i32
    %shift_right_arithmetic3A_1046 = vector.broadcast %shift_right_arithmetic3A_1045 : i32 to vector<512x128xi32>
    %shift_right_arithmetic3A_1047 = arith.shrsi %select_n3A_998, %shift_right_arithmetic3A_1046 : vector<512x128xi32>
    %and3A_1048 = arith.constant 1 : i32
    %and3A_1049 = vector.broadcast %and3A_1048 : i32 to vector<512x128xi32>
    %and3A_1050 = arith.andi %shift_right_arithmetic3A_1047, %and3A_1049 : vector<512x128xi32>
    %eq3A_1051 = arith.constant 0 : i32
    %eq3A_1052 = vector.broadcast %eq3A_1051 : i32 to vector<512x128xi32>
    %eq3A_1053 = arith.cmpi eq, %and3A_1050, %eq3A_1052 : vector<512x128xi32>
    %and3A_1054 = arith.andi %eq3A_1044, %eq3A_1053 : vector<512x128xi1>
    %jit3A_1055 = arith.constant 0 : i32
    %broadcast_in_dim3A_1056 = vector.broadcast %jit3A_1055 : i32 to vector<512x128xi32>
    %select_n3A_1057 = arith.select %and3A_1054, %select_n3A_1017, %broadcast_in_dim3A_1056 : vector<512x128xi1>, vector<512x128xi32>
    %jit3A_1058 = arith.constant 1 : i32
    %broadcast_in_dim3A_1059 = vector.broadcast %jit3A_1058 : i32 to vector<512x128xi32>
    %select_n3A_1060 = arith.select %and3A_1038, %broadcast_in_dim3A_1059, %select_n3A_1057 : vector<512x128xi1>, vector<512x128xi32>
    %roll3A_1061 = arith.constant 508 : i32
    %roll3A_1062 = tpu.dynamic_rotate %select_n3A_1039 by %roll3A_1061 dim 0 : vector<512x128xi32>, i32 -> vector<512x128xi32>
    %roll3A_1063 = arith.constant 508 : i32
    %roll3A_1064 = tpu.dynamic_rotate %select_n3A_1040 by %roll3A_1063 dim 0 : vector<512x128xi32>, i32 -> vector<512x128xi32>
    %roll3A_1065 = arith.constant 508 : i32
    %roll3A_1066 = tpu.dynamic_rotate %select_n3A_1060 by %roll3A_1065 dim 0 : vector<512x128xi32>, i32 -> vector<512x128xi32>
    %roll3A_1067 = arith.constant 508 : i32
    %roll3A_1068 = tpu.dynamic_rotate %select_n3A_1041 by %roll3A_1067 dim 0 : vector<512x128xi32>, i32 -> vector<512x128xi32>
    %eq3A_1069 = arith.constant 1 : i32
    %eq3A_1070 = vector.broadcast %eq3A_1069 : i32 to vector<512x128xi32>
    %eq3A_1071 = arith.cmpi eq, %roll3A_1066, %eq3A_1070 : vector<512x128xi32>
    %shift_right_arithmetic3A_1072 = arith.constant 9 : i32
    %shift_right_arithmetic3A_1073 = vector.broadcast %shift_right_arithmetic3A_1072 : i32 to vector<512x128xi32>
    %shift_right_arithmetic3A_1074 = arith.shrsi %roll3A_1068, %shift_right_arithmetic3A_1073 : vector<512x128xi32>
    %and3A_1075 = arith.constant 1 : i32
    %and3A_1076 = vector.broadcast %and3A_1075 : i32 to vector<512x128xi32>
    %and3A_1077 = arith.andi %shift_right_arithmetic3A_1074, %and3A_1076 : vector<512x128xi32>
    %eq3A_1078 = arith.constant 1 : i32
    %eq3A_1079 = vector.broadcast %eq3A_1078 : i32 to vector<512x128xi32>
    %eq3A_1080 = arith.cmpi eq, %and3A_1077, %eq3A_1079 : vector<512x128xi32>
    %and3A_1081 = arith.andi %eq3A_1071, %eq3A_1080 : vector<512x128xi1>
    %select_n3A_1082 = arith.select %and3A_1081, %roll3A_1062, %select_n3A_1039 : vector<512x128xi1>, vector<512x128xi32>
    %select_n3A_1083 = arith.select %and3A_1081, %roll3A_1064, %select_n3A_1040 : vector<512x128xi1>, vector<512x128xi32>
    %select_n3A_1084 = arith.select %and3A_1081, %roll3A_1068, %select_n3A_1041 : vector<512x128xi1>, vector<512x128xi32>
    %eq3A_1085 = arith.constant 1 : i32
    %eq3A_1086 = vector.broadcast %eq3A_1085 : i32 to vector<512x128xi32>
    %eq3A_1087 = arith.cmpi eq, %select_n3A_1060, %eq3A_1086 : vector<512x128xi32>
    %shift_right_arithmetic3A_1088 = arith.constant 9 : i32
    %shift_right_arithmetic3A_1089 = vector.broadcast %shift_right_arithmetic3A_1088 : i32 to vector<512x128xi32>
    %shift_right_arithmetic3A_1090 = arith.shrsi %select_n3A_1041, %shift_right_arithmetic3A_1089 : vector<512x128xi32>
    %and3A_1091 = arith.constant 1 : i32
    %and3A_1092 = vector.broadcast %and3A_1091 : i32 to vector<512x128xi32>
    %and3A_1093 = arith.andi %shift_right_arithmetic3A_1090, %and3A_1092 : vector<512x128xi32>
    %eq3A_1094 = arith.constant 0 : i32
    %eq3A_1095 = vector.broadcast %eq3A_1094 : i32 to vector<512x128xi32>
    %eq3A_1096 = arith.cmpi eq, %and3A_1093, %eq3A_1095 : vector<512x128xi32>
    %and3A_1097 = arith.andi %eq3A_1087, %eq3A_1096 : vector<512x128xi1>
    %jit3A_1098 = arith.constant 0 : i32
    %broadcast_in_dim3A_1099 = vector.broadcast %jit3A_1098 : i32 to vector<512x128xi32>
    %select_n3A_1100 = arith.select %and3A_1097, %select_n3A_1060, %broadcast_in_dim3A_1099 : vector<512x128xi1>, vector<512x128xi32>
    %jit3A_1101 = arith.constant 1 : i32
    %broadcast_in_dim3A_1102 = vector.broadcast %jit3A_1101 : i32 to vector<512x128xi32>
    %select_n3A_1103 = arith.select %and3A_1081, %broadcast_in_dim3A_1102, %select_n3A_1100 : vector<512x128xi1>, vector<512x128xi32>
    %roll3A_1104 = arith.constant 504 : i32
    %roll3A_1105 = tpu.dynamic_rotate %select_n3A_1082 by %roll3A_1104 dim 0 : vector<512x128xi32>, i32 -> vector<512x128xi32>
    %roll3A_1106 = arith.constant 504 : i32
    %roll3A_1107 = tpu.dynamic_rotate %select_n3A_1083 by %roll3A_1106 dim 0 : vector<512x128xi32>, i32 -> vector<512x128xi32>
    %roll3A_1108 = arith.constant 504 : i32
    %roll3A_1109 = tpu.dynamic_rotate %select_n3A_1103 by %roll3A_1108 dim 0 : vector<512x128xi32>, i32 -> vector<512x128xi32>
    %roll3A_1110 = arith.constant 504 : i32
    %roll3A_1111 = tpu.dynamic_rotate %select_n3A_1084 by %roll3A_1110 dim 0 : vector<512x128xi32>, i32 -> vector<512x128xi32>
    %eq3A_1112 = arith.constant 1 : i32
    %eq3A_1113 = vector.broadcast %eq3A_1112 : i32 to vector<512x128xi32>
    %eq3A_1114 = arith.cmpi eq, %roll3A_1109, %eq3A_1113 : vector<512x128xi32>
    %shift_right_arithmetic3A_1115 = arith.constant 10 : i32
    %shift_right_arithmetic3A_1116 = vector.broadcast %shift_right_arithmetic3A_1115 : i32 to vector<512x128xi32>
    %shift_right_arithmetic3A_1117 = arith.shrsi %roll3A_1111, %shift_right_arithmetic3A_1116 : vector<512x128xi32>
    %and3A_1118 = arith.constant 1 : i32
    %and3A_1119 = vector.broadcast %and3A_1118 : i32 to vector<512x128xi32>
    %and3A_1120 = arith.andi %shift_right_arithmetic3A_1117, %and3A_1119 : vector<512x128xi32>
    %eq3A_1121 = arith.constant 1 : i32
    %eq3A_1122 = vector.broadcast %eq3A_1121 : i32 to vector<512x128xi32>
    %eq3A_1123 = arith.cmpi eq, %and3A_1120, %eq3A_1122 : vector<512x128xi32>
    %and3A_1124 = arith.andi %eq3A_1114, %eq3A_1123 : vector<512x128xi1>
    %select_n3A_1125 = arith.select %and3A_1124, %roll3A_1105, %select_n3A_1082 : vector<512x128xi1>, vector<512x128xi32>
    %select_n3A_1126 = arith.select %and3A_1124, %roll3A_1107, %select_n3A_1083 : vector<512x128xi1>, vector<512x128xi32>
    %select_n3A_1127 = arith.select %and3A_1124, %roll3A_1111, %select_n3A_1084 : vector<512x128xi1>, vector<512x128xi32>
    %eq3A_1128 = arith.constant 1 : i32
    %eq3A_1129 = vector.broadcast %eq3A_1128 : i32 to vector<512x128xi32>
    %eq3A_1130 = arith.cmpi eq, %select_n3A_1103, %eq3A_1129 : vector<512x128xi32>
    %shift_right_arithmetic3A_1131 = arith.constant 10 : i32
    %shift_right_arithmetic3A_1132 = vector.broadcast %shift_right_arithmetic3A_1131 : i32 to vector<512x128xi32>
    %shift_right_arithmetic3A_1133 = arith.shrsi %select_n3A_1084, %shift_right_arithmetic3A_1132 : vector<512x128xi32>
    %and3A_1134 = arith.constant 1 : i32
    %and3A_1135 = vector.broadcast %and3A_1134 : i32 to vector<512x128xi32>
    %and3A_1136 = arith.andi %shift_right_arithmetic3A_1133, %and3A_1135 : vector<512x128xi32>
    %eq3A_1137 = arith.constant 0 : i32
    %eq3A_1138 = vector.broadcast %eq3A_1137 : i32 to vector<512x128xi32>
    %eq3A_1139 = arith.cmpi eq, %and3A_1136, %eq3A_1138 : vector<512x128xi32>
    %and3A_1140 = arith.andi %eq3A_1130, %eq3A_1139 : vector<512x128xi1>
    %jit3A_1141 = arith.constant 0 : i32
    %broadcast_in_dim3A_1142 = vector.broadcast %jit3A_1141 : i32 to vector<512x128xi32>
    %select_n3A_1143 = arith.select %and3A_1140, %select_n3A_1103, %broadcast_in_dim3A_1142 : vector<512x128xi1>, vector<512x128xi32>
    %jit3A_1144 = arith.constant 1 : i32
    %broadcast_in_dim3A_1145 = vector.broadcast %jit3A_1144 : i32 to vector<512x128xi32>
    %select_n3A_1146 = arith.select %and3A_1124, %broadcast_in_dim3A_1145, %select_n3A_1143 : vector<512x128xi1>, vector<512x128xi32>
    %roll3A_1147 = arith.constant 496 : i32
    %roll3A_1148 = tpu.dynamic_rotate %select_n3A_1125 by %roll3A_1147 dim 0 : vector<512x128xi32>, i32 -> vector<512x128xi32>
    %roll3A_1149 = arith.constant 496 : i32
    %roll3A_1150 = tpu.dynamic_rotate %select_n3A_1126 by %roll3A_1149 dim 0 : vector<512x128xi32>, i32 -> vector<512x128xi32>
    %roll3A_1151 = arith.constant 496 : i32
    %roll3A_1152 = tpu.dynamic_rotate %select_n3A_1146 by %roll3A_1151 dim 0 : vector<512x128xi32>, i32 -> vector<512x128xi32>
    %roll3A_1153 = arith.constant 496 : i32
    %roll3A_1154 = tpu.dynamic_rotate %select_n3A_1127 by %roll3A_1153 dim 0 : vector<512x128xi32>, i32 -> vector<512x128xi32>
    %eq3A_1155 = arith.constant 1 : i32
    %eq3A_1156 = vector.broadcast %eq3A_1155 : i32 to vector<512x128xi32>
    %eq3A_1157 = arith.cmpi eq, %roll3A_1152, %eq3A_1156 : vector<512x128xi32>
    %shift_right_arithmetic3A_1158 = arith.constant 11 : i32
    %shift_right_arithmetic3A_1159 = vector.broadcast %shift_right_arithmetic3A_1158 : i32 to vector<512x128xi32>
    %shift_right_arithmetic3A_1160 = arith.shrsi %roll3A_1154, %shift_right_arithmetic3A_1159 : vector<512x128xi32>
    %and3A_1161 = arith.constant 1 : i32
    %and3A_1162 = vector.broadcast %and3A_1161 : i32 to vector<512x128xi32>
    %and3A_1163 = arith.andi %shift_right_arithmetic3A_1160, %and3A_1162 : vector<512x128xi32>
    %eq3A_1164 = arith.constant 1 : i32
    %eq3A_1165 = vector.broadcast %eq3A_1164 : i32 to vector<512x128xi32>
    %eq3A_1166 = arith.cmpi eq, %and3A_1163, %eq3A_1165 : vector<512x128xi32>
    %and3A_1167 = arith.andi %eq3A_1157, %eq3A_1166 : vector<512x128xi1>
    %select_n3A_1168 = arith.select %and3A_1167, %roll3A_1148, %select_n3A_1125 : vector<512x128xi1>, vector<512x128xi32>
    %select_n3A_1169 = arith.select %and3A_1167, %roll3A_1150, %select_n3A_1126 : vector<512x128xi1>, vector<512x128xi32>
    %select_n3A_1170 = arith.select %and3A_1167, %roll3A_1154, %select_n3A_1127 : vector<512x128xi1>, vector<512x128xi32>
    %eq3A_1171 = arith.constant 1 : i32
    %eq3A_1172 = vector.broadcast %eq3A_1171 : i32 to vector<512x128xi32>
    %eq3A_1173 = arith.cmpi eq, %select_n3A_1146, %eq3A_1172 : vector<512x128xi32>
    %shift_right_arithmetic3A_1174 = arith.constant 11 : i32
    %shift_right_arithmetic3A_1175 = vector.broadcast %shift_right_arithmetic3A_1174 : i32 to vector<512x128xi32>
    %shift_right_arithmetic3A_1176 = arith.shrsi %select_n3A_1127, %shift_right_arithmetic3A_1175 : vector<512x128xi32>
    %and3A_1177 = arith.constant 1 : i32
    %and3A_1178 = vector.broadcast %and3A_1177 : i32 to vector<512x128xi32>
    %and3A_1179 = arith.andi %shift_right_arithmetic3A_1176, %and3A_1178 : vector<512x128xi32>
    %eq3A_1180 = arith.constant 0 : i32
    %eq3A_1181 = vector.broadcast %eq3A_1180 : i32 to vector<512x128xi32>
    %eq3A_1182 = arith.cmpi eq, %and3A_1179, %eq3A_1181 : vector<512x128xi32>
    %and3A_1183 = arith.andi %eq3A_1173, %eq3A_1182 : vector<512x128xi1>
    %jit3A_1184 = arith.constant 0 : i32
    %broadcast_in_dim3A_1185 = vector.broadcast %jit3A_1184 : i32 to vector<512x128xi32>
    %select_n3A_1186 = arith.select %and3A_1183, %select_n3A_1146, %broadcast_in_dim3A_1185 : vector<512x128xi1>, vector<512x128xi32>
    %jit3A_1187 = arith.constant 1 : i32
    %broadcast_in_dim3A_1188 = vector.broadcast %jit3A_1187 : i32 to vector<512x128xi32>
    %select_n3A_1189 = arith.select %and3A_1167, %broadcast_in_dim3A_1188, %select_n3A_1186 : vector<512x128xi1>, vector<512x128xi32>
    %roll3A_1190 = arith.constant 480 : i32
    %roll3A_1191 = tpu.dynamic_rotate %select_n3A_1168 by %roll3A_1190 dim 0 : vector<512x128xi32>, i32 -> vector<512x128xi32>
    %roll3A_1192 = arith.constant 480 : i32
    %roll3A_1193 = tpu.dynamic_rotate %select_n3A_1169 by %roll3A_1192 dim 0 : vector<512x128xi32>, i32 -> vector<512x128xi32>
    %roll3A_1194 = arith.constant 480 : i32
    %roll3A_1195 = tpu.dynamic_rotate %select_n3A_1189 by %roll3A_1194 dim 0 : vector<512x128xi32>, i32 -> vector<512x128xi32>
    %roll3A_1196 = arith.constant 480 : i32
    %roll3A_1197 = tpu.dynamic_rotate %select_n3A_1170 by %roll3A_1196 dim 0 : vector<512x128xi32>, i32 -> vector<512x128xi32>
    %eq3A_1198 = arith.constant 1 : i32
    %eq3A_1199 = vector.broadcast %eq3A_1198 : i32 to vector<512x128xi32>
    %eq3A_1200 = arith.cmpi eq, %roll3A_1195, %eq3A_1199 : vector<512x128xi32>
    %shift_right_arithmetic3A_1201 = arith.constant 12 : i32
    %shift_right_arithmetic3A_1202 = vector.broadcast %shift_right_arithmetic3A_1201 : i32 to vector<512x128xi32>
    %shift_right_arithmetic3A_1203 = arith.shrsi %roll3A_1197, %shift_right_arithmetic3A_1202 : vector<512x128xi32>
    %and3A_1204 = arith.constant 1 : i32
    %and3A_1205 = vector.broadcast %and3A_1204 : i32 to vector<512x128xi32>
    %and3A_1206 = arith.andi %shift_right_arithmetic3A_1203, %and3A_1205 : vector<512x128xi32>
    %eq3A_1207 = arith.constant 1 : i32
    %eq3A_1208 = vector.broadcast %eq3A_1207 : i32 to vector<512x128xi32>
    %eq3A_1209 = arith.cmpi eq, %and3A_1206, %eq3A_1208 : vector<512x128xi32>
    %and3A_1210 = arith.andi %eq3A_1200, %eq3A_1209 : vector<512x128xi1>
    %select_n3A_1211 = arith.select %and3A_1210, %roll3A_1191, %select_n3A_1168 : vector<512x128xi1>, vector<512x128xi32>
    %select_n3A_1212 = arith.select %and3A_1210, %roll3A_1193, %select_n3A_1169 : vector<512x128xi1>, vector<512x128xi32>
    %select_n3A_1213 = arith.select %and3A_1210, %roll3A_1197, %select_n3A_1170 : vector<512x128xi1>, vector<512x128xi32>
    %eq3A_1214 = arith.constant 1 : i32
    %eq3A_1215 = vector.broadcast %eq3A_1214 : i32 to vector<512x128xi32>
    %eq3A_1216 = arith.cmpi eq, %select_n3A_1189, %eq3A_1215 : vector<512x128xi32>
    %shift_right_arithmetic3A_1217 = arith.constant 12 : i32
    %shift_right_arithmetic3A_1218 = vector.broadcast %shift_right_arithmetic3A_1217 : i32 to vector<512x128xi32>
    %shift_right_arithmetic3A_1219 = arith.shrsi %select_n3A_1170, %shift_right_arithmetic3A_1218 : vector<512x128xi32>
    %and3A_1220 = arith.constant 1 : i32
    %and3A_1221 = vector.broadcast %and3A_1220 : i32 to vector<512x128xi32>
    %and3A_1222 = arith.andi %shift_right_arithmetic3A_1219, %and3A_1221 : vector<512x128xi32>
    %eq3A_1223 = arith.constant 0 : i32
    %eq3A_1224 = vector.broadcast %eq3A_1223 : i32 to vector<512x128xi32>
    %eq3A_1225 = arith.cmpi eq, %and3A_1222, %eq3A_1224 : vector<512x128xi32>
    %and3A_1226 = arith.andi %eq3A_1216, %eq3A_1225 : vector<512x128xi1>
    %jit3A_1227 = arith.constant 0 : i32
    %broadcast_in_dim3A_1228 = vector.broadcast %jit3A_1227 : i32 to vector<512x128xi32>
    %select_n3A_1229 = arith.select %and3A_1226, %select_n3A_1189, %broadcast_in_dim3A_1228 : vector<512x128xi1>, vector<512x128xi32>
    %jit3A_1230 = arith.constant 1 : i32
    %broadcast_in_dim3A_1231 = vector.broadcast %jit3A_1230 : i32 to vector<512x128xi32>
    %select_n3A_1232 = arith.select %and3A_1210, %broadcast_in_dim3A_1231, %select_n3A_1229 : vector<512x128xi1>, vector<512x128xi32>
    %roll3A_1233 = arith.constant 448 : i32
    %roll3A_1234 = tpu.dynamic_rotate %select_n3A_1211 by %roll3A_1233 dim 0 : vector<512x128xi32>, i32 -> vector<512x128xi32>
    %roll3A_1235 = arith.constant 448 : i32
    %roll3A_1236 = tpu.dynamic_rotate %select_n3A_1212 by %roll3A_1235 dim 0 : vector<512x128xi32>, i32 -> vector<512x128xi32>
    %roll3A_1237 = arith.constant 448 : i32
    %roll3A_1238 = tpu.dynamic_rotate %select_n3A_1232 by %roll3A_1237 dim 0 : vector<512x128xi32>, i32 -> vector<512x128xi32>
    %roll3A_1239 = arith.constant 448 : i32
    %roll3A_1240 = tpu.dynamic_rotate %select_n3A_1213 by %roll3A_1239 dim 0 : vector<512x128xi32>, i32 -> vector<512x128xi32>
    %eq3A_1241 = arith.constant 1 : i32
    %eq3A_1242 = vector.broadcast %eq3A_1241 : i32 to vector<512x128xi32>
    %eq3A_1243 = arith.cmpi eq, %roll3A_1238, %eq3A_1242 : vector<512x128xi32>
    %shift_right_arithmetic3A_1244 = arith.constant 13 : i32
    %shift_right_arithmetic3A_1245 = vector.broadcast %shift_right_arithmetic3A_1244 : i32 to vector<512x128xi32>
    %shift_right_arithmetic3A_1246 = arith.shrsi %roll3A_1240, %shift_right_arithmetic3A_1245 : vector<512x128xi32>
    %and3A_1247 = arith.constant 1 : i32
    %and3A_1248 = vector.broadcast %and3A_1247 : i32 to vector<512x128xi32>
    %and3A_1249 = arith.andi %shift_right_arithmetic3A_1246, %and3A_1248 : vector<512x128xi32>
    %eq3A_1250 = arith.constant 1 : i32
    %eq3A_1251 = vector.broadcast %eq3A_1250 : i32 to vector<512x128xi32>
    %eq3A_1252 = arith.cmpi eq, %and3A_1249, %eq3A_1251 : vector<512x128xi32>
    %and3A_1253 = arith.andi %eq3A_1243, %eq3A_1252 : vector<512x128xi1>
    %select_n3A_1254 = arith.select %and3A_1253, %roll3A_1234, %select_n3A_1211 : vector<512x128xi1>, vector<512x128xi32>
    %select_n3A_1255 = arith.select %and3A_1253, %roll3A_1236, %select_n3A_1212 : vector<512x128xi1>, vector<512x128xi32>
    %select_n3A_1256 = arith.select %and3A_1253, %roll3A_1240, %select_n3A_1213 : vector<512x128xi1>, vector<512x128xi32>
    %eq3A_1257 = arith.constant 1 : i32
    %eq3A_1258 = vector.broadcast %eq3A_1257 : i32 to vector<512x128xi32>
    %eq3A_1259 = arith.cmpi eq, %select_n3A_1232, %eq3A_1258 : vector<512x128xi32>
    %shift_right_arithmetic3A_1260 = arith.constant 13 : i32
    %shift_right_arithmetic3A_1261 = vector.broadcast %shift_right_arithmetic3A_1260 : i32 to vector<512x128xi32>
    %shift_right_arithmetic3A_1262 = arith.shrsi %select_n3A_1213, %shift_right_arithmetic3A_1261 : vector<512x128xi32>
    %and3A_1263 = arith.constant 1 : i32
    %and3A_1264 = vector.broadcast %and3A_1263 : i32 to vector<512x128xi32>
    %and3A_1265 = arith.andi %shift_right_arithmetic3A_1262, %and3A_1264 : vector<512x128xi32>
    %eq3A_1266 = arith.constant 0 : i32
    %eq3A_1267 = vector.broadcast %eq3A_1266 : i32 to vector<512x128xi32>
    %eq3A_1268 = arith.cmpi eq, %and3A_1265, %eq3A_1267 : vector<512x128xi32>
    %and3A_1269 = arith.andi %eq3A_1259, %eq3A_1268 : vector<512x128xi1>
    %jit3A_1270 = arith.constant 0 : i32
    %broadcast_in_dim3A_1271 = vector.broadcast %jit3A_1270 : i32 to vector<512x128xi32>
    %select_n3A_1272 = arith.select %and3A_1269, %select_n3A_1232, %broadcast_in_dim3A_1271 : vector<512x128xi1>, vector<512x128xi32>
    %jit3A_1273 = arith.constant 1 : i32
    %broadcast_in_dim3A_1274 = vector.broadcast %jit3A_1273 : i32 to vector<512x128xi32>
    %select_n3A_1275 = arith.select %and3A_1253, %broadcast_in_dim3A_1274, %select_n3A_1272 : vector<512x128xi1>, vector<512x128xi32>
    %roll3A_1276 = arith.constant 384 : i32
    %roll3A_1277 = tpu.dynamic_rotate %select_n3A_1254 by %roll3A_1276 dim 0 : vector<512x128xi32>, i32 -> vector<512x128xi32>
    %roll3A_1278 = arith.constant 384 : i32
    %roll3A_1279 = tpu.dynamic_rotate %select_n3A_1255 by %roll3A_1278 dim 0 : vector<512x128xi32>, i32 -> vector<512x128xi32>
    %roll3A_1280 = arith.constant 384 : i32
    %roll3A_1281 = tpu.dynamic_rotate %select_n3A_1275 by %roll3A_1280 dim 0 : vector<512x128xi32>, i32 -> vector<512x128xi32>
    %roll3A_1282 = arith.constant 384 : i32
    %roll3A_1283 = tpu.dynamic_rotate %select_n3A_1256 by %roll3A_1282 dim 0 : vector<512x128xi32>, i32 -> vector<512x128xi32>
    %eq3A_1284 = arith.constant 1 : i32
    %eq3A_1285 = vector.broadcast %eq3A_1284 : i32 to vector<512x128xi32>
    %eq3A_1286 = arith.cmpi eq, %roll3A_1281, %eq3A_1285 : vector<512x128xi32>
    %shift_right_arithmetic3A_1287 = arith.constant 14 : i32
    %shift_right_arithmetic3A_1288 = vector.broadcast %shift_right_arithmetic3A_1287 : i32 to vector<512x128xi32>
    %shift_right_arithmetic3A_1289 = arith.shrsi %roll3A_1283, %shift_right_arithmetic3A_1288 : vector<512x128xi32>
    %and3A_1290 = arith.constant 1 : i32
    %and3A_1291 = vector.broadcast %and3A_1290 : i32 to vector<512x128xi32>
    %and3A_1292 = arith.andi %shift_right_arithmetic3A_1289, %and3A_1291 : vector<512x128xi32>
    %eq3A_1293 = arith.constant 1 : i32
    %eq3A_1294 = vector.broadcast %eq3A_1293 : i32 to vector<512x128xi32>
    %eq3A_1295 = arith.cmpi eq, %and3A_1292, %eq3A_1294 : vector<512x128xi32>
    %and3A_1296 = arith.andi %eq3A_1286, %eq3A_1295 : vector<512x128xi1>
    %select_n3A_1297 = arith.select %and3A_1296, %roll3A_1277, %select_n3A_1254 : vector<512x128xi1>, vector<512x128xi32>
    %select_n3A_1298 = arith.select %and3A_1296, %roll3A_1279, %select_n3A_1255 : vector<512x128xi1>, vector<512x128xi32>
    %select_n3A_1299 = arith.select %and3A_1296, %roll3A_1283, %select_n3A_1256 : vector<512x128xi1>, vector<512x128xi32>
    %eq3A_1300 = arith.constant 1 : i32
    %eq3A_1301 = vector.broadcast %eq3A_1300 : i32 to vector<512x128xi32>
    %eq3A_1302 = arith.cmpi eq, %select_n3A_1275, %eq3A_1301 : vector<512x128xi32>
    %shift_right_arithmetic3A_1303 = arith.constant 14 : i32
    %shift_right_arithmetic3A_1304 = vector.broadcast %shift_right_arithmetic3A_1303 : i32 to vector<512x128xi32>
    %shift_right_arithmetic3A_1305 = arith.shrsi %select_n3A_1256, %shift_right_arithmetic3A_1304 : vector<512x128xi32>
    %and3A_1306 = arith.constant 1 : i32
    %and3A_1307 = vector.broadcast %and3A_1306 : i32 to vector<512x128xi32>
    %and3A_1308 = arith.andi %shift_right_arithmetic3A_1305, %and3A_1307 : vector<512x128xi32>
    %eq3A_1309 = arith.constant 0 : i32
    %eq3A_1310 = vector.broadcast %eq3A_1309 : i32 to vector<512x128xi32>
    %eq3A_1311 = arith.cmpi eq, %and3A_1308, %eq3A_1310 : vector<512x128xi32>
    %and3A_1312 = arith.andi %eq3A_1302, %eq3A_1311 : vector<512x128xi1>
    %jit3A_1313 = arith.constant 0 : i32
    %broadcast_in_dim3A_1314 = vector.broadcast %jit3A_1313 : i32 to vector<512x128xi32>
    %select_n3A_1315 = arith.select %and3A_1312, %select_n3A_1275, %broadcast_in_dim3A_1314 : vector<512x128xi1>, vector<512x128xi32>
    %jit3A_1316 = arith.constant 1 : i32
    %broadcast_in_dim3A_1317 = vector.broadcast %jit3A_1316 : i32 to vector<512x128xi32>
    %select_n3A_1318 = arith.select %and3A_1296, %broadcast_in_dim3A_1317, %select_n3A_1315 : vector<512x128xi1>, vector<512x128xi32>
    %roll3A_1319 = arith.constant 256 : i32
    %roll3A_1320 = tpu.dynamic_rotate %select_n3A_1297 by %roll3A_1319 dim 0 : vector<512x128xi32>, i32 -> vector<512x128xi32>
    %roll3A_1321 = arith.constant 256 : i32
    %roll3A_1322 = tpu.dynamic_rotate %select_n3A_1298 by %roll3A_1321 dim 0 : vector<512x128xi32>, i32 -> vector<512x128xi32>
    %roll3A_1323 = arith.constant 256 : i32
    %roll3A_1324 = tpu.dynamic_rotate %select_n3A_1318 by %roll3A_1323 dim 0 : vector<512x128xi32>, i32 -> vector<512x128xi32>
    %roll3A_1325 = arith.constant 256 : i32
    %roll3A_1326 = tpu.dynamic_rotate %select_n3A_1299 by %roll3A_1325 dim 0 : vector<512x128xi32>, i32 -> vector<512x128xi32>
    %eq3A_1327 = arith.constant 1 : i32
    %eq3A_1328 = vector.broadcast %eq3A_1327 : i32 to vector<512x128xi32>
    %eq3A_1329 = arith.cmpi eq, %roll3A_1324, %eq3A_1328 : vector<512x128xi32>
    %shift_right_arithmetic3A_1330 = arith.constant 15 : i32
    %shift_right_arithmetic3A_1331 = vector.broadcast %shift_right_arithmetic3A_1330 : i32 to vector<512x128xi32>
    %shift_right_arithmetic3A_1332 = arith.shrsi %roll3A_1326, %shift_right_arithmetic3A_1331 : vector<512x128xi32>
    %and3A_1333 = arith.constant 1 : i32
    %and3A_1334 = vector.broadcast %and3A_1333 : i32 to vector<512x128xi32>
    %and3A_1335 = arith.andi %shift_right_arithmetic3A_1332, %and3A_1334 : vector<512x128xi32>
    %eq3A_1336 = arith.constant 1 : i32
    %eq3A_1337 = vector.broadcast %eq3A_1336 : i32 to vector<512x128xi32>
    %eq3A_1338 = arith.cmpi eq, %and3A_1335, %eq3A_1337 : vector<512x128xi32>
    %and3A_1339 = arith.andi %eq3A_1329, %eq3A_1338 : vector<512x128xi1>
    %select_n3A_1340 = arith.select %and3A_1339, %roll3A_1320, %select_n3A_1297 : vector<512x128xi1>, vector<512x128xi32>
    %select_n3A_1341 = arith.select %and3A_1339, %roll3A_1322, %select_n3A_1298 : vector<512x128xi1>, vector<512x128xi32>
    %slice3A = vector.extract_strided_slice %select_n3A_1340 {offsets = [0, 0], sizes = [64, 128], strides = [1, 1]} : vector<512x128xi32> to vector<64x128xi32>
    %slice3A_1342 = vector.extract_strided_slice %select_n3A_1341 {offsets = [0, 0], sizes = [64, 128], strides = [1, 1]} : vector<512x128xi32> to vector<64x128xi32>
    %iota3A_1343 = tpu.iota {dimensions = array<i32: 0>} : vector<64x128xi32>
    %iota3A_1344 = tpu.iota {dimensions = array<i32: 1>} : vector<64x128xi32>
    %and3A_1345 = arith.constant 2 : i32
    %and3A_1346 = vector.broadcast %and3A_1345 : i32 to vector<64x128xi32>
    %and3A_1347 = arith.andi %iota3A_1344, %and3A_1346 : vector<64x128xi32>
    %eq3A_1348 = arith.constant 0 : i32
    %eq3A_1349 = vector.broadcast %eq3A_1348 : i32 to vector<64x128xi32>
    %eq3A_1350 = arith.cmpi eq, %and3A_1347, %eq3A_1349 : vector<64x128xi32>
    %and3A_1351 = arith.constant 1 : i32
    %and3A_1352 = vector.broadcast %and3A_1351 : i32 to vector<64x128xi32>
    %and3A_1353 = arith.andi %iota3A_1344, %and3A_1352 : vector<64x128xi32>
    %eq3A_1354 = arith.constant 0 : i32
    %eq3A_1355 = vector.broadcast %eq3A_1354 : i32 to vector<64x128xi32>
    %eq3A_1356 = arith.cmpi eq, %and3A_1353, %eq3A_1355 : vector<64x128xi32>
    %roll3A_1357 = arith.constant 127 : i32
    %roll3A_1358 = tpu.dynamic_rotate %slice3A by %roll3A_1357 dim 1 : vector<64x128xi32>, i32 -> vector<64x128xi32>
    %roll3A_1359 = arith.constant 1 : i32
    %roll3A_1360 = tpu.dynamic_rotate %slice3A by %roll3A_1359 dim 1 : vector<64x128xi32>, i32 -> vector<64x128xi32>
    %iota3A_1361 = tpu.iota {dimensions = array<i32: 1>} : vector<64x128xi32>
    %and3A_1362 = arith.constant 1 : i32
    %and3A_1363 = vector.broadcast %and3A_1362 : i32 to vector<64x128xi32>
    %and3A_1364 = arith.andi %iota3A_1361, %and3A_1363 : vector<64x128xi32>
    %eq3A_1365 = arith.constant 0 : i32
    %eq3A_1366 = vector.broadcast %eq3A_1365 : i32 to vector<64x128xi32>
    %eq3A_1367 = arith.cmpi eq, %and3A_1364, %eq3A_1366 : vector<64x128xi32>
    %select_n3A_1368 = arith.select %eq3A_1367, %roll3A_1358, %roll3A_1360 : vector<64x128xi1>, vector<64x128xi32>
    %roll3A_1369 = arith.constant 127 : i32
    %roll3A_1370 = tpu.dynamic_rotate %slice3A_1342 by %roll3A_1369 dim 1 : vector<64x128xi32>, i32 -> vector<64x128xi32>
    %roll3A_1371 = arith.constant 1 : i32
    %roll3A_1372 = tpu.dynamic_rotate %slice3A_1342 by %roll3A_1371 dim 1 : vector<64x128xi32>, i32 -> vector<64x128xi32>
    %iota3A_1373 = tpu.iota {dimensions = array<i32: 1>} : vector<64x128xi32>
    %and3A_1374 = arith.constant 1 : i32
    %and3A_1375 = vector.broadcast %and3A_1374 : i32 to vector<64x128xi32>
    %and3A_1376 = arith.andi %iota3A_1373, %and3A_1375 : vector<64x128xi32>
    %eq3A_1377 = arith.constant 0 : i32
    %eq3A_1378 = vector.broadcast %eq3A_1377 : i32 to vector<64x128xi32>
    %eq3A_1379 = arith.cmpi eq, %and3A_1376, %eq3A_1378 : vector<64x128xi32>
    %select_n3A_1380 = arith.select %eq3A_1379, %roll3A_1370, %roll3A_1372 : vector<64x128xi1>, vector<64x128xi32>
    %eq3A_1381 = arith.xori %eq3A_1350, %eq3A_1356 : vector<64x128xi1>
    %eq3A_1382 = arith.constant dense<true> : vector<64x128xi1>
    %eq3A_1383 = arith.xori %eq3A_1381, %eq3A_1382 : vector<64x128xi1>
    %gt3A_1384 = arith.cmpi sgt, %slice3A, %select_n3A_1368 : vector<64x128xi32>
    %eq3A_1385 = arith.cmpi eq, %slice3A, %select_n3A_1368 : vector<64x128xi32>
    %lt3A_1386 = arith.cmpi slt, %slice3A_1342, %select_n3A_1380 : vector<64x128xi32>
    %and3A_1387 = arith.andi %eq3A_1385, %lt3A_1386 : vector<64x128xi1>
    %or3A_1388 = arith.ori %gt3A_1384, %and3A_1387 : vector<64x128xi1>
    %eq3A_1389 = arith.xori %eq3A_1383, %or3A_1388 : vector<64x128xi1>
    %eq3A_1390 = arith.constant dense<true> : vector<64x128xi1>
    %eq3A_1391 = arith.xori %eq3A_1389, %eq3A_1390 : vector<64x128xi1>
    %select_n3A_1392 = arith.select %eq3A_1391, %slice3A, %select_n3A_1368 : vector<64x128xi1>, vector<64x128xi32>
    %select_n3A_1393 = arith.select %eq3A_1391, %slice3A_1342, %select_n3A_1380 : vector<64x128xi1>, vector<64x128xi32>
    %and3A_1394 = arith.constant 4 : i32
    %and3A_1395 = vector.broadcast %and3A_1394 : i32 to vector<64x128xi32>
    %and3A_1396 = arith.andi %iota3A_1344, %and3A_1395 : vector<64x128xi32>
    %eq3A_1397 = arith.constant 0 : i32
    %eq3A_1398 = vector.broadcast %eq3A_1397 : i32 to vector<64x128xi32>
    %eq3A_1399 = arith.cmpi eq, %and3A_1396, %eq3A_1398 : vector<64x128xi32>
    %and3A_1400 = arith.constant 2 : i32
    %and3A_1401 = vector.broadcast %and3A_1400 : i32 to vector<64x128xi32>
    %and3A_1402 = arith.andi %iota3A_1344, %and3A_1401 : vector<64x128xi32>
    %eq3A_1403 = arith.constant 0 : i32
    %eq3A_1404 = vector.broadcast %eq3A_1403 : i32 to vector<64x128xi32>
    %eq3A_1405 = arith.cmpi eq, %and3A_1402, %eq3A_1404 : vector<64x128xi32>
    %roll3A_1406 = arith.constant 126 : i32
    %roll3A_1407 = tpu.dynamic_rotate %select_n3A_1392 by %roll3A_1406 dim 1 : vector<64x128xi32>, i32 -> vector<64x128xi32>
    %roll3A_1408 = arith.constant 2 : i32
    %roll3A_1409 = tpu.dynamic_rotate %select_n3A_1392 by %roll3A_1408 dim 1 : vector<64x128xi32>, i32 -> vector<64x128xi32>
    %iota3A_1410 = tpu.iota {dimensions = array<i32: 1>} : vector<64x128xi32>
    %and3A_1411 = arith.constant 2 : i32
    %and3A_1412 = vector.broadcast %and3A_1411 : i32 to vector<64x128xi32>
    %and3A_1413 = arith.andi %iota3A_1410, %and3A_1412 : vector<64x128xi32>
    %eq3A_1414 = arith.constant 0 : i32
    %eq3A_1415 = vector.broadcast %eq3A_1414 : i32 to vector<64x128xi32>
    %eq3A_1416 = arith.cmpi eq, %and3A_1413, %eq3A_1415 : vector<64x128xi32>
    %select_n3A_1417 = arith.select %eq3A_1416, %roll3A_1407, %roll3A_1409 : vector<64x128xi1>, vector<64x128xi32>
    %roll3A_1418 = arith.constant 126 : i32
    %roll3A_1419 = tpu.dynamic_rotate %select_n3A_1393 by %roll3A_1418 dim 1 : vector<64x128xi32>, i32 -> vector<64x128xi32>
    %roll3A_1420 = arith.constant 2 : i32
    %roll3A_1421 = tpu.dynamic_rotate %select_n3A_1393 by %roll3A_1420 dim 1 : vector<64x128xi32>, i32 -> vector<64x128xi32>
    %iota3A_1422 = tpu.iota {dimensions = array<i32: 1>} : vector<64x128xi32>
    %and3A_1423 = arith.constant 2 : i32
    %and3A_1424 = vector.broadcast %and3A_1423 : i32 to vector<64x128xi32>
    %and3A_1425 = arith.andi %iota3A_1422, %and3A_1424 : vector<64x128xi32>
    %eq3A_1426 = arith.constant 0 : i32
    %eq3A_1427 = vector.broadcast %eq3A_1426 : i32 to vector<64x128xi32>
    %eq3A_1428 = arith.cmpi eq, %and3A_1425, %eq3A_1427 : vector<64x128xi32>
    %select_n3A_1429 = arith.select %eq3A_1428, %roll3A_1419, %roll3A_1421 : vector<64x128xi1>, vector<64x128xi32>
    %eq3A_1430 = arith.xori %eq3A_1399, %eq3A_1405 : vector<64x128xi1>
    %eq3A_1431 = arith.constant dense<true> : vector<64x128xi1>
    %eq3A_1432 = arith.xori %eq3A_1430, %eq3A_1431 : vector<64x128xi1>
    %gt3A_1433 = arith.cmpi sgt, %select_n3A_1392, %select_n3A_1417 : vector<64x128xi32>
    %eq3A_1434 = arith.cmpi eq, %select_n3A_1392, %select_n3A_1417 : vector<64x128xi32>
    %lt3A_1435 = arith.cmpi slt, %select_n3A_1393, %select_n3A_1429 : vector<64x128xi32>
    %and3A_1436 = arith.andi %eq3A_1434, %lt3A_1435 : vector<64x128xi1>
    %or3A_1437 = arith.ori %gt3A_1433, %and3A_1436 : vector<64x128xi1>
    %eq3A_1438 = arith.xori %eq3A_1432, %or3A_1437 : vector<64x128xi1>
    %eq3A_1439 = arith.constant dense<true> : vector<64x128xi1>
    %eq3A_1440 = arith.xori %eq3A_1438, %eq3A_1439 : vector<64x128xi1>
    %select_n3A_1441 = arith.select %eq3A_1440, %select_n3A_1392, %select_n3A_1417 : vector<64x128xi1>, vector<64x128xi32>
    %select_n3A_1442 = arith.select %eq3A_1440, %select_n3A_1393, %select_n3A_1429 : vector<64x128xi1>, vector<64x128xi32>
    %and3A_1443 = arith.constant 1 : i32
    %and3A_1444 = vector.broadcast %and3A_1443 : i32 to vector<64x128xi32>
    %and3A_1445 = arith.andi %iota3A_1344, %and3A_1444 : vector<64x128xi32>
    %eq3A_1446 = arith.constant 0 : i32
    %eq3A_1447 = vector.broadcast %eq3A_1446 : i32 to vector<64x128xi32>
    %eq3A_1448 = arith.cmpi eq, %and3A_1445, %eq3A_1447 : vector<64x128xi32>
    %roll3A_1449 = arith.constant 127 : i32
    %roll3A_1450 = tpu.dynamic_rotate %select_n3A_1441 by %roll3A_1449 dim 1 : vector<64x128xi32>, i32 -> vector<64x128xi32>
    %roll3A_1451 = arith.constant 1 : i32
    %roll3A_1452 = tpu.dynamic_rotate %select_n3A_1441 by %roll3A_1451 dim 1 : vector<64x128xi32>, i32 -> vector<64x128xi32>
    %iota3A_1453 = tpu.iota {dimensions = array<i32: 1>} : vector<64x128xi32>
    %and3A_1454 = arith.constant 1 : i32
    %and3A_1455 = vector.broadcast %and3A_1454 : i32 to vector<64x128xi32>
    %and3A_1456 = arith.andi %iota3A_1453, %and3A_1455 : vector<64x128xi32>
    %eq3A_1457 = arith.constant 0 : i32
    %eq3A_1458 = vector.broadcast %eq3A_1457 : i32 to vector<64x128xi32>
    %eq3A_1459 = arith.cmpi eq, %and3A_1456, %eq3A_1458 : vector<64x128xi32>
    %select_n3A_1460 = arith.select %eq3A_1459, %roll3A_1450, %roll3A_1452 : vector<64x128xi1>, vector<64x128xi32>
    %roll3A_1461 = arith.constant 127 : i32
    %roll3A_1462 = tpu.dynamic_rotate %select_n3A_1442 by %roll3A_1461 dim 1 : vector<64x128xi32>, i32 -> vector<64x128xi32>
    %roll3A_1463 = arith.constant 1 : i32
    %roll3A_1464 = tpu.dynamic_rotate %select_n3A_1442 by %roll3A_1463 dim 1 : vector<64x128xi32>, i32 -> vector<64x128xi32>
    %iota3A_1465 = tpu.iota {dimensions = array<i32: 1>} : vector<64x128xi32>
    %and3A_1466 = arith.constant 1 : i32
    %and3A_1467 = vector.broadcast %and3A_1466 : i32 to vector<64x128xi32>
    %and3A_1468 = arith.andi %iota3A_1465, %and3A_1467 : vector<64x128xi32>
    %eq3A_1469 = arith.constant 0 : i32
    %eq3A_1470 = vector.broadcast %eq3A_1469 : i32 to vector<64x128xi32>
    %eq3A_1471 = arith.cmpi eq, %and3A_1468, %eq3A_1470 : vector<64x128xi32>
    %select_n3A_1472 = arith.select %eq3A_1471, %roll3A_1462, %roll3A_1464 : vector<64x128xi1>, vector<64x128xi32>
    %eq3A_1473 = arith.xori %eq3A_1399, %eq3A_1448 : vector<64x128xi1>
    %eq3A_1474 = arith.constant dense<true> : vector<64x128xi1>
    %eq3A_1475 = arith.xori %eq3A_1473, %eq3A_1474 : vector<64x128xi1>
    %gt3A_1476 = arith.cmpi sgt, %select_n3A_1441, %select_n3A_1460 : vector<64x128xi32>
    %eq3A_1477 = arith.cmpi eq, %select_n3A_1441, %select_n3A_1460 : vector<64x128xi32>
    %lt3A_1478 = arith.cmpi slt, %select_n3A_1442, %select_n3A_1472 : vector<64x128xi32>
    %and3A_1479 = arith.andi %eq3A_1477, %lt3A_1478 : vector<64x128xi1>
    %or3A_1480 = arith.ori %gt3A_1476, %and3A_1479 : vector<64x128xi1>
    %eq3A_1481 = arith.xori %eq3A_1475, %or3A_1480 : vector<64x128xi1>
    %eq3A_1482 = arith.constant dense<true> : vector<64x128xi1>
    %eq3A_1483 = arith.xori %eq3A_1481, %eq3A_1482 : vector<64x128xi1>
    %select_n3A_1484 = arith.select %eq3A_1483, %select_n3A_1441, %select_n3A_1460 : vector<64x128xi1>, vector<64x128xi32>
    %select_n3A_1485 = arith.select %eq3A_1483, %select_n3A_1442, %select_n3A_1472 : vector<64x128xi1>, vector<64x128xi32>
    %and3A_1486 = arith.constant 8 : i32
    %and3A_1487 = vector.broadcast %and3A_1486 : i32 to vector<64x128xi32>
    %and3A_1488 = arith.andi %iota3A_1344, %and3A_1487 : vector<64x128xi32>
    %eq3A_1489 = arith.constant 0 : i32
    %eq3A_1490 = vector.broadcast %eq3A_1489 : i32 to vector<64x128xi32>
    %eq3A_1491 = arith.cmpi eq, %and3A_1488, %eq3A_1490 : vector<64x128xi32>
    %and3A_1492 = arith.constant 4 : i32
    %and3A_1493 = vector.broadcast %and3A_1492 : i32 to vector<64x128xi32>
    %and3A_1494 = arith.andi %iota3A_1344, %and3A_1493 : vector<64x128xi32>
    %eq3A_1495 = arith.constant 0 : i32
    %eq3A_1496 = vector.broadcast %eq3A_1495 : i32 to vector<64x128xi32>
    %eq3A_1497 = arith.cmpi eq, %and3A_1494, %eq3A_1496 : vector<64x128xi32>
    %roll3A_1498 = arith.constant 124 : i32
    %roll3A_1499 = tpu.dynamic_rotate %select_n3A_1484 by %roll3A_1498 dim 1 : vector<64x128xi32>, i32 -> vector<64x128xi32>
    %roll3A_1500 = arith.constant 4 : i32
    %roll3A_1501 = tpu.dynamic_rotate %select_n3A_1484 by %roll3A_1500 dim 1 : vector<64x128xi32>, i32 -> vector<64x128xi32>
    %iota3A_1502 = tpu.iota {dimensions = array<i32: 1>} : vector<64x128xi32>
    %and3A_1503 = arith.constant 4 : i32
    %and3A_1504 = vector.broadcast %and3A_1503 : i32 to vector<64x128xi32>
    %and3A_1505 = arith.andi %iota3A_1502, %and3A_1504 : vector<64x128xi32>
    %eq3A_1506 = arith.constant 0 : i32
    %eq3A_1507 = vector.broadcast %eq3A_1506 : i32 to vector<64x128xi32>
    %eq3A_1508 = arith.cmpi eq, %and3A_1505, %eq3A_1507 : vector<64x128xi32>
    %select_n3A_1509 = arith.select %eq3A_1508, %roll3A_1499, %roll3A_1501 : vector<64x128xi1>, vector<64x128xi32>
    %roll3A_1510 = arith.constant 124 : i32
    %roll3A_1511 = tpu.dynamic_rotate %select_n3A_1485 by %roll3A_1510 dim 1 : vector<64x128xi32>, i32 -> vector<64x128xi32>
    %roll3A_1512 = arith.constant 4 : i32
    %roll3A_1513 = tpu.dynamic_rotate %select_n3A_1485 by %roll3A_1512 dim 1 : vector<64x128xi32>, i32 -> vector<64x128xi32>
    %iota3A_1514 = tpu.iota {dimensions = array<i32: 1>} : vector<64x128xi32>
    %and3A_1515 = arith.constant 4 : i32
    %and3A_1516 = vector.broadcast %and3A_1515 : i32 to vector<64x128xi32>
    %and3A_1517 = arith.andi %iota3A_1514, %and3A_1516 : vector<64x128xi32>
    %eq3A_1518 = arith.constant 0 : i32
    %eq3A_1519 = vector.broadcast %eq3A_1518 : i32 to vector<64x128xi32>
    %eq3A_1520 = arith.cmpi eq, %and3A_1517, %eq3A_1519 : vector<64x128xi32>
    %select_n3A_1521 = arith.select %eq3A_1520, %roll3A_1511, %roll3A_1513 : vector<64x128xi1>, vector<64x128xi32>
    %eq3A_1522 = arith.xori %eq3A_1491, %eq3A_1497 : vector<64x128xi1>
    %eq3A_1523 = arith.constant dense<true> : vector<64x128xi1>
    %eq3A_1524 = arith.xori %eq3A_1522, %eq3A_1523 : vector<64x128xi1>
    %gt3A_1525 = arith.cmpi sgt, %select_n3A_1484, %select_n3A_1509 : vector<64x128xi32>
    %eq3A_1526 = arith.cmpi eq, %select_n3A_1484, %select_n3A_1509 : vector<64x128xi32>
    %lt3A_1527 = arith.cmpi slt, %select_n3A_1485, %select_n3A_1521 : vector<64x128xi32>
    %and3A_1528 = arith.andi %eq3A_1526, %lt3A_1527 : vector<64x128xi1>
    %or3A_1529 = arith.ori %gt3A_1525, %and3A_1528 : vector<64x128xi1>
    %eq3A_1530 = arith.xori %eq3A_1524, %or3A_1529 : vector<64x128xi1>
    %eq3A_1531 = arith.constant dense<true> : vector<64x128xi1>
    %eq3A_1532 = arith.xori %eq3A_1530, %eq3A_1531 : vector<64x128xi1>
    %select_n3A_1533 = arith.select %eq3A_1532, %select_n3A_1484, %select_n3A_1509 : vector<64x128xi1>, vector<64x128xi32>
    %select_n3A_1534 = arith.select %eq3A_1532, %select_n3A_1485, %select_n3A_1521 : vector<64x128xi1>, vector<64x128xi32>
    %and3A_1535 = arith.constant 2 : i32
    %and3A_1536 = vector.broadcast %and3A_1535 : i32 to vector<64x128xi32>
    %and3A_1537 = arith.andi %iota3A_1344, %and3A_1536 : vector<64x128xi32>
    %eq3A_1538 = arith.constant 0 : i32
    %eq3A_1539 = vector.broadcast %eq3A_1538 : i32 to vector<64x128xi32>
    %eq3A_1540 = arith.cmpi eq, %and3A_1537, %eq3A_1539 : vector<64x128xi32>
    %roll3A_1541 = arith.constant 126 : i32
    %roll3A_1542 = tpu.dynamic_rotate %select_n3A_1533 by %roll3A_1541 dim 1 : vector<64x128xi32>, i32 -> vector<64x128xi32>
    %roll3A_1543 = arith.constant 2 : i32
    %roll3A_1544 = tpu.dynamic_rotate %select_n3A_1533 by %roll3A_1543 dim 1 : vector<64x128xi32>, i32 -> vector<64x128xi32>
    %iota3A_1545 = tpu.iota {dimensions = array<i32: 1>} : vector<64x128xi32>
    %and3A_1546 = arith.constant 2 : i32
    %and3A_1547 = vector.broadcast %and3A_1546 : i32 to vector<64x128xi32>
    %and3A_1548 = arith.andi %iota3A_1545, %and3A_1547 : vector<64x128xi32>
    %eq3A_1549 = arith.constant 0 : i32
    %eq3A_1550 = vector.broadcast %eq3A_1549 : i32 to vector<64x128xi32>
    %eq3A_1551 = arith.cmpi eq, %and3A_1548, %eq3A_1550 : vector<64x128xi32>
    %select_n3A_1552 = arith.select %eq3A_1551, %roll3A_1542, %roll3A_1544 : vector<64x128xi1>, vector<64x128xi32>
    %roll3A_1553 = arith.constant 126 : i32
    %roll3A_1554 = tpu.dynamic_rotate %select_n3A_1534 by %roll3A_1553 dim 1 : vector<64x128xi32>, i32 -> vector<64x128xi32>
    %roll3A_1555 = arith.constant 2 : i32
    %roll3A_1556 = tpu.dynamic_rotate %select_n3A_1534 by %roll3A_1555 dim 1 : vector<64x128xi32>, i32 -> vector<64x128xi32>
    %iota3A_1557 = tpu.iota {dimensions = array<i32: 1>} : vector<64x128xi32>
    %and3A_1558 = arith.constant 2 : i32
    %and3A_1559 = vector.broadcast %and3A_1558 : i32 to vector<64x128xi32>
    %and3A_1560 = arith.andi %iota3A_1557, %and3A_1559 : vector<64x128xi32>
    %eq3A_1561 = arith.constant 0 : i32
    %eq3A_1562 = vector.broadcast %eq3A_1561 : i32 to vector<64x128xi32>
    %eq3A_1563 = arith.cmpi eq, %and3A_1560, %eq3A_1562 : vector<64x128xi32>
    %select_n3A_1564 = arith.select %eq3A_1563, %roll3A_1554, %roll3A_1556 : vector<64x128xi1>, vector<64x128xi32>
    %eq3A_1565 = arith.xori %eq3A_1491, %eq3A_1540 : vector<64x128xi1>
    %eq3A_1566 = arith.constant dense<true> : vector<64x128xi1>
    %eq3A_1567 = arith.xori %eq3A_1565, %eq3A_1566 : vector<64x128xi1>
    %gt3A_1568 = arith.cmpi sgt, %select_n3A_1533, %select_n3A_1552 : vector<64x128xi32>
    %eq3A_1569 = arith.cmpi eq, %select_n3A_1533, %select_n3A_1552 : vector<64x128xi32>
    %lt3A_1570 = arith.cmpi slt, %select_n3A_1534, %select_n3A_1564 : vector<64x128xi32>
    %and3A_1571 = arith.andi %eq3A_1569, %lt3A_1570 : vector<64x128xi1>
    %or3A_1572 = arith.ori %gt3A_1568, %and3A_1571 : vector<64x128xi1>
    %eq3A_1573 = arith.xori %eq3A_1567, %or3A_1572 : vector<64x128xi1>
    %eq3A_1574 = arith.constant dense<true> : vector<64x128xi1>
    %eq3A_1575 = arith.xori %eq3A_1573, %eq3A_1574 : vector<64x128xi1>
    %select_n3A_1576 = arith.select %eq3A_1575, %select_n3A_1533, %select_n3A_1552 : vector<64x128xi1>, vector<64x128xi32>
    %select_n3A_1577 = arith.select %eq3A_1575, %select_n3A_1534, %select_n3A_1564 : vector<64x128xi1>, vector<64x128xi32>
    %and3A_1578 = arith.constant 1 : i32
    %and3A_1579 = vector.broadcast %and3A_1578 : i32 to vector<64x128xi32>
    %and3A_1580 = arith.andi %iota3A_1344, %and3A_1579 : vector<64x128xi32>
    %eq3A_1581 = arith.constant 0 : i32
    %eq3A_1582 = vector.broadcast %eq3A_1581 : i32 to vector<64x128xi32>
    %eq3A_1583 = arith.cmpi eq, %and3A_1580, %eq3A_1582 : vector<64x128xi32>
    %roll3A_1584 = arith.constant 127 : i32
    %roll3A_1585 = tpu.dynamic_rotate %select_n3A_1576 by %roll3A_1584 dim 1 : vector<64x128xi32>, i32 -> vector<64x128xi32>
    %roll3A_1586 = arith.constant 1 : i32
    %roll3A_1587 = tpu.dynamic_rotate %select_n3A_1576 by %roll3A_1586 dim 1 : vector<64x128xi32>, i32 -> vector<64x128xi32>
    %iota3A_1588 = tpu.iota {dimensions = array<i32: 1>} : vector<64x128xi32>
    %and3A_1589 = arith.constant 1 : i32
    %and3A_1590 = vector.broadcast %and3A_1589 : i32 to vector<64x128xi32>
    %and3A_1591 = arith.andi %iota3A_1588, %and3A_1590 : vector<64x128xi32>
    %eq3A_1592 = arith.constant 0 : i32
    %eq3A_1593 = vector.broadcast %eq3A_1592 : i32 to vector<64x128xi32>
    %eq3A_1594 = arith.cmpi eq, %and3A_1591, %eq3A_1593 : vector<64x128xi32>
    %select_n3A_1595 = arith.select %eq3A_1594, %roll3A_1585, %roll3A_1587 : vector<64x128xi1>, vector<64x128xi32>
    %roll3A_1596 = arith.constant 127 : i32
    %roll3A_1597 = tpu.dynamic_rotate %select_n3A_1577 by %roll3A_1596 dim 1 : vector<64x128xi32>, i32 -> vector<64x128xi32>
    %roll3A_1598 = arith.constant 1 : i32
    %roll3A_1599 = tpu.dynamic_rotate %select_n3A_1577 by %roll3A_1598 dim 1 : vector<64x128xi32>, i32 -> vector<64x128xi32>
    %iota3A_1600 = tpu.iota {dimensions = array<i32: 1>} : vector<64x128xi32>
    %and3A_1601 = arith.constant 1 : i32
    %and3A_1602 = vector.broadcast %and3A_1601 : i32 to vector<64x128xi32>
    %and3A_1603 = arith.andi %iota3A_1600, %and3A_1602 : vector<64x128xi32>
    %eq3A_1604 = arith.constant 0 : i32
    %eq3A_1605 = vector.broadcast %eq3A_1604 : i32 to vector<64x128xi32>
    %eq3A_1606 = arith.cmpi eq, %and3A_1603, %eq3A_1605 : vector<64x128xi32>
    %select_n3A_1607 = arith.select %eq3A_1606, %roll3A_1597, %roll3A_1599 : vector<64x128xi1>, vector<64x128xi32>
    %eq3A_1608 = arith.xori %eq3A_1491, %eq3A_1583 : vector<64x128xi1>
    %eq3A_1609 = arith.constant dense<true> : vector<64x128xi1>
    %eq3A_1610 = arith.xori %eq3A_1608, %eq3A_1609 : vector<64x128xi1>
    %gt3A_1611 = arith.cmpi sgt, %select_n3A_1576, %select_n3A_1595 : vector<64x128xi32>
    %eq3A_1612 = arith.cmpi eq, %select_n3A_1576, %select_n3A_1595 : vector<64x128xi32>
    %lt3A_1613 = arith.cmpi slt, %select_n3A_1577, %select_n3A_1607 : vector<64x128xi32>
    %and3A_1614 = arith.andi %eq3A_1612, %lt3A_1613 : vector<64x128xi1>
    %or3A_1615 = arith.ori %gt3A_1611, %and3A_1614 : vector<64x128xi1>
    %eq3A_1616 = arith.xori %eq3A_1610, %or3A_1615 : vector<64x128xi1>
    %eq3A_1617 = arith.constant dense<true> : vector<64x128xi1>
    %eq3A_1618 = arith.xori %eq3A_1616, %eq3A_1617 : vector<64x128xi1>
    %select_n3A_1619 = arith.select %eq3A_1618, %select_n3A_1576, %select_n3A_1595 : vector<64x128xi1>, vector<64x128xi32>
    %select_n3A_1620 = arith.select %eq3A_1618, %select_n3A_1577, %select_n3A_1607 : vector<64x128xi1>, vector<64x128xi32>
    %and3A_1621 = arith.constant 16 : i32
    %and3A_1622 = vector.broadcast %and3A_1621 : i32 to vector<64x128xi32>
    %and3A_1623 = arith.andi %iota3A_1344, %and3A_1622 : vector<64x128xi32>
    %eq3A_1624 = arith.constant 0 : i32
    %eq3A_1625 = vector.broadcast %eq3A_1624 : i32 to vector<64x128xi32>
    %eq3A_1626 = arith.cmpi eq, %and3A_1623, %eq3A_1625 : vector<64x128xi32>
    %and3A_1627 = arith.constant 8 : i32
    %and3A_1628 = vector.broadcast %and3A_1627 : i32 to vector<64x128xi32>
    %and3A_1629 = arith.andi %iota3A_1344, %and3A_1628 : vector<64x128xi32>
    %eq3A_1630 = arith.constant 0 : i32
    %eq3A_1631 = vector.broadcast %eq3A_1630 : i32 to vector<64x128xi32>
    %eq3A_1632 = arith.cmpi eq, %and3A_1629, %eq3A_1631 : vector<64x128xi32>
    %roll3A_1633 = arith.constant 120 : i32
    %roll3A_1634 = tpu.dynamic_rotate %select_n3A_1619 by %roll3A_1633 dim 1 : vector<64x128xi32>, i32 -> vector<64x128xi32>
    %roll3A_1635 = arith.constant 8 : i32
    %roll3A_1636 = tpu.dynamic_rotate %select_n3A_1619 by %roll3A_1635 dim 1 : vector<64x128xi32>, i32 -> vector<64x128xi32>
    %iota3A_1637 = tpu.iota {dimensions = array<i32: 1>} : vector<64x128xi32>
    %and3A_1638 = arith.constant 8 : i32
    %and3A_1639 = vector.broadcast %and3A_1638 : i32 to vector<64x128xi32>
    %and3A_1640 = arith.andi %iota3A_1637, %and3A_1639 : vector<64x128xi32>
    %eq3A_1641 = arith.constant 0 : i32
    %eq3A_1642 = vector.broadcast %eq3A_1641 : i32 to vector<64x128xi32>
    %eq3A_1643 = arith.cmpi eq, %and3A_1640, %eq3A_1642 : vector<64x128xi32>
    %select_n3A_1644 = arith.select %eq3A_1643, %roll3A_1634, %roll3A_1636 : vector<64x128xi1>, vector<64x128xi32>
    %roll3A_1645 = arith.constant 120 : i32
    %roll3A_1646 = tpu.dynamic_rotate %select_n3A_1620 by %roll3A_1645 dim 1 : vector<64x128xi32>, i32 -> vector<64x128xi32>
    %roll3A_1647 = arith.constant 8 : i32
    %roll3A_1648 = tpu.dynamic_rotate %select_n3A_1620 by %roll3A_1647 dim 1 : vector<64x128xi32>, i32 -> vector<64x128xi32>
    %iota3A_1649 = tpu.iota {dimensions = array<i32: 1>} : vector<64x128xi32>
    %and3A_1650 = arith.constant 8 : i32
    %and3A_1651 = vector.broadcast %and3A_1650 : i32 to vector<64x128xi32>
    %and3A_1652 = arith.andi %iota3A_1649, %and3A_1651 : vector<64x128xi32>
    %eq3A_1653 = arith.constant 0 : i32
    %eq3A_1654 = vector.broadcast %eq3A_1653 : i32 to vector<64x128xi32>
    %eq3A_1655 = arith.cmpi eq, %and3A_1652, %eq3A_1654 : vector<64x128xi32>
    %select_n3A_1656 = arith.select %eq3A_1655, %roll3A_1646, %roll3A_1648 : vector<64x128xi1>, vector<64x128xi32>
    %eq3A_1657 = arith.xori %eq3A_1626, %eq3A_1632 : vector<64x128xi1>
    %eq3A_1658 = arith.constant dense<true> : vector<64x128xi1>
    %eq3A_1659 = arith.xori %eq3A_1657, %eq3A_1658 : vector<64x128xi1>
    %gt3A_1660 = arith.cmpi sgt, %select_n3A_1619, %select_n3A_1644 : vector<64x128xi32>
    %eq3A_1661 = arith.cmpi eq, %select_n3A_1619, %select_n3A_1644 : vector<64x128xi32>
    %lt3A_1662 = arith.cmpi slt, %select_n3A_1620, %select_n3A_1656 : vector<64x128xi32>
    %and3A_1663 = arith.andi %eq3A_1661, %lt3A_1662 : vector<64x128xi1>
    %or3A_1664 = arith.ori %gt3A_1660, %and3A_1663 : vector<64x128xi1>
    %eq3A_1665 = arith.xori %eq3A_1659, %or3A_1664 : vector<64x128xi1>
    %eq3A_1666 = arith.constant dense<true> : vector<64x128xi1>
    %eq3A_1667 = arith.xori %eq3A_1665, %eq3A_1666 : vector<64x128xi1>
    %select_n3A_1668 = arith.select %eq3A_1667, %select_n3A_1619, %select_n3A_1644 : vector<64x128xi1>, vector<64x128xi32>
    %select_n3A_1669 = arith.select %eq3A_1667, %select_n3A_1620, %select_n3A_1656 : vector<64x128xi1>, vector<64x128xi32>
    %and3A_1670 = arith.constant 4 : i32
    %and3A_1671 = vector.broadcast %and3A_1670 : i32 to vector<64x128xi32>
    %and3A_1672 = arith.andi %iota3A_1344, %and3A_1671 : vector<64x128xi32>
    %eq3A_1673 = arith.constant 0 : i32
    %eq3A_1674 = vector.broadcast %eq3A_1673 : i32 to vector<64x128xi32>
    %eq3A_1675 = arith.cmpi eq, %and3A_1672, %eq3A_1674 : vector<64x128xi32>
    %roll3A_1676 = arith.constant 124 : i32
    %roll3A_1677 = tpu.dynamic_rotate %select_n3A_1668 by %roll3A_1676 dim 1 : vector<64x128xi32>, i32 -> vector<64x128xi32>
    %roll3A_1678 = arith.constant 4 : i32
    %roll3A_1679 = tpu.dynamic_rotate %select_n3A_1668 by %roll3A_1678 dim 1 : vector<64x128xi32>, i32 -> vector<64x128xi32>
    %iota3A_1680 = tpu.iota {dimensions = array<i32: 1>} : vector<64x128xi32>
    %and3A_1681 = arith.constant 4 : i32
    %and3A_1682 = vector.broadcast %and3A_1681 : i32 to vector<64x128xi32>
    %and3A_1683 = arith.andi %iota3A_1680, %and3A_1682 : vector<64x128xi32>
    %eq3A_1684 = arith.constant 0 : i32
    %eq3A_1685 = vector.broadcast %eq3A_1684 : i32 to vector<64x128xi32>
    %eq3A_1686 = arith.cmpi eq, %and3A_1683, %eq3A_1685 : vector<64x128xi32>
    %select_n3A_1687 = arith.select %eq3A_1686, %roll3A_1677, %roll3A_1679 : vector<64x128xi1>, vector<64x128xi32>
    %roll3A_1688 = arith.constant 124 : i32
    %roll3A_1689 = tpu.dynamic_rotate %select_n3A_1669 by %roll3A_1688 dim 1 : vector<64x128xi32>, i32 -> vector<64x128xi32>
    %roll3A_1690 = arith.constant 4 : i32
    %roll3A_1691 = tpu.dynamic_rotate %select_n3A_1669 by %roll3A_1690 dim 1 : vector<64x128xi32>, i32 -> vector<64x128xi32>
    %iota3A_1692 = tpu.iota {dimensions = array<i32: 1>} : vector<64x128xi32>
    %and3A_1693 = arith.constant 4 : i32
    %and3A_1694 = vector.broadcast %and3A_1693 : i32 to vector<64x128xi32>
    %and3A_1695 = arith.andi %iota3A_1692, %and3A_1694 : vector<64x128xi32>
    %eq3A_1696 = arith.constant 0 : i32
    %eq3A_1697 = vector.broadcast %eq3A_1696 : i32 to vector<64x128xi32>
    %eq3A_1698 = arith.cmpi eq, %and3A_1695, %eq3A_1697 : vector<64x128xi32>
    %select_n3A_1699 = arith.select %eq3A_1698, %roll3A_1689, %roll3A_1691 : vector<64x128xi1>, vector<64x128xi32>
    %eq3A_1700 = arith.xori %eq3A_1626, %eq3A_1675 : vector<64x128xi1>
    %eq3A_1701 = arith.constant dense<true> : vector<64x128xi1>
    %eq3A_1702 = arith.xori %eq3A_1700, %eq3A_1701 : vector<64x128xi1>
    %gt3A_1703 = arith.cmpi sgt, %select_n3A_1668, %select_n3A_1687 : vector<64x128xi32>
    %eq3A_1704 = arith.cmpi eq, %select_n3A_1668, %select_n3A_1687 : vector<64x128xi32>
    %lt3A_1705 = arith.cmpi slt, %select_n3A_1669, %select_n3A_1699 : vector<64x128xi32>
    %and3A_1706 = arith.andi %eq3A_1704, %lt3A_1705 : vector<64x128xi1>
    %or3A_1707 = arith.ori %gt3A_1703, %and3A_1706 : vector<64x128xi1>
    %eq3A_1708 = arith.xori %eq3A_1702, %or3A_1707 : vector<64x128xi1>
    %eq3A_1709 = arith.constant dense<true> : vector<64x128xi1>
    %eq3A_1710 = arith.xori %eq3A_1708, %eq3A_1709 : vector<64x128xi1>
    %select_n3A_1711 = arith.select %eq3A_1710, %select_n3A_1668, %select_n3A_1687 : vector<64x128xi1>, vector<64x128xi32>
    %select_n3A_1712 = arith.select %eq3A_1710, %select_n3A_1669, %select_n3A_1699 : vector<64x128xi1>, vector<64x128xi32>
    %and3A_1713 = arith.constant 2 : i32
    %and3A_1714 = vector.broadcast %and3A_1713 : i32 to vector<64x128xi32>
    %and3A_1715 = arith.andi %iota3A_1344, %and3A_1714 : vector<64x128xi32>
    %eq3A_1716 = arith.constant 0 : i32
    %eq3A_1717 = vector.broadcast %eq3A_1716 : i32 to vector<64x128xi32>
    %eq3A_1718 = arith.cmpi eq, %and3A_1715, %eq3A_1717 : vector<64x128xi32>
    %roll3A_1719 = arith.constant 126 : i32
    %roll3A_1720 = tpu.dynamic_rotate %select_n3A_1711 by %roll3A_1719 dim 1 : vector<64x128xi32>, i32 -> vector<64x128xi32>
    %roll3A_1721 = arith.constant 2 : i32
    %roll3A_1722 = tpu.dynamic_rotate %select_n3A_1711 by %roll3A_1721 dim 1 : vector<64x128xi32>, i32 -> vector<64x128xi32>
    %iota3A_1723 = tpu.iota {dimensions = array<i32: 1>} : vector<64x128xi32>
    %and3A_1724 = arith.constant 2 : i32
    %and3A_1725 = vector.broadcast %and3A_1724 : i32 to vector<64x128xi32>
    %and3A_1726 = arith.andi %iota3A_1723, %and3A_1725 : vector<64x128xi32>
    %eq3A_1727 = arith.constant 0 : i32
    %eq3A_1728 = vector.broadcast %eq3A_1727 : i32 to vector<64x128xi32>
    %eq3A_1729 = arith.cmpi eq, %and3A_1726, %eq3A_1728 : vector<64x128xi32>
    %select_n3A_1730 = arith.select %eq3A_1729, %roll3A_1720, %roll3A_1722 : vector<64x128xi1>, vector<64x128xi32>
    %roll3A_1731 = arith.constant 126 : i32
    %roll3A_1732 = tpu.dynamic_rotate %select_n3A_1712 by %roll3A_1731 dim 1 : vector<64x128xi32>, i32 -> vector<64x128xi32>
    %roll3A_1733 = arith.constant 2 : i32
    %roll3A_1734 = tpu.dynamic_rotate %select_n3A_1712 by %roll3A_1733 dim 1 : vector<64x128xi32>, i32 -> vector<64x128xi32>
    %iota3A_1735 = tpu.iota {dimensions = array<i32: 1>} : vector<64x128xi32>
    %and3A_1736 = arith.constant 2 : i32
    %and3A_1737 = vector.broadcast %and3A_1736 : i32 to vector<64x128xi32>
    %and3A_1738 = arith.andi %iota3A_1735, %and3A_1737 : vector<64x128xi32>
    %eq3A_1739 = arith.constant 0 : i32
    %eq3A_1740 = vector.broadcast %eq3A_1739 : i32 to vector<64x128xi32>
    %eq3A_1741 = arith.cmpi eq, %and3A_1738, %eq3A_1740 : vector<64x128xi32>
    %select_n3A_1742 = arith.select %eq3A_1741, %roll3A_1732, %roll3A_1734 : vector<64x128xi1>, vector<64x128xi32>
    %eq3A_1743 = arith.xori %eq3A_1626, %eq3A_1718 : vector<64x128xi1>
    %eq3A_1744 = arith.constant dense<true> : vector<64x128xi1>
    %eq3A_1745 = arith.xori %eq3A_1743, %eq3A_1744 : vector<64x128xi1>
    %gt3A_1746 = arith.cmpi sgt, %select_n3A_1711, %select_n3A_1730 : vector<64x128xi32>
    %eq3A_1747 = arith.cmpi eq, %select_n3A_1711, %select_n3A_1730 : vector<64x128xi32>
    %lt3A_1748 = arith.cmpi slt, %select_n3A_1712, %select_n3A_1742 : vector<64x128xi32>
    %and3A_1749 = arith.andi %eq3A_1747, %lt3A_1748 : vector<64x128xi1>
    %or3A_1750 = arith.ori %gt3A_1746, %and3A_1749 : vector<64x128xi1>
    %eq3A_1751 = arith.xori %eq3A_1745, %or3A_1750 : vector<64x128xi1>
    %eq3A_1752 = arith.constant dense<true> : vector<64x128xi1>
    %eq3A_1753 = arith.xori %eq3A_1751, %eq3A_1752 : vector<64x128xi1>
    %select_n3A_1754 = arith.select %eq3A_1753, %select_n3A_1711, %select_n3A_1730 : vector<64x128xi1>, vector<64x128xi32>
    %select_n3A_1755 = arith.select %eq3A_1753, %select_n3A_1712, %select_n3A_1742 : vector<64x128xi1>, vector<64x128xi32>
    %and3A_1756 = arith.constant 1 : i32
    %and3A_1757 = vector.broadcast %and3A_1756 : i32 to vector<64x128xi32>
    %and3A_1758 = arith.andi %iota3A_1344, %and3A_1757 : vector<64x128xi32>
    %eq3A_1759 = arith.constant 0 : i32
    %eq3A_1760 = vector.broadcast %eq3A_1759 : i32 to vector<64x128xi32>
    %eq3A_1761 = arith.cmpi eq, %and3A_1758, %eq3A_1760 : vector<64x128xi32>
    %roll3A_1762 = arith.constant 127 : i32
    %roll3A_1763 = tpu.dynamic_rotate %select_n3A_1754 by %roll3A_1762 dim 1 : vector<64x128xi32>, i32 -> vector<64x128xi32>
    %roll3A_1764 = arith.constant 1 : i32
    %roll3A_1765 = tpu.dynamic_rotate %select_n3A_1754 by %roll3A_1764 dim 1 : vector<64x128xi32>, i32 -> vector<64x128xi32>
    %iota3A_1766 = tpu.iota {dimensions = array<i32: 1>} : vector<64x128xi32>
    %and3A_1767 = arith.constant 1 : i32
    %and3A_1768 = vector.broadcast %and3A_1767 : i32 to vector<64x128xi32>
    %and3A_1769 = arith.andi %iota3A_1766, %and3A_1768 : vector<64x128xi32>
    %eq3A_1770 = arith.constant 0 : i32
    %eq3A_1771 = vector.broadcast %eq3A_1770 : i32 to vector<64x128xi32>
    %eq3A_1772 = arith.cmpi eq, %and3A_1769, %eq3A_1771 : vector<64x128xi32>
    %select_n3A_1773 = arith.select %eq3A_1772, %roll3A_1763, %roll3A_1765 : vector<64x128xi1>, vector<64x128xi32>
    %roll3A_1774 = arith.constant 127 : i32
    %roll3A_1775 = tpu.dynamic_rotate %select_n3A_1755 by %roll3A_1774 dim 1 : vector<64x128xi32>, i32 -> vector<64x128xi32>
    %roll3A_1776 = arith.constant 1 : i32
    %roll3A_1777 = tpu.dynamic_rotate %select_n3A_1755 by %roll3A_1776 dim 1 : vector<64x128xi32>, i32 -> vector<64x128xi32>
    %iota3A_1778 = tpu.iota {dimensions = array<i32: 1>} : vector<64x128xi32>
    %and3A_1779 = arith.constant 1 : i32
    %and3A_1780 = vector.broadcast %and3A_1779 : i32 to vector<64x128xi32>
    %and3A_1781 = arith.andi %iota3A_1778, %and3A_1780 : vector<64x128xi32>
    %eq3A_1782 = arith.constant 0 : i32
    %eq3A_1783 = vector.broadcast %eq3A_1782 : i32 to vector<64x128xi32>
    %eq3A_1784 = arith.cmpi eq, %and3A_1781, %eq3A_1783 : vector<64x128xi32>
    %select_n3A_1785 = arith.select %eq3A_1784, %roll3A_1775, %roll3A_1777 : vector<64x128xi1>, vector<64x128xi32>
    %eq3A_1786 = arith.xori %eq3A_1626, %eq3A_1761 : vector<64x128xi1>
    %eq3A_1787 = arith.constant dense<true> : vector<64x128xi1>
    %eq3A_1788 = arith.xori %eq3A_1786, %eq3A_1787 : vector<64x128xi1>
    %gt3A_1789 = arith.cmpi sgt, %select_n3A_1754, %select_n3A_1773 : vector<64x128xi32>
    %eq3A_1790 = arith.cmpi eq, %select_n3A_1754, %select_n3A_1773 : vector<64x128xi32>
    %lt3A_1791 = arith.cmpi slt, %select_n3A_1755, %select_n3A_1785 : vector<64x128xi32>
    %and3A_1792 = arith.andi %eq3A_1790, %lt3A_1791 : vector<64x128xi1>
    %or3A_1793 = arith.ori %gt3A_1789, %and3A_1792 : vector<64x128xi1>
    %eq3A_1794 = arith.xori %eq3A_1788, %or3A_1793 : vector<64x128xi1>
    %eq3A_1795 = arith.constant dense<true> : vector<64x128xi1>
    %eq3A_1796 = arith.xori %eq3A_1794, %eq3A_1795 : vector<64x128xi1>
    %select_n3A_1797 = arith.select %eq3A_1796, %select_n3A_1754, %select_n3A_1773 : vector<64x128xi1>, vector<64x128xi32>
    %select_n3A_1798 = arith.select %eq3A_1796, %select_n3A_1755, %select_n3A_1785 : vector<64x128xi1>, vector<64x128xi32>
    %and3A_1799 = arith.constant 32 : i32
    %and3A_1800 = vector.broadcast %and3A_1799 : i32 to vector<64x128xi32>
    %and3A_1801 = arith.andi %iota3A_1344, %and3A_1800 : vector<64x128xi32>
    %eq3A_1802 = arith.constant 0 : i32
    %eq3A_1803 = vector.broadcast %eq3A_1802 : i32 to vector<64x128xi32>
    %eq3A_1804 = arith.cmpi eq, %and3A_1801, %eq3A_1803 : vector<64x128xi32>
    %and3A_1805 = arith.constant 16 : i32
    %and3A_1806 = vector.broadcast %and3A_1805 : i32 to vector<64x128xi32>
    %and3A_1807 = arith.andi %iota3A_1344, %and3A_1806 : vector<64x128xi32>
    %eq3A_1808 = arith.constant 0 : i32
    %eq3A_1809 = vector.broadcast %eq3A_1808 : i32 to vector<64x128xi32>
    %eq3A_1810 = arith.cmpi eq, %and3A_1807, %eq3A_1809 : vector<64x128xi32>
    %roll3A_1811 = arith.constant 112 : i32
    %roll3A_1812 = tpu.dynamic_rotate %select_n3A_1797 by %roll3A_1811 dim 1 : vector<64x128xi32>, i32 -> vector<64x128xi32>
    %roll3A_1813 = arith.constant 16 : i32
    %roll3A_1814 = tpu.dynamic_rotate %select_n3A_1797 by %roll3A_1813 dim 1 : vector<64x128xi32>, i32 -> vector<64x128xi32>
    %iota3A_1815 = tpu.iota {dimensions = array<i32: 1>} : vector<64x128xi32>
    %and3A_1816 = arith.constant 16 : i32
    %and3A_1817 = vector.broadcast %and3A_1816 : i32 to vector<64x128xi32>
    %and3A_1818 = arith.andi %iota3A_1815, %and3A_1817 : vector<64x128xi32>
    %eq3A_1819 = arith.constant 0 : i32
    %eq3A_1820 = vector.broadcast %eq3A_1819 : i32 to vector<64x128xi32>
    %eq3A_1821 = arith.cmpi eq, %and3A_1818, %eq3A_1820 : vector<64x128xi32>
    %select_n3A_1822 = arith.select %eq3A_1821, %roll3A_1812, %roll3A_1814 : vector<64x128xi1>, vector<64x128xi32>
    %roll3A_1823 = arith.constant 112 : i32
    %roll3A_1824 = tpu.dynamic_rotate %select_n3A_1798 by %roll3A_1823 dim 1 : vector<64x128xi32>, i32 -> vector<64x128xi32>
    %roll3A_1825 = arith.constant 16 : i32
    %roll3A_1826 = tpu.dynamic_rotate %select_n3A_1798 by %roll3A_1825 dim 1 : vector<64x128xi32>, i32 -> vector<64x128xi32>
    %iota3A_1827 = tpu.iota {dimensions = array<i32: 1>} : vector<64x128xi32>
    %and3A_1828 = arith.constant 16 : i32
    %and3A_1829 = vector.broadcast %and3A_1828 : i32 to vector<64x128xi32>
    %and3A_1830 = arith.andi %iota3A_1827, %and3A_1829 : vector<64x128xi32>
    %eq3A_1831 = arith.constant 0 : i32
    %eq3A_1832 = vector.broadcast %eq3A_1831 : i32 to vector<64x128xi32>
    %eq3A_1833 = arith.cmpi eq, %and3A_1830, %eq3A_1832 : vector<64x128xi32>
    %select_n3A_1834 = arith.select %eq3A_1833, %roll3A_1824, %roll3A_1826 : vector<64x128xi1>, vector<64x128xi32>
    %eq3A_1835 = arith.xori %eq3A_1804, %eq3A_1810 : vector<64x128xi1>
    %eq3A_1836 = arith.constant dense<true> : vector<64x128xi1>
    %eq3A_1837 = arith.xori %eq3A_1835, %eq3A_1836 : vector<64x128xi1>
    %gt3A_1838 = arith.cmpi sgt, %select_n3A_1797, %select_n3A_1822 : vector<64x128xi32>
    %eq3A_1839 = arith.cmpi eq, %select_n3A_1797, %select_n3A_1822 : vector<64x128xi32>
    %lt3A_1840 = arith.cmpi slt, %select_n3A_1798, %select_n3A_1834 : vector<64x128xi32>
    %and3A_1841 = arith.andi %eq3A_1839, %lt3A_1840 : vector<64x128xi1>
    %or3A_1842 = arith.ori %gt3A_1838, %and3A_1841 : vector<64x128xi1>
    %eq3A_1843 = arith.xori %eq3A_1837, %or3A_1842 : vector<64x128xi1>
    %eq3A_1844 = arith.constant dense<true> : vector<64x128xi1>
    %eq3A_1845 = arith.xori %eq3A_1843, %eq3A_1844 : vector<64x128xi1>
    %select_n3A_1846 = arith.select %eq3A_1845, %select_n3A_1797, %select_n3A_1822 : vector<64x128xi1>, vector<64x128xi32>
    %select_n3A_1847 = arith.select %eq3A_1845, %select_n3A_1798, %select_n3A_1834 : vector<64x128xi1>, vector<64x128xi32>
    %and3A_1848 = arith.constant 8 : i32
    %and3A_1849 = vector.broadcast %and3A_1848 : i32 to vector<64x128xi32>
    %and3A_1850 = arith.andi %iota3A_1344, %and3A_1849 : vector<64x128xi32>
    %eq3A_1851 = arith.constant 0 : i32
    %eq3A_1852 = vector.broadcast %eq3A_1851 : i32 to vector<64x128xi32>
    %eq3A_1853 = arith.cmpi eq, %and3A_1850, %eq3A_1852 : vector<64x128xi32>
    %roll3A_1854 = arith.constant 120 : i32
    %roll3A_1855 = tpu.dynamic_rotate %select_n3A_1846 by %roll3A_1854 dim 1 : vector<64x128xi32>, i32 -> vector<64x128xi32>
    %roll3A_1856 = arith.constant 8 : i32
    %roll3A_1857 = tpu.dynamic_rotate %select_n3A_1846 by %roll3A_1856 dim 1 : vector<64x128xi32>, i32 -> vector<64x128xi32>
    %iota3A_1858 = tpu.iota {dimensions = array<i32: 1>} : vector<64x128xi32>
    %and3A_1859 = arith.constant 8 : i32
    %and3A_1860 = vector.broadcast %and3A_1859 : i32 to vector<64x128xi32>
    %and3A_1861 = arith.andi %iota3A_1858, %and3A_1860 : vector<64x128xi32>
    %eq3A_1862 = arith.constant 0 : i32
    %eq3A_1863 = vector.broadcast %eq3A_1862 : i32 to vector<64x128xi32>
    %eq3A_1864 = arith.cmpi eq, %and3A_1861, %eq3A_1863 : vector<64x128xi32>
    %select_n3A_1865 = arith.select %eq3A_1864, %roll3A_1855, %roll3A_1857 : vector<64x128xi1>, vector<64x128xi32>
    %roll3A_1866 = arith.constant 120 : i32
    %roll3A_1867 = tpu.dynamic_rotate %select_n3A_1847 by %roll3A_1866 dim 1 : vector<64x128xi32>, i32 -> vector<64x128xi32>
    %roll3A_1868 = arith.constant 8 : i32
    %roll3A_1869 = tpu.dynamic_rotate %select_n3A_1847 by %roll3A_1868 dim 1 : vector<64x128xi32>, i32 -> vector<64x128xi32>
    %iota3A_1870 = tpu.iota {dimensions = array<i32: 1>} : vector<64x128xi32>
    %and3A_1871 = arith.constant 8 : i32
    %and3A_1872 = vector.broadcast %and3A_1871 : i32 to vector<64x128xi32>
    %and3A_1873 = arith.andi %iota3A_1870, %and3A_1872 : vector<64x128xi32>
    %eq3A_1874 = arith.constant 0 : i32
    %eq3A_1875 = vector.broadcast %eq3A_1874 : i32 to vector<64x128xi32>
    %eq3A_1876 = arith.cmpi eq, %and3A_1873, %eq3A_1875 : vector<64x128xi32>
    %select_n3A_1877 = arith.select %eq3A_1876, %roll3A_1867, %roll3A_1869 : vector<64x128xi1>, vector<64x128xi32>
    %eq3A_1878 = arith.xori %eq3A_1804, %eq3A_1853 : vector<64x128xi1>
    %eq3A_1879 = arith.constant dense<true> : vector<64x128xi1>
    %eq3A_1880 = arith.xori %eq3A_1878, %eq3A_1879 : vector<64x128xi1>
    %gt3A_1881 = arith.cmpi sgt, %select_n3A_1846, %select_n3A_1865 : vector<64x128xi32>
    %eq3A_1882 = arith.cmpi eq, %select_n3A_1846, %select_n3A_1865 : vector<64x128xi32>
    %lt3A_1883 = arith.cmpi slt, %select_n3A_1847, %select_n3A_1877 : vector<64x128xi32>
    %and3A_1884 = arith.andi %eq3A_1882, %lt3A_1883 : vector<64x128xi1>
    %or3A_1885 = arith.ori %gt3A_1881, %and3A_1884 : vector<64x128xi1>
    %eq3A_1886 = arith.xori %eq3A_1880, %or3A_1885 : vector<64x128xi1>
    %eq3A_1887 = arith.constant dense<true> : vector<64x128xi1>
    %eq3A_1888 = arith.xori %eq3A_1886, %eq3A_1887 : vector<64x128xi1>
    %select_n3A_1889 = arith.select %eq3A_1888, %select_n3A_1846, %select_n3A_1865 : vector<64x128xi1>, vector<64x128xi32>
    %select_n3A_1890 = arith.select %eq3A_1888, %select_n3A_1847, %select_n3A_1877 : vector<64x128xi1>, vector<64x128xi32>
    %and3A_1891 = arith.constant 4 : i32
    %and3A_1892 = vector.broadcast %and3A_1891 : i32 to vector<64x128xi32>
    %and3A_1893 = arith.andi %iota3A_1344, %and3A_1892 : vector<64x128xi32>
    %eq3A_1894 = arith.constant 0 : i32
    %eq3A_1895 = vector.broadcast %eq3A_1894 : i32 to vector<64x128xi32>
    %eq3A_1896 = arith.cmpi eq, %and3A_1893, %eq3A_1895 : vector<64x128xi32>
    %roll3A_1897 = arith.constant 124 : i32
    %roll3A_1898 = tpu.dynamic_rotate %select_n3A_1889 by %roll3A_1897 dim 1 : vector<64x128xi32>, i32 -> vector<64x128xi32>
    %roll3A_1899 = arith.constant 4 : i32
    %roll3A_1900 = tpu.dynamic_rotate %select_n3A_1889 by %roll3A_1899 dim 1 : vector<64x128xi32>, i32 -> vector<64x128xi32>
    %iota3A_1901 = tpu.iota {dimensions = array<i32: 1>} : vector<64x128xi32>
    %and3A_1902 = arith.constant 4 : i32
    %and3A_1903 = vector.broadcast %and3A_1902 : i32 to vector<64x128xi32>
    %and3A_1904 = arith.andi %iota3A_1901, %and3A_1903 : vector<64x128xi32>
    %eq3A_1905 = arith.constant 0 : i32
    %eq3A_1906 = vector.broadcast %eq3A_1905 : i32 to vector<64x128xi32>
    %eq3A_1907 = arith.cmpi eq, %and3A_1904, %eq3A_1906 : vector<64x128xi32>
    %select_n3A_1908 = arith.select %eq3A_1907, %roll3A_1898, %roll3A_1900 : vector<64x128xi1>, vector<64x128xi32>
    %roll3A_1909 = arith.constant 124 : i32
    %roll3A_1910 = tpu.dynamic_rotate %select_n3A_1890 by %roll3A_1909 dim 1 : vector<64x128xi32>, i32 -> vector<64x128xi32>
    %roll3A_1911 = arith.constant 4 : i32
    %roll3A_1912 = tpu.dynamic_rotate %select_n3A_1890 by %roll3A_1911 dim 1 : vector<64x128xi32>, i32 -> vector<64x128xi32>
    %iota3A_1913 = tpu.iota {dimensions = array<i32: 1>} : vector<64x128xi32>
    %and3A_1914 = arith.constant 4 : i32
    %and3A_1915 = vector.broadcast %and3A_1914 : i32 to vector<64x128xi32>
    %and3A_1916 = arith.andi %iota3A_1913, %and3A_1915 : vector<64x128xi32>
    %eq3A_1917 = arith.constant 0 : i32
    %eq3A_1918 = vector.broadcast %eq3A_1917 : i32 to vector<64x128xi32>
    %eq3A_1919 = arith.cmpi eq, %and3A_1916, %eq3A_1918 : vector<64x128xi32>
    %select_n3A_1920 = arith.select %eq3A_1919, %roll3A_1910, %roll3A_1912 : vector<64x128xi1>, vector<64x128xi32>
    %eq3A_1921 = arith.xori %eq3A_1804, %eq3A_1896 : vector<64x128xi1>
    %eq3A_1922 = arith.constant dense<true> : vector<64x128xi1>
    %eq3A_1923 = arith.xori %eq3A_1921, %eq3A_1922 : vector<64x128xi1>
    %gt3A_1924 = arith.cmpi sgt, %select_n3A_1889, %select_n3A_1908 : vector<64x128xi32>
    %eq3A_1925 = arith.cmpi eq, %select_n3A_1889, %select_n3A_1908 : vector<64x128xi32>
    %lt3A_1926 = arith.cmpi slt, %select_n3A_1890, %select_n3A_1920 : vector<64x128xi32>
    %and3A_1927 = arith.andi %eq3A_1925, %lt3A_1926 : vector<64x128xi1>
    %or3A_1928 = arith.ori %gt3A_1924, %and3A_1927 : vector<64x128xi1>
    %eq3A_1929 = arith.xori %eq3A_1923, %or3A_1928 : vector<64x128xi1>
    %eq3A_1930 = arith.constant dense<true> : vector<64x128xi1>
    %eq3A_1931 = arith.xori %eq3A_1929, %eq3A_1930 : vector<64x128xi1>
    %select_n3A_1932 = arith.select %eq3A_1931, %select_n3A_1889, %select_n3A_1908 : vector<64x128xi1>, vector<64x128xi32>
    %select_n3A_1933 = arith.select %eq3A_1931, %select_n3A_1890, %select_n3A_1920 : vector<64x128xi1>, vector<64x128xi32>
    %and3A_1934 = arith.constant 2 : i32
    %and3A_1935 = vector.broadcast %and3A_1934 : i32 to vector<64x128xi32>
    %and3A_1936 = arith.andi %iota3A_1344, %and3A_1935 : vector<64x128xi32>
    %eq3A_1937 = arith.constant 0 : i32
    %eq3A_1938 = vector.broadcast %eq3A_1937 : i32 to vector<64x128xi32>
    %eq3A_1939 = arith.cmpi eq, %and3A_1936, %eq3A_1938 : vector<64x128xi32>
    %roll3A_1940 = arith.constant 126 : i32
    %roll3A_1941 = tpu.dynamic_rotate %select_n3A_1932 by %roll3A_1940 dim 1 : vector<64x128xi32>, i32 -> vector<64x128xi32>
    %roll3A_1942 = arith.constant 2 : i32
    %roll3A_1943 = tpu.dynamic_rotate %select_n3A_1932 by %roll3A_1942 dim 1 : vector<64x128xi32>, i32 -> vector<64x128xi32>
    %iota3A_1944 = tpu.iota {dimensions = array<i32: 1>} : vector<64x128xi32>
    %and3A_1945 = arith.constant 2 : i32
    %and3A_1946 = vector.broadcast %and3A_1945 : i32 to vector<64x128xi32>
    %and3A_1947 = arith.andi %iota3A_1944, %and3A_1946 : vector<64x128xi32>
    %eq3A_1948 = arith.constant 0 : i32
    %eq3A_1949 = vector.broadcast %eq3A_1948 : i32 to vector<64x128xi32>
    %eq3A_1950 = arith.cmpi eq, %and3A_1947, %eq3A_1949 : vector<64x128xi32>
    %select_n3A_1951 = arith.select %eq3A_1950, %roll3A_1941, %roll3A_1943 : vector<64x128xi1>, vector<64x128xi32>
    %roll3A_1952 = arith.constant 126 : i32
    %roll3A_1953 = tpu.dynamic_rotate %select_n3A_1933 by %roll3A_1952 dim 1 : vector<64x128xi32>, i32 -> vector<64x128xi32>
    %roll3A_1954 = arith.constant 2 : i32
    %roll3A_1955 = tpu.dynamic_rotate %select_n3A_1933 by %roll3A_1954 dim 1 : vector<64x128xi32>, i32 -> vector<64x128xi32>
    %iota3A_1956 = tpu.iota {dimensions = array<i32: 1>} : vector<64x128xi32>
    %and3A_1957 = arith.constant 2 : i32
    %and3A_1958 = vector.broadcast %and3A_1957 : i32 to vector<64x128xi32>
    %and3A_1959 = arith.andi %iota3A_1956, %and3A_1958 : vector<64x128xi32>
    %eq3A_1960 = arith.constant 0 : i32
    %eq3A_1961 = vector.broadcast %eq3A_1960 : i32 to vector<64x128xi32>
    %eq3A_1962 = arith.cmpi eq, %and3A_1959, %eq3A_1961 : vector<64x128xi32>
    %select_n3A_1963 = arith.select %eq3A_1962, %roll3A_1953, %roll3A_1955 : vector<64x128xi1>, vector<64x128xi32>
    %eq3A_1964 = arith.xori %eq3A_1804, %eq3A_1939 : vector<64x128xi1>
    %eq3A_1965 = arith.constant dense<true> : vector<64x128xi1>
    %eq3A_1966 = arith.xori %eq3A_1964, %eq3A_1965 : vector<64x128xi1>
    %gt3A_1967 = arith.cmpi sgt, %select_n3A_1932, %select_n3A_1951 : vector<64x128xi32>
    %eq3A_1968 = arith.cmpi eq, %select_n3A_1932, %select_n3A_1951 : vector<64x128xi32>
    %lt3A_1969 = arith.cmpi slt, %select_n3A_1933, %select_n3A_1963 : vector<64x128xi32>
    %and3A_1970 = arith.andi %eq3A_1968, %lt3A_1969 : vector<64x128xi1>
    %or3A_1971 = arith.ori %gt3A_1967, %and3A_1970 : vector<64x128xi1>
    %eq3A_1972 = arith.xori %eq3A_1966, %or3A_1971 : vector<64x128xi1>
    %eq3A_1973 = arith.constant dense<true> : vector<64x128xi1>
    %eq3A_1974 = arith.xori %eq3A_1972, %eq3A_1973 : vector<64x128xi1>
    %select_n3A_1975 = arith.select %eq3A_1974, %select_n3A_1932, %select_n3A_1951 : vector<64x128xi1>, vector<64x128xi32>
    %select_n3A_1976 = arith.select %eq3A_1974, %select_n3A_1933, %select_n3A_1963 : vector<64x128xi1>, vector<64x128xi32>
    %and3A_1977 = arith.constant 1 : i32
    %and3A_1978 = vector.broadcast %and3A_1977 : i32 to vector<64x128xi32>
    %and3A_1979 = arith.andi %iota3A_1344, %and3A_1978 : vector<64x128xi32>
    %eq3A_1980 = arith.constant 0 : i32
    %eq3A_1981 = vector.broadcast %eq3A_1980 : i32 to vector<64x128xi32>
    %eq3A_1982 = arith.cmpi eq, %and3A_1979, %eq3A_1981 : vector<64x128xi32>
    %roll3A_1983 = arith.constant 127 : i32
    %roll3A_1984 = tpu.dynamic_rotate %select_n3A_1975 by %roll3A_1983 dim 1 : vector<64x128xi32>, i32 -> vector<64x128xi32>
    %roll3A_1985 = arith.constant 1 : i32
    %roll3A_1986 = tpu.dynamic_rotate %select_n3A_1975 by %roll3A_1985 dim 1 : vector<64x128xi32>, i32 -> vector<64x128xi32>
    %iota3A_1987 = tpu.iota {dimensions = array<i32: 1>} : vector<64x128xi32>
    %and3A_1988 = arith.constant 1 : i32
    %and3A_1989 = vector.broadcast %and3A_1988 : i32 to vector<64x128xi32>
    %and3A_1990 = arith.andi %iota3A_1987, %and3A_1989 : vector<64x128xi32>
    %eq3A_1991 = arith.constant 0 : i32
    %eq3A_1992 = vector.broadcast %eq3A_1991 : i32 to vector<64x128xi32>
    %eq3A_1993 = arith.cmpi eq, %and3A_1990, %eq3A_1992 : vector<64x128xi32>
    %select_n3A_1994 = arith.select %eq3A_1993, %roll3A_1984, %roll3A_1986 : vector<64x128xi1>, vector<64x128xi32>
    %roll3A_1995 = arith.constant 127 : i32
    %roll3A_1996 = tpu.dynamic_rotate %select_n3A_1976 by %roll3A_1995 dim 1 : vector<64x128xi32>, i32 -> vector<64x128xi32>
    %roll3A_1997 = arith.constant 1 : i32
    %roll3A_1998 = tpu.dynamic_rotate %select_n3A_1976 by %roll3A_1997 dim 1 : vector<64x128xi32>, i32 -> vector<64x128xi32>
    %iota3A_1999 = tpu.iota {dimensions = array<i32: 1>} : vector<64x128xi32>
    %and3A_2000 = arith.constant 1 : i32
    %and3A_2001 = vector.broadcast %and3A_2000 : i32 to vector<64x128xi32>
    %and3A_2002 = arith.andi %iota3A_1999, %and3A_2001 : vector<64x128xi32>
    %eq3A_2003 = arith.constant 0 : i32
    %eq3A_2004 = vector.broadcast %eq3A_2003 : i32 to vector<64x128xi32>
    %eq3A_2005 = arith.cmpi eq, %and3A_2002, %eq3A_2004 : vector<64x128xi32>
    %select_n3A_2006 = arith.select %eq3A_2005, %roll3A_1996, %roll3A_1998 : vector<64x128xi1>, vector<64x128xi32>
    %eq3A_2007 = arith.xori %eq3A_1804, %eq3A_1982 : vector<64x128xi1>
    %eq3A_2008 = arith.constant dense<true> : vector<64x128xi1>
    %eq3A_2009 = arith.xori %eq3A_2007, %eq3A_2008 : vector<64x128xi1>
    %gt3A_2010 = arith.cmpi sgt, %select_n3A_1975, %select_n3A_1994 : vector<64x128xi32>
    %eq3A_2011 = arith.cmpi eq, %select_n3A_1975, %select_n3A_1994 : vector<64x128xi32>
    %lt3A_2012 = arith.cmpi slt, %select_n3A_1976, %select_n3A_2006 : vector<64x128xi32>
    %and3A_2013 = arith.andi %eq3A_2011, %lt3A_2012 : vector<64x128xi1>
    %or3A_2014 = arith.ori %gt3A_2010, %and3A_2013 : vector<64x128xi1>
    %eq3A_2015 = arith.xori %eq3A_2009, %or3A_2014 : vector<64x128xi1>
    %eq3A_2016 = arith.constant dense<true> : vector<64x128xi1>
    %eq3A_2017 = arith.xori %eq3A_2015, %eq3A_2016 : vector<64x128xi1>
    %select_n3A_2018 = arith.select %eq3A_2017, %select_n3A_1975, %select_n3A_1994 : vector<64x128xi1>, vector<64x128xi32>
    %select_n3A_2019 = arith.select %eq3A_2017, %select_n3A_1976, %select_n3A_2006 : vector<64x128xi1>, vector<64x128xi32>
    %and3A_2020 = arith.constant 64 : i32
    %and3A_2021 = vector.broadcast %and3A_2020 : i32 to vector<64x128xi32>
    %and3A_2022 = arith.andi %iota3A_1344, %and3A_2021 : vector<64x128xi32>
    %eq3A_2023 = arith.constant 0 : i32
    %eq3A_2024 = vector.broadcast %eq3A_2023 : i32 to vector<64x128xi32>
    %eq3A_2025 = arith.cmpi eq, %and3A_2022, %eq3A_2024 : vector<64x128xi32>
    %and3A_2026 = arith.constant 32 : i32
    %and3A_2027 = vector.broadcast %and3A_2026 : i32 to vector<64x128xi32>
    %and3A_2028 = arith.andi %iota3A_1344, %and3A_2027 : vector<64x128xi32>
    %eq3A_2029 = arith.constant 0 : i32
    %eq3A_2030 = vector.broadcast %eq3A_2029 : i32 to vector<64x128xi32>
    %eq3A_2031 = arith.cmpi eq, %and3A_2028, %eq3A_2030 : vector<64x128xi32>
    %roll3A_2032 = arith.constant 96 : i32
    %roll3A_2033 = tpu.dynamic_rotate %select_n3A_2018 by %roll3A_2032 dim 1 : vector<64x128xi32>, i32 -> vector<64x128xi32>
    %roll3A_2034 = arith.constant 32 : i32
    %roll3A_2035 = tpu.dynamic_rotate %select_n3A_2018 by %roll3A_2034 dim 1 : vector<64x128xi32>, i32 -> vector<64x128xi32>
    %iota3A_2036 = tpu.iota {dimensions = array<i32: 1>} : vector<64x128xi32>
    %and3A_2037 = arith.constant 32 : i32
    %and3A_2038 = vector.broadcast %and3A_2037 : i32 to vector<64x128xi32>
    %and3A_2039 = arith.andi %iota3A_2036, %and3A_2038 : vector<64x128xi32>
    %eq3A_2040 = arith.constant 0 : i32
    %eq3A_2041 = vector.broadcast %eq3A_2040 : i32 to vector<64x128xi32>
    %eq3A_2042 = arith.cmpi eq, %and3A_2039, %eq3A_2041 : vector<64x128xi32>
    %select_n3A_2043 = arith.select %eq3A_2042, %roll3A_2033, %roll3A_2035 : vector<64x128xi1>, vector<64x128xi32>
    %roll3A_2044 = arith.constant 96 : i32
    %roll3A_2045 = tpu.dynamic_rotate %select_n3A_2019 by %roll3A_2044 dim 1 : vector<64x128xi32>, i32 -> vector<64x128xi32>
    %roll3A_2046 = arith.constant 32 : i32
    %roll3A_2047 = tpu.dynamic_rotate %select_n3A_2019 by %roll3A_2046 dim 1 : vector<64x128xi32>, i32 -> vector<64x128xi32>
    %iota3A_2048 = tpu.iota {dimensions = array<i32: 1>} : vector<64x128xi32>
    %and3A_2049 = arith.constant 32 : i32
    %and3A_2050 = vector.broadcast %and3A_2049 : i32 to vector<64x128xi32>
    %and3A_2051 = arith.andi %iota3A_2048, %and3A_2050 : vector<64x128xi32>
    %eq3A_2052 = arith.constant 0 : i32
    %eq3A_2053 = vector.broadcast %eq3A_2052 : i32 to vector<64x128xi32>
    %eq3A_2054 = arith.cmpi eq, %and3A_2051, %eq3A_2053 : vector<64x128xi32>
    %select_n3A_2055 = arith.select %eq3A_2054, %roll3A_2045, %roll3A_2047 : vector<64x128xi1>, vector<64x128xi32>
    %eq3A_2056 = arith.xori %eq3A_2025, %eq3A_2031 : vector<64x128xi1>
    %eq3A_2057 = arith.constant dense<true> : vector<64x128xi1>
    %eq3A_2058 = arith.xori %eq3A_2056, %eq3A_2057 : vector<64x128xi1>
    %gt3A_2059 = arith.cmpi sgt, %select_n3A_2018, %select_n3A_2043 : vector<64x128xi32>
    %eq3A_2060 = arith.cmpi eq, %select_n3A_2018, %select_n3A_2043 : vector<64x128xi32>
    %lt3A_2061 = arith.cmpi slt, %select_n3A_2019, %select_n3A_2055 : vector<64x128xi32>
    %and3A_2062 = arith.andi %eq3A_2060, %lt3A_2061 : vector<64x128xi1>
    %or3A_2063 = arith.ori %gt3A_2059, %and3A_2062 : vector<64x128xi1>
    %eq3A_2064 = arith.xori %eq3A_2058, %or3A_2063 : vector<64x128xi1>
    %eq3A_2065 = arith.constant dense<true> : vector<64x128xi1>
    %eq3A_2066 = arith.xori %eq3A_2064, %eq3A_2065 : vector<64x128xi1>
    %select_n3A_2067 = arith.select %eq3A_2066, %select_n3A_2018, %select_n3A_2043 : vector<64x128xi1>, vector<64x128xi32>
    %select_n3A_2068 = arith.select %eq3A_2066, %select_n3A_2019, %select_n3A_2055 : vector<64x128xi1>, vector<64x128xi32>
    %and3A_2069 = arith.constant 16 : i32
    %and3A_2070 = vector.broadcast %and3A_2069 : i32 to vector<64x128xi32>
    %and3A_2071 = arith.andi %iota3A_1344, %and3A_2070 : vector<64x128xi32>
    %eq3A_2072 = arith.constant 0 : i32
    %eq3A_2073 = vector.broadcast %eq3A_2072 : i32 to vector<64x128xi32>
    %eq3A_2074 = arith.cmpi eq, %and3A_2071, %eq3A_2073 : vector<64x128xi32>
    %roll3A_2075 = arith.constant 112 : i32
    %roll3A_2076 = tpu.dynamic_rotate %select_n3A_2067 by %roll3A_2075 dim 1 : vector<64x128xi32>, i32 -> vector<64x128xi32>
    %roll3A_2077 = arith.constant 16 : i32
    %roll3A_2078 = tpu.dynamic_rotate %select_n3A_2067 by %roll3A_2077 dim 1 : vector<64x128xi32>, i32 -> vector<64x128xi32>
    %iota3A_2079 = tpu.iota {dimensions = array<i32: 1>} : vector<64x128xi32>
    %and3A_2080 = arith.constant 16 : i32
    %and3A_2081 = vector.broadcast %and3A_2080 : i32 to vector<64x128xi32>
    %and3A_2082 = arith.andi %iota3A_2079, %and3A_2081 : vector<64x128xi32>
    %eq3A_2083 = arith.constant 0 : i32
    %eq3A_2084 = vector.broadcast %eq3A_2083 : i32 to vector<64x128xi32>
    %eq3A_2085 = arith.cmpi eq, %and3A_2082, %eq3A_2084 : vector<64x128xi32>
    %select_n3A_2086 = arith.select %eq3A_2085, %roll3A_2076, %roll3A_2078 : vector<64x128xi1>, vector<64x128xi32>
    %roll3A_2087 = arith.constant 112 : i32
    %roll3A_2088 = tpu.dynamic_rotate %select_n3A_2068 by %roll3A_2087 dim 1 : vector<64x128xi32>, i32 -> vector<64x128xi32>
    %roll3A_2089 = arith.constant 16 : i32
    %roll3A_2090 = tpu.dynamic_rotate %select_n3A_2068 by %roll3A_2089 dim 1 : vector<64x128xi32>, i32 -> vector<64x128xi32>
    %iota3A_2091 = tpu.iota {dimensions = array<i32: 1>} : vector<64x128xi32>
    %and3A_2092 = arith.constant 16 : i32
    %and3A_2093 = vector.broadcast %and3A_2092 : i32 to vector<64x128xi32>
    %and3A_2094 = arith.andi %iota3A_2091, %and3A_2093 : vector<64x128xi32>
    %eq3A_2095 = arith.constant 0 : i32
    %eq3A_2096 = vector.broadcast %eq3A_2095 : i32 to vector<64x128xi32>
    %eq3A_2097 = arith.cmpi eq, %and3A_2094, %eq3A_2096 : vector<64x128xi32>
    %select_n3A_2098 = arith.select %eq3A_2097, %roll3A_2088, %roll3A_2090 : vector<64x128xi1>, vector<64x128xi32>
    %eq3A_2099 = arith.xori %eq3A_2025, %eq3A_2074 : vector<64x128xi1>
    %eq3A_2100 = arith.constant dense<true> : vector<64x128xi1>
    %eq3A_2101 = arith.xori %eq3A_2099, %eq3A_2100 : vector<64x128xi1>
    %gt3A_2102 = arith.cmpi sgt, %select_n3A_2067, %select_n3A_2086 : vector<64x128xi32>
    %eq3A_2103 = arith.cmpi eq, %select_n3A_2067, %select_n3A_2086 : vector<64x128xi32>
    %lt3A_2104 = arith.cmpi slt, %select_n3A_2068, %select_n3A_2098 : vector<64x128xi32>
    %and3A_2105 = arith.andi %eq3A_2103, %lt3A_2104 : vector<64x128xi1>
    %or3A_2106 = arith.ori %gt3A_2102, %and3A_2105 : vector<64x128xi1>
    %eq3A_2107 = arith.xori %eq3A_2101, %or3A_2106 : vector<64x128xi1>
    %eq3A_2108 = arith.constant dense<true> : vector<64x128xi1>
    %eq3A_2109 = arith.xori %eq3A_2107, %eq3A_2108 : vector<64x128xi1>
    %select_n3A_2110 = arith.select %eq3A_2109, %select_n3A_2067, %select_n3A_2086 : vector<64x128xi1>, vector<64x128xi32>
    %select_n3A_2111 = arith.select %eq3A_2109, %select_n3A_2068, %select_n3A_2098 : vector<64x128xi1>, vector<64x128xi32>
    %and3A_2112 = arith.constant 8 : i32
    %and3A_2113 = vector.broadcast %and3A_2112 : i32 to vector<64x128xi32>
    %and3A_2114 = arith.andi %iota3A_1344, %and3A_2113 : vector<64x128xi32>
    %eq3A_2115 = arith.constant 0 : i32
    %eq3A_2116 = vector.broadcast %eq3A_2115 : i32 to vector<64x128xi32>
    %eq3A_2117 = arith.cmpi eq, %and3A_2114, %eq3A_2116 : vector<64x128xi32>
    %roll3A_2118 = arith.constant 120 : i32
    %roll3A_2119 = tpu.dynamic_rotate %select_n3A_2110 by %roll3A_2118 dim 1 : vector<64x128xi32>, i32 -> vector<64x128xi32>
    %roll3A_2120 = arith.constant 8 : i32
    %roll3A_2121 = tpu.dynamic_rotate %select_n3A_2110 by %roll3A_2120 dim 1 : vector<64x128xi32>, i32 -> vector<64x128xi32>
    %iota3A_2122 = tpu.iota {dimensions = array<i32: 1>} : vector<64x128xi32>
    %and3A_2123 = arith.constant 8 : i32
    %and3A_2124 = vector.broadcast %and3A_2123 : i32 to vector<64x128xi32>
    %and3A_2125 = arith.andi %iota3A_2122, %and3A_2124 : vector<64x128xi32>
    %eq3A_2126 = arith.constant 0 : i32
    %eq3A_2127 = vector.broadcast %eq3A_2126 : i32 to vector<64x128xi32>
    %eq3A_2128 = arith.cmpi eq, %and3A_2125, %eq3A_2127 : vector<64x128xi32>
    %select_n3A_2129 = arith.select %eq3A_2128, %roll3A_2119, %roll3A_2121 : vector<64x128xi1>, vector<64x128xi32>
    %roll3A_2130 = arith.constant 120 : i32
    %roll3A_2131 = tpu.dynamic_rotate %select_n3A_2111 by %roll3A_2130 dim 1 : vector<64x128xi32>, i32 -> vector<64x128xi32>
    %roll3A_2132 = arith.constant 8 : i32
    %roll3A_2133 = tpu.dynamic_rotate %select_n3A_2111 by %roll3A_2132 dim 1 : vector<64x128xi32>, i32 -> vector<64x128xi32>
    %iota3A_2134 = tpu.iota {dimensions = array<i32: 1>} : vector<64x128xi32>
    %and3A_2135 = arith.constant 8 : i32
    %and3A_2136 = vector.broadcast %and3A_2135 : i32 to vector<64x128xi32>
    %and3A_2137 = arith.andi %iota3A_2134, %and3A_2136 : vector<64x128xi32>
    %eq3A_2138 = arith.constant 0 : i32
    %eq3A_2139 = vector.broadcast %eq3A_2138 : i32 to vector<64x128xi32>
    %eq3A_2140 = arith.cmpi eq, %and3A_2137, %eq3A_2139 : vector<64x128xi32>
    %select_n3A_2141 = arith.select %eq3A_2140, %roll3A_2131, %roll3A_2133 : vector<64x128xi1>, vector<64x128xi32>
    %eq3A_2142 = arith.xori %eq3A_2025, %eq3A_2117 : vector<64x128xi1>
    %eq3A_2143 = arith.constant dense<true> : vector<64x128xi1>
    %eq3A_2144 = arith.xori %eq3A_2142, %eq3A_2143 : vector<64x128xi1>
    %gt3A_2145 = arith.cmpi sgt, %select_n3A_2110, %select_n3A_2129 : vector<64x128xi32>
    %eq3A_2146 = arith.cmpi eq, %select_n3A_2110, %select_n3A_2129 : vector<64x128xi32>
    %lt3A_2147 = arith.cmpi slt, %select_n3A_2111, %select_n3A_2141 : vector<64x128xi32>
    %and3A_2148 = arith.andi %eq3A_2146, %lt3A_2147 : vector<64x128xi1>
    %or3A_2149 = arith.ori %gt3A_2145, %and3A_2148 : vector<64x128xi1>
    %eq3A_2150 = arith.xori %eq3A_2144, %or3A_2149 : vector<64x128xi1>
    %eq3A_2151 = arith.constant dense<true> : vector<64x128xi1>
    %eq3A_2152 = arith.xori %eq3A_2150, %eq3A_2151 : vector<64x128xi1>
    %select_n3A_2153 = arith.select %eq3A_2152, %select_n3A_2110, %select_n3A_2129 : vector<64x128xi1>, vector<64x128xi32>
    %select_n3A_2154 = arith.select %eq3A_2152, %select_n3A_2111, %select_n3A_2141 : vector<64x128xi1>, vector<64x128xi32>
    %and3A_2155 = arith.constant 4 : i32
    %and3A_2156 = vector.broadcast %and3A_2155 : i32 to vector<64x128xi32>
    %and3A_2157 = arith.andi %iota3A_1344, %and3A_2156 : vector<64x128xi32>
    %eq3A_2158 = arith.constant 0 : i32
    %eq3A_2159 = vector.broadcast %eq3A_2158 : i32 to vector<64x128xi32>
    %eq3A_2160 = arith.cmpi eq, %and3A_2157, %eq3A_2159 : vector<64x128xi32>
    %roll3A_2161 = arith.constant 124 : i32
    %roll3A_2162 = tpu.dynamic_rotate %select_n3A_2153 by %roll3A_2161 dim 1 : vector<64x128xi32>, i32 -> vector<64x128xi32>
    %roll3A_2163 = arith.constant 4 : i32
    %roll3A_2164 = tpu.dynamic_rotate %select_n3A_2153 by %roll3A_2163 dim 1 : vector<64x128xi32>, i32 -> vector<64x128xi32>
    %iota3A_2165 = tpu.iota {dimensions = array<i32: 1>} : vector<64x128xi32>
    %and3A_2166 = arith.constant 4 : i32
    %and3A_2167 = vector.broadcast %and3A_2166 : i32 to vector<64x128xi32>
    %and3A_2168 = arith.andi %iota3A_2165, %and3A_2167 : vector<64x128xi32>
    %eq3A_2169 = arith.constant 0 : i32
    %eq3A_2170 = vector.broadcast %eq3A_2169 : i32 to vector<64x128xi32>
    %eq3A_2171 = arith.cmpi eq, %and3A_2168, %eq3A_2170 : vector<64x128xi32>
    %select_n3A_2172 = arith.select %eq3A_2171, %roll3A_2162, %roll3A_2164 : vector<64x128xi1>, vector<64x128xi32>
    %roll3A_2173 = arith.constant 124 : i32
    %roll3A_2174 = tpu.dynamic_rotate %select_n3A_2154 by %roll3A_2173 dim 1 : vector<64x128xi32>, i32 -> vector<64x128xi32>
    %roll3A_2175 = arith.constant 4 : i32
    %roll3A_2176 = tpu.dynamic_rotate %select_n3A_2154 by %roll3A_2175 dim 1 : vector<64x128xi32>, i32 -> vector<64x128xi32>
    %iota3A_2177 = tpu.iota {dimensions = array<i32: 1>} : vector<64x128xi32>
    %and3A_2178 = arith.constant 4 : i32
    %and3A_2179 = vector.broadcast %and3A_2178 : i32 to vector<64x128xi32>
    %and3A_2180 = arith.andi %iota3A_2177, %and3A_2179 : vector<64x128xi32>
    %eq3A_2181 = arith.constant 0 : i32
    %eq3A_2182 = vector.broadcast %eq3A_2181 : i32 to vector<64x128xi32>
    %eq3A_2183 = arith.cmpi eq, %and3A_2180, %eq3A_2182 : vector<64x128xi32>
    %select_n3A_2184 = arith.select %eq3A_2183, %roll3A_2174, %roll3A_2176 : vector<64x128xi1>, vector<64x128xi32>
    %eq3A_2185 = arith.xori %eq3A_2025, %eq3A_2160 : vector<64x128xi1>
    %eq3A_2186 = arith.constant dense<true> : vector<64x128xi1>
    %eq3A_2187 = arith.xori %eq3A_2185, %eq3A_2186 : vector<64x128xi1>
    %gt3A_2188 = arith.cmpi sgt, %select_n3A_2153, %select_n3A_2172 : vector<64x128xi32>
    %eq3A_2189 = arith.cmpi eq, %select_n3A_2153, %select_n3A_2172 : vector<64x128xi32>
    %lt3A_2190 = arith.cmpi slt, %select_n3A_2154, %select_n3A_2184 : vector<64x128xi32>
    %and3A_2191 = arith.andi %eq3A_2189, %lt3A_2190 : vector<64x128xi1>
    %or3A_2192 = arith.ori %gt3A_2188, %and3A_2191 : vector<64x128xi1>
    %eq3A_2193 = arith.xori %eq3A_2187, %or3A_2192 : vector<64x128xi1>
    %eq3A_2194 = arith.constant dense<true> : vector<64x128xi1>
    %eq3A_2195 = arith.xori %eq3A_2193, %eq3A_2194 : vector<64x128xi1>
    %select_n3A_2196 = arith.select %eq3A_2195, %select_n3A_2153, %select_n3A_2172 : vector<64x128xi1>, vector<64x128xi32>
    %select_n3A_2197 = arith.select %eq3A_2195, %select_n3A_2154, %select_n3A_2184 : vector<64x128xi1>, vector<64x128xi32>
    %and3A_2198 = arith.constant 2 : i32
    %and3A_2199 = vector.broadcast %and3A_2198 : i32 to vector<64x128xi32>
    %and3A_2200 = arith.andi %iota3A_1344, %and3A_2199 : vector<64x128xi32>
    %eq3A_2201 = arith.constant 0 : i32
    %eq3A_2202 = vector.broadcast %eq3A_2201 : i32 to vector<64x128xi32>
    %eq3A_2203 = arith.cmpi eq, %and3A_2200, %eq3A_2202 : vector<64x128xi32>
    %roll3A_2204 = arith.constant 126 : i32
    %roll3A_2205 = tpu.dynamic_rotate %select_n3A_2196 by %roll3A_2204 dim 1 : vector<64x128xi32>, i32 -> vector<64x128xi32>
    %roll3A_2206 = arith.constant 2 : i32
    %roll3A_2207 = tpu.dynamic_rotate %select_n3A_2196 by %roll3A_2206 dim 1 : vector<64x128xi32>, i32 -> vector<64x128xi32>
    %iota3A_2208 = tpu.iota {dimensions = array<i32: 1>} : vector<64x128xi32>
    %and3A_2209 = arith.constant 2 : i32
    %and3A_2210 = vector.broadcast %and3A_2209 : i32 to vector<64x128xi32>
    %and3A_2211 = arith.andi %iota3A_2208, %and3A_2210 : vector<64x128xi32>
    %eq3A_2212 = arith.constant 0 : i32
    %eq3A_2213 = vector.broadcast %eq3A_2212 : i32 to vector<64x128xi32>
    %eq3A_2214 = arith.cmpi eq, %and3A_2211, %eq3A_2213 : vector<64x128xi32>
    %select_n3A_2215 = arith.select %eq3A_2214, %roll3A_2205, %roll3A_2207 : vector<64x128xi1>, vector<64x128xi32>
    %roll3A_2216 = arith.constant 126 : i32
    %roll3A_2217 = tpu.dynamic_rotate %select_n3A_2197 by %roll3A_2216 dim 1 : vector<64x128xi32>, i32 -> vector<64x128xi32>
    %roll3A_2218 = arith.constant 2 : i32
    %roll3A_2219 = tpu.dynamic_rotate %select_n3A_2197 by %roll3A_2218 dim 1 : vector<64x128xi32>, i32 -> vector<64x128xi32>
    %iota3A_2220 = tpu.iota {dimensions = array<i32: 1>} : vector<64x128xi32>
    %and3A_2221 = arith.constant 2 : i32
    %and3A_2222 = vector.broadcast %and3A_2221 : i32 to vector<64x128xi32>
    %and3A_2223 = arith.andi %iota3A_2220, %and3A_2222 : vector<64x128xi32>
    %eq3A_2224 = arith.constant 0 : i32
    %eq3A_2225 = vector.broadcast %eq3A_2224 : i32 to vector<64x128xi32>
    %eq3A_2226 = arith.cmpi eq, %and3A_2223, %eq3A_2225 : vector<64x128xi32>
    %select_n3A_2227 = arith.select %eq3A_2226, %roll3A_2217, %roll3A_2219 : vector<64x128xi1>, vector<64x128xi32>
    %eq3A_2228 = arith.xori %eq3A_2025, %eq3A_2203 : vector<64x128xi1>
    %eq3A_2229 = arith.constant dense<true> : vector<64x128xi1>
    %eq3A_2230 = arith.xori %eq3A_2228, %eq3A_2229 : vector<64x128xi1>
    %gt3A_2231 = arith.cmpi sgt, %select_n3A_2196, %select_n3A_2215 : vector<64x128xi32>
    %eq3A_2232 = arith.cmpi eq, %select_n3A_2196, %select_n3A_2215 : vector<64x128xi32>
    %lt3A_2233 = arith.cmpi slt, %select_n3A_2197, %select_n3A_2227 : vector<64x128xi32>
    %and3A_2234 = arith.andi %eq3A_2232, %lt3A_2233 : vector<64x128xi1>
    %or3A_2235 = arith.ori %gt3A_2231, %and3A_2234 : vector<64x128xi1>
    %eq3A_2236 = arith.xori %eq3A_2230, %or3A_2235 : vector<64x128xi1>
    %eq3A_2237 = arith.constant dense<true> : vector<64x128xi1>
    %eq3A_2238 = arith.xori %eq3A_2236, %eq3A_2237 : vector<64x128xi1>
    %select_n3A_2239 = arith.select %eq3A_2238, %select_n3A_2196, %select_n3A_2215 : vector<64x128xi1>, vector<64x128xi32>
    %select_n3A_2240 = arith.select %eq3A_2238, %select_n3A_2197, %select_n3A_2227 : vector<64x128xi1>, vector<64x128xi32>
    %and3A_2241 = arith.constant 1 : i32
    %and3A_2242 = vector.broadcast %and3A_2241 : i32 to vector<64x128xi32>
    %and3A_2243 = arith.andi %iota3A_1344, %and3A_2242 : vector<64x128xi32>
    %eq3A_2244 = arith.constant 0 : i32
    %eq3A_2245 = vector.broadcast %eq3A_2244 : i32 to vector<64x128xi32>
    %eq3A_2246 = arith.cmpi eq, %and3A_2243, %eq3A_2245 : vector<64x128xi32>
    %roll3A_2247 = arith.constant 127 : i32
    %roll3A_2248 = tpu.dynamic_rotate %select_n3A_2239 by %roll3A_2247 dim 1 : vector<64x128xi32>, i32 -> vector<64x128xi32>
    %roll3A_2249 = arith.constant 1 : i32
    %roll3A_2250 = tpu.dynamic_rotate %select_n3A_2239 by %roll3A_2249 dim 1 : vector<64x128xi32>, i32 -> vector<64x128xi32>
    %iota3A_2251 = tpu.iota {dimensions = array<i32: 1>} : vector<64x128xi32>
    %and3A_2252 = arith.constant 1 : i32
    %and3A_2253 = vector.broadcast %and3A_2252 : i32 to vector<64x128xi32>
    %and3A_2254 = arith.andi %iota3A_2251, %and3A_2253 : vector<64x128xi32>
    %eq3A_2255 = arith.constant 0 : i32
    %eq3A_2256 = vector.broadcast %eq3A_2255 : i32 to vector<64x128xi32>
    %eq3A_2257 = arith.cmpi eq, %and3A_2254, %eq3A_2256 : vector<64x128xi32>
    %select_n3A_2258 = arith.select %eq3A_2257, %roll3A_2248, %roll3A_2250 : vector<64x128xi1>, vector<64x128xi32>
    %roll3A_2259 = arith.constant 127 : i32
    %roll3A_2260 = tpu.dynamic_rotate %select_n3A_2240 by %roll3A_2259 dim 1 : vector<64x128xi32>, i32 -> vector<64x128xi32>
    %roll3A_2261 = arith.constant 1 : i32
    %roll3A_2262 = tpu.dynamic_rotate %select_n3A_2240 by %roll3A_2261 dim 1 : vector<64x128xi32>, i32 -> vector<64x128xi32>
    %iota3A_2263 = tpu.iota {dimensions = array<i32: 1>} : vector<64x128xi32>
    %and3A_2264 = arith.constant 1 : i32
    %and3A_2265 = vector.broadcast %and3A_2264 : i32 to vector<64x128xi32>
    %and3A_2266 = arith.andi %iota3A_2263, %and3A_2265 : vector<64x128xi32>
    %eq3A_2267 = arith.constant 0 : i32
    %eq3A_2268 = vector.broadcast %eq3A_2267 : i32 to vector<64x128xi32>
    %eq3A_2269 = arith.cmpi eq, %and3A_2266, %eq3A_2268 : vector<64x128xi32>
    %select_n3A_2270 = arith.select %eq3A_2269, %roll3A_2260, %roll3A_2262 : vector<64x128xi1>, vector<64x128xi32>
    %eq3A_2271 = arith.xori %eq3A_2025, %eq3A_2246 : vector<64x128xi1>
    %eq3A_2272 = arith.constant dense<true> : vector<64x128xi1>
    %eq3A_2273 = arith.xori %eq3A_2271, %eq3A_2272 : vector<64x128xi1>
    %gt3A_2274 = arith.cmpi sgt, %select_n3A_2239, %select_n3A_2258 : vector<64x128xi32>
    %eq3A_2275 = arith.cmpi eq, %select_n3A_2239, %select_n3A_2258 : vector<64x128xi32>
    %lt3A_2276 = arith.cmpi slt, %select_n3A_2240, %select_n3A_2270 : vector<64x128xi32>
    %and3A_2277 = arith.andi %eq3A_2275, %lt3A_2276 : vector<64x128xi1>
    %or3A_2278 = arith.ori %gt3A_2274, %and3A_2277 : vector<64x128xi1>
    %eq3A_2279 = arith.xori %eq3A_2273, %or3A_2278 : vector<64x128xi1>
    %eq3A_2280 = arith.constant dense<true> : vector<64x128xi1>
    %eq3A_2281 = arith.xori %eq3A_2279, %eq3A_2280 : vector<64x128xi1>
    %select_n3A_2282 = arith.select %eq3A_2281, %select_n3A_2239, %select_n3A_2258 : vector<64x128xi1>, vector<64x128xi32>
    %select_n3A_2283 = arith.select %eq3A_2281, %select_n3A_2240, %select_n3A_2270 : vector<64x128xi1>, vector<64x128xi32>
    %and3A_2284 = arith.constant 1 : i32
    %and3A_2285 = vector.broadcast %and3A_2284 : i32 to vector<64x128xi32>
    %and3A_2286 = arith.andi %iota3A_1343, %and3A_2285 : vector<64x128xi32>
    %eq3A_2287 = arith.constant 0 : i32
    %eq3A_2288 = vector.broadcast %eq3A_2287 : i32 to vector<64x128xi32>
    %eq3A_2289 = arith.cmpi eq, %and3A_2286, %eq3A_2288 : vector<64x128xi32>
    %and3A_2290 = arith.constant 64 : i32
    %and3A_2291 = vector.broadcast %and3A_2290 : i32 to vector<64x128xi32>
    %and3A_2292 = arith.andi %iota3A_1344, %and3A_2291 : vector<64x128xi32>
    %eq3A_2293 = arith.constant 0 : i32
    %eq3A_2294 = vector.broadcast %eq3A_2293 : i32 to vector<64x128xi32>
    %eq3A_2295 = arith.cmpi eq, %and3A_2292, %eq3A_2294 : vector<64x128xi32>
    %roll3A_2296 = arith.constant 64 : i32
    %roll3A_2297 = tpu.dynamic_rotate %select_n3A_2282 by %roll3A_2296 dim 1 : vector<64x128xi32>, i32 -> vector<64x128xi32>
    %roll3A_2298 = arith.constant 64 : i32
    %roll3A_2299 = tpu.dynamic_rotate %select_n3A_2282 by %roll3A_2298 dim 1 : vector<64x128xi32>, i32 -> vector<64x128xi32>
    %iota3A_2300 = tpu.iota {dimensions = array<i32: 1>} : vector<64x128xi32>
    %and3A_2301 = arith.constant 64 : i32
    %and3A_2302 = vector.broadcast %and3A_2301 : i32 to vector<64x128xi32>
    %and3A_2303 = arith.andi %iota3A_2300, %and3A_2302 : vector<64x128xi32>
    %eq3A_2304 = arith.constant 0 : i32
    %eq3A_2305 = vector.broadcast %eq3A_2304 : i32 to vector<64x128xi32>
    %eq3A_2306 = arith.cmpi eq, %and3A_2303, %eq3A_2305 : vector<64x128xi32>
    %select_n3A_2307 = arith.select %eq3A_2306, %roll3A_2297, %roll3A_2299 : vector<64x128xi1>, vector<64x128xi32>
    %roll3A_2308 = arith.constant 64 : i32
    %roll3A_2309 = tpu.dynamic_rotate %select_n3A_2283 by %roll3A_2308 dim 1 : vector<64x128xi32>, i32 -> vector<64x128xi32>
    %roll3A_2310 = arith.constant 64 : i32
    %roll3A_2311 = tpu.dynamic_rotate %select_n3A_2283 by %roll3A_2310 dim 1 : vector<64x128xi32>, i32 -> vector<64x128xi32>
    %iota3A_2312 = tpu.iota {dimensions = array<i32: 1>} : vector<64x128xi32>
    %and3A_2313 = arith.constant 64 : i32
    %and3A_2314 = vector.broadcast %and3A_2313 : i32 to vector<64x128xi32>
    %and3A_2315 = arith.andi %iota3A_2312, %and3A_2314 : vector<64x128xi32>
    %eq3A_2316 = arith.constant 0 : i32
    %eq3A_2317 = vector.broadcast %eq3A_2316 : i32 to vector<64x128xi32>
    %eq3A_2318 = arith.cmpi eq, %and3A_2315, %eq3A_2317 : vector<64x128xi32>
    %select_n3A_2319 = arith.select %eq3A_2318, %roll3A_2309, %roll3A_2311 : vector<64x128xi1>, vector<64x128xi32>
    %eq3A_2320 = arith.xori %eq3A_2289, %eq3A_2295 : vector<64x128xi1>
    %eq3A_2321 = arith.constant dense<true> : vector<64x128xi1>
    %eq3A_2322 = arith.xori %eq3A_2320, %eq3A_2321 : vector<64x128xi1>
    %gt3A_2323 = arith.cmpi sgt, %select_n3A_2282, %select_n3A_2307 : vector<64x128xi32>
    %eq3A_2324 = arith.cmpi eq, %select_n3A_2282, %select_n3A_2307 : vector<64x128xi32>
    %lt3A_2325 = arith.cmpi slt, %select_n3A_2283, %select_n3A_2319 : vector<64x128xi32>
    %and3A_2326 = arith.andi %eq3A_2324, %lt3A_2325 : vector<64x128xi1>
    %or3A_2327 = arith.ori %gt3A_2323, %and3A_2326 : vector<64x128xi1>
    %eq3A_2328 = arith.xori %eq3A_2322, %or3A_2327 : vector<64x128xi1>
    %eq3A_2329 = arith.constant dense<true> : vector<64x128xi1>
    %eq3A_2330 = arith.xori %eq3A_2328, %eq3A_2329 : vector<64x128xi1>
    %select_n3A_2331 = arith.select %eq3A_2330, %select_n3A_2282, %select_n3A_2307 : vector<64x128xi1>, vector<64x128xi32>
    %select_n3A_2332 = arith.select %eq3A_2330, %select_n3A_2283, %select_n3A_2319 : vector<64x128xi1>, vector<64x128xi32>
    %and3A_2333 = arith.constant 32 : i32
    %and3A_2334 = vector.broadcast %and3A_2333 : i32 to vector<64x128xi32>
    %and3A_2335 = arith.andi %iota3A_1344, %and3A_2334 : vector<64x128xi32>
    %eq3A_2336 = arith.constant 0 : i32
    %eq3A_2337 = vector.broadcast %eq3A_2336 : i32 to vector<64x128xi32>
    %eq3A_2338 = arith.cmpi eq, %and3A_2335, %eq3A_2337 : vector<64x128xi32>
    %roll3A_2339 = arith.constant 96 : i32
    %roll3A_2340 = tpu.dynamic_rotate %select_n3A_2331 by %roll3A_2339 dim 1 : vector<64x128xi32>, i32 -> vector<64x128xi32>
    %roll3A_2341 = arith.constant 32 : i32
    %roll3A_2342 = tpu.dynamic_rotate %select_n3A_2331 by %roll3A_2341 dim 1 : vector<64x128xi32>, i32 -> vector<64x128xi32>
    %iota3A_2343 = tpu.iota {dimensions = array<i32: 1>} : vector<64x128xi32>
    %and3A_2344 = arith.constant 32 : i32
    %and3A_2345 = vector.broadcast %and3A_2344 : i32 to vector<64x128xi32>
    %and3A_2346 = arith.andi %iota3A_2343, %and3A_2345 : vector<64x128xi32>
    %eq3A_2347 = arith.constant 0 : i32
    %eq3A_2348 = vector.broadcast %eq3A_2347 : i32 to vector<64x128xi32>
    %eq3A_2349 = arith.cmpi eq, %and3A_2346, %eq3A_2348 : vector<64x128xi32>
    %select_n3A_2350 = arith.select %eq3A_2349, %roll3A_2340, %roll3A_2342 : vector<64x128xi1>, vector<64x128xi32>
    %roll3A_2351 = arith.constant 96 : i32
    %roll3A_2352 = tpu.dynamic_rotate %select_n3A_2332 by %roll3A_2351 dim 1 : vector<64x128xi32>, i32 -> vector<64x128xi32>
    %roll3A_2353 = arith.constant 32 : i32
    %roll3A_2354 = tpu.dynamic_rotate %select_n3A_2332 by %roll3A_2353 dim 1 : vector<64x128xi32>, i32 -> vector<64x128xi32>
    %iota3A_2355 = tpu.iota {dimensions = array<i32: 1>} : vector<64x128xi32>
    %and3A_2356 = arith.constant 32 : i32
    %and3A_2357 = vector.broadcast %and3A_2356 : i32 to vector<64x128xi32>
    %and3A_2358 = arith.andi %iota3A_2355, %and3A_2357 : vector<64x128xi32>
    %eq3A_2359 = arith.constant 0 : i32
    %eq3A_2360 = vector.broadcast %eq3A_2359 : i32 to vector<64x128xi32>
    %eq3A_2361 = arith.cmpi eq, %and3A_2358, %eq3A_2360 : vector<64x128xi32>
    %select_n3A_2362 = arith.select %eq3A_2361, %roll3A_2352, %roll3A_2354 : vector<64x128xi1>, vector<64x128xi32>
    %eq3A_2363 = arith.xori %eq3A_2289, %eq3A_2338 : vector<64x128xi1>
    %eq3A_2364 = arith.constant dense<true> : vector<64x128xi1>
    %eq3A_2365 = arith.xori %eq3A_2363, %eq3A_2364 : vector<64x128xi1>
    %gt3A_2366 = arith.cmpi sgt, %select_n3A_2331, %select_n3A_2350 : vector<64x128xi32>
    %eq3A_2367 = arith.cmpi eq, %select_n3A_2331, %select_n3A_2350 : vector<64x128xi32>
    %lt3A_2368 = arith.cmpi slt, %select_n3A_2332, %select_n3A_2362 : vector<64x128xi32>
    %and3A_2369 = arith.andi %eq3A_2367, %lt3A_2368 : vector<64x128xi1>
    %or3A_2370 = arith.ori %gt3A_2366, %and3A_2369 : vector<64x128xi1>
    %eq3A_2371 = arith.xori %eq3A_2365, %or3A_2370 : vector<64x128xi1>
    %eq3A_2372 = arith.constant dense<true> : vector<64x128xi1>
    %eq3A_2373 = arith.xori %eq3A_2371, %eq3A_2372 : vector<64x128xi1>
    %select_n3A_2374 = arith.select %eq3A_2373, %select_n3A_2331, %select_n3A_2350 : vector<64x128xi1>, vector<64x128xi32>
    %select_n3A_2375 = arith.select %eq3A_2373, %select_n3A_2332, %select_n3A_2362 : vector<64x128xi1>, vector<64x128xi32>
    %and3A_2376 = arith.constant 16 : i32
    %and3A_2377 = vector.broadcast %and3A_2376 : i32 to vector<64x128xi32>
    %and3A_2378 = arith.andi %iota3A_1344, %and3A_2377 : vector<64x128xi32>
    %eq3A_2379 = arith.constant 0 : i32
    %eq3A_2380 = vector.broadcast %eq3A_2379 : i32 to vector<64x128xi32>
    %eq3A_2381 = arith.cmpi eq, %and3A_2378, %eq3A_2380 : vector<64x128xi32>
    %roll3A_2382 = arith.constant 112 : i32
    %roll3A_2383 = tpu.dynamic_rotate %select_n3A_2374 by %roll3A_2382 dim 1 : vector<64x128xi32>, i32 -> vector<64x128xi32>
    %roll3A_2384 = arith.constant 16 : i32
    %roll3A_2385 = tpu.dynamic_rotate %select_n3A_2374 by %roll3A_2384 dim 1 : vector<64x128xi32>, i32 -> vector<64x128xi32>
    %iota3A_2386 = tpu.iota {dimensions = array<i32: 1>} : vector<64x128xi32>
    %and3A_2387 = arith.constant 16 : i32
    %and3A_2388 = vector.broadcast %and3A_2387 : i32 to vector<64x128xi32>
    %and3A_2389 = arith.andi %iota3A_2386, %and3A_2388 : vector<64x128xi32>
    %eq3A_2390 = arith.constant 0 : i32
    %eq3A_2391 = vector.broadcast %eq3A_2390 : i32 to vector<64x128xi32>
    %eq3A_2392 = arith.cmpi eq, %and3A_2389, %eq3A_2391 : vector<64x128xi32>
    %select_n3A_2393 = arith.select %eq3A_2392, %roll3A_2383, %roll3A_2385 : vector<64x128xi1>, vector<64x128xi32>
    %roll3A_2394 = arith.constant 112 : i32
    %roll3A_2395 = tpu.dynamic_rotate %select_n3A_2375 by %roll3A_2394 dim 1 : vector<64x128xi32>, i32 -> vector<64x128xi32>
    %roll3A_2396 = arith.constant 16 : i32
    %roll3A_2397 = tpu.dynamic_rotate %select_n3A_2375 by %roll3A_2396 dim 1 : vector<64x128xi32>, i32 -> vector<64x128xi32>
    %iota3A_2398 = tpu.iota {dimensions = array<i32: 1>} : vector<64x128xi32>
    %and3A_2399 = arith.constant 16 : i32
    %and3A_2400 = vector.broadcast %and3A_2399 : i32 to vector<64x128xi32>
    %and3A_2401 = arith.andi %iota3A_2398, %and3A_2400 : vector<64x128xi32>
    %eq3A_2402 = arith.constant 0 : i32
    %eq3A_2403 = vector.broadcast %eq3A_2402 : i32 to vector<64x128xi32>
    %eq3A_2404 = arith.cmpi eq, %and3A_2401, %eq3A_2403 : vector<64x128xi32>
    %select_n3A_2405 = arith.select %eq3A_2404, %roll3A_2395, %roll3A_2397 : vector<64x128xi1>, vector<64x128xi32>
    %eq3A_2406 = arith.xori %eq3A_2289, %eq3A_2381 : vector<64x128xi1>
    %eq3A_2407 = arith.constant dense<true> : vector<64x128xi1>
    %eq3A_2408 = arith.xori %eq3A_2406, %eq3A_2407 : vector<64x128xi1>
    %gt3A_2409 = arith.cmpi sgt, %select_n3A_2374, %select_n3A_2393 : vector<64x128xi32>
    %eq3A_2410 = arith.cmpi eq, %select_n3A_2374, %select_n3A_2393 : vector<64x128xi32>
    %lt3A_2411 = arith.cmpi slt, %select_n3A_2375, %select_n3A_2405 : vector<64x128xi32>
    %and3A_2412 = arith.andi %eq3A_2410, %lt3A_2411 : vector<64x128xi1>
    %or3A_2413 = arith.ori %gt3A_2409, %and3A_2412 : vector<64x128xi1>
    %eq3A_2414 = arith.xori %eq3A_2408, %or3A_2413 : vector<64x128xi1>
    %eq3A_2415 = arith.constant dense<true> : vector<64x128xi1>
    %eq3A_2416 = arith.xori %eq3A_2414, %eq3A_2415 : vector<64x128xi1>
    %select_n3A_2417 = arith.select %eq3A_2416, %select_n3A_2374, %select_n3A_2393 : vector<64x128xi1>, vector<64x128xi32>
    %select_n3A_2418 = arith.select %eq3A_2416, %select_n3A_2375, %select_n3A_2405 : vector<64x128xi1>, vector<64x128xi32>
    %and3A_2419 = arith.constant 8 : i32
    %and3A_2420 = vector.broadcast %and3A_2419 : i32 to vector<64x128xi32>
    %and3A_2421 = arith.andi %iota3A_1344, %and3A_2420 : vector<64x128xi32>
    %eq3A_2422 = arith.constant 0 : i32
    %eq3A_2423 = vector.broadcast %eq3A_2422 : i32 to vector<64x128xi32>
    %eq3A_2424 = arith.cmpi eq, %and3A_2421, %eq3A_2423 : vector<64x128xi32>
    %roll3A_2425 = arith.constant 120 : i32
    %roll3A_2426 = tpu.dynamic_rotate %select_n3A_2417 by %roll3A_2425 dim 1 : vector<64x128xi32>, i32 -> vector<64x128xi32>
    %roll3A_2427 = arith.constant 8 : i32
    %roll3A_2428 = tpu.dynamic_rotate %select_n3A_2417 by %roll3A_2427 dim 1 : vector<64x128xi32>, i32 -> vector<64x128xi32>
    %iota3A_2429 = tpu.iota {dimensions = array<i32: 1>} : vector<64x128xi32>
    %and3A_2430 = arith.constant 8 : i32
    %and3A_2431 = vector.broadcast %and3A_2430 : i32 to vector<64x128xi32>
    %and3A_2432 = arith.andi %iota3A_2429, %and3A_2431 : vector<64x128xi32>
    %eq3A_2433 = arith.constant 0 : i32
    %eq3A_2434 = vector.broadcast %eq3A_2433 : i32 to vector<64x128xi32>
    %eq3A_2435 = arith.cmpi eq, %and3A_2432, %eq3A_2434 : vector<64x128xi32>
    %select_n3A_2436 = arith.select %eq3A_2435, %roll3A_2426, %roll3A_2428 : vector<64x128xi1>, vector<64x128xi32>
    %roll3A_2437 = arith.constant 120 : i32
    %roll3A_2438 = tpu.dynamic_rotate %select_n3A_2418 by %roll3A_2437 dim 1 : vector<64x128xi32>, i32 -> vector<64x128xi32>
    %roll3A_2439 = arith.constant 8 : i32
    %roll3A_2440 = tpu.dynamic_rotate %select_n3A_2418 by %roll3A_2439 dim 1 : vector<64x128xi32>, i32 -> vector<64x128xi32>
    %iota3A_2441 = tpu.iota {dimensions = array<i32: 1>} : vector<64x128xi32>
    %and3A_2442 = arith.constant 8 : i32
    %and3A_2443 = vector.broadcast %and3A_2442 : i32 to vector<64x128xi32>
    %and3A_2444 = arith.andi %iota3A_2441, %and3A_2443 : vector<64x128xi32>
    %eq3A_2445 = arith.constant 0 : i32
    %eq3A_2446 = vector.broadcast %eq3A_2445 : i32 to vector<64x128xi32>
    %eq3A_2447 = arith.cmpi eq, %and3A_2444, %eq3A_2446 : vector<64x128xi32>
    %select_n3A_2448 = arith.select %eq3A_2447, %roll3A_2438, %roll3A_2440 : vector<64x128xi1>, vector<64x128xi32>
    %eq3A_2449 = arith.xori %eq3A_2289, %eq3A_2424 : vector<64x128xi1>
    %eq3A_2450 = arith.constant dense<true> : vector<64x128xi1>
    %eq3A_2451 = arith.xori %eq3A_2449, %eq3A_2450 : vector<64x128xi1>
    %gt3A_2452 = arith.cmpi sgt, %select_n3A_2417, %select_n3A_2436 : vector<64x128xi32>
    %eq3A_2453 = arith.cmpi eq, %select_n3A_2417, %select_n3A_2436 : vector<64x128xi32>
    %lt3A_2454 = arith.cmpi slt, %select_n3A_2418, %select_n3A_2448 : vector<64x128xi32>
    %and3A_2455 = arith.andi %eq3A_2453, %lt3A_2454 : vector<64x128xi1>
    %or3A_2456 = arith.ori %gt3A_2452, %and3A_2455 : vector<64x128xi1>
    %eq3A_2457 = arith.xori %eq3A_2451, %or3A_2456 : vector<64x128xi1>
    %eq3A_2458 = arith.constant dense<true> : vector<64x128xi1>
    %eq3A_2459 = arith.xori %eq3A_2457, %eq3A_2458 : vector<64x128xi1>
    %select_n3A_2460 = arith.select %eq3A_2459, %select_n3A_2417, %select_n3A_2436 : vector<64x128xi1>, vector<64x128xi32>
    %select_n3A_2461 = arith.select %eq3A_2459, %select_n3A_2418, %select_n3A_2448 : vector<64x128xi1>, vector<64x128xi32>
    %and3A_2462 = arith.constant 4 : i32
    %and3A_2463 = vector.broadcast %and3A_2462 : i32 to vector<64x128xi32>
    %and3A_2464 = arith.andi %iota3A_1344, %and3A_2463 : vector<64x128xi32>
    %eq3A_2465 = arith.constant 0 : i32
    %eq3A_2466 = vector.broadcast %eq3A_2465 : i32 to vector<64x128xi32>
    %eq3A_2467 = arith.cmpi eq, %and3A_2464, %eq3A_2466 : vector<64x128xi32>
    %roll3A_2468 = arith.constant 124 : i32
    %roll3A_2469 = tpu.dynamic_rotate %select_n3A_2460 by %roll3A_2468 dim 1 : vector<64x128xi32>, i32 -> vector<64x128xi32>
    %roll3A_2470 = arith.constant 4 : i32
    %roll3A_2471 = tpu.dynamic_rotate %select_n3A_2460 by %roll3A_2470 dim 1 : vector<64x128xi32>, i32 -> vector<64x128xi32>
    %iota3A_2472 = tpu.iota {dimensions = array<i32: 1>} : vector<64x128xi32>
    %and3A_2473 = arith.constant 4 : i32
    %and3A_2474 = vector.broadcast %and3A_2473 : i32 to vector<64x128xi32>
    %and3A_2475 = arith.andi %iota3A_2472, %and3A_2474 : vector<64x128xi32>
    %eq3A_2476 = arith.constant 0 : i32
    %eq3A_2477 = vector.broadcast %eq3A_2476 : i32 to vector<64x128xi32>
    %eq3A_2478 = arith.cmpi eq, %and3A_2475, %eq3A_2477 : vector<64x128xi32>
    %select_n3A_2479 = arith.select %eq3A_2478, %roll3A_2469, %roll3A_2471 : vector<64x128xi1>, vector<64x128xi32>
    %roll3A_2480 = arith.constant 124 : i32
    %roll3A_2481 = tpu.dynamic_rotate %select_n3A_2461 by %roll3A_2480 dim 1 : vector<64x128xi32>, i32 -> vector<64x128xi32>
    %roll3A_2482 = arith.constant 4 : i32
    %roll3A_2483 = tpu.dynamic_rotate %select_n3A_2461 by %roll3A_2482 dim 1 : vector<64x128xi32>, i32 -> vector<64x128xi32>
    %iota3A_2484 = tpu.iota {dimensions = array<i32: 1>} : vector<64x128xi32>
    %and3A_2485 = arith.constant 4 : i32
    %and3A_2486 = vector.broadcast %and3A_2485 : i32 to vector<64x128xi32>
    %and3A_2487 = arith.andi %iota3A_2484, %and3A_2486 : vector<64x128xi32>
    %eq3A_2488 = arith.constant 0 : i32
    %eq3A_2489 = vector.broadcast %eq3A_2488 : i32 to vector<64x128xi32>
    %eq3A_2490 = arith.cmpi eq, %and3A_2487, %eq3A_2489 : vector<64x128xi32>
    %select_n3A_2491 = arith.select %eq3A_2490, %roll3A_2481, %roll3A_2483 : vector<64x128xi1>, vector<64x128xi32>
    %eq3A_2492 = arith.xori %eq3A_2289, %eq3A_2467 : vector<64x128xi1>
    %eq3A_2493 = arith.constant dense<true> : vector<64x128xi1>
    %eq3A_2494 = arith.xori %eq3A_2492, %eq3A_2493 : vector<64x128xi1>
    %gt3A_2495 = arith.cmpi sgt, %select_n3A_2460, %select_n3A_2479 : vector<64x128xi32>
    %eq3A_2496 = arith.cmpi eq, %select_n3A_2460, %select_n3A_2479 : vector<64x128xi32>
    %lt3A_2497 = arith.cmpi slt, %select_n3A_2461, %select_n3A_2491 : vector<64x128xi32>
    %and3A_2498 = arith.andi %eq3A_2496, %lt3A_2497 : vector<64x128xi1>
    %or3A_2499 = arith.ori %gt3A_2495, %and3A_2498 : vector<64x128xi1>
    %eq3A_2500 = arith.xori %eq3A_2494, %or3A_2499 : vector<64x128xi1>
    %eq3A_2501 = arith.constant dense<true> : vector<64x128xi1>
    %eq3A_2502 = arith.xori %eq3A_2500, %eq3A_2501 : vector<64x128xi1>
    %select_n3A_2503 = arith.select %eq3A_2502, %select_n3A_2460, %select_n3A_2479 : vector<64x128xi1>, vector<64x128xi32>
    %select_n3A_2504 = arith.select %eq3A_2502, %select_n3A_2461, %select_n3A_2491 : vector<64x128xi1>, vector<64x128xi32>
    %and3A_2505 = arith.constant 2 : i32
    %and3A_2506 = vector.broadcast %and3A_2505 : i32 to vector<64x128xi32>
    %and3A_2507 = arith.andi %iota3A_1344, %and3A_2506 : vector<64x128xi32>
    %eq3A_2508 = arith.constant 0 : i32
    %eq3A_2509 = vector.broadcast %eq3A_2508 : i32 to vector<64x128xi32>
    %eq3A_2510 = arith.cmpi eq, %and3A_2507, %eq3A_2509 : vector<64x128xi32>
    %roll3A_2511 = arith.constant 126 : i32
    %roll3A_2512 = tpu.dynamic_rotate %select_n3A_2503 by %roll3A_2511 dim 1 : vector<64x128xi32>, i32 -> vector<64x128xi32>
    %roll3A_2513 = arith.constant 2 : i32
    %roll3A_2514 = tpu.dynamic_rotate %select_n3A_2503 by %roll3A_2513 dim 1 : vector<64x128xi32>, i32 -> vector<64x128xi32>
    %iota3A_2515 = tpu.iota {dimensions = array<i32: 1>} : vector<64x128xi32>
    %and3A_2516 = arith.constant 2 : i32
    %and3A_2517 = vector.broadcast %and3A_2516 : i32 to vector<64x128xi32>
    %and3A_2518 = arith.andi %iota3A_2515, %and3A_2517 : vector<64x128xi32>
    %eq3A_2519 = arith.constant 0 : i32
    %eq3A_2520 = vector.broadcast %eq3A_2519 : i32 to vector<64x128xi32>
    %eq3A_2521 = arith.cmpi eq, %and3A_2518, %eq3A_2520 : vector<64x128xi32>
    %select_n3A_2522 = arith.select %eq3A_2521, %roll3A_2512, %roll3A_2514 : vector<64x128xi1>, vector<64x128xi32>
    %roll3A_2523 = arith.constant 126 : i32
    %roll3A_2524 = tpu.dynamic_rotate %select_n3A_2504 by %roll3A_2523 dim 1 : vector<64x128xi32>, i32 -> vector<64x128xi32>
    %roll3A_2525 = arith.constant 2 : i32
    %roll3A_2526 = tpu.dynamic_rotate %select_n3A_2504 by %roll3A_2525 dim 1 : vector<64x128xi32>, i32 -> vector<64x128xi32>
    %iota3A_2527 = tpu.iota {dimensions = array<i32: 1>} : vector<64x128xi32>
    %and3A_2528 = arith.constant 2 : i32
    %and3A_2529 = vector.broadcast %and3A_2528 : i32 to vector<64x128xi32>
    %and3A_2530 = arith.andi %iota3A_2527, %and3A_2529 : vector<64x128xi32>
    %eq3A_2531 = arith.constant 0 : i32
    %eq3A_2532 = vector.broadcast %eq3A_2531 : i32 to vector<64x128xi32>
    %eq3A_2533 = arith.cmpi eq, %and3A_2530, %eq3A_2532 : vector<64x128xi32>
    %select_n3A_2534 = arith.select %eq3A_2533, %roll3A_2524, %roll3A_2526 : vector<64x128xi1>, vector<64x128xi32>
    %eq3A_2535 = arith.xori %eq3A_2289, %eq3A_2510 : vector<64x128xi1>
    %eq3A_2536 = arith.constant dense<true> : vector<64x128xi1>
    %eq3A_2537 = arith.xori %eq3A_2535, %eq3A_2536 : vector<64x128xi1>
    %gt3A_2538 = arith.cmpi sgt, %select_n3A_2503, %select_n3A_2522 : vector<64x128xi32>
    %eq3A_2539 = arith.cmpi eq, %select_n3A_2503, %select_n3A_2522 : vector<64x128xi32>
    %lt3A_2540 = arith.cmpi slt, %select_n3A_2504, %select_n3A_2534 : vector<64x128xi32>
    %and3A_2541 = arith.andi %eq3A_2539, %lt3A_2540 : vector<64x128xi1>
    %or3A_2542 = arith.ori %gt3A_2538, %and3A_2541 : vector<64x128xi1>
    %eq3A_2543 = arith.xori %eq3A_2537, %or3A_2542 : vector<64x128xi1>
    %eq3A_2544 = arith.constant dense<true> : vector<64x128xi1>
    %eq3A_2545 = arith.xori %eq3A_2543, %eq3A_2544 : vector<64x128xi1>
    %select_n3A_2546 = arith.select %eq3A_2545, %select_n3A_2503, %select_n3A_2522 : vector<64x128xi1>, vector<64x128xi32>
    %select_n3A_2547 = arith.select %eq3A_2545, %select_n3A_2504, %select_n3A_2534 : vector<64x128xi1>, vector<64x128xi32>
    %and3A_2548 = arith.constant 1 : i32
    %and3A_2549 = vector.broadcast %and3A_2548 : i32 to vector<64x128xi32>
    %and3A_2550 = arith.andi %iota3A_1344, %and3A_2549 : vector<64x128xi32>
    %eq3A_2551 = arith.constant 0 : i32
    %eq3A_2552 = vector.broadcast %eq3A_2551 : i32 to vector<64x128xi32>
    %eq3A_2553 = arith.cmpi eq, %and3A_2550, %eq3A_2552 : vector<64x128xi32>
    %roll3A_2554 = arith.constant 127 : i32
    %roll3A_2555 = tpu.dynamic_rotate %select_n3A_2546 by %roll3A_2554 dim 1 : vector<64x128xi32>, i32 -> vector<64x128xi32>
    %roll3A_2556 = arith.constant 1 : i32
    %roll3A_2557 = tpu.dynamic_rotate %select_n3A_2546 by %roll3A_2556 dim 1 : vector<64x128xi32>, i32 -> vector<64x128xi32>
    %iota3A_2558 = tpu.iota {dimensions = array<i32: 1>} : vector<64x128xi32>
    %and3A_2559 = arith.constant 1 : i32
    %and3A_2560 = vector.broadcast %and3A_2559 : i32 to vector<64x128xi32>
    %and3A_2561 = arith.andi %iota3A_2558, %and3A_2560 : vector<64x128xi32>
    %eq3A_2562 = arith.constant 0 : i32
    %eq3A_2563 = vector.broadcast %eq3A_2562 : i32 to vector<64x128xi32>
    %eq3A_2564 = arith.cmpi eq, %and3A_2561, %eq3A_2563 : vector<64x128xi32>
    %select_n3A_2565 = arith.select %eq3A_2564, %roll3A_2555, %roll3A_2557 : vector<64x128xi1>, vector<64x128xi32>
    %roll3A_2566 = arith.constant 127 : i32
    %roll3A_2567 = tpu.dynamic_rotate %select_n3A_2547 by %roll3A_2566 dim 1 : vector<64x128xi32>, i32 -> vector<64x128xi32>
    %roll3A_2568 = arith.constant 1 : i32
    %roll3A_2569 = tpu.dynamic_rotate %select_n3A_2547 by %roll3A_2568 dim 1 : vector<64x128xi32>, i32 -> vector<64x128xi32>
    %iota3A_2570 = tpu.iota {dimensions = array<i32: 1>} : vector<64x128xi32>
    %and3A_2571 = arith.constant 1 : i32
    %and3A_2572 = vector.broadcast %and3A_2571 : i32 to vector<64x128xi32>
    %and3A_2573 = arith.andi %iota3A_2570, %and3A_2572 : vector<64x128xi32>
    %eq3A_2574 = arith.constant 0 : i32
    %eq3A_2575 = vector.broadcast %eq3A_2574 : i32 to vector<64x128xi32>
    %eq3A_2576 = arith.cmpi eq, %and3A_2573, %eq3A_2575 : vector<64x128xi32>
    %select_n3A_2577 = arith.select %eq3A_2576, %roll3A_2567, %roll3A_2569 : vector<64x128xi1>, vector<64x128xi32>
    %eq3A_2578 = arith.xori %eq3A_2289, %eq3A_2553 : vector<64x128xi1>
    %eq3A_2579 = arith.constant dense<true> : vector<64x128xi1>
    %eq3A_2580 = arith.xori %eq3A_2578, %eq3A_2579 : vector<64x128xi1>
    %gt3A_2581 = arith.cmpi sgt, %select_n3A_2546, %select_n3A_2565 : vector<64x128xi32>
    %eq3A_2582 = arith.cmpi eq, %select_n3A_2546, %select_n3A_2565 : vector<64x128xi32>
    %lt3A_2583 = arith.cmpi slt, %select_n3A_2547, %select_n3A_2577 : vector<64x128xi32>
    %and3A_2584 = arith.andi %eq3A_2582, %lt3A_2583 : vector<64x128xi1>
    %or3A_2585 = arith.ori %gt3A_2581, %and3A_2584 : vector<64x128xi1>
    %eq3A_2586 = arith.xori %eq3A_2580, %or3A_2585 : vector<64x128xi1>
    %eq3A_2587 = arith.constant dense<true> : vector<64x128xi1>
    %eq3A_2588 = arith.xori %eq3A_2586, %eq3A_2587 : vector<64x128xi1>
    %select_n3A_2589 = arith.select %eq3A_2588, %select_n3A_2546, %select_n3A_2565 : vector<64x128xi1>, vector<64x128xi32>
    %select_n3A_2590 = arith.select %eq3A_2588, %select_n3A_2547, %select_n3A_2577 : vector<64x128xi1>, vector<64x128xi32>
    %and3A_2591 = arith.constant 2 : i32
    %and3A_2592 = vector.broadcast %and3A_2591 : i32 to vector<64x128xi32>
    %and3A_2593 = arith.andi %iota3A_1343, %and3A_2592 : vector<64x128xi32>
    %eq3A_2594 = arith.constant 0 : i32
    %eq3A_2595 = vector.broadcast %eq3A_2594 : i32 to vector<64x128xi32>
    %eq3A_2596 = arith.cmpi eq, %and3A_2593, %eq3A_2595 : vector<64x128xi32>
    %and3A_2597 = arith.constant 1 : i32
    %and3A_2598 = vector.broadcast %and3A_2597 : i32 to vector<64x128xi32>
    %and3A_2599 = arith.andi %iota3A_1343, %and3A_2598 : vector<64x128xi32>
    %eq3A_2600 = arith.constant 0 : i32
    %eq3A_2601 = vector.broadcast %eq3A_2600 : i32 to vector<64x128xi32>
    %eq3A_2602 = arith.cmpi eq, %and3A_2599, %eq3A_2601 : vector<64x128xi32>
    %roll3A_2603 = arith.constant 63 : i32
    %roll3A_2604 = tpu.dynamic_rotate %select_n3A_2589 by %roll3A_2603 dim 0 : vector<64x128xi32>, i32 -> vector<64x128xi32>
    %roll3A_2605 = arith.constant 1 : i32
    %roll3A_2606 = tpu.dynamic_rotate %select_n3A_2589 by %roll3A_2605 dim 0 : vector<64x128xi32>, i32 -> vector<64x128xi32>
    %iota3A_2607 = tpu.iota {dimensions = array<i32: 0>} : vector<64x128xi32>
    %and3A_2608 = arith.constant 1 : i32
    %and3A_2609 = vector.broadcast %and3A_2608 : i32 to vector<64x128xi32>
    %and3A_2610 = arith.andi %iota3A_2607, %and3A_2609 : vector<64x128xi32>
    %eq3A_2611 = arith.constant 0 : i32
    %eq3A_2612 = vector.broadcast %eq3A_2611 : i32 to vector<64x128xi32>
    %eq3A_2613 = arith.cmpi eq, %and3A_2610, %eq3A_2612 : vector<64x128xi32>
    %select_n3A_2614 = arith.select %eq3A_2613, %roll3A_2604, %roll3A_2606 : vector<64x128xi1>, vector<64x128xi32>
    %roll3A_2615 = arith.constant 63 : i32
    %roll3A_2616 = tpu.dynamic_rotate %select_n3A_2590 by %roll3A_2615 dim 0 : vector<64x128xi32>, i32 -> vector<64x128xi32>
    %roll3A_2617 = arith.constant 1 : i32
    %roll3A_2618 = tpu.dynamic_rotate %select_n3A_2590 by %roll3A_2617 dim 0 : vector<64x128xi32>, i32 -> vector<64x128xi32>
    %iota3A_2619 = tpu.iota {dimensions = array<i32: 0>} : vector<64x128xi32>
    %and3A_2620 = arith.constant 1 : i32
    %and3A_2621 = vector.broadcast %and3A_2620 : i32 to vector<64x128xi32>
    %and3A_2622 = arith.andi %iota3A_2619, %and3A_2621 : vector<64x128xi32>
    %eq3A_2623 = arith.constant 0 : i32
    %eq3A_2624 = vector.broadcast %eq3A_2623 : i32 to vector<64x128xi32>
    %eq3A_2625 = arith.cmpi eq, %and3A_2622, %eq3A_2624 : vector<64x128xi32>
    %select_n3A_2626 = arith.select %eq3A_2625, %roll3A_2616, %roll3A_2618 : vector<64x128xi1>, vector<64x128xi32>
    %eq3A_2627 = arith.xori %eq3A_2596, %eq3A_2602 : vector<64x128xi1>
    %eq3A_2628 = arith.constant dense<true> : vector<64x128xi1>
    %eq3A_2629 = arith.xori %eq3A_2627, %eq3A_2628 : vector<64x128xi1>
    %gt3A_2630 = arith.cmpi sgt, %select_n3A_2589, %select_n3A_2614 : vector<64x128xi32>
    %eq3A_2631 = arith.cmpi eq, %select_n3A_2589, %select_n3A_2614 : vector<64x128xi32>
    %lt3A_2632 = arith.cmpi slt, %select_n3A_2590, %select_n3A_2626 : vector<64x128xi32>
    %and3A_2633 = arith.andi %eq3A_2631, %lt3A_2632 : vector<64x128xi1>
    %or3A_2634 = arith.ori %gt3A_2630, %and3A_2633 : vector<64x128xi1>
    %eq3A_2635 = arith.xori %eq3A_2629, %or3A_2634 : vector<64x128xi1>
    %eq3A_2636 = arith.constant dense<true> : vector<64x128xi1>
    %eq3A_2637 = arith.xori %eq3A_2635, %eq3A_2636 : vector<64x128xi1>
    %select_n3A_2638 = arith.select %eq3A_2637, %select_n3A_2589, %select_n3A_2614 : vector<64x128xi1>, vector<64x128xi32>
    %select_n3A_2639 = arith.select %eq3A_2637, %select_n3A_2590, %select_n3A_2626 : vector<64x128xi1>, vector<64x128xi32>
    %and3A_2640 = arith.constant 64 : i32
    %and3A_2641 = vector.broadcast %and3A_2640 : i32 to vector<64x128xi32>
    %and3A_2642 = arith.andi %iota3A_1344, %and3A_2641 : vector<64x128xi32>
    %eq3A_2643 = arith.constant 0 : i32
    %eq3A_2644 = vector.broadcast %eq3A_2643 : i32 to vector<64x128xi32>
    %eq3A_2645 = arith.cmpi eq, %and3A_2642, %eq3A_2644 : vector<64x128xi32>
    %roll3A_2646 = arith.constant 64 : i32
    %roll3A_2647 = tpu.dynamic_rotate %select_n3A_2638 by %roll3A_2646 dim 1 : vector<64x128xi32>, i32 -> vector<64x128xi32>
    %roll3A_2648 = arith.constant 64 : i32
    %roll3A_2649 = tpu.dynamic_rotate %select_n3A_2638 by %roll3A_2648 dim 1 : vector<64x128xi32>, i32 -> vector<64x128xi32>
    %iota3A_2650 = tpu.iota {dimensions = array<i32: 1>} : vector<64x128xi32>
    %and3A_2651 = arith.constant 64 : i32
    %and3A_2652 = vector.broadcast %and3A_2651 : i32 to vector<64x128xi32>
    %and3A_2653 = arith.andi %iota3A_2650, %and3A_2652 : vector<64x128xi32>
    %eq3A_2654 = arith.constant 0 : i32
    %eq3A_2655 = vector.broadcast %eq3A_2654 : i32 to vector<64x128xi32>
    %eq3A_2656 = arith.cmpi eq, %and3A_2653, %eq3A_2655 : vector<64x128xi32>
    %select_n3A_2657 = arith.select %eq3A_2656, %roll3A_2647, %roll3A_2649 : vector<64x128xi1>, vector<64x128xi32>
    %roll3A_2658 = arith.constant 64 : i32
    %roll3A_2659 = tpu.dynamic_rotate %select_n3A_2639 by %roll3A_2658 dim 1 : vector<64x128xi32>, i32 -> vector<64x128xi32>
    %roll3A_2660 = arith.constant 64 : i32
    %roll3A_2661 = tpu.dynamic_rotate %select_n3A_2639 by %roll3A_2660 dim 1 : vector<64x128xi32>, i32 -> vector<64x128xi32>
    %iota3A_2662 = tpu.iota {dimensions = array<i32: 1>} : vector<64x128xi32>
    %and3A_2663 = arith.constant 64 : i32
    %and3A_2664 = vector.broadcast %and3A_2663 : i32 to vector<64x128xi32>
    %and3A_2665 = arith.andi %iota3A_2662, %and3A_2664 : vector<64x128xi32>
    %eq3A_2666 = arith.constant 0 : i32
    %eq3A_2667 = vector.broadcast %eq3A_2666 : i32 to vector<64x128xi32>
    %eq3A_2668 = arith.cmpi eq, %and3A_2665, %eq3A_2667 : vector<64x128xi32>
    %select_n3A_2669 = arith.select %eq3A_2668, %roll3A_2659, %roll3A_2661 : vector<64x128xi1>, vector<64x128xi32>
    %eq3A_2670 = arith.xori %eq3A_2596, %eq3A_2645 : vector<64x128xi1>
    %eq3A_2671 = arith.constant dense<true> : vector<64x128xi1>
    %eq3A_2672 = arith.xori %eq3A_2670, %eq3A_2671 : vector<64x128xi1>
    %gt3A_2673 = arith.cmpi sgt, %select_n3A_2638, %select_n3A_2657 : vector<64x128xi32>
    %eq3A_2674 = arith.cmpi eq, %select_n3A_2638, %select_n3A_2657 : vector<64x128xi32>
    %lt3A_2675 = arith.cmpi slt, %select_n3A_2639, %select_n3A_2669 : vector<64x128xi32>
    %and3A_2676 = arith.andi %eq3A_2674, %lt3A_2675 : vector<64x128xi1>
    %or3A_2677 = arith.ori %gt3A_2673, %and3A_2676 : vector<64x128xi1>
    %eq3A_2678 = arith.xori %eq3A_2672, %or3A_2677 : vector<64x128xi1>
    %eq3A_2679 = arith.constant dense<true> : vector<64x128xi1>
    %eq3A_2680 = arith.xori %eq3A_2678, %eq3A_2679 : vector<64x128xi1>
    %select_n3A_2681 = arith.select %eq3A_2680, %select_n3A_2638, %select_n3A_2657 : vector<64x128xi1>, vector<64x128xi32>
    %select_n3A_2682 = arith.select %eq3A_2680, %select_n3A_2639, %select_n3A_2669 : vector<64x128xi1>, vector<64x128xi32>
    %and3A_2683 = arith.constant 32 : i32
    %and3A_2684 = vector.broadcast %and3A_2683 : i32 to vector<64x128xi32>
    %and3A_2685 = arith.andi %iota3A_1344, %and3A_2684 : vector<64x128xi32>
    %eq3A_2686 = arith.constant 0 : i32
    %eq3A_2687 = vector.broadcast %eq3A_2686 : i32 to vector<64x128xi32>
    %eq3A_2688 = arith.cmpi eq, %and3A_2685, %eq3A_2687 : vector<64x128xi32>
    %roll3A_2689 = arith.constant 96 : i32
    %roll3A_2690 = tpu.dynamic_rotate %select_n3A_2681 by %roll3A_2689 dim 1 : vector<64x128xi32>, i32 -> vector<64x128xi32>
    %roll3A_2691 = arith.constant 32 : i32
    %roll3A_2692 = tpu.dynamic_rotate %select_n3A_2681 by %roll3A_2691 dim 1 : vector<64x128xi32>, i32 -> vector<64x128xi32>
    %iota3A_2693 = tpu.iota {dimensions = array<i32: 1>} : vector<64x128xi32>
    %and3A_2694 = arith.constant 32 : i32
    %and3A_2695 = vector.broadcast %and3A_2694 : i32 to vector<64x128xi32>
    %and3A_2696 = arith.andi %iota3A_2693, %and3A_2695 : vector<64x128xi32>
    %eq3A_2697 = arith.constant 0 : i32
    %eq3A_2698 = vector.broadcast %eq3A_2697 : i32 to vector<64x128xi32>
    %eq3A_2699 = arith.cmpi eq, %and3A_2696, %eq3A_2698 : vector<64x128xi32>
    %select_n3A_2700 = arith.select %eq3A_2699, %roll3A_2690, %roll3A_2692 : vector<64x128xi1>, vector<64x128xi32>
    %roll3A_2701 = arith.constant 96 : i32
    %roll3A_2702 = tpu.dynamic_rotate %select_n3A_2682 by %roll3A_2701 dim 1 : vector<64x128xi32>, i32 -> vector<64x128xi32>
    %roll3A_2703 = arith.constant 32 : i32
    %roll3A_2704 = tpu.dynamic_rotate %select_n3A_2682 by %roll3A_2703 dim 1 : vector<64x128xi32>, i32 -> vector<64x128xi32>
    %iota3A_2705 = tpu.iota {dimensions = array<i32: 1>} : vector<64x128xi32>
    %and3A_2706 = arith.constant 32 : i32
    %and3A_2707 = vector.broadcast %and3A_2706 : i32 to vector<64x128xi32>
    %and3A_2708 = arith.andi %iota3A_2705, %and3A_2707 : vector<64x128xi32>
    %eq3A_2709 = arith.constant 0 : i32
    %eq3A_2710 = vector.broadcast %eq3A_2709 : i32 to vector<64x128xi32>
    %eq3A_2711 = arith.cmpi eq, %and3A_2708, %eq3A_2710 : vector<64x128xi32>
    %select_n3A_2712 = arith.select %eq3A_2711, %roll3A_2702, %roll3A_2704 : vector<64x128xi1>, vector<64x128xi32>
    %eq3A_2713 = arith.xori %eq3A_2596, %eq3A_2688 : vector<64x128xi1>
    %eq3A_2714 = arith.constant dense<true> : vector<64x128xi1>
    %eq3A_2715 = arith.xori %eq3A_2713, %eq3A_2714 : vector<64x128xi1>
    %gt3A_2716 = arith.cmpi sgt, %select_n3A_2681, %select_n3A_2700 : vector<64x128xi32>
    %eq3A_2717 = arith.cmpi eq, %select_n3A_2681, %select_n3A_2700 : vector<64x128xi32>
    %lt3A_2718 = arith.cmpi slt, %select_n3A_2682, %select_n3A_2712 : vector<64x128xi32>
    %and3A_2719 = arith.andi %eq3A_2717, %lt3A_2718 : vector<64x128xi1>
    %or3A_2720 = arith.ori %gt3A_2716, %and3A_2719 : vector<64x128xi1>
    %eq3A_2721 = arith.xori %eq3A_2715, %or3A_2720 : vector<64x128xi1>
    %eq3A_2722 = arith.constant dense<true> : vector<64x128xi1>
    %eq3A_2723 = arith.xori %eq3A_2721, %eq3A_2722 : vector<64x128xi1>
    %select_n3A_2724 = arith.select %eq3A_2723, %select_n3A_2681, %select_n3A_2700 : vector<64x128xi1>, vector<64x128xi32>
    %select_n3A_2725 = arith.select %eq3A_2723, %select_n3A_2682, %select_n3A_2712 : vector<64x128xi1>, vector<64x128xi32>
    %and3A_2726 = arith.constant 16 : i32
    %and3A_2727 = vector.broadcast %and3A_2726 : i32 to vector<64x128xi32>
    %and3A_2728 = arith.andi %iota3A_1344, %and3A_2727 : vector<64x128xi32>
    %eq3A_2729 = arith.constant 0 : i32
    %eq3A_2730 = vector.broadcast %eq3A_2729 : i32 to vector<64x128xi32>
    %eq3A_2731 = arith.cmpi eq, %and3A_2728, %eq3A_2730 : vector<64x128xi32>
    %roll3A_2732 = arith.constant 112 : i32
    %roll3A_2733 = tpu.dynamic_rotate %select_n3A_2724 by %roll3A_2732 dim 1 : vector<64x128xi32>, i32 -> vector<64x128xi32>
    %roll3A_2734 = arith.constant 16 : i32
    %roll3A_2735 = tpu.dynamic_rotate %select_n3A_2724 by %roll3A_2734 dim 1 : vector<64x128xi32>, i32 -> vector<64x128xi32>
    %iota3A_2736 = tpu.iota {dimensions = array<i32: 1>} : vector<64x128xi32>
    %and3A_2737 = arith.constant 16 : i32
    %and3A_2738 = vector.broadcast %and3A_2737 : i32 to vector<64x128xi32>
    %and3A_2739 = arith.andi %iota3A_2736, %and3A_2738 : vector<64x128xi32>
    %eq3A_2740 = arith.constant 0 : i32
    %eq3A_2741 = vector.broadcast %eq3A_2740 : i32 to vector<64x128xi32>
    %eq3A_2742 = arith.cmpi eq, %and3A_2739, %eq3A_2741 : vector<64x128xi32>
    %select_n3A_2743 = arith.select %eq3A_2742, %roll3A_2733, %roll3A_2735 : vector<64x128xi1>, vector<64x128xi32>
    %roll3A_2744 = arith.constant 112 : i32
    %roll3A_2745 = tpu.dynamic_rotate %select_n3A_2725 by %roll3A_2744 dim 1 : vector<64x128xi32>, i32 -> vector<64x128xi32>
    %roll3A_2746 = arith.constant 16 : i32
    %roll3A_2747 = tpu.dynamic_rotate %select_n3A_2725 by %roll3A_2746 dim 1 : vector<64x128xi32>, i32 -> vector<64x128xi32>
    %iota3A_2748 = tpu.iota {dimensions = array<i32: 1>} : vector<64x128xi32>
    %and3A_2749 = arith.constant 16 : i32
    %and3A_2750 = vector.broadcast %and3A_2749 : i32 to vector<64x128xi32>
    %and3A_2751 = arith.andi %iota3A_2748, %and3A_2750 : vector<64x128xi32>
    %eq3A_2752 = arith.constant 0 : i32
    %eq3A_2753 = vector.broadcast %eq3A_2752 : i32 to vector<64x128xi32>
    %eq3A_2754 = arith.cmpi eq, %and3A_2751, %eq3A_2753 : vector<64x128xi32>
    %select_n3A_2755 = arith.select %eq3A_2754, %roll3A_2745, %roll3A_2747 : vector<64x128xi1>, vector<64x128xi32>
    %eq3A_2756 = arith.xori %eq3A_2596, %eq3A_2731 : vector<64x128xi1>
    %eq3A_2757 = arith.constant dense<true> : vector<64x128xi1>
    %eq3A_2758 = arith.xori %eq3A_2756, %eq3A_2757 : vector<64x128xi1>
    %gt3A_2759 = arith.cmpi sgt, %select_n3A_2724, %select_n3A_2743 : vector<64x128xi32>
    %eq3A_2760 = arith.cmpi eq, %select_n3A_2724, %select_n3A_2743 : vector<64x128xi32>
    %lt3A_2761 = arith.cmpi slt, %select_n3A_2725, %select_n3A_2755 : vector<64x128xi32>
    %and3A_2762 = arith.andi %eq3A_2760, %lt3A_2761 : vector<64x128xi1>
    %or3A_2763 = arith.ori %gt3A_2759, %and3A_2762 : vector<64x128xi1>
    %eq3A_2764 = arith.xori %eq3A_2758, %or3A_2763 : vector<64x128xi1>
    %eq3A_2765 = arith.constant dense<true> : vector<64x128xi1>
    %eq3A_2766 = arith.xori %eq3A_2764, %eq3A_2765 : vector<64x128xi1>
    %select_n3A_2767 = arith.select %eq3A_2766, %select_n3A_2724, %select_n3A_2743 : vector<64x128xi1>, vector<64x128xi32>
    %select_n3A_2768 = arith.select %eq3A_2766, %select_n3A_2725, %select_n3A_2755 : vector<64x128xi1>, vector<64x128xi32>
    %and3A_2769 = arith.constant 8 : i32
    %and3A_2770 = vector.broadcast %and3A_2769 : i32 to vector<64x128xi32>
    %and3A_2771 = arith.andi %iota3A_1344, %and3A_2770 : vector<64x128xi32>
    %eq3A_2772 = arith.constant 0 : i32
    %eq3A_2773 = vector.broadcast %eq3A_2772 : i32 to vector<64x128xi32>
    %eq3A_2774 = arith.cmpi eq, %and3A_2771, %eq3A_2773 : vector<64x128xi32>
    %roll3A_2775 = arith.constant 120 : i32
    %roll3A_2776 = tpu.dynamic_rotate %select_n3A_2767 by %roll3A_2775 dim 1 : vector<64x128xi32>, i32 -> vector<64x128xi32>
    %roll3A_2777 = arith.constant 8 : i32
    %roll3A_2778 = tpu.dynamic_rotate %select_n3A_2767 by %roll3A_2777 dim 1 : vector<64x128xi32>, i32 -> vector<64x128xi32>
    %iota3A_2779 = tpu.iota {dimensions = array<i32: 1>} : vector<64x128xi32>
    %and3A_2780 = arith.constant 8 : i32
    %and3A_2781 = vector.broadcast %and3A_2780 : i32 to vector<64x128xi32>
    %and3A_2782 = arith.andi %iota3A_2779, %and3A_2781 : vector<64x128xi32>
    %eq3A_2783 = arith.constant 0 : i32
    %eq3A_2784 = vector.broadcast %eq3A_2783 : i32 to vector<64x128xi32>
    %eq3A_2785 = arith.cmpi eq, %and3A_2782, %eq3A_2784 : vector<64x128xi32>
    %select_n3A_2786 = arith.select %eq3A_2785, %roll3A_2776, %roll3A_2778 : vector<64x128xi1>, vector<64x128xi32>
    %roll3A_2787 = arith.constant 120 : i32
    %roll3A_2788 = tpu.dynamic_rotate %select_n3A_2768 by %roll3A_2787 dim 1 : vector<64x128xi32>, i32 -> vector<64x128xi32>
    %roll3A_2789 = arith.constant 8 : i32
    %roll3A_2790 = tpu.dynamic_rotate %select_n3A_2768 by %roll3A_2789 dim 1 : vector<64x128xi32>, i32 -> vector<64x128xi32>
    %iota3A_2791 = tpu.iota {dimensions = array<i32: 1>} : vector<64x128xi32>
    %and3A_2792 = arith.constant 8 : i32
    %and3A_2793 = vector.broadcast %and3A_2792 : i32 to vector<64x128xi32>
    %and3A_2794 = arith.andi %iota3A_2791, %and3A_2793 : vector<64x128xi32>
    %eq3A_2795 = arith.constant 0 : i32
    %eq3A_2796 = vector.broadcast %eq3A_2795 : i32 to vector<64x128xi32>
    %eq3A_2797 = arith.cmpi eq, %and3A_2794, %eq3A_2796 : vector<64x128xi32>
    %select_n3A_2798 = arith.select %eq3A_2797, %roll3A_2788, %roll3A_2790 : vector<64x128xi1>, vector<64x128xi32>
    %eq3A_2799 = arith.xori %eq3A_2596, %eq3A_2774 : vector<64x128xi1>
    %eq3A_2800 = arith.constant dense<true> : vector<64x128xi1>
    %eq3A_2801 = arith.xori %eq3A_2799, %eq3A_2800 : vector<64x128xi1>
    %gt3A_2802 = arith.cmpi sgt, %select_n3A_2767, %select_n3A_2786 : vector<64x128xi32>
    %eq3A_2803 = arith.cmpi eq, %select_n3A_2767, %select_n3A_2786 : vector<64x128xi32>
    %lt3A_2804 = arith.cmpi slt, %select_n3A_2768, %select_n3A_2798 : vector<64x128xi32>
    %and3A_2805 = arith.andi %eq3A_2803, %lt3A_2804 : vector<64x128xi1>
    %or3A_2806 = arith.ori %gt3A_2802, %and3A_2805 : vector<64x128xi1>
    %eq3A_2807 = arith.xori %eq3A_2801, %or3A_2806 : vector<64x128xi1>
    %eq3A_2808 = arith.constant dense<true> : vector<64x128xi1>
    %eq3A_2809 = arith.xori %eq3A_2807, %eq3A_2808 : vector<64x128xi1>
    %select_n3A_2810 = arith.select %eq3A_2809, %select_n3A_2767, %select_n3A_2786 : vector<64x128xi1>, vector<64x128xi32>
    %select_n3A_2811 = arith.select %eq3A_2809, %select_n3A_2768, %select_n3A_2798 : vector<64x128xi1>, vector<64x128xi32>
    %and3A_2812 = arith.constant 4 : i32
    %and3A_2813 = vector.broadcast %and3A_2812 : i32 to vector<64x128xi32>
    %and3A_2814 = arith.andi %iota3A_1344, %and3A_2813 : vector<64x128xi32>
    %eq3A_2815 = arith.constant 0 : i32
    %eq3A_2816 = vector.broadcast %eq3A_2815 : i32 to vector<64x128xi32>
    %eq3A_2817 = arith.cmpi eq, %and3A_2814, %eq3A_2816 : vector<64x128xi32>
    %roll3A_2818 = arith.constant 124 : i32
    %roll3A_2819 = tpu.dynamic_rotate %select_n3A_2810 by %roll3A_2818 dim 1 : vector<64x128xi32>, i32 -> vector<64x128xi32>
    %roll3A_2820 = arith.constant 4 : i32
    %roll3A_2821 = tpu.dynamic_rotate %select_n3A_2810 by %roll3A_2820 dim 1 : vector<64x128xi32>, i32 -> vector<64x128xi32>
    %iota3A_2822 = tpu.iota {dimensions = array<i32: 1>} : vector<64x128xi32>
    %and3A_2823 = arith.constant 4 : i32
    %and3A_2824 = vector.broadcast %and3A_2823 : i32 to vector<64x128xi32>
    %and3A_2825 = arith.andi %iota3A_2822, %and3A_2824 : vector<64x128xi32>
    %eq3A_2826 = arith.constant 0 : i32
    %eq3A_2827 = vector.broadcast %eq3A_2826 : i32 to vector<64x128xi32>
    %eq3A_2828 = arith.cmpi eq, %and3A_2825, %eq3A_2827 : vector<64x128xi32>
    %select_n3A_2829 = arith.select %eq3A_2828, %roll3A_2819, %roll3A_2821 : vector<64x128xi1>, vector<64x128xi32>
    %roll3A_2830 = arith.constant 124 : i32
    %roll3A_2831 = tpu.dynamic_rotate %select_n3A_2811 by %roll3A_2830 dim 1 : vector<64x128xi32>, i32 -> vector<64x128xi32>
    %roll3A_2832 = arith.constant 4 : i32
    %roll3A_2833 = tpu.dynamic_rotate %select_n3A_2811 by %roll3A_2832 dim 1 : vector<64x128xi32>, i32 -> vector<64x128xi32>
    %iota3A_2834 = tpu.iota {dimensions = array<i32: 1>} : vector<64x128xi32>
    %and3A_2835 = arith.constant 4 : i32
    %and3A_2836 = vector.broadcast %and3A_2835 : i32 to vector<64x128xi32>
    %and3A_2837 = arith.andi %iota3A_2834, %and3A_2836 : vector<64x128xi32>
    %eq3A_2838 = arith.constant 0 : i32
    %eq3A_2839 = vector.broadcast %eq3A_2838 : i32 to vector<64x128xi32>
    %eq3A_2840 = arith.cmpi eq, %and3A_2837, %eq3A_2839 : vector<64x128xi32>
    %select_n3A_2841 = arith.select %eq3A_2840, %roll3A_2831, %roll3A_2833 : vector<64x128xi1>, vector<64x128xi32>
    %eq3A_2842 = arith.xori %eq3A_2596, %eq3A_2817 : vector<64x128xi1>
    %eq3A_2843 = arith.constant dense<true> : vector<64x128xi1>
    %eq3A_2844 = arith.xori %eq3A_2842, %eq3A_2843 : vector<64x128xi1>
    %gt3A_2845 = arith.cmpi sgt, %select_n3A_2810, %select_n3A_2829 : vector<64x128xi32>
    %eq3A_2846 = arith.cmpi eq, %select_n3A_2810, %select_n3A_2829 : vector<64x128xi32>
    %lt3A_2847 = arith.cmpi slt, %select_n3A_2811, %select_n3A_2841 : vector<64x128xi32>
    %and3A_2848 = arith.andi %eq3A_2846, %lt3A_2847 : vector<64x128xi1>
    %or3A_2849 = arith.ori %gt3A_2845, %and3A_2848 : vector<64x128xi1>
    %eq3A_2850 = arith.xori %eq3A_2844, %or3A_2849 : vector<64x128xi1>
    %eq3A_2851 = arith.constant dense<true> : vector<64x128xi1>
    %eq3A_2852 = arith.xori %eq3A_2850, %eq3A_2851 : vector<64x128xi1>
    %select_n3A_2853 = arith.select %eq3A_2852, %select_n3A_2810, %select_n3A_2829 : vector<64x128xi1>, vector<64x128xi32>
    %select_n3A_2854 = arith.select %eq3A_2852, %select_n3A_2811, %select_n3A_2841 : vector<64x128xi1>, vector<64x128xi32>
    %and3A_2855 = arith.constant 2 : i32
    %and3A_2856 = vector.broadcast %and3A_2855 : i32 to vector<64x128xi32>
    %and3A_2857 = arith.andi %iota3A_1344, %and3A_2856 : vector<64x128xi32>
    %eq3A_2858 = arith.constant 0 : i32
    %eq3A_2859 = vector.broadcast %eq3A_2858 : i32 to vector<64x128xi32>
    %eq3A_2860 = arith.cmpi eq, %and3A_2857, %eq3A_2859 : vector<64x128xi32>
    %roll3A_2861 = arith.constant 126 : i32
    %roll3A_2862 = tpu.dynamic_rotate %select_n3A_2853 by %roll3A_2861 dim 1 : vector<64x128xi32>, i32 -> vector<64x128xi32>
    %roll3A_2863 = arith.constant 2 : i32
    %roll3A_2864 = tpu.dynamic_rotate %select_n3A_2853 by %roll3A_2863 dim 1 : vector<64x128xi32>, i32 -> vector<64x128xi32>
    %iota3A_2865 = tpu.iota {dimensions = array<i32: 1>} : vector<64x128xi32>
    %and3A_2866 = arith.constant 2 : i32
    %and3A_2867 = vector.broadcast %and3A_2866 : i32 to vector<64x128xi32>
    %and3A_2868 = arith.andi %iota3A_2865, %and3A_2867 : vector<64x128xi32>
    %eq3A_2869 = arith.constant 0 : i32
    %eq3A_2870 = vector.broadcast %eq3A_2869 : i32 to vector<64x128xi32>
    %eq3A_2871 = arith.cmpi eq, %and3A_2868, %eq3A_2870 : vector<64x128xi32>
    %select_n3A_2872 = arith.select %eq3A_2871, %roll3A_2862, %roll3A_2864 : vector<64x128xi1>, vector<64x128xi32>
    %roll3A_2873 = arith.constant 126 : i32
    %roll3A_2874 = tpu.dynamic_rotate %select_n3A_2854 by %roll3A_2873 dim 1 : vector<64x128xi32>, i32 -> vector<64x128xi32>
    %roll3A_2875 = arith.constant 2 : i32
    %roll3A_2876 = tpu.dynamic_rotate %select_n3A_2854 by %roll3A_2875 dim 1 : vector<64x128xi32>, i32 -> vector<64x128xi32>
    %iota3A_2877 = tpu.iota {dimensions = array<i32: 1>} : vector<64x128xi32>
    %and3A_2878 = arith.constant 2 : i32
    %and3A_2879 = vector.broadcast %and3A_2878 : i32 to vector<64x128xi32>
    %and3A_2880 = arith.andi %iota3A_2877, %and3A_2879 : vector<64x128xi32>
    %eq3A_2881 = arith.constant 0 : i32
    %eq3A_2882 = vector.broadcast %eq3A_2881 : i32 to vector<64x128xi32>
    %eq3A_2883 = arith.cmpi eq, %and3A_2880, %eq3A_2882 : vector<64x128xi32>
    %select_n3A_2884 = arith.select %eq3A_2883, %roll3A_2874, %roll3A_2876 : vector<64x128xi1>, vector<64x128xi32>
    %eq3A_2885 = arith.xori %eq3A_2596, %eq3A_2860 : vector<64x128xi1>
    %eq3A_2886 = arith.constant dense<true> : vector<64x128xi1>
    %eq3A_2887 = arith.xori %eq3A_2885, %eq3A_2886 : vector<64x128xi1>
    %gt3A_2888 = arith.cmpi sgt, %select_n3A_2853, %select_n3A_2872 : vector<64x128xi32>
    %eq3A_2889 = arith.cmpi eq, %select_n3A_2853, %select_n3A_2872 : vector<64x128xi32>
    %lt3A_2890 = arith.cmpi slt, %select_n3A_2854, %select_n3A_2884 : vector<64x128xi32>
    %and3A_2891 = arith.andi %eq3A_2889, %lt3A_2890 : vector<64x128xi1>
    %or3A_2892 = arith.ori %gt3A_2888, %and3A_2891 : vector<64x128xi1>
    %eq3A_2893 = arith.xori %eq3A_2887, %or3A_2892 : vector<64x128xi1>
    %eq3A_2894 = arith.constant dense<true> : vector<64x128xi1>
    %eq3A_2895 = arith.xori %eq3A_2893, %eq3A_2894 : vector<64x128xi1>
    %select_n3A_2896 = arith.select %eq3A_2895, %select_n3A_2853, %select_n3A_2872 : vector<64x128xi1>, vector<64x128xi32>
    %select_n3A_2897 = arith.select %eq3A_2895, %select_n3A_2854, %select_n3A_2884 : vector<64x128xi1>, vector<64x128xi32>
    %and3A_2898 = arith.constant 1 : i32
    %and3A_2899 = vector.broadcast %and3A_2898 : i32 to vector<64x128xi32>
    %and3A_2900 = arith.andi %iota3A_1344, %and3A_2899 : vector<64x128xi32>
    %eq3A_2901 = arith.constant 0 : i32
    %eq3A_2902 = vector.broadcast %eq3A_2901 : i32 to vector<64x128xi32>
    %eq3A_2903 = arith.cmpi eq, %and3A_2900, %eq3A_2902 : vector<64x128xi32>
    %roll3A_2904 = arith.constant 127 : i32
    %roll3A_2905 = tpu.dynamic_rotate %select_n3A_2896 by %roll3A_2904 dim 1 : vector<64x128xi32>, i32 -> vector<64x128xi32>
    %roll3A_2906 = arith.constant 1 : i32
    %roll3A_2907 = tpu.dynamic_rotate %select_n3A_2896 by %roll3A_2906 dim 1 : vector<64x128xi32>, i32 -> vector<64x128xi32>
    %iota3A_2908 = tpu.iota {dimensions = array<i32: 1>} : vector<64x128xi32>
    %and3A_2909 = arith.constant 1 : i32
    %and3A_2910 = vector.broadcast %and3A_2909 : i32 to vector<64x128xi32>
    %and3A_2911 = arith.andi %iota3A_2908, %and3A_2910 : vector<64x128xi32>
    %eq3A_2912 = arith.constant 0 : i32
    %eq3A_2913 = vector.broadcast %eq3A_2912 : i32 to vector<64x128xi32>
    %eq3A_2914 = arith.cmpi eq, %and3A_2911, %eq3A_2913 : vector<64x128xi32>
    %select_n3A_2915 = arith.select %eq3A_2914, %roll3A_2905, %roll3A_2907 : vector<64x128xi1>, vector<64x128xi32>
    %roll3A_2916 = arith.constant 127 : i32
    %roll3A_2917 = tpu.dynamic_rotate %select_n3A_2897 by %roll3A_2916 dim 1 : vector<64x128xi32>, i32 -> vector<64x128xi32>
    %roll3A_2918 = arith.constant 1 : i32
    %roll3A_2919 = tpu.dynamic_rotate %select_n3A_2897 by %roll3A_2918 dim 1 : vector<64x128xi32>, i32 -> vector<64x128xi32>
    %iota3A_2920 = tpu.iota {dimensions = array<i32: 1>} : vector<64x128xi32>
    %and3A_2921 = arith.constant 1 : i32
    %and3A_2922 = vector.broadcast %and3A_2921 : i32 to vector<64x128xi32>
    %and3A_2923 = arith.andi %iota3A_2920, %and3A_2922 : vector<64x128xi32>
    %eq3A_2924 = arith.constant 0 : i32
    %eq3A_2925 = vector.broadcast %eq3A_2924 : i32 to vector<64x128xi32>
    %eq3A_2926 = arith.cmpi eq, %and3A_2923, %eq3A_2925 : vector<64x128xi32>
    %select_n3A_2927 = arith.select %eq3A_2926, %roll3A_2917, %roll3A_2919 : vector<64x128xi1>, vector<64x128xi32>
    %eq3A_2928 = arith.xori %eq3A_2596, %eq3A_2903 : vector<64x128xi1>
    %eq3A_2929 = arith.constant dense<true> : vector<64x128xi1>
    %eq3A_2930 = arith.xori %eq3A_2928, %eq3A_2929 : vector<64x128xi1>
    %gt3A_2931 = arith.cmpi sgt, %select_n3A_2896, %select_n3A_2915 : vector<64x128xi32>
    %eq3A_2932 = arith.cmpi eq, %select_n3A_2896, %select_n3A_2915 : vector<64x128xi32>
    %lt3A_2933 = arith.cmpi slt, %select_n3A_2897, %select_n3A_2927 : vector<64x128xi32>
    %and3A_2934 = arith.andi %eq3A_2932, %lt3A_2933 : vector<64x128xi1>
    %or3A_2935 = arith.ori %gt3A_2931, %and3A_2934 : vector<64x128xi1>
    %eq3A_2936 = arith.xori %eq3A_2930, %or3A_2935 : vector<64x128xi1>
    %eq3A_2937 = arith.constant dense<true> : vector<64x128xi1>
    %eq3A_2938 = arith.xori %eq3A_2936, %eq3A_2937 : vector<64x128xi1>
    %select_n3A_2939 = arith.select %eq3A_2938, %select_n3A_2896, %select_n3A_2915 : vector<64x128xi1>, vector<64x128xi32>
    %select_n3A_2940 = arith.select %eq3A_2938, %select_n3A_2897, %select_n3A_2927 : vector<64x128xi1>, vector<64x128xi32>
    %and3A_2941 = arith.constant 4 : i32
    %and3A_2942 = vector.broadcast %and3A_2941 : i32 to vector<64x128xi32>
    %and3A_2943 = arith.andi %iota3A_1343, %and3A_2942 : vector<64x128xi32>
    %eq3A_2944 = arith.constant 0 : i32
    %eq3A_2945 = vector.broadcast %eq3A_2944 : i32 to vector<64x128xi32>
    %eq3A_2946 = arith.cmpi eq, %and3A_2943, %eq3A_2945 : vector<64x128xi32>
    %and3A_2947 = arith.constant 2 : i32
    %and3A_2948 = vector.broadcast %and3A_2947 : i32 to vector<64x128xi32>
    %and3A_2949 = arith.andi %iota3A_1343, %and3A_2948 : vector<64x128xi32>
    %eq3A_2950 = arith.constant 0 : i32
    %eq3A_2951 = vector.broadcast %eq3A_2950 : i32 to vector<64x128xi32>
    %eq3A_2952 = arith.cmpi eq, %and3A_2949, %eq3A_2951 : vector<64x128xi32>
    %roll3A_2953 = arith.constant 62 : i32
    %roll3A_2954 = tpu.dynamic_rotate %select_n3A_2939 by %roll3A_2953 dim 0 : vector<64x128xi32>, i32 -> vector<64x128xi32>
    %roll3A_2955 = arith.constant 2 : i32
    %roll3A_2956 = tpu.dynamic_rotate %select_n3A_2939 by %roll3A_2955 dim 0 : vector<64x128xi32>, i32 -> vector<64x128xi32>
    %iota3A_2957 = tpu.iota {dimensions = array<i32: 0>} : vector<64x128xi32>
    %and3A_2958 = arith.constant 2 : i32
    %and3A_2959 = vector.broadcast %and3A_2958 : i32 to vector<64x128xi32>
    %and3A_2960 = arith.andi %iota3A_2957, %and3A_2959 : vector<64x128xi32>
    %eq3A_2961 = arith.constant 0 : i32
    %eq3A_2962 = vector.broadcast %eq3A_2961 : i32 to vector<64x128xi32>
    %eq3A_2963 = arith.cmpi eq, %and3A_2960, %eq3A_2962 : vector<64x128xi32>
    %select_n3A_2964 = arith.select %eq3A_2963, %roll3A_2954, %roll3A_2956 : vector<64x128xi1>, vector<64x128xi32>
    %roll3A_2965 = arith.constant 62 : i32
    %roll3A_2966 = tpu.dynamic_rotate %select_n3A_2940 by %roll3A_2965 dim 0 : vector<64x128xi32>, i32 -> vector<64x128xi32>
    %roll3A_2967 = arith.constant 2 : i32
    %roll3A_2968 = tpu.dynamic_rotate %select_n3A_2940 by %roll3A_2967 dim 0 : vector<64x128xi32>, i32 -> vector<64x128xi32>
    %iota3A_2969 = tpu.iota {dimensions = array<i32: 0>} : vector<64x128xi32>
    %and3A_2970 = arith.constant 2 : i32
    %and3A_2971 = vector.broadcast %and3A_2970 : i32 to vector<64x128xi32>
    %and3A_2972 = arith.andi %iota3A_2969, %and3A_2971 : vector<64x128xi32>
    %eq3A_2973 = arith.constant 0 : i32
    %eq3A_2974 = vector.broadcast %eq3A_2973 : i32 to vector<64x128xi32>
    %eq3A_2975 = arith.cmpi eq, %and3A_2972, %eq3A_2974 : vector<64x128xi32>
    %select_n3A_2976 = arith.select %eq3A_2975, %roll3A_2966, %roll3A_2968 : vector<64x128xi1>, vector<64x128xi32>
    %eq3A_2977 = arith.xori %eq3A_2946, %eq3A_2952 : vector<64x128xi1>
    %eq3A_2978 = arith.constant dense<true> : vector<64x128xi1>
    %eq3A_2979 = arith.xori %eq3A_2977, %eq3A_2978 : vector<64x128xi1>
    %gt3A_2980 = arith.cmpi sgt, %select_n3A_2939, %select_n3A_2964 : vector<64x128xi32>
    %eq3A_2981 = arith.cmpi eq, %select_n3A_2939, %select_n3A_2964 : vector<64x128xi32>
    %lt3A_2982 = arith.cmpi slt, %select_n3A_2940, %select_n3A_2976 : vector<64x128xi32>
    %and3A_2983 = arith.andi %eq3A_2981, %lt3A_2982 : vector<64x128xi1>
    %or3A_2984 = arith.ori %gt3A_2980, %and3A_2983 : vector<64x128xi1>
    %eq3A_2985 = arith.xori %eq3A_2979, %or3A_2984 : vector<64x128xi1>
    %eq3A_2986 = arith.constant dense<true> : vector<64x128xi1>
    %eq3A_2987 = arith.xori %eq3A_2985, %eq3A_2986 : vector<64x128xi1>
    %select_n3A_2988 = arith.select %eq3A_2987, %select_n3A_2939, %select_n3A_2964 : vector<64x128xi1>, vector<64x128xi32>
    %select_n3A_2989 = arith.select %eq3A_2987, %select_n3A_2940, %select_n3A_2976 : vector<64x128xi1>, vector<64x128xi32>
    %and3A_2990 = arith.constant 1 : i32
    %and3A_2991 = vector.broadcast %and3A_2990 : i32 to vector<64x128xi32>
    %and3A_2992 = arith.andi %iota3A_1343, %and3A_2991 : vector<64x128xi32>
    %eq3A_2993 = arith.constant 0 : i32
    %eq3A_2994 = vector.broadcast %eq3A_2993 : i32 to vector<64x128xi32>
    %eq3A_2995 = arith.cmpi eq, %and3A_2992, %eq3A_2994 : vector<64x128xi32>
    %roll3A_2996 = arith.constant 63 : i32
    %roll3A_2997 = tpu.dynamic_rotate %select_n3A_2988 by %roll3A_2996 dim 0 : vector<64x128xi32>, i32 -> vector<64x128xi32>
    %roll3A_2998 = arith.constant 1 : i32
    %roll3A_2999 = tpu.dynamic_rotate %select_n3A_2988 by %roll3A_2998 dim 0 : vector<64x128xi32>, i32 -> vector<64x128xi32>
    %iota3A_3000 = tpu.iota {dimensions = array<i32: 0>} : vector<64x128xi32>
    %and3A_3001 = arith.constant 1 : i32
    %and3A_3002 = vector.broadcast %and3A_3001 : i32 to vector<64x128xi32>
    %and3A_3003 = arith.andi %iota3A_3000, %and3A_3002 : vector<64x128xi32>
    %eq3A_3004 = arith.constant 0 : i32
    %eq3A_3005 = vector.broadcast %eq3A_3004 : i32 to vector<64x128xi32>
    %eq3A_3006 = arith.cmpi eq, %and3A_3003, %eq3A_3005 : vector<64x128xi32>
    %select_n3A_3007 = arith.select %eq3A_3006, %roll3A_2997, %roll3A_2999 : vector<64x128xi1>, vector<64x128xi32>
    %roll3A_3008 = arith.constant 63 : i32
    %roll3A_3009 = tpu.dynamic_rotate %select_n3A_2989 by %roll3A_3008 dim 0 : vector<64x128xi32>, i32 -> vector<64x128xi32>
    %roll3A_3010 = arith.constant 1 : i32
    %roll3A_3011 = tpu.dynamic_rotate %select_n3A_2989 by %roll3A_3010 dim 0 : vector<64x128xi32>, i32 -> vector<64x128xi32>
    %iota3A_3012 = tpu.iota {dimensions = array<i32: 0>} : vector<64x128xi32>
    %and3A_3013 = arith.constant 1 : i32
    %and3A_3014 = vector.broadcast %and3A_3013 : i32 to vector<64x128xi32>
    %and3A_3015 = arith.andi %iota3A_3012, %and3A_3014 : vector<64x128xi32>
    %eq3A_3016 = arith.constant 0 : i32
    %eq3A_3017 = vector.broadcast %eq3A_3016 : i32 to vector<64x128xi32>
    %eq3A_3018 = arith.cmpi eq, %and3A_3015, %eq3A_3017 : vector<64x128xi32>
    %select_n3A_3019 = arith.select %eq3A_3018, %roll3A_3009, %roll3A_3011 : vector<64x128xi1>, vector<64x128xi32>
    %eq3A_3020 = arith.xori %eq3A_2946, %eq3A_2995 : vector<64x128xi1>
    %eq3A_3021 = arith.constant dense<true> : vector<64x128xi1>
    %eq3A_3022 = arith.xori %eq3A_3020, %eq3A_3021 : vector<64x128xi1>
    %gt3A_3023 = arith.cmpi sgt, %select_n3A_2988, %select_n3A_3007 : vector<64x128xi32>
    %eq3A_3024 = arith.cmpi eq, %select_n3A_2988, %select_n3A_3007 : vector<64x128xi32>
    %lt3A_3025 = arith.cmpi slt, %select_n3A_2989, %select_n3A_3019 : vector<64x128xi32>
    %and3A_3026 = arith.andi %eq3A_3024, %lt3A_3025 : vector<64x128xi1>
    %or3A_3027 = arith.ori %gt3A_3023, %and3A_3026 : vector<64x128xi1>
    %eq3A_3028 = arith.xori %eq3A_3022, %or3A_3027 : vector<64x128xi1>
    %eq3A_3029 = arith.constant dense<true> : vector<64x128xi1>
    %eq3A_3030 = arith.xori %eq3A_3028, %eq3A_3029 : vector<64x128xi1>
    %select_n3A_3031 = arith.select %eq3A_3030, %select_n3A_2988, %select_n3A_3007 : vector<64x128xi1>, vector<64x128xi32>
    %select_n3A_3032 = arith.select %eq3A_3030, %select_n3A_2989, %select_n3A_3019 : vector<64x128xi1>, vector<64x128xi32>
    %and3A_3033 = arith.constant 64 : i32
    %and3A_3034 = vector.broadcast %and3A_3033 : i32 to vector<64x128xi32>
    %and3A_3035 = arith.andi %iota3A_1344, %and3A_3034 : vector<64x128xi32>
    %eq3A_3036 = arith.constant 0 : i32
    %eq3A_3037 = vector.broadcast %eq3A_3036 : i32 to vector<64x128xi32>
    %eq3A_3038 = arith.cmpi eq, %and3A_3035, %eq3A_3037 : vector<64x128xi32>
    %roll3A_3039 = arith.constant 64 : i32
    %roll3A_3040 = tpu.dynamic_rotate %select_n3A_3031 by %roll3A_3039 dim 1 : vector<64x128xi32>, i32 -> vector<64x128xi32>
    %roll3A_3041 = arith.constant 64 : i32
    %roll3A_3042 = tpu.dynamic_rotate %select_n3A_3031 by %roll3A_3041 dim 1 : vector<64x128xi32>, i32 -> vector<64x128xi32>
    %iota3A_3043 = tpu.iota {dimensions = array<i32: 1>} : vector<64x128xi32>
    %and3A_3044 = arith.constant 64 : i32
    %and3A_3045 = vector.broadcast %and3A_3044 : i32 to vector<64x128xi32>
    %and3A_3046 = arith.andi %iota3A_3043, %and3A_3045 : vector<64x128xi32>
    %eq3A_3047 = arith.constant 0 : i32
    %eq3A_3048 = vector.broadcast %eq3A_3047 : i32 to vector<64x128xi32>
    %eq3A_3049 = arith.cmpi eq, %and3A_3046, %eq3A_3048 : vector<64x128xi32>
    %select_n3A_3050 = arith.select %eq3A_3049, %roll3A_3040, %roll3A_3042 : vector<64x128xi1>, vector<64x128xi32>
    %roll3A_3051 = arith.constant 64 : i32
    %roll3A_3052 = tpu.dynamic_rotate %select_n3A_3032 by %roll3A_3051 dim 1 : vector<64x128xi32>, i32 -> vector<64x128xi32>
    %roll3A_3053 = arith.constant 64 : i32
    %roll3A_3054 = tpu.dynamic_rotate %select_n3A_3032 by %roll3A_3053 dim 1 : vector<64x128xi32>, i32 -> vector<64x128xi32>
    %iota3A_3055 = tpu.iota {dimensions = array<i32: 1>} : vector<64x128xi32>
    %and3A_3056 = arith.constant 64 : i32
    %and3A_3057 = vector.broadcast %and3A_3056 : i32 to vector<64x128xi32>
    %and3A_3058 = arith.andi %iota3A_3055, %and3A_3057 : vector<64x128xi32>
    %eq3A_3059 = arith.constant 0 : i32
    %eq3A_3060 = vector.broadcast %eq3A_3059 : i32 to vector<64x128xi32>
    %eq3A_3061 = arith.cmpi eq, %and3A_3058, %eq3A_3060 : vector<64x128xi32>
    %select_n3A_3062 = arith.select %eq3A_3061, %roll3A_3052, %roll3A_3054 : vector<64x128xi1>, vector<64x128xi32>
    %eq3A_3063 = arith.xori %eq3A_2946, %eq3A_3038 : vector<64x128xi1>
    %eq3A_3064 = arith.constant dense<true> : vector<64x128xi1>
    %eq3A_3065 = arith.xori %eq3A_3063, %eq3A_3064 : vector<64x128xi1>
    %gt3A_3066 = arith.cmpi sgt, %select_n3A_3031, %select_n3A_3050 : vector<64x128xi32>
    %eq3A_3067 = arith.cmpi eq, %select_n3A_3031, %select_n3A_3050 : vector<64x128xi32>
    %lt3A_3068 = arith.cmpi slt, %select_n3A_3032, %select_n3A_3062 : vector<64x128xi32>
    %and3A_3069 = arith.andi %eq3A_3067, %lt3A_3068 : vector<64x128xi1>
    %or3A_3070 = arith.ori %gt3A_3066, %and3A_3069 : vector<64x128xi1>
    %eq3A_3071 = arith.xori %eq3A_3065, %or3A_3070 : vector<64x128xi1>
    %eq3A_3072 = arith.constant dense<true> : vector<64x128xi1>
    %eq3A_3073 = arith.xori %eq3A_3071, %eq3A_3072 : vector<64x128xi1>
    %select_n3A_3074 = arith.select %eq3A_3073, %select_n3A_3031, %select_n3A_3050 : vector<64x128xi1>, vector<64x128xi32>
    %select_n3A_3075 = arith.select %eq3A_3073, %select_n3A_3032, %select_n3A_3062 : vector<64x128xi1>, vector<64x128xi32>
    %and3A_3076 = arith.constant 32 : i32
    %and3A_3077 = vector.broadcast %and3A_3076 : i32 to vector<64x128xi32>
    %and3A_3078 = arith.andi %iota3A_1344, %and3A_3077 : vector<64x128xi32>
    %eq3A_3079 = arith.constant 0 : i32
    %eq3A_3080 = vector.broadcast %eq3A_3079 : i32 to vector<64x128xi32>
    %eq3A_3081 = arith.cmpi eq, %and3A_3078, %eq3A_3080 : vector<64x128xi32>
    %roll3A_3082 = arith.constant 96 : i32
    %roll3A_3083 = tpu.dynamic_rotate %select_n3A_3074 by %roll3A_3082 dim 1 : vector<64x128xi32>, i32 -> vector<64x128xi32>
    %roll3A_3084 = arith.constant 32 : i32
    %roll3A_3085 = tpu.dynamic_rotate %select_n3A_3074 by %roll3A_3084 dim 1 : vector<64x128xi32>, i32 -> vector<64x128xi32>
    %iota3A_3086 = tpu.iota {dimensions = array<i32: 1>} : vector<64x128xi32>
    %and3A_3087 = arith.constant 32 : i32
    %and3A_3088 = vector.broadcast %and3A_3087 : i32 to vector<64x128xi32>
    %and3A_3089 = arith.andi %iota3A_3086, %and3A_3088 : vector<64x128xi32>
    %eq3A_3090 = arith.constant 0 : i32
    %eq3A_3091 = vector.broadcast %eq3A_3090 : i32 to vector<64x128xi32>
    %eq3A_3092 = arith.cmpi eq, %and3A_3089, %eq3A_3091 : vector<64x128xi32>
    %select_n3A_3093 = arith.select %eq3A_3092, %roll3A_3083, %roll3A_3085 : vector<64x128xi1>, vector<64x128xi32>
    %roll3A_3094 = arith.constant 96 : i32
    %roll3A_3095 = tpu.dynamic_rotate %select_n3A_3075 by %roll3A_3094 dim 1 : vector<64x128xi32>, i32 -> vector<64x128xi32>
    %roll3A_3096 = arith.constant 32 : i32
    %roll3A_3097 = tpu.dynamic_rotate %select_n3A_3075 by %roll3A_3096 dim 1 : vector<64x128xi32>, i32 -> vector<64x128xi32>
    %iota3A_3098 = tpu.iota {dimensions = array<i32: 1>} : vector<64x128xi32>
    %and3A_3099 = arith.constant 32 : i32
    %and3A_3100 = vector.broadcast %and3A_3099 : i32 to vector<64x128xi32>
    %and3A_3101 = arith.andi %iota3A_3098, %and3A_3100 : vector<64x128xi32>
    %eq3A_3102 = arith.constant 0 : i32
    %eq3A_3103 = vector.broadcast %eq3A_3102 : i32 to vector<64x128xi32>
    %eq3A_3104 = arith.cmpi eq, %and3A_3101, %eq3A_3103 : vector<64x128xi32>
    %select_n3A_3105 = arith.select %eq3A_3104, %roll3A_3095, %roll3A_3097 : vector<64x128xi1>, vector<64x128xi32>
    %eq3A_3106 = arith.xori %eq3A_2946, %eq3A_3081 : vector<64x128xi1>
    %eq3A_3107 = arith.constant dense<true> : vector<64x128xi1>
    %eq3A_3108 = arith.xori %eq3A_3106, %eq3A_3107 : vector<64x128xi1>
    %gt3A_3109 = arith.cmpi sgt, %select_n3A_3074, %select_n3A_3093 : vector<64x128xi32>
    %eq3A_3110 = arith.cmpi eq, %select_n3A_3074, %select_n3A_3093 : vector<64x128xi32>
    %lt3A_3111 = arith.cmpi slt, %select_n3A_3075, %select_n3A_3105 : vector<64x128xi32>
    %and3A_3112 = arith.andi %eq3A_3110, %lt3A_3111 : vector<64x128xi1>
    %or3A_3113 = arith.ori %gt3A_3109, %and3A_3112 : vector<64x128xi1>
    %eq3A_3114 = arith.xori %eq3A_3108, %or3A_3113 : vector<64x128xi1>
    %eq3A_3115 = arith.constant dense<true> : vector<64x128xi1>
    %eq3A_3116 = arith.xori %eq3A_3114, %eq3A_3115 : vector<64x128xi1>
    %select_n3A_3117 = arith.select %eq3A_3116, %select_n3A_3074, %select_n3A_3093 : vector<64x128xi1>, vector<64x128xi32>
    %select_n3A_3118 = arith.select %eq3A_3116, %select_n3A_3075, %select_n3A_3105 : vector<64x128xi1>, vector<64x128xi32>
    %and3A_3119 = arith.constant 16 : i32
    %and3A_3120 = vector.broadcast %and3A_3119 : i32 to vector<64x128xi32>
    %and3A_3121 = arith.andi %iota3A_1344, %and3A_3120 : vector<64x128xi32>
    %eq3A_3122 = arith.constant 0 : i32
    %eq3A_3123 = vector.broadcast %eq3A_3122 : i32 to vector<64x128xi32>
    %eq3A_3124 = arith.cmpi eq, %and3A_3121, %eq3A_3123 : vector<64x128xi32>
    %roll3A_3125 = arith.constant 112 : i32
    %roll3A_3126 = tpu.dynamic_rotate %select_n3A_3117 by %roll3A_3125 dim 1 : vector<64x128xi32>, i32 -> vector<64x128xi32>
    %roll3A_3127 = arith.constant 16 : i32
    %roll3A_3128 = tpu.dynamic_rotate %select_n3A_3117 by %roll3A_3127 dim 1 : vector<64x128xi32>, i32 -> vector<64x128xi32>
    %iota3A_3129 = tpu.iota {dimensions = array<i32: 1>} : vector<64x128xi32>
    %and3A_3130 = arith.constant 16 : i32
    %and3A_3131 = vector.broadcast %and3A_3130 : i32 to vector<64x128xi32>
    %and3A_3132 = arith.andi %iota3A_3129, %and3A_3131 : vector<64x128xi32>
    %eq3A_3133 = arith.constant 0 : i32
    %eq3A_3134 = vector.broadcast %eq3A_3133 : i32 to vector<64x128xi32>
    %eq3A_3135 = arith.cmpi eq, %and3A_3132, %eq3A_3134 : vector<64x128xi32>
    %select_n3A_3136 = arith.select %eq3A_3135, %roll3A_3126, %roll3A_3128 : vector<64x128xi1>, vector<64x128xi32>
    %roll3A_3137 = arith.constant 112 : i32
    %roll3A_3138 = tpu.dynamic_rotate %select_n3A_3118 by %roll3A_3137 dim 1 : vector<64x128xi32>, i32 -> vector<64x128xi32>
    %roll3A_3139 = arith.constant 16 : i32
    %roll3A_3140 = tpu.dynamic_rotate %select_n3A_3118 by %roll3A_3139 dim 1 : vector<64x128xi32>, i32 -> vector<64x128xi32>
    %iota3A_3141 = tpu.iota {dimensions = array<i32: 1>} : vector<64x128xi32>
    %and3A_3142 = arith.constant 16 : i32
    %and3A_3143 = vector.broadcast %and3A_3142 : i32 to vector<64x128xi32>
    %and3A_3144 = arith.andi %iota3A_3141, %and3A_3143 : vector<64x128xi32>
    %eq3A_3145 = arith.constant 0 : i32
    %eq3A_3146 = vector.broadcast %eq3A_3145 : i32 to vector<64x128xi32>
    %eq3A_3147 = arith.cmpi eq, %and3A_3144, %eq3A_3146 : vector<64x128xi32>
    %select_n3A_3148 = arith.select %eq3A_3147, %roll3A_3138, %roll3A_3140 : vector<64x128xi1>, vector<64x128xi32>
    %eq3A_3149 = arith.xori %eq3A_2946, %eq3A_3124 : vector<64x128xi1>
    %eq3A_3150 = arith.constant dense<true> : vector<64x128xi1>
    %eq3A_3151 = arith.xori %eq3A_3149, %eq3A_3150 : vector<64x128xi1>
    %gt3A_3152 = arith.cmpi sgt, %select_n3A_3117, %select_n3A_3136 : vector<64x128xi32>
    %eq3A_3153 = arith.cmpi eq, %select_n3A_3117, %select_n3A_3136 : vector<64x128xi32>
    %lt3A_3154 = arith.cmpi slt, %select_n3A_3118, %select_n3A_3148 : vector<64x128xi32>
    %and3A_3155 = arith.andi %eq3A_3153, %lt3A_3154 : vector<64x128xi1>
    %or3A_3156 = arith.ori %gt3A_3152, %and3A_3155 : vector<64x128xi1>
    %eq3A_3157 = arith.xori %eq3A_3151, %or3A_3156 : vector<64x128xi1>
    %eq3A_3158 = arith.constant dense<true> : vector<64x128xi1>
    %eq3A_3159 = arith.xori %eq3A_3157, %eq3A_3158 : vector<64x128xi1>
    %select_n3A_3160 = arith.select %eq3A_3159, %select_n3A_3117, %select_n3A_3136 : vector<64x128xi1>, vector<64x128xi32>
    %select_n3A_3161 = arith.select %eq3A_3159, %select_n3A_3118, %select_n3A_3148 : vector<64x128xi1>, vector<64x128xi32>
    %and3A_3162 = arith.constant 8 : i32
    %and3A_3163 = vector.broadcast %and3A_3162 : i32 to vector<64x128xi32>
    %and3A_3164 = arith.andi %iota3A_1344, %and3A_3163 : vector<64x128xi32>
    %eq3A_3165 = arith.constant 0 : i32
    %eq3A_3166 = vector.broadcast %eq3A_3165 : i32 to vector<64x128xi32>
    %eq3A_3167 = arith.cmpi eq, %and3A_3164, %eq3A_3166 : vector<64x128xi32>
    %roll3A_3168 = arith.constant 120 : i32
    %roll3A_3169 = tpu.dynamic_rotate %select_n3A_3160 by %roll3A_3168 dim 1 : vector<64x128xi32>, i32 -> vector<64x128xi32>
    %roll3A_3170 = arith.constant 8 : i32
    %roll3A_3171 = tpu.dynamic_rotate %select_n3A_3160 by %roll3A_3170 dim 1 : vector<64x128xi32>, i32 -> vector<64x128xi32>
    %iota3A_3172 = tpu.iota {dimensions = array<i32: 1>} : vector<64x128xi32>
    %and3A_3173 = arith.constant 8 : i32
    %and3A_3174 = vector.broadcast %and3A_3173 : i32 to vector<64x128xi32>
    %and3A_3175 = arith.andi %iota3A_3172, %and3A_3174 : vector<64x128xi32>
    %eq3A_3176 = arith.constant 0 : i32
    %eq3A_3177 = vector.broadcast %eq3A_3176 : i32 to vector<64x128xi32>
    %eq3A_3178 = arith.cmpi eq, %and3A_3175, %eq3A_3177 : vector<64x128xi32>
    %select_n3A_3179 = arith.select %eq3A_3178, %roll3A_3169, %roll3A_3171 : vector<64x128xi1>, vector<64x128xi32>
    %roll3A_3180 = arith.constant 120 : i32
    %roll3A_3181 = tpu.dynamic_rotate %select_n3A_3161 by %roll3A_3180 dim 1 : vector<64x128xi32>, i32 -> vector<64x128xi32>
    %roll3A_3182 = arith.constant 8 : i32
    %roll3A_3183 = tpu.dynamic_rotate %select_n3A_3161 by %roll3A_3182 dim 1 : vector<64x128xi32>, i32 -> vector<64x128xi32>
    %iota3A_3184 = tpu.iota {dimensions = array<i32: 1>} : vector<64x128xi32>
    %and3A_3185 = arith.constant 8 : i32
    %and3A_3186 = vector.broadcast %and3A_3185 : i32 to vector<64x128xi32>
    %and3A_3187 = arith.andi %iota3A_3184, %and3A_3186 : vector<64x128xi32>
    %eq3A_3188 = arith.constant 0 : i32
    %eq3A_3189 = vector.broadcast %eq3A_3188 : i32 to vector<64x128xi32>
    %eq3A_3190 = arith.cmpi eq, %and3A_3187, %eq3A_3189 : vector<64x128xi32>
    %select_n3A_3191 = arith.select %eq3A_3190, %roll3A_3181, %roll3A_3183 : vector<64x128xi1>, vector<64x128xi32>
    %eq3A_3192 = arith.xori %eq3A_2946, %eq3A_3167 : vector<64x128xi1>
    %eq3A_3193 = arith.constant dense<true> : vector<64x128xi1>
    %eq3A_3194 = arith.xori %eq3A_3192, %eq3A_3193 : vector<64x128xi1>
    %gt3A_3195 = arith.cmpi sgt, %select_n3A_3160, %select_n3A_3179 : vector<64x128xi32>
    %eq3A_3196 = arith.cmpi eq, %select_n3A_3160, %select_n3A_3179 : vector<64x128xi32>
    %lt3A_3197 = arith.cmpi slt, %select_n3A_3161, %select_n3A_3191 : vector<64x128xi32>
    %and3A_3198 = arith.andi %eq3A_3196, %lt3A_3197 : vector<64x128xi1>
    %or3A_3199 = arith.ori %gt3A_3195, %and3A_3198 : vector<64x128xi1>
    %eq3A_3200 = arith.xori %eq3A_3194, %or3A_3199 : vector<64x128xi1>
    %eq3A_3201 = arith.constant dense<true> : vector<64x128xi1>
    %eq3A_3202 = arith.xori %eq3A_3200, %eq3A_3201 : vector<64x128xi1>
    %select_n3A_3203 = arith.select %eq3A_3202, %select_n3A_3160, %select_n3A_3179 : vector<64x128xi1>, vector<64x128xi32>
    %select_n3A_3204 = arith.select %eq3A_3202, %select_n3A_3161, %select_n3A_3191 : vector<64x128xi1>, vector<64x128xi32>
    %and3A_3205 = arith.constant 4 : i32
    %and3A_3206 = vector.broadcast %and3A_3205 : i32 to vector<64x128xi32>
    %and3A_3207 = arith.andi %iota3A_1344, %and3A_3206 : vector<64x128xi32>
    %eq3A_3208 = arith.constant 0 : i32
    %eq3A_3209 = vector.broadcast %eq3A_3208 : i32 to vector<64x128xi32>
    %eq3A_3210 = arith.cmpi eq, %and3A_3207, %eq3A_3209 : vector<64x128xi32>
    %roll3A_3211 = arith.constant 124 : i32
    %roll3A_3212 = tpu.dynamic_rotate %select_n3A_3203 by %roll3A_3211 dim 1 : vector<64x128xi32>, i32 -> vector<64x128xi32>
    %roll3A_3213 = arith.constant 4 : i32
    %roll3A_3214 = tpu.dynamic_rotate %select_n3A_3203 by %roll3A_3213 dim 1 : vector<64x128xi32>, i32 -> vector<64x128xi32>
    %iota3A_3215 = tpu.iota {dimensions = array<i32: 1>} : vector<64x128xi32>
    %and3A_3216 = arith.constant 4 : i32
    %and3A_3217 = vector.broadcast %and3A_3216 : i32 to vector<64x128xi32>
    %and3A_3218 = arith.andi %iota3A_3215, %and3A_3217 : vector<64x128xi32>
    %eq3A_3219 = arith.constant 0 : i32
    %eq3A_3220 = vector.broadcast %eq3A_3219 : i32 to vector<64x128xi32>
    %eq3A_3221 = arith.cmpi eq, %and3A_3218, %eq3A_3220 : vector<64x128xi32>
    %select_n3A_3222 = arith.select %eq3A_3221, %roll3A_3212, %roll3A_3214 : vector<64x128xi1>, vector<64x128xi32>
    %roll3A_3223 = arith.constant 124 : i32
    %roll3A_3224 = tpu.dynamic_rotate %select_n3A_3204 by %roll3A_3223 dim 1 : vector<64x128xi32>, i32 -> vector<64x128xi32>
    %roll3A_3225 = arith.constant 4 : i32
    %roll3A_3226 = tpu.dynamic_rotate %select_n3A_3204 by %roll3A_3225 dim 1 : vector<64x128xi32>, i32 -> vector<64x128xi32>
    %iota3A_3227 = tpu.iota {dimensions = array<i32: 1>} : vector<64x128xi32>
    %and3A_3228 = arith.constant 4 : i32
    %and3A_3229 = vector.broadcast %and3A_3228 : i32 to vector<64x128xi32>
    %and3A_3230 = arith.andi %iota3A_3227, %and3A_3229 : vector<64x128xi32>
    %eq3A_3231 = arith.constant 0 : i32
    %eq3A_3232 = vector.broadcast %eq3A_3231 : i32 to vector<64x128xi32>
    %eq3A_3233 = arith.cmpi eq, %and3A_3230, %eq3A_3232 : vector<64x128xi32>
    %select_n3A_3234 = arith.select %eq3A_3233, %roll3A_3224, %roll3A_3226 : vector<64x128xi1>, vector<64x128xi32>
    %eq3A_3235 = arith.xori %eq3A_2946, %eq3A_3210 : vector<64x128xi1>
    %eq3A_3236 = arith.constant dense<true> : vector<64x128xi1>
    %eq3A_3237 = arith.xori %eq3A_3235, %eq3A_3236 : vector<64x128xi1>
    %gt3A_3238 = arith.cmpi sgt, %select_n3A_3203, %select_n3A_3222 : vector<64x128xi32>
    %eq3A_3239 = arith.cmpi eq, %select_n3A_3203, %select_n3A_3222 : vector<64x128xi32>
    %lt3A_3240 = arith.cmpi slt, %select_n3A_3204, %select_n3A_3234 : vector<64x128xi32>
    %and3A_3241 = arith.andi %eq3A_3239, %lt3A_3240 : vector<64x128xi1>
    %or3A_3242 = arith.ori %gt3A_3238, %and3A_3241 : vector<64x128xi1>
    %eq3A_3243 = arith.xori %eq3A_3237, %or3A_3242 : vector<64x128xi1>
    %eq3A_3244 = arith.constant dense<true> : vector<64x128xi1>
    %eq3A_3245 = arith.xori %eq3A_3243, %eq3A_3244 : vector<64x128xi1>
    %select_n3A_3246 = arith.select %eq3A_3245, %select_n3A_3203, %select_n3A_3222 : vector<64x128xi1>, vector<64x128xi32>
    %select_n3A_3247 = arith.select %eq3A_3245, %select_n3A_3204, %select_n3A_3234 : vector<64x128xi1>, vector<64x128xi32>
    %and3A_3248 = arith.constant 2 : i32
    %and3A_3249 = vector.broadcast %and3A_3248 : i32 to vector<64x128xi32>
    %and3A_3250 = arith.andi %iota3A_1344, %and3A_3249 : vector<64x128xi32>
    %eq3A_3251 = arith.constant 0 : i32
    %eq3A_3252 = vector.broadcast %eq3A_3251 : i32 to vector<64x128xi32>
    %eq3A_3253 = arith.cmpi eq, %and3A_3250, %eq3A_3252 : vector<64x128xi32>
    %roll3A_3254 = arith.constant 126 : i32
    %roll3A_3255 = tpu.dynamic_rotate %select_n3A_3246 by %roll3A_3254 dim 1 : vector<64x128xi32>, i32 -> vector<64x128xi32>
    %roll3A_3256 = arith.constant 2 : i32
    %roll3A_3257 = tpu.dynamic_rotate %select_n3A_3246 by %roll3A_3256 dim 1 : vector<64x128xi32>, i32 -> vector<64x128xi32>
    %iota3A_3258 = tpu.iota {dimensions = array<i32: 1>} : vector<64x128xi32>
    %and3A_3259 = arith.constant 2 : i32
    %and3A_3260 = vector.broadcast %and3A_3259 : i32 to vector<64x128xi32>
    %and3A_3261 = arith.andi %iota3A_3258, %and3A_3260 : vector<64x128xi32>
    %eq3A_3262 = arith.constant 0 : i32
    %eq3A_3263 = vector.broadcast %eq3A_3262 : i32 to vector<64x128xi32>
    %eq3A_3264 = arith.cmpi eq, %and3A_3261, %eq3A_3263 : vector<64x128xi32>
    %select_n3A_3265 = arith.select %eq3A_3264, %roll3A_3255, %roll3A_3257 : vector<64x128xi1>, vector<64x128xi32>
    %roll3A_3266 = arith.constant 126 : i32
    %roll3A_3267 = tpu.dynamic_rotate %select_n3A_3247 by %roll3A_3266 dim 1 : vector<64x128xi32>, i32 -> vector<64x128xi32>
    %roll3A_3268 = arith.constant 2 : i32
    %roll3A_3269 = tpu.dynamic_rotate %select_n3A_3247 by %roll3A_3268 dim 1 : vector<64x128xi32>, i32 -> vector<64x128xi32>
    %iota3A_3270 = tpu.iota {dimensions = array<i32: 1>} : vector<64x128xi32>
    %and3A_3271 = arith.constant 2 : i32
    %and3A_3272 = vector.broadcast %and3A_3271 : i32 to vector<64x128xi32>
    %and3A_3273 = arith.andi %iota3A_3270, %and3A_3272 : vector<64x128xi32>
    %eq3A_3274 = arith.constant 0 : i32
    %eq3A_3275 = vector.broadcast %eq3A_3274 : i32 to vector<64x128xi32>
    %eq3A_3276 = arith.cmpi eq, %and3A_3273, %eq3A_3275 : vector<64x128xi32>
    %select_n3A_3277 = arith.select %eq3A_3276, %roll3A_3267, %roll3A_3269 : vector<64x128xi1>, vector<64x128xi32>
    %eq3A_3278 = arith.xori %eq3A_2946, %eq3A_3253 : vector<64x128xi1>
    %eq3A_3279 = arith.constant dense<true> : vector<64x128xi1>
    %eq3A_3280 = arith.xori %eq3A_3278, %eq3A_3279 : vector<64x128xi1>
    %gt3A_3281 = arith.cmpi sgt, %select_n3A_3246, %select_n3A_3265 : vector<64x128xi32>
    %eq3A_3282 = arith.cmpi eq, %select_n3A_3246, %select_n3A_3265 : vector<64x128xi32>
    %lt3A_3283 = arith.cmpi slt, %select_n3A_3247, %select_n3A_3277 : vector<64x128xi32>
    %and3A_3284 = arith.andi %eq3A_3282, %lt3A_3283 : vector<64x128xi1>
    %or3A_3285 = arith.ori %gt3A_3281, %and3A_3284 : vector<64x128xi1>
    %eq3A_3286 = arith.xori %eq3A_3280, %or3A_3285 : vector<64x128xi1>
    %eq3A_3287 = arith.constant dense<true> : vector<64x128xi1>
    %eq3A_3288 = arith.xori %eq3A_3286, %eq3A_3287 : vector<64x128xi1>
    %select_n3A_3289 = arith.select %eq3A_3288, %select_n3A_3246, %select_n3A_3265 : vector<64x128xi1>, vector<64x128xi32>
    %select_n3A_3290 = arith.select %eq3A_3288, %select_n3A_3247, %select_n3A_3277 : vector<64x128xi1>, vector<64x128xi32>
    %and3A_3291 = arith.constant 1 : i32
    %and3A_3292 = vector.broadcast %and3A_3291 : i32 to vector<64x128xi32>
    %and3A_3293 = arith.andi %iota3A_1344, %and3A_3292 : vector<64x128xi32>
    %eq3A_3294 = arith.constant 0 : i32
    %eq3A_3295 = vector.broadcast %eq3A_3294 : i32 to vector<64x128xi32>
    %eq3A_3296 = arith.cmpi eq, %and3A_3293, %eq3A_3295 : vector<64x128xi32>
    %roll3A_3297 = arith.constant 127 : i32
    %roll3A_3298 = tpu.dynamic_rotate %select_n3A_3289 by %roll3A_3297 dim 1 : vector<64x128xi32>, i32 -> vector<64x128xi32>
    %roll3A_3299 = arith.constant 1 : i32
    %roll3A_3300 = tpu.dynamic_rotate %select_n3A_3289 by %roll3A_3299 dim 1 : vector<64x128xi32>, i32 -> vector<64x128xi32>
    %iota3A_3301 = tpu.iota {dimensions = array<i32: 1>} : vector<64x128xi32>
    %and3A_3302 = arith.constant 1 : i32
    %and3A_3303 = vector.broadcast %and3A_3302 : i32 to vector<64x128xi32>
    %and3A_3304 = arith.andi %iota3A_3301, %and3A_3303 : vector<64x128xi32>
    %eq3A_3305 = arith.constant 0 : i32
    %eq3A_3306 = vector.broadcast %eq3A_3305 : i32 to vector<64x128xi32>
    %eq3A_3307 = arith.cmpi eq, %and3A_3304, %eq3A_3306 : vector<64x128xi32>
    %select_n3A_3308 = arith.select %eq3A_3307, %roll3A_3298, %roll3A_3300 : vector<64x128xi1>, vector<64x128xi32>
    %roll3A_3309 = arith.constant 127 : i32
    %roll3A_3310 = tpu.dynamic_rotate %select_n3A_3290 by %roll3A_3309 dim 1 : vector<64x128xi32>, i32 -> vector<64x128xi32>
    %roll3A_3311 = arith.constant 1 : i32
    %roll3A_3312 = tpu.dynamic_rotate %select_n3A_3290 by %roll3A_3311 dim 1 : vector<64x128xi32>, i32 -> vector<64x128xi32>
    %iota3A_3313 = tpu.iota {dimensions = array<i32: 1>} : vector<64x128xi32>
    %and3A_3314 = arith.constant 1 : i32
    %and3A_3315 = vector.broadcast %and3A_3314 : i32 to vector<64x128xi32>
    %and3A_3316 = arith.andi %iota3A_3313, %and3A_3315 : vector<64x128xi32>
    %eq3A_3317 = arith.constant 0 : i32
    %eq3A_3318 = vector.broadcast %eq3A_3317 : i32 to vector<64x128xi32>
    %eq3A_3319 = arith.cmpi eq, %and3A_3316, %eq3A_3318 : vector<64x128xi32>
    %select_n3A_3320 = arith.select %eq3A_3319, %roll3A_3310, %roll3A_3312 : vector<64x128xi1>, vector<64x128xi32>
    %eq3A_3321 = arith.xori %eq3A_2946, %eq3A_3296 : vector<64x128xi1>
    %eq3A_3322 = arith.constant dense<true> : vector<64x128xi1>
    %eq3A_3323 = arith.xori %eq3A_3321, %eq3A_3322 : vector<64x128xi1>
    %gt3A_3324 = arith.cmpi sgt, %select_n3A_3289, %select_n3A_3308 : vector<64x128xi32>
    %eq3A_3325 = arith.cmpi eq, %select_n3A_3289, %select_n3A_3308 : vector<64x128xi32>
    %lt3A_3326 = arith.cmpi slt, %select_n3A_3290, %select_n3A_3320 : vector<64x128xi32>
    %and3A_3327 = arith.andi %eq3A_3325, %lt3A_3326 : vector<64x128xi1>
    %or3A_3328 = arith.ori %gt3A_3324, %and3A_3327 : vector<64x128xi1>
    %eq3A_3329 = arith.xori %eq3A_3323, %or3A_3328 : vector<64x128xi1>
    %eq3A_3330 = arith.constant dense<true> : vector<64x128xi1>
    %eq3A_3331 = arith.xori %eq3A_3329, %eq3A_3330 : vector<64x128xi1>
    %select_n3A_3332 = arith.select %eq3A_3331, %select_n3A_3289, %select_n3A_3308 : vector<64x128xi1>, vector<64x128xi32>
    %select_n3A_3333 = arith.select %eq3A_3331, %select_n3A_3290, %select_n3A_3320 : vector<64x128xi1>, vector<64x128xi32>
    %and3A_3334 = arith.constant 8 : i32
    %and3A_3335 = vector.broadcast %and3A_3334 : i32 to vector<64x128xi32>
    %and3A_3336 = arith.andi %iota3A_1343, %and3A_3335 : vector<64x128xi32>
    %eq3A_3337 = arith.constant 0 : i32
    %eq3A_3338 = vector.broadcast %eq3A_3337 : i32 to vector<64x128xi32>
    %eq3A_3339 = arith.cmpi eq, %and3A_3336, %eq3A_3338 : vector<64x128xi32>
    %and3A_3340 = arith.constant 4 : i32
    %and3A_3341 = vector.broadcast %and3A_3340 : i32 to vector<64x128xi32>
    %and3A_3342 = arith.andi %iota3A_1343, %and3A_3341 : vector<64x128xi32>
    %eq3A_3343 = arith.constant 0 : i32
    %eq3A_3344 = vector.broadcast %eq3A_3343 : i32 to vector<64x128xi32>
    %eq3A_3345 = arith.cmpi eq, %and3A_3342, %eq3A_3344 : vector<64x128xi32>
    %roll3A_3346 = arith.constant 60 : i32
    %roll3A_3347 = tpu.dynamic_rotate %select_n3A_3332 by %roll3A_3346 dim 0 : vector<64x128xi32>, i32 -> vector<64x128xi32>
    %roll3A_3348 = arith.constant 4 : i32
    %roll3A_3349 = tpu.dynamic_rotate %select_n3A_3332 by %roll3A_3348 dim 0 : vector<64x128xi32>, i32 -> vector<64x128xi32>
    %iota3A_3350 = tpu.iota {dimensions = array<i32: 0>} : vector<64x128xi32>
    %and3A_3351 = arith.constant 4 : i32
    %and3A_3352 = vector.broadcast %and3A_3351 : i32 to vector<64x128xi32>
    %and3A_3353 = arith.andi %iota3A_3350, %and3A_3352 : vector<64x128xi32>
    %eq3A_3354 = arith.constant 0 : i32
    %eq3A_3355 = vector.broadcast %eq3A_3354 : i32 to vector<64x128xi32>
    %eq3A_3356 = arith.cmpi eq, %and3A_3353, %eq3A_3355 : vector<64x128xi32>
    %select_n3A_3357 = arith.select %eq3A_3356, %roll3A_3347, %roll3A_3349 : vector<64x128xi1>, vector<64x128xi32>
    %roll3A_3358 = arith.constant 60 : i32
    %roll3A_3359 = tpu.dynamic_rotate %select_n3A_3333 by %roll3A_3358 dim 0 : vector<64x128xi32>, i32 -> vector<64x128xi32>
    %roll3A_3360 = arith.constant 4 : i32
    %roll3A_3361 = tpu.dynamic_rotate %select_n3A_3333 by %roll3A_3360 dim 0 : vector<64x128xi32>, i32 -> vector<64x128xi32>
    %iota3A_3362 = tpu.iota {dimensions = array<i32: 0>} : vector<64x128xi32>
    %and3A_3363 = arith.constant 4 : i32
    %and3A_3364 = vector.broadcast %and3A_3363 : i32 to vector<64x128xi32>
    %and3A_3365 = arith.andi %iota3A_3362, %and3A_3364 : vector<64x128xi32>
    %eq3A_3366 = arith.constant 0 : i32
    %eq3A_3367 = vector.broadcast %eq3A_3366 : i32 to vector<64x128xi32>
    %eq3A_3368 = arith.cmpi eq, %and3A_3365, %eq3A_3367 : vector<64x128xi32>
    %select_n3A_3369 = arith.select %eq3A_3368, %roll3A_3359, %roll3A_3361 : vector<64x128xi1>, vector<64x128xi32>
    %eq3A_3370 = arith.xori %eq3A_3339, %eq3A_3345 : vector<64x128xi1>
    %eq3A_3371 = arith.constant dense<true> : vector<64x128xi1>
    %eq3A_3372 = arith.xori %eq3A_3370, %eq3A_3371 : vector<64x128xi1>
    %gt3A_3373 = arith.cmpi sgt, %select_n3A_3332, %select_n3A_3357 : vector<64x128xi32>
    %eq3A_3374 = arith.cmpi eq, %select_n3A_3332, %select_n3A_3357 : vector<64x128xi32>
    %lt3A_3375 = arith.cmpi slt, %select_n3A_3333, %select_n3A_3369 : vector<64x128xi32>
    %and3A_3376 = arith.andi %eq3A_3374, %lt3A_3375 : vector<64x128xi1>
    %or3A_3377 = arith.ori %gt3A_3373, %and3A_3376 : vector<64x128xi1>
    %eq3A_3378 = arith.xori %eq3A_3372, %or3A_3377 : vector<64x128xi1>
    %eq3A_3379 = arith.constant dense<true> : vector<64x128xi1>
    %eq3A_3380 = arith.xori %eq3A_3378, %eq3A_3379 : vector<64x128xi1>
    %select_n3A_3381 = arith.select %eq3A_3380, %select_n3A_3332, %select_n3A_3357 : vector<64x128xi1>, vector<64x128xi32>
    %select_n3A_3382 = arith.select %eq3A_3380, %select_n3A_3333, %select_n3A_3369 : vector<64x128xi1>, vector<64x128xi32>
    %and3A_3383 = arith.constant 2 : i32
    %and3A_3384 = vector.broadcast %and3A_3383 : i32 to vector<64x128xi32>
    %and3A_3385 = arith.andi %iota3A_1343, %and3A_3384 : vector<64x128xi32>
    %eq3A_3386 = arith.constant 0 : i32
    %eq3A_3387 = vector.broadcast %eq3A_3386 : i32 to vector<64x128xi32>
    %eq3A_3388 = arith.cmpi eq, %and3A_3385, %eq3A_3387 : vector<64x128xi32>
    %roll3A_3389 = arith.constant 62 : i32
    %roll3A_3390 = tpu.dynamic_rotate %select_n3A_3381 by %roll3A_3389 dim 0 : vector<64x128xi32>, i32 -> vector<64x128xi32>
    %roll3A_3391 = arith.constant 2 : i32
    %roll3A_3392 = tpu.dynamic_rotate %select_n3A_3381 by %roll3A_3391 dim 0 : vector<64x128xi32>, i32 -> vector<64x128xi32>
    %iota3A_3393 = tpu.iota {dimensions = array<i32: 0>} : vector<64x128xi32>
    %and3A_3394 = arith.constant 2 : i32
    %and3A_3395 = vector.broadcast %and3A_3394 : i32 to vector<64x128xi32>
    %and3A_3396 = arith.andi %iota3A_3393, %and3A_3395 : vector<64x128xi32>
    %eq3A_3397 = arith.constant 0 : i32
    %eq3A_3398 = vector.broadcast %eq3A_3397 : i32 to vector<64x128xi32>
    %eq3A_3399 = arith.cmpi eq, %and3A_3396, %eq3A_3398 : vector<64x128xi32>
    %select_n3A_3400 = arith.select %eq3A_3399, %roll3A_3390, %roll3A_3392 : vector<64x128xi1>, vector<64x128xi32>
    %roll3A_3401 = arith.constant 62 : i32
    %roll3A_3402 = tpu.dynamic_rotate %select_n3A_3382 by %roll3A_3401 dim 0 : vector<64x128xi32>, i32 -> vector<64x128xi32>
    %roll3A_3403 = arith.constant 2 : i32
    %roll3A_3404 = tpu.dynamic_rotate %select_n3A_3382 by %roll3A_3403 dim 0 : vector<64x128xi32>, i32 -> vector<64x128xi32>
    %iota3A_3405 = tpu.iota {dimensions = array<i32: 0>} : vector<64x128xi32>
    %and3A_3406 = arith.constant 2 : i32
    %and3A_3407 = vector.broadcast %and3A_3406 : i32 to vector<64x128xi32>
    %and3A_3408 = arith.andi %iota3A_3405, %and3A_3407 : vector<64x128xi32>
    %eq3A_3409 = arith.constant 0 : i32
    %eq3A_3410 = vector.broadcast %eq3A_3409 : i32 to vector<64x128xi32>
    %eq3A_3411 = arith.cmpi eq, %and3A_3408, %eq3A_3410 : vector<64x128xi32>
    %select_n3A_3412 = arith.select %eq3A_3411, %roll3A_3402, %roll3A_3404 : vector<64x128xi1>, vector<64x128xi32>
    %eq3A_3413 = arith.xori %eq3A_3339, %eq3A_3388 : vector<64x128xi1>
    %eq3A_3414 = arith.constant dense<true> : vector<64x128xi1>
    %eq3A_3415 = arith.xori %eq3A_3413, %eq3A_3414 : vector<64x128xi1>
    %gt3A_3416 = arith.cmpi sgt, %select_n3A_3381, %select_n3A_3400 : vector<64x128xi32>
    %eq3A_3417 = arith.cmpi eq, %select_n3A_3381, %select_n3A_3400 : vector<64x128xi32>
    %lt3A_3418 = arith.cmpi slt, %select_n3A_3382, %select_n3A_3412 : vector<64x128xi32>
    %and3A_3419 = arith.andi %eq3A_3417, %lt3A_3418 : vector<64x128xi1>
    %or3A_3420 = arith.ori %gt3A_3416, %and3A_3419 : vector<64x128xi1>
    %eq3A_3421 = arith.xori %eq3A_3415, %or3A_3420 : vector<64x128xi1>
    %eq3A_3422 = arith.constant dense<true> : vector<64x128xi1>
    %eq3A_3423 = arith.xori %eq3A_3421, %eq3A_3422 : vector<64x128xi1>
    %select_n3A_3424 = arith.select %eq3A_3423, %select_n3A_3381, %select_n3A_3400 : vector<64x128xi1>, vector<64x128xi32>
    %select_n3A_3425 = arith.select %eq3A_3423, %select_n3A_3382, %select_n3A_3412 : vector<64x128xi1>, vector<64x128xi32>
    %and3A_3426 = arith.constant 1 : i32
    %and3A_3427 = vector.broadcast %and3A_3426 : i32 to vector<64x128xi32>
    %and3A_3428 = arith.andi %iota3A_1343, %and3A_3427 : vector<64x128xi32>
    %eq3A_3429 = arith.constant 0 : i32
    %eq3A_3430 = vector.broadcast %eq3A_3429 : i32 to vector<64x128xi32>
    %eq3A_3431 = arith.cmpi eq, %and3A_3428, %eq3A_3430 : vector<64x128xi32>
    %roll3A_3432 = arith.constant 63 : i32
    %roll3A_3433 = tpu.dynamic_rotate %select_n3A_3424 by %roll3A_3432 dim 0 : vector<64x128xi32>, i32 -> vector<64x128xi32>
    %roll3A_3434 = arith.constant 1 : i32
    %roll3A_3435 = tpu.dynamic_rotate %select_n3A_3424 by %roll3A_3434 dim 0 : vector<64x128xi32>, i32 -> vector<64x128xi32>
    %iota3A_3436 = tpu.iota {dimensions = array<i32: 0>} : vector<64x128xi32>
    %and3A_3437 = arith.constant 1 : i32
    %and3A_3438 = vector.broadcast %and3A_3437 : i32 to vector<64x128xi32>
    %and3A_3439 = arith.andi %iota3A_3436, %and3A_3438 : vector<64x128xi32>
    %eq3A_3440 = arith.constant 0 : i32
    %eq3A_3441 = vector.broadcast %eq3A_3440 : i32 to vector<64x128xi32>
    %eq3A_3442 = arith.cmpi eq, %and3A_3439, %eq3A_3441 : vector<64x128xi32>
    %select_n3A_3443 = arith.select %eq3A_3442, %roll3A_3433, %roll3A_3435 : vector<64x128xi1>, vector<64x128xi32>
    %roll3A_3444 = arith.constant 63 : i32
    %roll3A_3445 = tpu.dynamic_rotate %select_n3A_3425 by %roll3A_3444 dim 0 : vector<64x128xi32>, i32 -> vector<64x128xi32>
    %roll3A_3446 = arith.constant 1 : i32
    %roll3A_3447 = tpu.dynamic_rotate %select_n3A_3425 by %roll3A_3446 dim 0 : vector<64x128xi32>, i32 -> vector<64x128xi32>
    %iota3A_3448 = tpu.iota {dimensions = array<i32: 0>} : vector<64x128xi32>
    %and3A_3449 = arith.constant 1 : i32
    %and3A_3450 = vector.broadcast %and3A_3449 : i32 to vector<64x128xi32>
    %and3A_3451 = arith.andi %iota3A_3448, %and3A_3450 : vector<64x128xi32>
    %eq3A_3452 = arith.constant 0 : i32
    %eq3A_3453 = vector.broadcast %eq3A_3452 : i32 to vector<64x128xi32>
    %eq3A_3454 = arith.cmpi eq, %and3A_3451, %eq3A_3453 : vector<64x128xi32>
    %select_n3A_3455 = arith.select %eq3A_3454, %roll3A_3445, %roll3A_3447 : vector<64x128xi1>, vector<64x128xi32>
    %eq3A_3456 = arith.xori %eq3A_3339, %eq3A_3431 : vector<64x128xi1>
    %eq3A_3457 = arith.constant dense<true> : vector<64x128xi1>
    %eq3A_3458 = arith.xori %eq3A_3456, %eq3A_3457 : vector<64x128xi1>
    %gt3A_3459 = arith.cmpi sgt, %select_n3A_3424, %select_n3A_3443 : vector<64x128xi32>
    %eq3A_3460 = arith.cmpi eq, %select_n3A_3424, %select_n3A_3443 : vector<64x128xi32>
    %lt3A_3461 = arith.cmpi slt, %select_n3A_3425, %select_n3A_3455 : vector<64x128xi32>
    %and3A_3462 = arith.andi %eq3A_3460, %lt3A_3461 : vector<64x128xi1>
    %or3A_3463 = arith.ori %gt3A_3459, %and3A_3462 : vector<64x128xi1>
    %eq3A_3464 = arith.xori %eq3A_3458, %or3A_3463 : vector<64x128xi1>
    %eq3A_3465 = arith.constant dense<true> : vector<64x128xi1>
    %eq3A_3466 = arith.xori %eq3A_3464, %eq3A_3465 : vector<64x128xi1>
    %select_n3A_3467 = arith.select %eq3A_3466, %select_n3A_3424, %select_n3A_3443 : vector<64x128xi1>, vector<64x128xi32>
    %select_n3A_3468 = arith.select %eq3A_3466, %select_n3A_3425, %select_n3A_3455 : vector<64x128xi1>, vector<64x128xi32>
    %and3A_3469 = arith.constant 64 : i32
    %and3A_3470 = vector.broadcast %and3A_3469 : i32 to vector<64x128xi32>
    %and3A_3471 = arith.andi %iota3A_1344, %and3A_3470 : vector<64x128xi32>
    %eq3A_3472 = arith.constant 0 : i32
    %eq3A_3473 = vector.broadcast %eq3A_3472 : i32 to vector<64x128xi32>
    %eq3A_3474 = arith.cmpi eq, %and3A_3471, %eq3A_3473 : vector<64x128xi32>
    %roll3A_3475 = arith.constant 64 : i32
    %roll3A_3476 = tpu.dynamic_rotate %select_n3A_3467 by %roll3A_3475 dim 1 : vector<64x128xi32>, i32 -> vector<64x128xi32>
    %roll3A_3477 = arith.constant 64 : i32
    %roll3A_3478 = tpu.dynamic_rotate %select_n3A_3467 by %roll3A_3477 dim 1 : vector<64x128xi32>, i32 -> vector<64x128xi32>
    %iota3A_3479 = tpu.iota {dimensions = array<i32: 1>} : vector<64x128xi32>
    %and3A_3480 = arith.constant 64 : i32
    %and3A_3481 = vector.broadcast %and3A_3480 : i32 to vector<64x128xi32>
    %and3A_3482 = arith.andi %iota3A_3479, %and3A_3481 : vector<64x128xi32>
    %eq3A_3483 = arith.constant 0 : i32
    %eq3A_3484 = vector.broadcast %eq3A_3483 : i32 to vector<64x128xi32>
    %eq3A_3485 = arith.cmpi eq, %and3A_3482, %eq3A_3484 : vector<64x128xi32>
    %select_n3A_3486 = arith.select %eq3A_3485, %roll3A_3476, %roll3A_3478 : vector<64x128xi1>, vector<64x128xi32>
    %roll3A_3487 = arith.constant 64 : i32
    %roll3A_3488 = tpu.dynamic_rotate %select_n3A_3468 by %roll3A_3487 dim 1 : vector<64x128xi32>, i32 -> vector<64x128xi32>
    %roll3A_3489 = arith.constant 64 : i32
    %roll3A_3490 = tpu.dynamic_rotate %select_n3A_3468 by %roll3A_3489 dim 1 : vector<64x128xi32>, i32 -> vector<64x128xi32>
    %iota3A_3491 = tpu.iota {dimensions = array<i32: 1>} : vector<64x128xi32>
    %and3A_3492 = arith.constant 64 : i32
    %and3A_3493 = vector.broadcast %and3A_3492 : i32 to vector<64x128xi32>
    %and3A_3494 = arith.andi %iota3A_3491, %and3A_3493 : vector<64x128xi32>
    %eq3A_3495 = arith.constant 0 : i32
    %eq3A_3496 = vector.broadcast %eq3A_3495 : i32 to vector<64x128xi32>
    %eq3A_3497 = arith.cmpi eq, %and3A_3494, %eq3A_3496 : vector<64x128xi32>
    %select_n3A_3498 = arith.select %eq3A_3497, %roll3A_3488, %roll3A_3490 : vector<64x128xi1>, vector<64x128xi32>
    %eq3A_3499 = arith.xori %eq3A_3339, %eq3A_3474 : vector<64x128xi1>
    %eq3A_3500 = arith.constant dense<true> : vector<64x128xi1>
    %eq3A_3501 = arith.xori %eq3A_3499, %eq3A_3500 : vector<64x128xi1>
    %gt3A_3502 = arith.cmpi sgt, %select_n3A_3467, %select_n3A_3486 : vector<64x128xi32>
    %eq3A_3503 = arith.cmpi eq, %select_n3A_3467, %select_n3A_3486 : vector<64x128xi32>
    %lt3A_3504 = arith.cmpi slt, %select_n3A_3468, %select_n3A_3498 : vector<64x128xi32>
    %and3A_3505 = arith.andi %eq3A_3503, %lt3A_3504 : vector<64x128xi1>
    %or3A_3506 = arith.ori %gt3A_3502, %and3A_3505 : vector<64x128xi1>
    %eq3A_3507 = arith.xori %eq3A_3501, %or3A_3506 : vector<64x128xi1>
    %eq3A_3508 = arith.constant dense<true> : vector<64x128xi1>
    %eq3A_3509 = arith.xori %eq3A_3507, %eq3A_3508 : vector<64x128xi1>
    %select_n3A_3510 = arith.select %eq3A_3509, %select_n3A_3467, %select_n3A_3486 : vector<64x128xi1>, vector<64x128xi32>
    %select_n3A_3511 = arith.select %eq3A_3509, %select_n3A_3468, %select_n3A_3498 : vector<64x128xi1>, vector<64x128xi32>
    %and3A_3512 = arith.constant 32 : i32
    %and3A_3513 = vector.broadcast %and3A_3512 : i32 to vector<64x128xi32>
    %and3A_3514 = arith.andi %iota3A_1344, %and3A_3513 : vector<64x128xi32>
    %eq3A_3515 = arith.constant 0 : i32
    %eq3A_3516 = vector.broadcast %eq3A_3515 : i32 to vector<64x128xi32>
    %eq3A_3517 = arith.cmpi eq, %and3A_3514, %eq3A_3516 : vector<64x128xi32>
    %roll3A_3518 = arith.constant 96 : i32
    %roll3A_3519 = tpu.dynamic_rotate %select_n3A_3510 by %roll3A_3518 dim 1 : vector<64x128xi32>, i32 -> vector<64x128xi32>
    %roll3A_3520 = arith.constant 32 : i32
    %roll3A_3521 = tpu.dynamic_rotate %select_n3A_3510 by %roll3A_3520 dim 1 : vector<64x128xi32>, i32 -> vector<64x128xi32>
    %iota3A_3522 = tpu.iota {dimensions = array<i32: 1>} : vector<64x128xi32>
    %and3A_3523 = arith.constant 32 : i32
    %and3A_3524 = vector.broadcast %and3A_3523 : i32 to vector<64x128xi32>
    %and3A_3525 = arith.andi %iota3A_3522, %and3A_3524 : vector<64x128xi32>
    %eq3A_3526 = arith.constant 0 : i32
    %eq3A_3527 = vector.broadcast %eq3A_3526 : i32 to vector<64x128xi32>
    %eq3A_3528 = arith.cmpi eq, %and3A_3525, %eq3A_3527 : vector<64x128xi32>
    %select_n3A_3529 = arith.select %eq3A_3528, %roll3A_3519, %roll3A_3521 : vector<64x128xi1>, vector<64x128xi32>
    %roll3A_3530 = arith.constant 96 : i32
    %roll3A_3531 = tpu.dynamic_rotate %select_n3A_3511 by %roll3A_3530 dim 1 : vector<64x128xi32>, i32 -> vector<64x128xi32>
    %roll3A_3532 = arith.constant 32 : i32
    %roll3A_3533 = tpu.dynamic_rotate %select_n3A_3511 by %roll3A_3532 dim 1 : vector<64x128xi32>, i32 -> vector<64x128xi32>
    %iota3A_3534 = tpu.iota {dimensions = array<i32: 1>} : vector<64x128xi32>
    %and3A_3535 = arith.constant 32 : i32
    %and3A_3536 = vector.broadcast %and3A_3535 : i32 to vector<64x128xi32>
    %and3A_3537 = arith.andi %iota3A_3534, %and3A_3536 : vector<64x128xi32>
    %eq3A_3538 = arith.constant 0 : i32
    %eq3A_3539 = vector.broadcast %eq3A_3538 : i32 to vector<64x128xi32>
    %eq3A_3540 = arith.cmpi eq, %and3A_3537, %eq3A_3539 : vector<64x128xi32>
    %select_n3A_3541 = arith.select %eq3A_3540, %roll3A_3531, %roll3A_3533 : vector<64x128xi1>, vector<64x128xi32>
    %eq3A_3542 = arith.xori %eq3A_3339, %eq3A_3517 : vector<64x128xi1>
    %eq3A_3543 = arith.constant dense<true> : vector<64x128xi1>
    %eq3A_3544 = arith.xori %eq3A_3542, %eq3A_3543 : vector<64x128xi1>
    %gt3A_3545 = arith.cmpi sgt, %select_n3A_3510, %select_n3A_3529 : vector<64x128xi32>
    %eq3A_3546 = arith.cmpi eq, %select_n3A_3510, %select_n3A_3529 : vector<64x128xi32>
    %lt3A_3547 = arith.cmpi slt, %select_n3A_3511, %select_n3A_3541 : vector<64x128xi32>
    %and3A_3548 = arith.andi %eq3A_3546, %lt3A_3547 : vector<64x128xi1>
    %or3A_3549 = arith.ori %gt3A_3545, %and3A_3548 : vector<64x128xi1>
    %eq3A_3550 = arith.xori %eq3A_3544, %or3A_3549 : vector<64x128xi1>
    %eq3A_3551 = arith.constant dense<true> : vector<64x128xi1>
    %eq3A_3552 = arith.xori %eq3A_3550, %eq3A_3551 : vector<64x128xi1>
    %select_n3A_3553 = arith.select %eq3A_3552, %select_n3A_3510, %select_n3A_3529 : vector<64x128xi1>, vector<64x128xi32>
    %select_n3A_3554 = arith.select %eq3A_3552, %select_n3A_3511, %select_n3A_3541 : vector<64x128xi1>, vector<64x128xi32>
    %and3A_3555 = arith.constant 16 : i32
    %and3A_3556 = vector.broadcast %and3A_3555 : i32 to vector<64x128xi32>
    %and3A_3557 = arith.andi %iota3A_1344, %and3A_3556 : vector<64x128xi32>
    %eq3A_3558 = arith.constant 0 : i32
    %eq3A_3559 = vector.broadcast %eq3A_3558 : i32 to vector<64x128xi32>
    %eq3A_3560 = arith.cmpi eq, %and3A_3557, %eq3A_3559 : vector<64x128xi32>
    %roll3A_3561 = arith.constant 112 : i32
    %roll3A_3562 = tpu.dynamic_rotate %select_n3A_3553 by %roll3A_3561 dim 1 : vector<64x128xi32>, i32 -> vector<64x128xi32>
    %roll3A_3563 = arith.constant 16 : i32
    %roll3A_3564 = tpu.dynamic_rotate %select_n3A_3553 by %roll3A_3563 dim 1 : vector<64x128xi32>, i32 -> vector<64x128xi32>
    %iota3A_3565 = tpu.iota {dimensions = array<i32: 1>} : vector<64x128xi32>
    %and3A_3566 = arith.constant 16 : i32
    %and3A_3567 = vector.broadcast %and3A_3566 : i32 to vector<64x128xi32>
    %and3A_3568 = arith.andi %iota3A_3565, %and3A_3567 : vector<64x128xi32>
    %eq3A_3569 = arith.constant 0 : i32
    %eq3A_3570 = vector.broadcast %eq3A_3569 : i32 to vector<64x128xi32>
    %eq3A_3571 = arith.cmpi eq, %and3A_3568, %eq3A_3570 : vector<64x128xi32>
    %select_n3A_3572 = arith.select %eq3A_3571, %roll3A_3562, %roll3A_3564 : vector<64x128xi1>, vector<64x128xi32>
    %roll3A_3573 = arith.constant 112 : i32
    %roll3A_3574 = tpu.dynamic_rotate %select_n3A_3554 by %roll3A_3573 dim 1 : vector<64x128xi32>, i32 -> vector<64x128xi32>
    %roll3A_3575 = arith.constant 16 : i32
    %roll3A_3576 = tpu.dynamic_rotate %select_n3A_3554 by %roll3A_3575 dim 1 : vector<64x128xi32>, i32 -> vector<64x128xi32>
    %iota3A_3577 = tpu.iota {dimensions = array<i32: 1>} : vector<64x128xi32>
    %and3A_3578 = arith.constant 16 : i32
    %and3A_3579 = vector.broadcast %and3A_3578 : i32 to vector<64x128xi32>
    %and3A_3580 = arith.andi %iota3A_3577, %and3A_3579 : vector<64x128xi32>
    %eq3A_3581 = arith.constant 0 : i32
    %eq3A_3582 = vector.broadcast %eq3A_3581 : i32 to vector<64x128xi32>
    %eq3A_3583 = arith.cmpi eq, %and3A_3580, %eq3A_3582 : vector<64x128xi32>
    %select_n3A_3584 = arith.select %eq3A_3583, %roll3A_3574, %roll3A_3576 : vector<64x128xi1>, vector<64x128xi32>
    %eq3A_3585 = arith.xori %eq3A_3339, %eq3A_3560 : vector<64x128xi1>
    %eq3A_3586 = arith.constant dense<true> : vector<64x128xi1>
    %eq3A_3587 = arith.xori %eq3A_3585, %eq3A_3586 : vector<64x128xi1>
    %gt3A_3588 = arith.cmpi sgt, %select_n3A_3553, %select_n3A_3572 : vector<64x128xi32>
    %eq3A_3589 = arith.cmpi eq, %select_n3A_3553, %select_n3A_3572 : vector<64x128xi32>
    %lt3A_3590 = arith.cmpi slt, %select_n3A_3554, %select_n3A_3584 : vector<64x128xi32>
    %and3A_3591 = arith.andi %eq3A_3589, %lt3A_3590 : vector<64x128xi1>
    %or3A_3592 = arith.ori %gt3A_3588, %and3A_3591 : vector<64x128xi1>
    %eq3A_3593 = arith.xori %eq3A_3587, %or3A_3592 : vector<64x128xi1>
    %eq3A_3594 = arith.constant dense<true> : vector<64x128xi1>
    %eq3A_3595 = arith.xori %eq3A_3593, %eq3A_3594 : vector<64x128xi1>
    %select_n3A_3596 = arith.select %eq3A_3595, %select_n3A_3553, %select_n3A_3572 : vector<64x128xi1>, vector<64x128xi32>
    %select_n3A_3597 = arith.select %eq3A_3595, %select_n3A_3554, %select_n3A_3584 : vector<64x128xi1>, vector<64x128xi32>
    %and3A_3598 = arith.constant 8 : i32
    %and3A_3599 = vector.broadcast %and3A_3598 : i32 to vector<64x128xi32>
    %and3A_3600 = arith.andi %iota3A_1344, %and3A_3599 : vector<64x128xi32>
    %eq3A_3601 = arith.constant 0 : i32
    %eq3A_3602 = vector.broadcast %eq3A_3601 : i32 to vector<64x128xi32>
    %eq3A_3603 = arith.cmpi eq, %and3A_3600, %eq3A_3602 : vector<64x128xi32>
    %roll3A_3604 = arith.constant 120 : i32
    %roll3A_3605 = tpu.dynamic_rotate %select_n3A_3596 by %roll3A_3604 dim 1 : vector<64x128xi32>, i32 -> vector<64x128xi32>
    %roll3A_3606 = arith.constant 8 : i32
    %roll3A_3607 = tpu.dynamic_rotate %select_n3A_3596 by %roll3A_3606 dim 1 : vector<64x128xi32>, i32 -> vector<64x128xi32>
    %iota3A_3608 = tpu.iota {dimensions = array<i32: 1>} : vector<64x128xi32>
    %and3A_3609 = arith.constant 8 : i32
    %and3A_3610 = vector.broadcast %and3A_3609 : i32 to vector<64x128xi32>
    %and3A_3611 = arith.andi %iota3A_3608, %and3A_3610 : vector<64x128xi32>
    %eq3A_3612 = arith.constant 0 : i32
    %eq3A_3613 = vector.broadcast %eq3A_3612 : i32 to vector<64x128xi32>
    %eq3A_3614 = arith.cmpi eq, %and3A_3611, %eq3A_3613 : vector<64x128xi32>
    %select_n3A_3615 = arith.select %eq3A_3614, %roll3A_3605, %roll3A_3607 : vector<64x128xi1>, vector<64x128xi32>
    %roll3A_3616 = arith.constant 120 : i32
    %roll3A_3617 = tpu.dynamic_rotate %select_n3A_3597 by %roll3A_3616 dim 1 : vector<64x128xi32>, i32 -> vector<64x128xi32>
    %roll3A_3618 = arith.constant 8 : i32
    %roll3A_3619 = tpu.dynamic_rotate %select_n3A_3597 by %roll3A_3618 dim 1 : vector<64x128xi32>, i32 -> vector<64x128xi32>
    %iota3A_3620 = tpu.iota {dimensions = array<i32: 1>} : vector<64x128xi32>
    %and3A_3621 = arith.constant 8 : i32
    %and3A_3622 = vector.broadcast %and3A_3621 : i32 to vector<64x128xi32>
    %and3A_3623 = arith.andi %iota3A_3620, %and3A_3622 : vector<64x128xi32>
    %eq3A_3624 = arith.constant 0 : i32
    %eq3A_3625 = vector.broadcast %eq3A_3624 : i32 to vector<64x128xi32>
    %eq3A_3626 = arith.cmpi eq, %and3A_3623, %eq3A_3625 : vector<64x128xi32>
    %select_n3A_3627 = arith.select %eq3A_3626, %roll3A_3617, %roll3A_3619 : vector<64x128xi1>, vector<64x128xi32>
    %eq3A_3628 = arith.xori %eq3A_3339, %eq3A_3603 : vector<64x128xi1>
    %eq3A_3629 = arith.constant dense<true> : vector<64x128xi1>
    %eq3A_3630 = arith.xori %eq3A_3628, %eq3A_3629 : vector<64x128xi1>
    %gt3A_3631 = arith.cmpi sgt, %select_n3A_3596, %select_n3A_3615 : vector<64x128xi32>
    %eq3A_3632 = arith.cmpi eq, %select_n3A_3596, %select_n3A_3615 : vector<64x128xi32>
    %lt3A_3633 = arith.cmpi slt, %select_n3A_3597, %select_n3A_3627 : vector<64x128xi32>
    %and3A_3634 = arith.andi %eq3A_3632, %lt3A_3633 : vector<64x128xi1>
    %or3A_3635 = arith.ori %gt3A_3631, %and3A_3634 : vector<64x128xi1>
    %eq3A_3636 = arith.xori %eq3A_3630, %or3A_3635 : vector<64x128xi1>
    %eq3A_3637 = arith.constant dense<true> : vector<64x128xi1>
    %eq3A_3638 = arith.xori %eq3A_3636, %eq3A_3637 : vector<64x128xi1>
    %select_n3A_3639 = arith.select %eq3A_3638, %select_n3A_3596, %select_n3A_3615 : vector<64x128xi1>, vector<64x128xi32>
    %select_n3A_3640 = arith.select %eq3A_3638, %select_n3A_3597, %select_n3A_3627 : vector<64x128xi1>, vector<64x128xi32>
    %and3A_3641 = arith.constant 4 : i32
    %and3A_3642 = vector.broadcast %and3A_3641 : i32 to vector<64x128xi32>
    %and3A_3643 = arith.andi %iota3A_1344, %and3A_3642 : vector<64x128xi32>
    %eq3A_3644 = arith.constant 0 : i32
    %eq3A_3645 = vector.broadcast %eq3A_3644 : i32 to vector<64x128xi32>
    %eq3A_3646 = arith.cmpi eq, %and3A_3643, %eq3A_3645 : vector<64x128xi32>
    %roll3A_3647 = arith.constant 124 : i32
    %roll3A_3648 = tpu.dynamic_rotate %select_n3A_3639 by %roll3A_3647 dim 1 : vector<64x128xi32>, i32 -> vector<64x128xi32>
    %roll3A_3649 = arith.constant 4 : i32
    %roll3A_3650 = tpu.dynamic_rotate %select_n3A_3639 by %roll3A_3649 dim 1 : vector<64x128xi32>, i32 -> vector<64x128xi32>
    %iota3A_3651 = tpu.iota {dimensions = array<i32: 1>} : vector<64x128xi32>
    %and3A_3652 = arith.constant 4 : i32
    %and3A_3653 = vector.broadcast %and3A_3652 : i32 to vector<64x128xi32>
    %and3A_3654 = arith.andi %iota3A_3651, %and3A_3653 : vector<64x128xi32>
    %eq3A_3655 = arith.constant 0 : i32
    %eq3A_3656 = vector.broadcast %eq3A_3655 : i32 to vector<64x128xi32>
    %eq3A_3657 = arith.cmpi eq, %and3A_3654, %eq3A_3656 : vector<64x128xi32>
    %select_n3A_3658 = arith.select %eq3A_3657, %roll3A_3648, %roll3A_3650 : vector<64x128xi1>, vector<64x128xi32>
    %roll3A_3659 = arith.constant 124 : i32
    %roll3A_3660 = tpu.dynamic_rotate %select_n3A_3640 by %roll3A_3659 dim 1 : vector<64x128xi32>, i32 -> vector<64x128xi32>
    %roll3A_3661 = arith.constant 4 : i32
    %roll3A_3662 = tpu.dynamic_rotate %select_n3A_3640 by %roll3A_3661 dim 1 : vector<64x128xi32>, i32 -> vector<64x128xi32>
    %iota3A_3663 = tpu.iota {dimensions = array<i32: 1>} : vector<64x128xi32>
    %and3A_3664 = arith.constant 4 : i32
    %and3A_3665 = vector.broadcast %and3A_3664 : i32 to vector<64x128xi32>
    %and3A_3666 = arith.andi %iota3A_3663, %and3A_3665 : vector<64x128xi32>
    %eq3A_3667 = arith.constant 0 : i32
    %eq3A_3668 = vector.broadcast %eq3A_3667 : i32 to vector<64x128xi32>
    %eq3A_3669 = arith.cmpi eq, %and3A_3666, %eq3A_3668 : vector<64x128xi32>
    %select_n3A_3670 = arith.select %eq3A_3669, %roll3A_3660, %roll3A_3662 : vector<64x128xi1>, vector<64x128xi32>
    %eq3A_3671 = arith.xori %eq3A_3339, %eq3A_3646 : vector<64x128xi1>
    %eq3A_3672 = arith.constant dense<true> : vector<64x128xi1>
    %eq3A_3673 = arith.xori %eq3A_3671, %eq3A_3672 : vector<64x128xi1>
    %gt3A_3674 = arith.cmpi sgt, %select_n3A_3639, %select_n3A_3658 : vector<64x128xi32>
    %eq3A_3675 = arith.cmpi eq, %select_n3A_3639, %select_n3A_3658 : vector<64x128xi32>
    %lt3A_3676 = arith.cmpi slt, %select_n3A_3640, %select_n3A_3670 : vector<64x128xi32>
    %and3A_3677 = arith.andi %eq3A_3675, %lt3A_3676 : vector<64x128xi1>
    %or3A_3678 = arith.ori %gt3A_3674, %and3A_3677 : vector<64x128xi1>
    %eq3A_3679 = arith.xori %eq3A_3673, %or3A_3678 : vector<64x128xi1>
    %eq3A_3680 = arith.constant dense<true> : vector<64x128xi1>
    %eq3A_3681 = arith.xori %eq3A_3679, %eq3A_3680 : vector<64x128xi1>
    %select_n3A_3682 = arith.select %eq3A_3681, %select_n3A_3639, %select_n3A_3658 : vector<64x128xi1>, vector<64x128xi32>
    %select_n3A_3683 = arith.select %eq3A_3681, %select_n3A_3640, %select_n3A_3670 : vector<64x128xi1>, vector<64x128xi32>
    %and3A_3684 = arith.constant 2 : i32
    %and3A_3685 = vector.broadcast %and3A_3684 : i32 to vector<64x128xi32>
    %and3A_3686 = arith.andi %iota3A_1344, %and3A_3685 : vector<64x128xi32>
    %eq3A_3687 = arith.constant 0 : i32
    %eq3A_3688 = vector.broadcast %eq3A_3687 : i32 to vector<64x128xi32>
    %eq3A_3689 = arith.cmpi eq, %and3A_3686, %eq3A_3688 : vector<64x128xi32>
    %roll3A_3690 = arith.constant 126 : i32
    %roll3A_3691 = tpu.dynamic_rotate %select_n3A_3682 by %roll3A_3690 dim 1 : vector<64x128xi32>, i32 -> vector<64x128xi32>
    %roll3A_3692 = arith.constant 2 : i32
    %roll3A_3693 = tpu.dynamic_rotate %select_n3A_3682 by %roll3A_3692 dim 1 : vector<64x128xi32>, i32 -> vector<64x128xi32>
    %iota3A_3694 = tpu.iota {dimensions = array<i32: 1>} : vector<64x128xi32>
    %and3A_3695 = arith.constant 2 : i32
    %and3A_3696 = vector.broadcast %and3A_3695 : i32 to vector<64x128xi32>
    %and3A_3697 = arith.andi %iota3A_3694, %and3A_3696 : vector<64x128xi32>
    %eq3A_3698 = arith.constant 0 : i32
    %eq3A_3699 = vector.broadcast %eq3A_3698 : i32 to vector<64x128xi32>
    %eq3A_3700 = arith.cmpi eq, %and3A_3697, %eq3A_3699 : vector<64x128xi32>
    %select_n3A_3701 = arith.select %eq3A_3700, %roll3A_3691, %roll3A_3693 : vector<64x128xi1>, vector<64x128xi32>
    %roll3A_3702 = arith.constant 126 : i32
    %roll3A_3703 = tpu.dynamic_rotate %select_n3A_3683 by %roll3A_3702 dim 1 : vector<64x128xi32>, i32 -> vector<64x128xi32>
    %roll3A_3704 = arith.constant 2 : i32
    %roll3A_3705 = tpu.dynamic_rotate %select_n3A_3683 by %roll3A_3704 dim 1 : vector<64x128xi32>, i32 -> vector<64x128xi32>
    %iota3A_3706 = tpu.iota {dimensions = array<i32: 1>} : vector<64x128xi32>
    %and3A_3707 = arith.constant 2 : i32
    %and3A_3708 = vector.broadcast %and3A_3707 : i32 to vector<64x128xi32>
    %and3A_3709 = arith.andi %iota3A_3706, %and3A_3708 : vector<64x128xi32>
    %eq3A_3710 = arith.constant 0 : i32
    %eq3A_3711 = vector.broadcast %eq3A_3710 : i32 to vector<64x128xi32>
    %eq3A_3712 = arith.cmpi eq, %and3A_3709, %eq3A_3711 : vector<64x128xi32>
    %select_n3A_3713 = arith.select %eq3A_3712, %roll3A_3703, %roll3A_3705 : vector<64x128xi1>, vector<64x128xi32>
    %eq3A_3714 = arith.xori %eq3A_3339, %eq3A_3689 : vector<64x128xi1>
    %eq3A_3715 = arith.constant dense<true> : vector<64x128xi1>
    %eq3A_3716 = arith.xori %eq3A_3714, %eq3A_3715 : vector<64x128xi1>
    %gt3A_3717 = arith.cmpi sgt, %select_n3A_3682, %select_n3A_3701 : vector<64x128xi32>
    %eq3A_3718 = arith.cmpi eq, %select_n3A_3682, %select_n3A_3701 : vector<64x128xi32>
    %lt3A_3719 = arith.cmpi slt, %select_n3A_3683, %select_n3A_3713 : vector<64x128xi32>
    %and3A_3720 = arith.andi %eq3A_3718, %lt3A_3719 : vector<64x128xi1>
    %or3A_3721 = arith.ori %gt3A_3717, %and3A_3720 : vector<64x128xi1>
    %eq3A_3722 = arith.xori %eq3A_3716, %or3A_3721 : vector<64x128xi1>
    %eq3A_3723 = arith.constant dense<true> : vector<64x128xi1>
    %eq3A_3724 = arith.xori %eq3A_3722, %eq3A_3723 : vector<64x128xi1>
    %select_n3A_3725 = arith.select %eq3A_3724, %select_n3A_3682, %select_n3A_3701 : vector<64x128xi1>, vector<64x128xi32>
    %select_n3A_3726 = arith.select %eq3A_3724, %select_n3A_3683, %select_n3A_3713 : vector<64x128xi1>, vector<64x128xi32>
    %and3A_3727 = arith.constant 1 : i32
    %and3A_3728 = vector.broadcast %and3A_3727 : i32 to vector<64x128xi32>
    %and3A_3729 = arith.andi %iota3A_1344, %and3A_3728 : vector<64x128xi32>
    %eq3A_3730 = arith.constant 0 : i32
    %eq3A_3731 = vector.broadcast %eq3A_3730 : i32 to vector<64x128xi32>
    %eq3A_3732 = arith.cmpi eq, %and3A_3729, %eq3A_3731 : vector<64x128xi32>
    %roll3A_3733 = arith.constant 127 : i32
    %roll3A_3734 = tpu.dynamic_rotate %select_n3A_3725 by %roll3A_3733 dim 1 : vector<64x128xi32>, i32 -> vector<64x128xi32>
    %roll3A_3735 = arith.constant 1 : i32
    %roll3A_3736 = tpu.dynamic_rotate %select_n3A_3725 by %roll3A_3735 dim 1 : vector<64x128xi32>, i32 -> vector<64x128xi32>
    %iota3A_3737 = tpu.iota {dimensions = array<i32: 1>} : vector<64x128xi32>
    %and3A_3738 = arith.constant 1 : i32
    %and3A_3739 = vector.broadcast %and3A_3738 : i32 to vector<64x128xi32>
    %and3A_3740 = arith.andi %iota3A_3737, %and3A_3739 : vector<64x128xi32>
    %eq3A_3741 = arith.constant 0 : i32
    %eq3A_3742 = vector.broadcast %eq3A_3741 : i32 to vector<64x128xi32>
    %eq3A_3743 = arith.cmpi eq, %and3A_3740, %eq3A_3742 : vector<64x128xi32>
    %select_n3A_3744 = arith.select %eq3A_3743, %roll3A_3734, %roll3A_3736 : vector<64x128xi1>, vector<64x128xi32>
    %roll3A_3745 = arith.constant 127 : i32
    %roll3A_3746 = tpu.dynamic_rotate %select_n3A_3726 by %roll3A_3745 dim 1 : vector<64x128xi32>, i32 -> vector<64x128xi32>
    %roll3A_3747 = arith.constant 1 : i32
    %roll3A_3748 = tpu.dynamic_rotate %select_n3A_3726 by %roll3A_3747 dim 1 : vector<64x128xi32>, i32 -> vector<64x128xi32>
    %iota3A_3749 = tpu.iota {dimensions = array<i32: 1>} : vector<64x128xi32>
    %and3A_3750 = arith.constant 1 : i32
    %and3A_3751 = vector.broadcast %and3A_3750 : i32 to vector<64x128xi32>
    %and3A_3752 = arith.andi %iota3A_3749, %and3A_3751 : vector<64x128xi32>
    %eq3A_3753 = arith.constant 0 : i32
    %eq3A_3754 = vector.broadcast %eq3A_3753 : i32 to vector<64x128xi32>
    %eq3A_3755 = arith.cmpi eq, %and3A_3752, %eq3A_3754 : vector<64x128xi32>
    %select_n3A_3756 = arith.select %eq3A_3755, %roll3A_3746, %roll3A_3748 : vector<64x128xi1>, vector<64x128xi32>
    %eq3A_3757 = arith.xori %eq3A_3339, %eq3A_3732 : vector<64x128xi1>
    %eq3A_3758 = arith.constant dense<true> : vector<64x128xi1>
    %eq3A_3759 = arith.xori %eq3A_3757, %eq3A_3758 : vector<64x128xi1>
    %gt3A_3760 = arith.cmpi sgt, %select_n3A_3725, %select_n3A_3744 : vector<64x128xi32>
    %eq3A_3761 = arith.cmpi eq, %select_n3A_3725, %select_n3A_3744 : vector<64x128xi32>
    %lt3A_3762 = arith.cmpi slt, %select_n3A_3726, %select_n3A_3756 : vector<64x128xi32>
    %and3A_3763 = arith.andi %eq3A_3761, %lt3A_3762 : vector<64x128xi1>
    %or3A_3764 = arith.ori %gt3A_3760, %and3A_3763 : vector<64x128xi1>
    %eq3A_3765 = arith.xori %eq3A_3759, %or3A_3764 : vector<64x128xi1>
    %eq3A_3766 = arith.constant dense<true> : vector<64x128xi1>
    %eq3A_3767 = arith.xori %eq3A_3765, %eq3A_3766 : vector<64x128xi1>
    %select_n3A_3768 = arith.select %eq3A_3767, %select_n3A_3725, %select_n3A_3744 : vector<64x128xi1>, vector<64x128xi32>
    %select_n3A_3769 = arith.select %eq3A_3767, %select_n3A_3726, %select_n3A_3756 : vector<64x128xi1>, vector<64x128xi32>
    %and3A_3770 = arith.constant 16 : i32
    %and3A_3771 = vector.broadcast %and3A_3770 : i32 to vector<64x128xi32>
    %and3A_3772 = arith.andi %iota3A_1343, %and3A_3771 : vector<64x128xi32>
    %eq3A_3773 = arith.constant 0 : i32
    %eq3A_3774 = vector.broadcast %eq3A_3773 : i32 to vector<64x128xi32>
    %eq3A_3775 = arith.cmpi eq, %and3A_3772, %eq3A_3774 : vector<64x128xi32>
    %and3A_3776 = arith.constant 8 : i32
    %and3A_3777 = vector.broadcast %and3A_3776 : i32 to vector<64x128xi32>
    %and3A_3778 = arith.andi %iota3A_1343, %and3A_3777 : vector<64x128xi32>
    %eq3A_3779 = arith.constant 0 : i32
    %eq3A_3780 = vector.broadcast %eq3A_3779 : i32 to vector<64x128xi32>
    %eq3A_3781 = arith.cmpi eq, %and3A_3778, %eq3A_3780 : vector<64x128xi32>
    %roll3A_3782 = arith.constant 56 : i32
    %roll3A_3783 = tpu.dynamic_rotate %select_n3A_3768 by %roll3A_3782 dim 0 : vector<64x128xi32>, i32 -> vector<64x128xi32>
    %roll3A_3784 = arith.constant 8 : i32
    %roll3A_3785 = tpu.dynamic_rotate %select_n3A_3768 by %roll3A_3784 dim 0 : vector<64x128xi32>, i32 -> vector<64x128xi32>
    %iota3A_3786 = tpu.iota {dimensions = array<i32: 0>} : vector<64x128xi32>
    %and3A_3787 = arith.constant 8 : i32
    %and3A_3788 = vector.broadcast %and3A_3787 : i32 to vector<64x128xi32>
    %and3A_3789 = arith.andi %iota3A_3786, %and3A_3788 : vector<64x128xi32>
    %eq3A_3790 = arith.constant 0 : i32
    %eq3A_3791 = vector.broadcast %eq3A_3790 : i32 to vector<64x128xi32>
    %eq3A_3792 = arith.cmpi eq, %and3A_3789, %eq3A_3791 : vector<64x128xi32>
    %select_n3A_3793 = arith.select %eq3A_3792, %roll3A_3783, %roll3A_3785 : vector<64x128xi1>, vector<64x128xi32>
    %roll3A_3794 = arith.constant 56 : i32
    %roll3A_3795 = tpu.dynamic_rotate %select_n3A_3769 by %roll3A_3794 dim 0 : vector<64x128xi32>, i32 -> vector<64x128xi32>
    %roll3A_3796 = arith.constant 8 : i32
    %roll3A_3797 = tpu.dynamic_rotate %select_n3A_3769 by %roll3A_3796 dim 0 : vector<64x128xi32>, i32 -> vector<64x128xi32>
    %iota3A_3798 = tpu.iota {dimensions = array<i32: 0>} : vector<64x128xi32>
    %and3A_3799 = arith.constant 8 : i32
    %and3A_3800 = vector.broadcast %and3A_3799 : i32 to vector<64x128xi32>
    %and3A_3801 = arith.andi %iota3A_3798, %and3A_3800 : vector<64x128xi32>
    %eq3A_3802 = arith.constant 0 : i32
    %eq3A_3803 = vector.broadcast %eq3A_3802 : i32 to vector<64x128xi32>
    %eq3A_3804 = arith.cmpi eq, %and3A_3801, %eq3A_3803 : vector<64x128xi32>
    %select_n3A_3805 = arith.select %eq3A_3804, %roll3A_3795, %roll3A_3797 : vector<64x128xi1>, vector<64x128xi32>
    %eq3A_3806 = arith.xori %eq3A_3775, %eq3A_3781 : vector<64x128xi1>
    %eq3A_3807 = arith.constant dense<true> : vector<64x128xi1>
    %eq3A_3808 = arith.xori %eq3A_3806, %eq3A_3807 : vector<64x128xi1>
    %gt3A_3809 = arith.cmpi sgt, %select_n3A_3768, %select_n3A_3793 : vector<64x128xi32>
    %eq3A_3810 = arith.cmpi eq, %select_n3A_3768, %select_n3A_3793 : vector<64x128xi32>
    %lt3A_3811 = arith.cmpi slt, %select_n3A_3769, %select_n3A_3805 : vector<64x128xi32>
    %and3A_3812 = arith.andi %eq3A_3810, %lt3A_3811 : vector<64x128xi1>
    %or3A_3813 = arith.ori %gt3A_3809, %and3A_3812 : vector<64x128xi1>
    %eq3A_3814 = arith.xori %eq3A_3808, %or3A_3813 : vector<64x128xi1>
    %eq3A_3815 = arith.constant dense<true> : vector<64x128xi1>
    %eq3A_3816 = arith.xori %eq3A_3814, %eq3A_3815 : vector<64x128xi1>
    %select_n3A_3817 = arith.select %eq3A_3816, %select_n3A_3768, %select_n3A_3793 : vector<64x128xi1>, vector<64x128xi32>
    %select_n3A_3818 = arith.select %eq3A_3816, %select_n3A_3769, %select_n3A_3805 : vector<64x128xi1>, vector<64x128xi32>
    %and3A_3819 = arith.constant 4 : i32
    %and3A_3820 = vector.broadcast %and3A_3819 : i32 to vector<64x128xi32>
    %and3A_3821 = arith.andi %iota3A_1343, %and3A_3820 : vector<64x128xi32>
    %eq3A_3822 = arith.constant 0 : i32
    %eq3A_3823 = vector.broadcast %eq3A_3822 : i32 to vector<64x128xi32>
    %eq3A_3824 = arith.cmpi eq, %and3A_3821, %eq3A_3823 : vector<64x128xi32>
    %roll3A_3825 = arith.constant 60 : i32
    %roll3A_3826 = tpu.dynamic_rotate %select_n3A_3817 by %roll3A_3825 dim 0 : vector<64x128xi32>, i32 -> vector<64x128xi32>
    %roll3A_3827 = arith.constant 4 : i32
    %roll3A_3828 = tpu.dynamic_rotate %select_n3A_3817 by %roll3A_3827 dim 0 : vector<64x128xi32>, i32 -> vector<64x128xi32>
    %iota3A_3829 = tpu.iota {dimensions = array<i32: 0>} : vector<64x128xi32>
    %and3A_3830 = arith.constant 4 : i32
    %and3A_3831 = vector.broadcast %and3A_3830 : i32 to vector<64x128xi32>
    %and3A_3832 = arith.andi %iota3A_3829, %and3A_3831 : vector<64x128xi32>
    %eq3A_3833 = arith.constant 0 : i32
    %eq3A_3834 = vector.broadcast %eq3A_3833 : i32 to vector<64x128xi32>
    %eq3A_3835 = arith.cmpi eq, %and3A_3832, %eq3A_3834 : vector<64x128xi32>
    %select_n3A_3836 = arith.select %eq3A_3835, %roll3A_3826, %roll3A_3828 : vector<64x128xi1>, vector<64x128xi32>
    %roll3A_3837 = arith.constant 60 : i32
    %roll3A_3838 = tpu.dynamic_rotate %select_n3A_3818 by %roll3A_3837 dim 0 : vector<64x128xi32>, i32 -> vector<64x128xi32>
    %roll3A_3839 = arith.constant 4 : i32
    %roll3A_3840 = tpu.dynamic_rotate %select_n3A_3818 by %roll3A_3839 dim 0 : vector<64x128xi32>, i32 -> vector<64x128xi32>
    %iota3A_3841 = tpu.iota {dimensions = array<i32: 0>} : vector<64x128xi32>
    %and3A_3842 = arith.constant 4 : i32
    %and3A_3843 = vector.broadcast %and3A_3842 : i32 to vector<64x128xi32>
    %and3A_3844 = arith.andi %iota3A_3841, %and3A_3843 : vector<64x128xi32>
    %eq3A_3845 = arith.constant 0 : i32
    %eq3A_3846 = vector.broadcast %eq3A_3845 : i32 to vector<64x128xi32>
    %eq3A_3847 = arith.cmpi eq, %and3A_3844, %eq3A_3846 : vector<64x128xi32>
    %select_n3A_3848 = arith.select %eq3A_3847, %roll3A_3838, %roll3A_3840 : vector<64x128xi1>, vector<64x128xi32>
    %eq3A_3849 = arith.xori %eq3A_3775, %eq3A_3824 : vector<64x128xi1>
    %eq3A_3850 = arith.constant dense<true> : vector<64x128xi1>
    %eq3A_3851 = arith.xori %eq3A_3849, %eq3A_3850 : vector<64x128xi1>
    %gt3A_3852 = arith.cmpi sgt, %select_n3A_3817, %select_n3A_3836 : vector<64x128xi32>
    %eq3A_3853 = arith.cmpi eq, %select_n3A_3817, %select_n3A_3836 : vector<64x128xi32>
    %lt3A_3854 = arith.cmpi slt, %select_n3A_3818, %select_n3A_3848 : vector<64x128xi32>
    %and3A_3855 = arith.andi %eq3A_3853, %lt3A_3854 : vector<64x128xi1>
    %or3A_3856 = arith.ori %gt3A_3852, %and3A_3855 : vector<64x128xi1>
    %eq3A_3857 = arith.xori %eq3A_3851, %or3A_3856 : vector<64x128xi1>
    %eq3A_3858 = arith.constant dense<true> : vector<64x128xi1>
    %eq3A_3859 = arith.xori %eq3A_3857, %eq3A_3858 : vector<64x128xi1>
    %select_n3A_3860 = arith.select %eq3A_3859, %select_n3A_3817, %select_n3A_3836 : vector<64x128xi1>, vector<64x128xi32>
    %select_n3A_3861 = arith.select %eq3A_3859, %select_n3A_3818, %select_n3A_3848 : vector<64x128xi1>, vector<64x128xi32>
    %and3A_3862 = arith.constant 2 : i32
    %and3A_3863 = vector.broadcast %and3A_3862 : i32 to vector<64x128xi32>
    %and3A_3864 = arith.andi %iota3A_1343, %and3A_3863 : vector<64x128xi32>
    %eq3A_3865 = arith.constant 0 : i32
    %eq3A_3866 = vector.broadcast %eq3A_3865 : i32 to vector<64x128xi32>
    %eq3A_3867 = arith.cmpi eq, %and3A_3864, %eq3A_3866 : vector<64x128xi32>
    %roll3A_3868 = arith.constant 62 : i32
    %roll3A_3869 = tpu.dynamic_rotate %select_n3A_3860 by %roll3A_3868 dim 0 : vector<64x128xi32>, i32 -> vector<64x128xi32>
    %roll3A_3870 = arith.constant 2 : i32
    %roll3A_3871 = tpu.dynamic_rotate %select_n3A_3860 by %roll3A_3870 dim 0 : vector<64x128xi32>, i32 -> vector<64x128xi32>
    %iota3A_3872 = tpu.iota {dimensions = array<i32: 0>} : vector<64x128xi32>
    %and3A_3873 = arith.constant 2 : i32
    %and3A_3874 = vector.broadcast %and3A_3873 : i32 to vector<64x128xi32>
    %and3A_3875 = arith.andi %iota3A_3872, %and3A_3874 : vector<64x128xi32>
    %eq3A_3876 = arith.constant 0 : i32
    %eq3A_3877 = vector.broadcast %eq3A_3876 : i32 to vector<64x128xi32>
    %eq3A_3878 = arith.cmpi eq, %and3A_3875, %eq3A_3877 : vector<64x128xi32>
    %select_n3A_3879 = arith.select %eq3A_3878, %roll3A_3869, %roll3A_3871 : vector<64x128xi1>, vector<64x128xi32>
    %roll3A_3880 = arith.constant 62 : i32
    %roll3A_3881 = tpu.dynamic_rotate %select_n3A_3861 by %roll3A_3880 dim 0 : vector<64x128xi32>, i32 -> vector<64x128xi32>
    %roll3A_3882 = arith.constant 2 : i32
    %roll3A_3883 = tpu.dynamic_rotate %select_n3A_3861 by %roll3A_3882 dim 0 : vector<64x128xi32>, i32 -> vector<64x128xi32>
    %iota3A_3884 = tpu.iota {dimensions = array<i32: 0>} : vector<64x128xi32>
    %and3A_3885 = arith.constant 2 : i32
    %and3A_3886 = vector.broadcast %and3A_3885 : i32 to vector<64x128xi32>
    %and3A_3887 = arith.andi %iota3A_3884, %and3A_3886 : vector<64x128xi32>
    %eq3A_3888 = arith.constant 0 : i32
    %eq3A_3889 = vector.broadcast %eq3A_3888 : i32 to vector<64x128xi32>
    %eq3A_3890 = arith.cmpi eq, %and3A_3887, %eq3A_3889 : vector<64x128xi32>
    %select_n3A_3891 = arith.select %eq3A_3890, %roll3A_3881, %roll3A_3883 : vector<64x128xi1>, vector<64x128xi32>
    %eq3A_3892 = arith.xori %eq3A_3775, %eq3A_3867 : vector<64x128xi1>
    %eq3A_3893 = arith.constant dense<true> : vector<64x128xi1>
    %eq3A_3894 = arith.xori %eq3A_3892, %eq3A_3893 : vector<64x128xi1>
    %gt3A_3895 = arith.cmpi sgt, %select_n3A_3860, %select_n3A_3879 : vector<64x128xi32>
    %eq3A_3896 = arith.cmpi eq, %select_n3A_3860, %select_n3A_3879 : vector<64x128xi32>
    %lt3A_3897 = arith.cmpi slt, %select_n3A_3861, %select_n3A_3891 : vector<64x128xi32>
    %and3A_3898 = arith.andi %eq3A_3896, %lt3A_3897 : vector<64x128xi1>
    %or3A_3899 = arith.ori %gt3A_3895, %and3A_3898 : vector<64x128xi1>
    %eq3A_3900 = arith.xori %eq3A_3894, %or3A_3899 : vector<64x128xi1>
    %eq3A_3901 = arith.constant dense<true> : vector<64x128xi1>
    %eq3A_3902 = arith.xori %eq3A_3900, %eq3A_3901 : vector<64x128xi1>
    %select_n3A_3903 = arith.select %eq3A_3902, %select_n3A_3860, %select_n3A_3879 : vector<64x128xi1>, vector<64x128xi32>
    %select_n3A_3904 = arith.select %eq3A_3902, %select_n3A_3861, %select_n3A_3891 : vector<64x128xi1>, vector<64x128xi32>
    %and3A_3905 = arith.constant 1 : i32
    %and3A_3906 = vector.broadcast %and3A_3905 : i32 to vector<64x128xi32>
    %and3A_3907 = arith.andi %iota3A_1343, %and3A_3906 : vector<64x128xi32>
    %eq3A_3908 = arith.constant 0 : i32
    %eq3A_3909 = vector.broadcast %eq3A_3908 : i32 to vector<64x128xi32>
    %eq3A_3910 = arith.cmpi eq, %and3A_3907, %eq3A_3909 : vector<64x128xi32>
    %roll3A_3911 = arith.constant 63 : i32
    %roll3A_3912 = tpu.dynamic_rotate %select_n3A_3903 by %roll3A_3911 dim 0 : vector<64x128xi32>, i32 -> vector<64x128xi32>
    %roll3A_3913 = arith.constant 1 : i32
    %roll3A_3914 = tpu.dynamic_rotate %select_n3A_3903 by %roll3A_3913 dim 0 : vector<64x128xi32>, i32 -> vector<64x128xi32>
    %iota3A_3915 = tpu.iota {dimensions = array<i32: 0>} : vector<64x128xi32>
    %and3A_3916 = arith.constant 1 : i32
    %and3A_3917 = vector.broadcast %and3A_3916 : i32 to vector<64x128xi32>
    %and3A_3918 = arith.andi %iota3A_3915, %and3A_3917 : vector<64x128xi32>
    %eq3A_3919 = arith.constant 0 : i32
    %eq3A_3920 = vector.broadcast %eq3A_3919 : i32 to vector<64x128xi32>
    %eq3A_3921 = arith.cmpi eq, %and3A_3918, %eq3A_3920 : vector<64x128xi32>
    %select_n3A_3922 = arith.select %eq3A_3921, %roll3A_3912, %roll3A_3914 : vector<64x128xi1>, vector<64x128xi32>
    %roll3A_3923 = arith.constant 63 : i32
    %roll3A_3924 = tpu.dynamic_rotate %select_n3A_3904 by %roll3A_3923 dim 0 : vector<64x128xi32>, i32 -> vector<64x128xi32>
    %roll3A_3925 = arith.constant 1 : i32
    %roll3A_3926 = tpu.dynamic_rotate %select_n3A_3904 by %roll3A_3925 dim 0 : vector<64x128xi32>, i32 -> vector<64x128xi32>
    %iota3A_3927 = tpu.iota {dimensions = array<i32: 0>} : vector<64x128xi32>
    %and3A_3928 = arith.constant 1 : i32
    %and3A_3929 = vector.broadcast %and3A_3928 : i32 to vector<64x128xi32>
    %and3A_3930 = arith.andi %iota3A_3927, %and3A_3929 : vector<64x128xi32>
    %eq3A_3931 = arith.constant 0 : i32
    %eq3A_3932 = vector.broadcast %eq3A_3931 : i32 to vector<64x128xi32>
    %eq3A_3933 = arith.cmpi eq, %and3A_3930, %eq3A_3932 : vector<64x128xi32>
    %select_n3A_3934 = arith.select %eq3A_3933, %roll3A_3924, %roll3A_3926 : vector<64x128xi1>, vector<64x128xi32>
    %eq3A_3935 = arith.xori %eq3A_3775, %eq3A_3910 : vector<64x128xi1>
    %eq3A_3936 = arith.constant dense<true> : vector<64x128xi1>
    %eq3A_3937 = arith.xori %eq3A_3935, %eq3A_3936 : vector<64x128xi1>
    %gt3A_3938 = arith.cmpi sgt, %select_n3A_3903, %select_n3A_3922 : vector<64x128xi32>
    %eq3A_3939 = arith.cmpi eq, %select_n3A_3903, %select_n3A_3922 : vector<64x128xi32>
    %lt3A_3940 = arith.cmpi slt, %select_n3A_3904, %select_n3A_3934 : vector<64x128xi32>
    %and3A_3941 = arith.andi %eq3A_3939, %lt3A_3940 : vector<64x128xi1>
    %or3A_3942 = arith.ori %gt3A_3938, %and3A_3941 : vector<64x128xi1>
    %eq3A_3943 = arith.xori %eq3A_3937, %or3A_3942 : vector<64x128xi1>
    %eq3A_3944 = arith.constant dense<true> : vector<64x128xi1>
    %eq3A_3945 = arith.xori %eq3A_3943, %eq3A_3944 : vector<64x128xi1>
    %select_n3A_3946 = arith.select %eq3A_3945, %select_n3A_3903, %select_n3A_3922 : vector<64x128xi1>, vector<64x128xi32>
    %select_n3A_3947 = arith.select %eq3A_3945, %select_n3A_3904, %select_n3A_3934 : vector<64x128xi1>, vector<64x128xi32>
    %and3A_3948 = arith.constant 64 : i32
    %and3A_3949 = vector.broadcast %and3A_3948 : i32 to vector<64x128xi32>
    %and3A_3950 = arith.andi %iota3A_1344, %and3A_3949 : vector<64x128xi32>
    %eq3A_3951 = arith.constant 0 : i32
    %eq3A_3952 = vector.broadcast %eq3A_3951 : i32 to vector<64x128xi32>
    %eq3A_3953 = arith.cmpi eq, %and3A_3950, %eq3A_3952 : vector<64x128xi32>
    %roll3A_3954 = arith.constant 64 : i32
    %roll3A_3955 = tpu.dynamic_rotate %select_n3A_3946 by %roll3A_3954 dim 1 : vector<64x128xi32>, i32 -> vector<64x128xi32>
    %roll3A_3956 = arith.constant 64 : i32
    %roll3A_3957 = tpu.dynamic_rotate %select_n3A_3946 by %roll3A_3956 dim 1 : vector<64x128xi32>, i32 -> vector<64x128xi32>
    %iota3A_3958 = tpu.iota {dimensions = array<i32: 1>} : vector<64x128xi32>
    %and3A_3959 = arith.constant 64 : i32
    %and3A_3960 = vector.broadcast %and3A_3959 : i32 to vector<64x128xi32>
    %and3A_3961 = arith.andi %iota3A_3958, %and3A_3960 : vector<64x128xi32>
    %eq3A_3962 = arith.constant 0 : i32
    %eq3A_3963 = vector.broadcast %eq3A_3962 : i32 to vector<64x128xi32>
    %eq3A_3964 = arith.cmpi eq, %and3A_3961, %eq3A_3963 : vector<64x128xi32>
    %select_n3A_3965 = arith.select %eq3A_3964, %roll3A_3955, %roll3A_3957 : vector<64x128xi1>, vector<64x128xi32>
    %roll3A_3966 = arith.constant 64 : i32
    %roll3A_3967 = tpu.dynamic_rotate %select_n3A_3947 by %roll3A_3966 dim 1 : vector<64x128xi32>, i32 -> vector<64x128xi32>
    %roll3A_3968 = arith.constant 64 : i32
    %roll3A_3969 = tpu.dynamic_rotate %select_n3A_3947 by %roll3A_3968 dim 1 : vector<64x128xi32>, i32 -> vector<64x128xi32>
    %iota3A_3970 = tpu.iota {dimensions = array<i32: 1>} : vector<64x128xi32>
    %and3A_3971 = arith.constant 64 : i32
    %and3A_3972 = vector.broadcast %and3A_3971 : i32 to vector<64x128xi32>
    %and3A_3973 = arith.andi %iota3A_3970, %and3A_3972 : vector<64x128xi32>
    %eq3A_3974 = arith.constant 0 : i32
    %eq3A_3975 = vector.broadcast %eq3A_3974 : i32 to vector<64x128xi32>
    %eq3A_3976 = arith.cmpi eq, %and3A_3973, %eq3A_3975 : vector<64x128xi32>
    %select_n3A_3977 = arith.select %eq3A_3976, %roll3A_3967, %roll3A_3969 : vector<64x128xi1>, vector<64x128xi32>
    %eq3A_3978 = arith.xori %eq3A_3775, %eq3A_3953 : vector<64x128xi1>
    %eq3A_3979 = arith.constant dense<true> : vector<64x128xi1>
    %eq3A_3980 = arith.xori %eq3A_3978, %eq3A_3979 : vector<64x128xi1>
    %gt3A_3981 = arith.cmpi sgt, %select_n3A_3946, %select_n3A_3965 : vector<64x128xi32>
    %eq3A_3982 = arith.cmpi eq, %select_n3A_3946, %select_n3A_3965 : vector<64x128xi32>
    %lt3A_3983 = arith.cmpi slt, %select_n3A_3947, %select_n3A_3977 : vector<64x128xi32>
    %and3A_3984 = arith.andi %eq3A_3982, %lt3A_3983 : vector<64x128xi1>
    %or3A_3985 = arith.ori %gt3A_3981, %and3A_3984 : vector<64x128xi1>
    %eq3A_3986 = arith.xori %eq3A_3980, %or3A_3985 : vector<64x128xi1>
    %eq3A_3987 = arith.constant dense<true> : vector<64x128xi1>
    %eq3A_3988 = arith.xori %eq3A_3986, %eq3A_3987 : vector<64x128xi1>
    %select_n3A_3989 = arith.select %eq3A_3988, %select_n3A_3946, %select_n3A_3965 : vector<64x128xi1>, vector<64x128xi32>
    %select_n3A_3990 = arith.select %eq3A_3988, %select_n3A_3947, %select_n3A_3977 : vector<64x128xi1>, vector<64x128xi32>
    %and3A_3991 = arith.constant 32 : i32
    %and3A_3992 = vector.broadcast %and3A_3991 : i32 to vector<64x128xi32>
    %and3A_3993 = arith.andi %iota3A_1344, %and3A_3992 : vector<64x128xi32>
    %eq3A_3994 = arith.constant 0 : i32
    %eq3A_3995 = vector.broadcast %eq3A_3994 : i32 to vector<64x128xi32>
    %eq3A_3996 = arith.cmpi eq, %and3A_3993, %eq3A_3995 : vector<64x128xi32>
    %roll3A_3997 = arith.constant 96 : i32
    %roll3A_3998 = tpu.dynamic_rotate %select_n3A_3989 by %roll3A_3997 dim 1 : vector<64x128xi32>, i32 -> vector<64x128xi32>
    %roll3A_3999 = arith.constant 32 : i32
    %roll3A_4000 = tpu.dynamic_rotate %select_n3A_3989 by %roll3A_3999 dim 1 : vector<64x128xi32>, i32 -> vector<64x128xi32>
    %iota3A_4001 = tpu.iota {dimensions = array<i32: 1>} : vector<64x128xi32>
    %and3A_4002 = arith.constant 32 : i32
    %and3A_4003 = vector.broadcast %and3A_4002 : i32 to vector<64x128xi32>
    %and3A_4004 = arith.andi %iota3A_4001, %and3A_4003 : vector<64x128xi32>
    %eq3A_4005 = arith.constant 0 : i32
    %eq3A_4006 = vector.broadcast %eq3A_4005 : i32 to vector<64x128xi32>
    %eq3A_4007 = arith.cmpi eq, %and3A_4004, %eq3A_4006 : vector<64x128xi32>
    %select_n3A_4008 = arith.select %eq3A_4007, %roll3A_3998, %roll3A_4000 : vector<64x128xi1>, vector<64x128xi32>
    %roll3A_4009 = arith.constant 96 : i32
    %roll3A_4010 = tpu.dynamic_rotate %select_n3A_3990 by %roll3A_4009 dim 1 : vector<64x128xi32>, i32 -> vector<64x128xi32>
    %roll3A_4011 = arith.constant 32 : i32
    %roll3A_4012 = tpu.dynamic_rotate %select_n3A_3990 by %roll3A_4011 dim 1 : vector<64x128xi32>, i32 -> vector<64x128xi32>
    %iota3A_4013 = tpu.iota {dimensions = array<i32: 1>} : vector<64x128xi32>
    %and3A_4014 = arith.constant 32 : i32
    %and3A_4015 = vector.broadcast %and3A_4014 : i32 to vector<64x128xi32>
    %and3A_4016 = arith.andi %iota3A_4013, %and3A_4015 : vector<64x128xi32>
    %eq3A_4017 = arith.constant 0 : i32
    %eq3A_4018 = vector.broadcast %eq3A_4017 : i32 to vector<64x128xi32>
    %eq3A_4019 = arith.cmpi eq, %and3A_4016, %eq3A_4018 : vector<64x128xi32>
    %select_n3A_4020 = arith.select %eq3A_4019, %roll3A_4010, %roll3A_4012 : vector<64x128xi1>, vector<64x128xi32>
    %eq3A_4021 = arith.xori %eq3A_3775, %eq3A_3996 : vector<64x128xi1>
    %eq3A_4022 = arith.constant dense<true> : vector<64x128xi1>
    %eq3A_4023 = arith.xori %eq3A_4021, %eq3A_4022 : vector<64x128xi1>
    %gt3A_4024 = arith.cmpi sgt, %select_n3A_3989, %select_n3A_4008 : vector<64x128xi32>
    %eq3A_4025 = arith.cmpi eq, %select_n3A_3989, %select_n3A_4008 : vector<64x128xi32>
    %lt3A_4026 = arith.cmpi slt, %select_n3A_3990, %select_n3A_4020 : vector<64x128xi32>
    %and3A_4027 = arith.andi %eq3A_4025, %lt3A_4026 : vector<64x128xi1>
    %or3A_4028 = arith.ori %gt3A_4024, %and3A_4027 : vector<64x128xi1>
    %eq3A_4029 = arith.xori %eq3A_4023, %or3A_4028 : vector<64x128xi1>
    %eq3A_4030 = arith.constant dense<true> : vector<64x128xi1>
    %eq3A_4031 = arith.xori %eq3A_4029, %eq3A_4030 : vector<64x128xi1>
    %select_n3A_4032 = arith.select %eq3A_4031, %select_n3A_3989, %select_n3A_4008 : vector<64x128xi1>, vector<64x128xi32>
    %select_n3A_4033 = arith.select %eq3A_4031, %select_n3A_3990, %select_n3A_4020 : vector<64x128xi1>, vector<64x128xi32>
    %and3A_4034 = arith.constant 16 : i32
    %and3A_4035 = vector.broadcast %and3A_4034 : i32 to vector<64x128xi32>
    %and3A_4036 = arith.andi %iota3A_1344, %and3A_4035 : vector<64x128xi32>
    %eq3A_4037 = arith.constant 0 : i32
    %eq3A_4038 = vector.broadcast %eq3A_4037 : i32 to vector<64x128xi32>
    %eq3A_4039 = arith.cmpi eq, %and3A_4036, %eq3A_4038 : vector<64x128xi32>
    %roll3A_4040 = arith.constant 112 : i32
    %roll3A_4041 = tpu.dynamic_rotate %select_n3A_4032 by %roll3A_4040 dim 1 : vector<64x128xi32>, i32 -> vector<64x128xi32>
    %roll3A_4042 = arith.constant 16 : i32
    %roll3A_4043 = tpu.dynamic_rotate %select_n3A_4032 by %roll3A_4042 dim 1 : vector<64x128xi32>, i32 -> vector<64x128xi32>
    %iota3A_4044 = tpu.iota {dimensions = array<i32: 1>} : vector<64x128xi32>
    %and3A_4045 = arith.constant 16 : i32
    %and3A_4046 = vector.broadcast %and3A_4045 : i32 to vector<64x128xi32>
    %and3A_4047 = arith.andi %iota3A_4044, %and3A_4046 : vector<64x128xi32>
    %eq3A_4048 = arith.constant 0 : i32
    %eq3A_4049 = vector.broadcast %eq3A_4048 : i32 to vector<64x128xi32>
    %eq3A_4050 = arith.cmpi eq, %and3A_4047, %eq3A_4049 : vector<64x128xi32>
    %select_n3A_4051 = arith.select %eq3A_4050, %roll3A_4041, %roll3A_4043 : vector<64x128xi1>, vector<64x128xi32>
    %roll3A_4052 = arith.constant 112 : i32
    %roll3A_4053 = tpu.dynamic_rotate %select_n3A_4033 by %roll3A_4052 dim 1 : vector<64x128xi32>, i32 -> vector<64x128xi32>
    %roll3A_4054 = arith.constant 16 : i32
    %roll3A_4055 = tpu.dynamic_rotate %select_n3A_4033 by %roll3A_4054 dim 1 : vector<64x128xi32>, i32 -> vector<64x128xi32>
    %iota3A_4056 = tpu.iota {dimensions = array<i32: 1>} : vector<64x128xi32>
    %and3A_4057 = arith.constant 16 : i32
    %and3A_4058 = vector.broadcast %and3A_4057 : i32 to vector<64x128xi32>
    %and3A_4059 = arith.andi %iota3A_4056, %and3A_4058 : vector<64x128xi32>
    %eq3A_4060 = arith.constant 0 : i32
    %eq3A_4061 = vector.broadcast %eq3A_4060 : i32 to vector<64x128xi32>
    %eq3A_4062 = arith.cmpi eq, %and3A_4059, %eq3A_4061 : vector<64x128xi32>
    %select_n3A_4063 = arith.select %eq3A_4062, %roll3A_4053, %roll3A_4055 : vector<64x128xi1>, vector<64x128xi32>
    %eq3A_4064 = arith.xori %eq3A_3775, %eq3A_4039 : vector<64x128xi1>
    %eq3A_4065 = arith.constant dense<true> : vector<64x128xi1>
    %eq3A_4066 = arith.xori %eq3A_4064, %eq3A_4065 : vector<64x128xi1>
    %gt3A_4067 = arith.cmpi sgt, %select_n3A_4032, %select_n3A_4051 : vector<64x128xi32>
    %eq3A_4068 = arith.cmpi eq, %select_n3A_4032, %select_n3A_4051 : vector<64x128xi32>
    %lt3A_4069 = arith.cmpi slt, %select_n3A_4033, %select_n3A_4063 : vector<64x128xi32>
    %and3A_4070 = arith.andi %eq3A_4068, %lt3A_4069 : vector<64x128xi1>
    %or3A_4071 = arith.ori %gt3A_4067, %and3A_4070 : vector<64x128xi1>
    %eq3A_4072 = arith.xori %eq3A_4066, %or3A_4071 : vector<64x128xi1>
    %eq3A_4073 = arith.constant dense<true> : vector<64x128xi1>
    %eq3A_4074 = arith.xori %eq3A_4072, %eq3A_4073 : vector<64x128xi1>
    %select_n3A_4075 = arith.select %eq3A_4074, %select_n3A_4032, %select_n3A_4051 : vector<64x128xi1>, vector<64x128xi32>
    %select_n3A_4076 = arith.select %eq3A_4074, %select_n3A_4033, %select_n3A_4063 : vector<64x128xi1>, vector<64x128xi32>
    %and3A_4077 = arith.constant 8 : i32
    %and3A_4078 = vector.broadcast %and3A_4077 : i32 to vector<64x128xi32>
    %and3A_4079 = arith.andi %iota3A_1344, %and3A_4078 : vector<64x128xi32>
    %eq3A_4080 = arith.constant 0 : i32
    %eq3A_4081 = vector.broadcast %eq3A_4080 : i32 to vector<64x128xi32>
    %eq3A_4082 = arith.cmpi eq, %and3A_4079, %eq3A_4081 : vector<64x128xi32>
    %roll3A_4083 = arith.constant 120 : i32
    %roll3A_4084 = tpu.dynamic_rotate %select_n3A_4075 by %roll3A_4083 dim 1 : vector<64x128xi32>, i32 -> vector<64x128xi32>
    %roll3A_4085 = arith.constant 8 : i32
    %roll3A_4086 = tpu.dynamic_rotate %select_n3A_4075 by %roll3A_4085 dim 1 : vector<64x128xi32>, i32 -> vector<64x128xi32>
    %iota3A_4087 = tpu.iota {dimensions = array<i32: 1>} : vector<64x128xi32>
    %and3A_4088 = arith.constant 8 : i32
    %and3A_4089 = vector.broadcast %and3A_4088 : i32 to vector<64x128xi32>
    %and3A_4090 = arith.andi %iota3A_4087, %and3A_4089 : vector<64x128xi32>
    %eq3A_4091 = arith.constant 0 : i32
    %eq3A_4092 = vector.broadcast %eq3A_4091 : i32 to vector<64x128xi32>
    %eq3A_4093 = arith.cmpi eq, %and3A_4090, %eq3A_4092 : vector<64x128xi32>
    %select_n3A_4094 = arith.select %eq3A_4093, %roll3A_4084, %roll3A_4086 : vector<64x128xi1>, vector<64x128xi32>
    %roll3A_4095 = arith.constant 120 : i32
    %roll3A_4096 = tpu.dynamic_rotate %select_n3A_4076 by %roll3A_4095 dim 1 : vector<64x128xi32>, i32 -> vector<64x128xi32>
    %roll3A_4097 = arith.constant 8 : i32
    %roll3A_4098 = tpu.dynamic_rotate %select_n3A_4076 by %roll3A_4097 dim 1 : vector<64x128xi32>, i32 -> vector<64x128xi32>
    %iota3A_4099 = tpu.iota {dimensions = array<i32: 1>} : vector<64x128xi32>
    %and3A_4100 = arith.constant 8 : i32
    %and3A_4101 = vector.broadcast %and3A_4100 : i32 to vector<64x128xi32>
    %and3A_4102 = arith.andi %iota3A_4099, %and3A_4101 : vector<64x128xi32>
    %eq3A_4103 = arith.constant 0 : i32
    %eq3A_4104 = vector.broadcast %eq3A_4103 : i32 to vector<64x128xi32>
    %eq3A_4105 = arith.cmpi eq, %and3A_4102, %eq3A_4104 : vector<64x128xi32>
    %select_n3A_4106 = arith.select %eq3A_4105, %roll3A_4096, %roll3A_4098 : vector<64x128xi1>, vector<64x128xi32>
    %eq3A_4107 = arith.xori %eq3A_3775, %eq3A_4082 : vector<64x128xi1>
    %eq3A_4108 = arith.constant dense<true> : vector<64x128xi1>
    %eq3A_4109 = arith.xori %eq3A_4107, %eq3A_4108 : vector<64x128xi1>
    %gt3A_4110 = arith.cmpi sgt, %select_n3A_4075, %select_n3A_4094 : vector<64x128xi32>
    %eq3A_4111 = arith.cmpi eq, %select_n3A_4075, %select_n3A_4094 : vector<64x128xi32>
    %lt3A_4112 = arith.cmpi slt, %select_n3A_4076, %select_n3A_4106 : vector<64x128xi32>
    %and3A_4113 = arith.andi %eq3A_4111, %lt3A_4112 : vector<64x128xi1>
    %or3A_4114 = arith.ori %gt3A_4110, %and3A_4113 : vector<64x128xi1>
    %eq3A_4115 = arith.xori %eq3A_4109, %or3A_4114 : vector<64x128xi1>
    %eq3A_4116 = arith.constant dense<true> : vector<64x128xi1>
    %eq3A_4117 = arith.xori %eq3A_4115, %eq3A_4116 : vector<64x128xi1>
    %select_n3A_4118 = arith.select %eq3A_4117, %select_n3A_4075, %select_n3A_4094 : vector<64x128xi1>, vector<64x128xi32>
    %select_n3A_4119 = arith.select %eq3A_4117, %select_n3A_4076, %select_n3A_4106 : vector<64x128xi1>, vector<64x128xi32>
    %and3A_4120 = arith.constant 4 : i32
    %and3A_4121 = vector.broadcast %and3A_4120 : i32 to vector<64x128xi32>
    %and3A_4122 = arith.andi %iota3A_1344, %and3A_4121 : vector<64x128xi32>
    %eq3A_4123 = arith.constant 0 : i32
    %eq3A_4124 = vector.broadcast %eq3A_4123 : i32 to vector<64x128xi32>
    %eq3A_4125 = arith.cmpi eq, %and3A_4122, %eq3A_4124 : vector<64x128xi32>
    %roll3A_4126 = arith.constant 124 : i32
    %roll3A_4127 = tpu.dynamic_rotate %select_n3A_4118 by %roll3A_4126 dim 1 : vector<64x128xi32>, i32 -> vector<64x128xi32>
    %roll3A_4128 = arith.constant 4 : i32
    %roll3A_4129 = tpu.dynamic_rotate %select_n3A_4118 by %roll3A_4128 dim 1 : vector<64x128xi32>, i32 -> vector<64x128xi32>
    %iota3A_4130 = tpu.iota {dimensions = array<i32: 1>} : vector<64x128xi32>
    %and3A_4131 = arith.constant 4 : i32
    %and3A_4132 = vector.broadcast %and3A_4131 : i32 to vector<64x128xi32>
    %and3A_4133 = arith.andi %iota3A_4130, %and3A_4132 : vector<64x128xi32>
    %eq3A_4134 = arith.constant 0 : i32
    %eq3A_4135 = vector.broadcast %eq3A_4134 : i32 to vector<64x128xi32>
    %eq3A_4136 = arith.cmpi eq, %and3A_4133, %eq3A_4135 : vector<64x128xi32>
    %select_n3A_4137 = arith.select %eq3A_4136, %roll3A_4127, %roll3A_4129 : vector<64x128xi1>, vector<64x128xi32>
    %roll3A_4138 = arith.constant 124 : i32
    %roll3A_4139 = tpu.dynamic_rotate %select_n3A_4119 by %roll3A_4138 dim 1 : vector<64x128xi32>, i32 -> vector<64x128xi32>
    %roll3A_4140 = arith.constant 4 : i32
    %roll3A_4141 = tpu.dynamic_rotate %select_n3A_4119 by %roll3A_4140 dim 1 : vector<64x128xi32>, i32 -> vector<64x128xi32>
    %iota3A_4142 = tpu.iota {dimensions = array<i32: 1>} : vector<64x128xi32>
    %and3A_4143 = arith.constant 4 : i32
    %and3A_4144 = vector.broadcast %and3A_4143 : i32 to vector<64x128xi32>
    %and3A_4145 = arith.andi %iota3A_4142, %and3A_4144 : vector<64x128xi32>
    %eq3A_4146 = arith.constant 0 : i32
    %eq3A_4147 = vector.broadcast %eq3A_4146 : i32 to vector<64x128xi32>
    %eq3A_4148 = arith.cmpi eq, %and3A_4145, %eq3A_4147 : vector<64x128xi32>
    %select_n3A_4149 = arith.select %eq3A_4148, %roll3A_4139, %roll3A_4141 : vector<64x128xi1>, vector<64x128xi32>
    %eq3A_4150 = arith.xori %eq3A_3775, %eq3A_4125 : vector<64x128xi1>
    %eq3A_4151 = arith.constant dense<true> : vector<64x128xi1>
    %eq3A_4152 = arith.xori %eq3A_4150, %eq3A_4151 : vector<64x128xi1>
    %gt3A_4153 = arith.cmpi sgt, %select_n3A_4118, %select_n3A_4137 : vector<64x128xi32>
    %eq3A_4154 = arith.cmpi eq, %select_n3A_4118, %select_n3A_4137 : vector<64x128xi32>
    %lt3A_4155 = arith.cmpi slt, %select_n3A_4119, %select_n3A_4149 : vector<64x128xi32>
    %and3A_4156 = arith.andi %eq3A_4154, %lt3A_4155 : vector<64x128xi1>
    %or3A_4157 = arith.ori %gt3A_4153, %and3A_4156 : vector<64x128xi1>
    %eq3A_4158 = arith.xori %eq3A_4152, %or3A_4157 : vector<64x128xi1>
    %eq3A_4159 = arith.constant dense<true> : vector<64x128xi1>
    %eq3A_4160 = arith.xori %eq3A_4158, %eq3A_4159 : vector<64x128xi1>
    %select_n3A_4161 = arith.select %eq3A_4160, %select_n3A_4118, %select_n3A_4137 : vector<64x128xi1>, vector<64x128xi32>
    %select_n3A_4162 = arith.select %eq3A_4160, %select_n3A_4119, %select_n3A_4149 : vector<64x128xi1>, vector<64x128xi32>
    %and3A_4163 = arith.constant 2 : i32
    %and3A_4164 = vector.broadcast %and3A_4163 : i32 to vector<64x128xi32>
    %and3A_4165 = arith.andi %iota3A_1344, %and3A_4164 : vector<64x128xi32>
    %eq3A_4166 = arith.constant 0 : i32
    %eq3A_4167 = vector.broadcast %eq3A_4166 : i32 to vector<64x128xi32>
    %eq3A_4168 = arith.cmpi eq, %and3A_4165, %eq3A_4167 : vector<64x128xi32>
    %roll3A_4169 = arith.constant 126 : i32
    %roll3A_4170 = tpu.dynamic_rotate %select_n3A_4161 by %roll3A_4169 dim 1 : vector<64x128xi32>, i32 -> vector<64x128xi32>
    %roll3A_4171 = arith.constant 2 : i32
    %roll3A_4172 = tpu.dynamic_rotate %select_n3A_4161 by %roll3A_4171 dim 1 : vector<64x128xi32>, i32 -> vector<64x128xi32>
    %iota3A_4173 = tpu.iota {dimensions = array<i32: 1>} : vector<64x128xi32>
    %and3A_4174 = arith.constant 2 : i32
    %and3A_4175 = vector.broadcast %and3A_4174 : i32 to vector<64x128xi32>
    %and3A_4176 = arith.andi %iota3A_4173, %and3A_4175 : vector<64x128xi32>
    %eq3A_4177 = arith.constant 0 : i32
    %eq3A_4178 = vector.broadcast %eq3A_4177 : i32 to vector<64x128xi32>
    %eq3A_4179 = arith.cmpi eq, %and3A_4176, %eq3A_4178 : vector<64x128xi32>
    %select_n3A_4180 = arith.select %eq3A_4179, %roll3A_4170, %roll3A_4172 : vector<64x128xi1>, vector<64x128xi32>
    %roll3A_4181 = arith.constant 126 : i32
    %roll3A_4182 = tpu.dynamic_rotate %select_n3A_4162 by %roll3A_4181 dim 1 : vector<64x128xi32>, i32 -> vector<64x128xi32>
    %roll3A_4183 = arith.constant 2 : i32
    %roll3A_4184 = tpu.dynamic_rotate %select_n3A_4162 by %roll3A_4183 dim 1 : vector<64x128xi32>, i32 -> vector<64x128xi32>
    %iota3A_4185 = tpu.iota {dimensions = array<i32: 1>} : vector<64x128xi32>
    %and3A_4186 = arith.constant 2 : i32
    %and3A_4187 = vector.broadcast %and3A_4186 : i32 to vector<64x128xi32>
    %and3A_4188 = arith.andi %iota3A_4185, %and3A_4187 : vector<64x128xi32>
    %eq3A_4189 = arith.constant 0 : i32
    %eq3A_4190 = vector.broadcast %eq3A_4189 : i32 to vector<64x128xi32>
    %eq3A_4191 = arith.cmpi eq, %and3A_4188, %eq3A_4190 : vector<64x128xi32>
    %select_n3A_4192 = arith.select %eq3A_4191, %roll3A_4182, %roll3A_4184 : vector<64x128xi1>, vector<64x128xi32>
    %eq3A_4193 = arith.xori %eq3A_3775, %eq3A_4168 : vector<64x128xi1>
    %eq3A_4194 = arith.constant dense<true> : vector<64x128xi1>
    %eq3A_4195 = arith.xori %eq3A_4193, %eq3A_4194 : vector<64x128xi1>
    %gt3A_4196 = arith.cmpi sgt, %select_n3A_4161, %select_n3A_4180 : vector<64x128xi32>
    %eq3A_4197 = arith.cmpi eq, %select_n3A_4161, %select_n3A_4180 : vector<64x128xi32>
    %lt3A_4198 = arith.cmpi slt, %select_n3A_4162, %select_n3A_4192 : vector<64x128xi32>
    %and3A_4199 = arith.andi %eq3A_4197, %lt3A_4198 : vector<64x128xi1>
    %or3A_4200 = arith.ori %gt3A_4196, %and3A_4199 : vector<64x128xi1>
    %eq3A_4201 = arith.xori %eq3A_4195, %or3A_4200 : vector<64x128xi1>
    %eq3A_4202 = arith.constant dense<true> : vector<64x128xi1>
    %eq3A_4203 = arith.xori %eq3A_4201, %eq3A_4202 : vector<64x128xi1>
    %select_n3A_4204 = arith.select %eq3A_4203, %select_n3A_4161, %select_n3A_4180 : vector<64x128xi1>, vector<64x128xi32>
    %select_n3A_4205 = arith.select %eq3A_4203, %select_n3A_4162, %select_n3A_4192 : vector<64x128xi1>, vector<64x128xi32>
    %and3A_4206 = arith.constant 1 : i32
    %and3A_4207 = vector.broadcast %and3A_4206 : i32 to vector<64x128xi32>
    %and3A_4208 = arith.andi %iota3A_1344, %and3A_4207 : vector<64x128xi32>
    %eq3A_4209 = arith.constant 0 : i32
    %eq3A_4210 = vector.broadcast %eq3A_4209 : i32 to vector<64x128xi32>
    %eq3A_4211 = arith.cmpi eq, %and3A_4208, %eq3A_4210 : vector<64x128xi32>
    %roll3A_4212 = arith.constant 127 : i32
    %roll3A_4213 = tpu.dynamic_rotate %select_n3A_4204 by %roll3A_4212 dim 1 : vector<64x128xi32>, i32 -> vector<64x128xi32>
    %roll3A_4214 = arith.constant 1 : i32
    %roll3A_4215 = tpu.dynamic_rotate %select_n3A_4204 by %roll3A_4214 dim 1 : vector<64x128xi32>, i32 -> vector<64x128xi32>
    %iota3A_4216 = tpu.iota {dimensions = array<i32: 1>} : vector<64x128xi32>
    %and3A_4217 = arith.constant 1 : i32
    %and3A_4218 = vector.broadcast %and3A_4217 : i32 to vector<64x128xi32>
    %and3A_4219 = arith.andi %iota3A_4216, %and3A_4218 : vector<64x128xi32>
    %eq3A_4220 = arith.constant 0 : i32
    %eq3A_4221 = vector.broadcast %eq3A_4220 : i32 to vector<64x128xi32>
    %eq3A_4222 = arith.cmpi eq, %and3A_4219, %eq3A_4221 : vector<64x128xi32>
    %select_n3A_4223 = arith.select %eq3A_4222, %roll3A_4213, %roll3A_4215 : vector<64x128xi1>, vector<64x128xi32>
    %roll3A_4224 = arith.constant 127 : i32
    %roll3A_4225 = tpu.dynamic_rotate %select_n3A_4205 by %roll3A_4224 dim 1 : vector<64x128xi32>, i32 -> vector<64x128xi32>
    %roll3A_4226 = arith.constant 1 : i32
    %roll3A_4227 = tpu.dynamic_rotate %select_n3A_4205 by %roll3A_4226 dim 1 : vector<64x128xi32>, i32 -> vector<64x128xi32>
    %iota3A_4228 = tpu.iota {dimensions = array<i32: 1>} : vector<64x128xi32>
    %and3A_4229 = arith.constant 1 : i32
    %and3A_4230 = vector.broadcast %and3A_4229 : i32 to vector<64x128xi32>
    %and3A_4231 = arith.andi %iota3A_4228, %and3A_4230 : vector<64x128xi32>
    %eq3A_4232 = arith.constant 0 : i32
    %eq3A_4233 = vector.broadcast %eq3A_4232 : i32 to vector<64x128xi32>
    %eq3A_4234 = arith.cmpi eq, %and3A_4231, %eq3A_4233 : vector<64x128xi32>
    %select_n3A_4235 = arith.select %eq3A_4234, %roll3A_4225, %roll3A_4227 : vector<64x128xi1>, vector<64x128xi32>
    %eq3A_4236 = arith.xori %eq3A_3775, %eq3A_4211 : vector<64x128xi1>
    %eq3A_4237 = arith.constant dense<true> : vector<64x128xi1>
    %eq3A_4238 = arith.xori %eq3A_4236, %eq3A_4237 : vector<64x128xi1>
    %gt3A_4239 = arith.cmpi sgt, %select_n3A_4204, %select_n3A_4223 : vector<64x128xi32>
    %eq3A_4240 = arith.cmpi eq, %select_n3A_4204, %select_n3A_4223 : vector<64x128xi32>
    %lt3A_4241 = arith.cmpi slt, %select_n3A_4205, %select_n3A_4235 : vector<64x128xi32>
    %and3A_4242 = arith.andi %eq3A_4240, %lt3A_4241 : vector<64x128xi1>
    %or3A_4243 = arith.ori %gt3A_4239, %and3A_4242 : vector<64x128xi1>
    %eq3A_4244 = arith.xori %eq3A_4238, %or3A_4243 : vector<64x128xi1>
    %eq3A_4245 = arith.constant dense<true> : vector<64x128xi1>
    %eq3A_4246 = arith.xori %eq3A_4244, %eq3A_4245 : vector<64x128xi1>
    %select_n3A_4247 = arith.select %eq3A_4246, %select_n3A_4204, %select_n3A_4223 : vector<64x128xi1>, vector<64x128xi32>
    %select_n3A_4248 = arith.select %eq3A_4246, %select_n3A_4205, %select_n3A_4235 : vector<64x128xi1>, vector<64x128xi32>
    %and3A_4249 = arith.constant 32 : i32
    %and3A_4250 = vector.broadcast %and3A_4249 : i32 to vector<64x128xi32>
    %and3A_4251 = arith.andi %iota3A_1343, %and3A_4250 : vector<64x128xi32>
    %eq3A_4252 = arith.constant 0 : i32
    %eq3A_4253 = vector.broadcast %eq3A_4252 : i32 to vector<64x128xi32>
    %eq3A_4254 = arith.cmpi eq, %and3A_4251, %eq3A_4253 : vector<64x128xi32>
    %and3A_4255 = arith.constant 16 : i32
    %and3A_4256 = vector.broadcast %and3A_4255 : i32 to vector<64x128xi32>
    %and3A_4257 = arith.andi %iota3A_1343, %and3A_4256 : vector<64x128xi32>
    %eq3A_4258 = arith.constant 0 : i32
    %eq3A_4259 = vector.broadcast %eq3A_4258 : i32 to vector<64x128xi32>
    %eq3A_4260 = arith.cmpi eq, %and3A_4257, %eq3A_4259 : vector<64x128xi32>
    %roll3A_4261 = arith.constant 48 : i32
    %roll3A_4262 = tpu.dynamic_rotate %select_n3A_4247 by %roll3A_4261 dim 0 : vector<64x128xi32>, i32 -> vector<64x128xi32>
    %roll3A_4263 = arith.constant 16 : i32
    %roll3A_4264 = tpu.dynamic_rotate %select_n3A_4247 by %roll3A_4263 dim 0 : vector<64x128xi32>, i32 -> vector<64x128xi32>
    %iota3A_4265 = tpu.iota {dimensions = array<i32: 0>} : vector<64x128xi32>
    %and3A_4266 = arith.constant 16 : i32
    %and3A_4267 = vector.broadcast %and3A_4266 : i32 to vector<64x128xi32>
    %and3A_4268 = arith.andi %iota3A_4265, %and3A_4267 : vector<64x128xi32>
    %eq3A_4269 = arith.constant 0 : i32
    %eq3A_4270 = vector.broadcast %eq3A_4269 : i32 to vector<64x128xi32>
    %eq3A_4271 = arith.cmpi eq, %and3A_4268, %eq3A_4270 : vector<64x128xi32>
    %select_n3A_4272 = arith.select %eq3A_4271, %roll3A_4262, %roll3A_4264 : vector<64x128xi1>, vector<64x128xi32>
    %roll3A_4273 = arith.constant 48 : i32
    %roll3A_4274 = tpu.dynamic_rotate %select_n3A_4248 by %roll3A_4273 dim 0 : vector<64x128xi32>, i32 -> vector<64x128xi32>
    %roll3A_4275 = arith.constant 16 : i32
    %roll3A_4276 = tpu.dynamic_rotate %select_n3A_4248 by %roll3A_4275 dim 0 : vector<64x128xi32>, i32 -> vector<64x128xi32>
    %iota3A_4277 = tpu.iota {dimensions = array<i32: 0>} : vector<64x128xi32>
    %and3A_4278 = arith.constant 16 : i32
    %and3A_4279 = vector.broadcast %and3A_4278 : i32 to vector<64x128xi32>
    %and3A_4280 = arith.andi %iota3A_4277, %and3A_4279 : vector<64x128xi32>
    %eq3A_4281 = arith.constant 0 : i32
    %eq3A_4282 = vector.broadcast %eq3A_4281 : i32 to vector<64x128xi32>
    %eq3A_4283 = arith.cmpi eq, %and3A_4280, %eq3A_4282 : vector<64x128xi32>
    %select_n3A_4284 = arith.select %eq3A_4283, %roll3A_4274, %roll3A_4276 : vector<64x128xi1>, vector<64x128xi32>
    %eq3A_4285 = arith.xori %eq3A_4254, %eq3A_4260 : vector<64x128xi1>
    %eq3A_4286 = arith.constant dense<true> : vector<64x128xi1>
    %eq3A_4287 = arith.xori %eq3A_4285, %eq3A_4286 : vector<64x128xi1>
    %gt3A_4288 = arith.cmpi sgt, %select_n3A_4247, %select_n3A_4272 : vector<64x128xi32>
    %eq3A_4289 = arith.cmpi eq, %select_n3A_4247, %select_n3A_4272 : vector<64x128xi32>
    %lt3A_4290 = arith.cmpi slt, %select_n3A_4248, %select_n3A_4284 : vector<64x128xi32>
    %and3A_4291 = arith.andi %eq3A_4289, %lt3A_4290 : vector<64x128xi1>
    %or3A_4292 = arith.ori %gt3A_4288, %and3A_4291 : vector<64x128xi1>
    %eq3A_4293 = arith.xori %eq3A_4287, %or3A_4292 : vector<64x128xi1>
    %eq3A_4294 = arith.constant dense<true> : vector<64x128xi1>
    %eq3A_4295 = arith.xori %eq3A_4293, %eq3A_4294 : vector<64x128xi1>
    %select_n3A_4296 = arith.select %eq3A_4295, %select_n3A_4247, %select_n3A_4272 : vector<64x128xi1>, vector<64x128xi32>
    %select_n3A_4297 = arith.select %eq3A_4295, %select_n3A_4248, %select_n3A_4284 : vector<64x128xi1>, vector<64x128xi32>
    %and3A_4298 = arith.constant 8 : i32
    %and3A_4299 = vector.broadcast %and3A_4298 : i32 to vector<64x128xi32>
    %and3A_4300 = arith.andi %iota3A_1343, %and3A_4299 : vector<64x128xi32>
    %eq3A_4301 = arith.constant 0 : i32
    %eq3A_4302 = vector.broadcast %eq3A_4301 : i32 to vector<64x128xi32>
    %eq3A_4303 = arith.cmpi eq, %and3A_4300, %eq3A_4302 : vector<64x128xi32>
    %roll3A_4304 = arith.constant 56 : i32
    %roll3A_4305 = tpu.dynamic_rotate %select_n3A_4296 by %roll3A_4304 dim 0 : vector<64x128xi32>, i32 -> vector<64x128xi32>
    %roll3A_4306 = arith.constant 8 : i32
    %roll3A_4307 = tpu.dynamic_rotate %select_n3A_4296 by %roll3A_4306 dim 0 : vector<64x128xi32>, i32 -> vector<64x128xi32>
    %iota3A_4308 = tpu.iota {dimensions = array<i32: 0>} : vector<64x128xi32>
    %and3A_4309 = arith.constant 8 : i32
    %and3A_4310 = vector.broadcast %and3A_4309 : i32 to vector<64x128xi32>
    %and3A_4311 = arith.andi %iota3A_4308, %and3A_4310 : vector<64x128xi32>
    %eq3A_4312 = arith.constant 0 : i32
    %eq3A_4313 = vector.broadcast %eq3A_4312 : i32 to vector<64x128xi32>
    %eq3A_4314 = arith.cmpi eq, %and3A_4311, %eq3A_4313 : vector<64x128xi32>
    %select_n3A_4315 = arith.select %eq3A_4314, %roll3A_4305, %roll3A_4307 : vector<64x128xi1>, vector<64x128xi32>
    %roll3A_4316 = arith.constant 56 : i32
    %roll3A_4317 = tpu.dynamic_rotate %select_n3A_4297 by %roll3A_4316 dim 0 : vector<64x128xi32>, i32 -> vector<64x128xi32>
    %roll3A_4318 = arith.constant 8 : i32
    %roll3A_4319 = tpu.dynamic_rotate %select_n3A_4297 by %roll3A_4318 dim 0 : vector<64x128xi32>, i32 -> vector<64x128xi32>
    %iota3A_4320 = tpu.iota {dimensions = array<i32: 0>} : vector<64x128xi32>
    %and3A_4321 = arith.constant 8 : i32
    %and3A_4322 = vector.broadcast %and3A_4321 : i32 to vector<64x128xi32>
    %and3A_4323 = arith.andi %iota3A_4320, %and3A_4322 : vector<64x128xi32>
    %eq3A_4324 = arith.constant 0 : i32
    %eq3A_4325 = vector.broadcast %eq3A_4324 : i32 to vector<64x128xi32>
    %eq3A_4326 = arith.cmpi eq, %and3A_4323, %eq3A_4325 : vector<64x128xi32>
    %select_n3A_4327 = arith.select %eq3A_4326, %roll3A_4317, %roll3A_4319 : vector<64x128xi1>, vector<64x128xi32>
    %eq3A_4328 = arith.xori %eq3A_4254, %eq3A_4303 : vector<64x128xi1>
    %eq3A_4329 = arith.constant dense<true> : vector<64x128xi1>
    %eq3A_4330 = arith.xori %eq3A_4328, %eq3A_4329 : vector<64x128xi1>
    %gt3A_4331 = arith.cmpi sgt, %select_n3A_4296, %select_n3A_4315 : vector<64x128xi32>
    %eq3A_4332 = arith.cmpi eq, %select_n3A_4296, %select_n3A_4315 : vector<64x128xi32>
    %lt3A_4333 = arith.cmpi slt, %select_n3A_4297, %select_n3A_4327 : vector<64x128xi32>
    %and3A_4334 = arith.andi %eq3A_4332, %lt3A_4333 : vector<64x128xi1>
    %or3A_4335 = arith.ori %gt3A_4331, %and3A_4334 : vector<64x128xi1>
    %eq3A_4336 = arith.xori %eq3A_4330, %or3A_4335 : vector<64x128xi1>
    %eq3A_4337 = arith.constant dense<true> : vector<64x128xi1>
    %eq3A_4338 = arith.xori %eq3A_4336, %eq3A_4337 : vector<64x128xi1>
    %select_n3A_4339 = arith.select %eq3A_4338, %select_n3A_4296, %select_n3A_4315 : vector<64x128xi1>, vector<64x128xi32>
    %select_n3A_4340 = arith.select %eq3A_4338, %select_n3A_4297, %select_n3A_4327 : vector<64x128xi1>, vector<64x128xi32>
    %and3A_4341 = arith.constant 4 : i32
    %and3A_4342 = vector.broadcast %and3A_4341 : i32 to vector<64x128xi32>
    %and3A_4343 = arith.andi %iota3A_1343, %and3A_4342 : vector<64x128xi32>
    %eq3A_4344 = arith.constant 0 : i32
    %eq3A_4345 = vector.broadcast %eq3A_4344 : i32 to vector<64x128xi32>
    %eq3A_4346 = arith.cmpi eq, %and3A_4343, %eq3A_4345 : vector<64x128xi32>
    %roll3A_4347 = arith.constant 60 : i32
    %roll3A_4348 = tpu.dynamic_rotate %select_n3A_4339 by %roll3A_4347 dim 0 : vector<64x128xi32>, i32 -> vector<64x128xi32>
    %roll3A_4349 = arith.constant 4 : i32
    %roll3A_4350 = tpu.dynamic_rotate %select_n3A_4339 by %roll3A_4349 dim 0 : vector<64x128xi32>, i32 -> vector<64x128xi32>
    %iota3A_4351 = tpu.iota {dimensions = array<i32: 0>} : vector<64x128xi32>
    %and3A_4352 = arith.constant 4 : i32
    %and3A_4353 = vector.broadcast %and3A_4352 : i32 to vector<64x128xi32>
    %and3A_4354 = arith.andi %iota3A_4351, %and3A_4353 : vector<64x128xi32>
    %eq3A_4355 = arith.constant 0 : i32
    %eq3A_4356 = vector.broadcast %eq3A_4355 : i32 to vector<64x128xi32>
    %eq3A_4357 = arith.cmpi eq, %and3A_4354, %eq3A_4356 : vector<64x128xi32>
    %select_n3A_4358 = arith.select %eq3A_4357, %roll3A_4348, %roll3A_4350 : vector<64x128xi1>, vector<64x128xi32>
    %roll3A_4359 = arith.constant 60 : i32
    %roll3A_4360 = tpu.dynamic_rotate %select_n3A_4340 by %roll3A_4359 dim 0 : vector<64x128xi32>, i32 -> vector<64x128xi32>
    %roll3A_4361 = arith.constant 4 : i32
    %roll3A_4362 = tpu.dynamic_rotate %select_n3A_4340 by %roll3A_4361 dim 0 : vector<64x128xi32>, i32 -> vector<64x128xi32>
    %iota3A_4363 = tpu.iota {dimensions = array<i32: 0>} : vector<64x128xi32>
    %and3A_4364 = arith.constant 4 : i32
    %and3A_4365 = vector.broadcast %and3A_4364 : i32 to vector<64x128xi32>
    %and3A_4366 = arith.andi %iota3A_4363, %and3A_4365 : vector<64x128xi32>
    %eq3A_4367 = arith.constant 0 : i32
    %eq3A_4368 = vector.broadcast %eq3A_4367 : i32 to vector<64x128xi32>
    %eq3A_4369 = arith.cmpi eq, %and3A_4366, %eq3A_4368 : vector<64x128xi32>
    %select_n3A_4370 = arith.select %eq3A_4369, %roll3A_4360, %roll3A_4362 : vector<64x128xi1>, vector<64x128xi32>
    %eq3A_4371 = arith.xori %eq3A_4254, %eq3A_4346 : vector<64x128xi1>
    %eq3A_4372 = arith.constant dense<true> : vector<64x128xi1>
    %eq3A_4373 = arith.xori %eq3A_4371, %eq3A_4372 : vector<64x128xi1>
    %gt3A_4374 = arith.cmpi sgt, %select_n3A_4339, %select_n3A_4358 : vector<64x128xi32>
    %eq3A_4375 = arith.cmpi eq, %select_n3A_4339, %select_n3A_4358 : vector<64x128xi32>
    %lt3A_4376 = arith.cmpi slt, %select_n3A_4340, %select_n3A_4370 : vector<64x128xi32>
    %and3A_4377 = arith.andi %eq3A_4375, %lt3A_4376 : vector<64x128xi1>
    %or3A_4378 = arith.ori %gt3A_4374, %and3A_4377 : vector<64x128xi1>
    %eq3A_4379 = arith.xori %eq3A_4373, %or3A_4378 : vector<64x128xi1>
    %eq3A_4380 = arith.constant dense<true> : vector<64x128xi1>
    %eq3A_4381 = arith.xori %eq3A_4379, %eq3A_4380 : vector<64x128xi1>
    %select_n3A_4382 = arith.select %eq3A_4381, %select_n3A_4339, %select_n3A_4358 : vector<64x128xi1>, vector<64x128xi32>
    %select_n3A_4383 = arith.select %eq3A_4381, %select_n3A_4340, %select_n3A_4370 : vector<64x128xi1>, vector<64x128xi32>
    %and3A_4384 = arith.constant 2 : i32
    %and3A_4385 = vector.broadcast %and3A_4384 : i32 to vector<64x128xi32>
    %and3A_4386 = arith.andi %iota3A_1343, %and3A_4385 : vector<64x128xi32>
    %eq3A_4387 = arith.constant 0 : i32
    %eq3A_4388 = vector.broadcast %eq3A_4387 : i32 to vector<64x128xi32>
    %eq3A_4389 = arith.cmpi eq, %and3A_4386, %eq3A_4388 : vector<64x128xi32>
    %roll3A_4390 = arith.constant 62 : i32
    %roll3A_4391 = tpu.dynamic_rotate %select_n3A_4382 by %roll3A_4390 dim 0 : vector<64x128xi32>, i32 -> vector<64x128xi32>
    %roll3A_4392 = arith.constant 2 : i32
    %roll3A_4393 = tpu.dynamic_rotate %select_n3A_4382 by %roll3A_4392 dim 0 : vector<64x128xi32>, i32 -> vector<64x128xi32>
    %iota3A_4394 = tpu.iota {dimensions = array<i32: 0>} : vector<64x128xi32>
    %and3A_4395 = arith.constant 2 : i32
    %and3A_4396 = vector.broadcast %and3A_4395 : i32 to vector<64x128xi32>
    %and3A_4397 = arith.andi %iota3A_4394, %and3A_4396 : vector<64x128xi32>
    %eq3A_4398 = arith.constant 0 : i32
    %eq3A_4399 = vector.broadcast %eq3A_4398 : i32 to vector<64x128xi32>
    %eq3A_4400 = arith.cmpi eq, %and3A_4397, %eq3A_4399 : vector<64x128xi32>
    %select_n3A_4401 = arith.select %eq3A_4400, %roll3A_4391, %roll3A_4393 : vector<64x128xi1>, vector<64x128xi32>
    %roll3A_4402 = arith.constant 62 : i32
    %roll3A_4403 = tpu.dynamic_rotate %select_n3A_4383 by %roll3A_4402 dim 0 : vector<64x128xi32>, i32 -> vector<64x128xi32>
    %roll3A_4404 = arith.constant 2 : i32
    %roll3A_4405 = tpu.dynamic_rotate %select_n3A_4383 by %roll3A_4404 dim 0 : vector<64x128xi32>, i32 -> vector<64x128xi32>
    %iota3A_4406 = tpu.iota {dimensions = array<i32: 0>} : vector<64x128xi32>
    %and3A_4407 = arith.constant 2 : i32
    %and3A_4408 = vector.broadcast %and3A_4407 : i32 to vector<64x128xi32>
    %and3A_4409 = arith.andi %iota3A_4406, %and3A_4408 : vector<64x128xi32>
    %eq3A_4410 = arith.constant 0 : i32
    %eq3A_4411 = vector.broadcast %eq3A_4410 : i32 to vector<64x128xi32>
    %eq3A_4412 = arith.cmpi eq, %and3A_4409, %eq3A_4411 : vector<64x128xi32>
    %select_n3A_4413 = arith.select %eq3A_4412, %roll3A_4403, %roll3A_4405 : vector<64x128xi1>, vector<64x128xi32>
    %eq3A_4414 = arith.xori %eq3A_4254, %eq3A_4389 : vector<64x128xi1>
    %eq3A_4415 = arith.constant dense<true> : vector<64x128xi1>
    %eq3A_4416 = arith.xori %eq3A_4414, %eq3A_4415 : vector<64x128xi1>
    %gt3A_4417 = arith.cmpi sgt, %select_n3A_4382, %select_n3A_4401 : vector<64x128xi32>
    %eq3A_4418 = arith.cmpi eq, %select_n3A_4382, %select_n3A_4401 : vector<64x128xi32>
    %lt3A_4419 = arith.cmpi slt, %select_n3A_4383, %select_n3A_4413 : vector<64x128xi32>
    %and3A_4420 = arith.andi %eq3A_4418, %lt3A_4419 : vector<64x128xi1>
    %or3A_4421 = arith.ori %gt3A_4417, %and3A_4420 : vector<64x128xi1>
    %eq3A_4422 = arith.xori %eq3A_4416, %or3A_4421 : vector<64x128xi1>
    %eq3A_4423 = arith.constant dense<true> : vector<64x128xi1>
    %eq3A_4424 = arith.xori %eq3A_4422, %eq3A_4423 : vector<64x128xi1>
    %select_n3A_4425 = arith.select %eq3A_4424, %select_n3A_4382, %select_n3A_4401 : vector<64x128xi1>, vector<64x128xi32>
    %select_n3A_4426 = arith.select %eq3A_4424, %select_n3A_4383, %select_n3A_4413 : vector<64x128xi1>, vector<64x128xi32>
    %and3A_4427 = arith.constant 1 : i32
    %and3A_4428 = vector.broadcast %and3A_4427 : i32 to vector<64x128xi32>
    %and3A_4429 = arith.andi %iota3A_1343, %and3A_4428 : vector<64x128xi32>
    %eq3A_4430 = arith.constant 0 : i32
    %eq3A_4431 = vector.broadcast %eq3A_4430 : i32 to vector<64x128xi32>
    %eq3A_4432 = arith.cmpi eq, %and3A_4429, %eq3A_4431 : vector<64x128xi32>
    %roll3A_4433 = arith.constant 63 : i32
    %roll3A_4434 = tpu.dynamic_rotate %select_n3A_4425 by %roll3A_4433 dim 0 : vector<64x128xi32>, i32 -> vector<64x128xi32>
    %roll3A_4435 = arith.constant 1 : i32
    %roll3A_4436 = tpu.dynamic_rotate %select_n3A_4425 by %roll3A_4435 dim 0 : vector<64x128xi32>, i32 -> vector<64x128xi32>
    %iota3A_4437 = tpu.iota {dimensions = array<i32: 0>} : vector<64x128xi32>
    %and3A_4438 = arith.constant 1 : i32
    %and3A_4439 = vector.broadcast %and3A_4438 : i32 to vector<64x128xi32>
    %and3A_4440 = arith.andi %iota3A_4437, %and3A_4439 : vector<64x128xi32>
    %eq3A_4441 = arith.constant 0 : i32
    %eq3A_4442 = vector.broadcast %eq3A_4441 : i32 to vector<64x128xi32>
    %eq3A_4443 = arith.cmpi eq, %and3A_4440, %eq3A_4442 : vector<64x128xi32>
    %select_n3A_4444 = arith.select %eq3A_4443, %roll3A_4434, %roll3A_4436 : vector<64x128xi1>, vector<64x128xi32>
    %roll3A_4445 = arith.constant 63 : i32
    %roll3A_4446 = tpu.dynamic_rotate %select_n3A_4426 by %roll3A_4445 dim 0 : vector<64x128xi32>, i32 -> vector<64x128xi32>
    %roll3A_4447 = arith.constant 1 : i32
    %roll3A_4448 = tpu.dynamic_rotate %select_n3A_4426 by %roll3A_4447 dim 0 : vector<64x128xi32>, i32 -> vector<64x128xi32>
    %iota3A_4449 = tpu.iota {dimensions = array<i32: 0>} : vector<64x128xi32>
    %and3A_4450 = arith.constant 1 : i32
    %and3A_4451 = vector.broadcast %and3A_4450 : i32 to vector<64x128xi32>
    %and3A_4452 = arith.andi %iota3A_4449, %and3A_4451 : vector<64x128xi32>
    %eq3A_4453 = arith.constant 0 : i32
    %eq3A_4454 = vector.broadcast %eq3A_4453 : i32 to vector<64x128xi32>
    %eq3A_4455 = arith.cmpi eq, %and3A_4452, %eq3A_4454 : vector<64x128xi32>
    %select_n3A_4456 = arith.select %eq3A_4455, %roll3A_4446, %roll3A_4448 : vector<64x128xi1>, vector<64x128xi32>
    %eq3A_4457 = arith.xori %eq3A_4254, %eq3A_4432 : vector<64x128xi1>
    %eq3A_4458 = arith.constant dense<true> : vector<64x128xi1>
    %eq3A_4459 = arith.xori %eq3A_4457, %eq3A_4458 : vector<64x128xi1>
    %gt3A_4460 = arith.cmpi sgt, %select_n3A_4425, %select_n3A_4444 : vector<64x128xi32>
    %eq3A_4461 = arith.cmpi eq, %select_n3A_4425, %select_n3A_4444 : vector<64x128xi32>
    %lt3A_4462 = arith.cmpi slt, %select_n3A_4426, %select_n3A_4456 : vector<64x128xi32>
    %and3A_4463 = arith.andi %eq3A_4461, %lt3A_4462 : vector<64x128xi1>
    %or3A_4464 = arith.ori %gt3A_4460, %and3A_4463 : vector<64x128xi1>
    %eq3A_4465 = arith.xori %eq3A_4459, %or3A_4464 : vector<64x128xi1>
    %eq3A_4466 = arith.constant dense<true> : vector<64x128xi1>
    %eq3A_4467 = arith.xori %eq3A_4465, %eq3A_4466 : vector<64x128xi1>
    %select_n3A_4468 = arith.select %eq3A_4467, %select_n3A_4425, %select_n3A_4444 : vector<64x128xi1>, vector<64x128xi32>
    %select_n3A_4469 = arith.select %eq3A_4467, %select_n3A_4426, %select_n3A_4456 : vector<64x128xi1>, vector<64x128xi32>
    %and3A_4470 = arith.constant 64 : i32
    %and3A_4471 = vector.broadcast %and3A_4470 : i32 to vector<64x128xi32>
    %and3A_4472 = arith.andi %iota3A_1344, %and3A_4471 : vector<64x128xi32>
    %eq3A_4473 = arith.constant 0 : i32
    %eq3A_4474 = vector.broadcast %eq3A_4473 : i32 to vector<64x128xi32>
    %eq3A_4475 = arith.cmpi eq, %and3A_4472, %eq3A_4474 : vector<64x128xi32>
    %roll3A_4476 = arith.constant 64 : i32
    %roll3A_4477 = tpu.dynamic_rotate %select_n3A_4468 by %roll3A_4476 dim 1 : vector<64x128xi32>, i32 -> vector<64x128xi32>
    %roll3A_4478 = arith.constant 64 : i32
    %roll3A_4479 = tpu.dynamic_rotate %select_n3A_4468 by %roll3A_4478 dim 1 : vector<64x128xi32>, i32 -> vector<64x128xi32>
    %iota3A_4480 = tpu.iota {dimensions = array<i32: 1>} : vector<64x128xi32>
    %and3A_4481 = arith.constant 64 : i32
    %and3A_4482 = vector.broadcast %and3A_4481 : i32 to vector<64x128xi32>
    %and3A_4483 = arith.andi %iota3A_4480, %and3A_4482 : vector<64x128xi32>
    %eq3A_4484 = arith.constant 0 : i32
    %eq3A_4485 = vector.broadcast %eq3A_4484 : i32 to vector<64x128xi32>
    %eq3A_4486 = arith.cmpi eq, %and3A_4483, %eq3A_4485 : vector<64x128xi32>
    %select_n3A_4487 = arith.select %eq3A_4486, %roll3A_4477, %roll3A_4479 : vector<64x128xi1>, vector<64x128xi32>
    %roll3A_4488 = arith.constant 64 : i32
    %roll3A_4489 = tpu.dynamic_rotate %select_n3A_4469 by %roll3A_4488 dim 1 : vector<64x128xi32>, i32 -> vector<64x128xi32>
    %roll3A_4490 = arith.constant 64 : i32
    %roll3A_4491 = tpu.dynamic_rotate %select_n3A_4469 by %roll3A_4490 dim 1 : vector<64x128xi32>, i32 -> vector<64x128xi32>
    %iota3A_4492 = tpu.iota {dimensions = array<i32: 1>} : vector<64x128xi32>
    %and3A_4493 = arith.constant 64 : i32
    %and3A_4494 = vector.broadcast %and3A_4493 : i32 to vector<64x128xi32>
    %and3A_4495 = arith.andi %iota3A_4492, %and3A_4494 : vector<64x128xi32>
    %eq3A_4496 = arith.constant 0 : i32
    %eq3A_4497 = vector.broadcast %eq3A_4496 : i32 to vector<64x128xi32>
    %eq3A_4498 = arith.cmpi eq, %and3A_4495, %eq3A_4497 : vector<64x128xi32>
    %select_n3A_4499 = arith.select %eq3A_4498, %roll3A_4489, %roll3A_4491 : vector<64x128xi1>, vector<64x128xi32>
    %eq3A_4500 = arith.xori %eq3A_4254, %eq3A_4475 : vector<64x128xi1>
    %eq3A_4501 = arith.constant dense<true> : vector<64x128xi1>
    %eq3A_4502 = arith.xori %eq3A_4500, %eq3A_4501 : vector<64x128xi1>
    %gt3A_4503 = arith.cmpi sgt, %select_n3A_4468, %select_n3A_4487 : vector<64x128xi32>
    %eq3A_4504 = arith.cmpi eq, %select_n3A_4468, %select_n3A_4487 : vector<64x128xi32>
    %lt3A_4505 = arith.cmpi slt, %select_n3A_4469, %select_n3A_4499 : vector<64x128xi32>
    %and3A_4506 = arith.andi %eq3A_4504, %lt3A_4505 : vector<64x128xi1>
    %or3A_4507 = arith.ori %gt3A_4503, %and3A_4506 : vector<64x128xi1>
    %eq3A_4508 = arith.xori %eq3A_4502, %or3A_4507 : vector<64x128xi1>
    %eq3A_4509 = arith.constant dense<true> : vector<64x128xi1>
    %eq3A_4510 = arith.xori %eq3A_4508, %eq3A_4509 : vector<64x128xi1>
    %select_n3A_4511 = arith.select %eq3A_4510, %select_n3A_4468, %select_n3A_4487 : vector<64x128xi1>, vector<64x128xi32>
    %select_n3A_4512 = arith.select %eq3A_4510, %select_n3A_4469, %select_n3A_4499 : vector<64x128xi1>, vector<64x128xi32>
    %and3A_4513 = arith.constant 32 : i32
    %and3A_4514 = vector.broadcast %and3A_4513 : i32 to vector<64x128xi32>
    %and3A_4515 = arith.andi %iota3A_1344, %and3A_4514 : vector<64x128xi32>
    %eq3A_4516 = arith.constant 0 : i32
    %eq3A_4517 = vector.broadcast %eq3A_4516 : i32 to vector<64x128xi32>
    %eq3A_4518 = arith.cmpi eq, %and3A_4515, %eq3A_4517 : vector<64x128xi32>
    %roll3A_4519 = arith.constant 96 : i32
    %roll3A_4520 = tpu.dynamic_rotate %select_n3A_4511 by %roll3A_4519 dim 1 : vector<64x128xi32>, i32 -> vector<64x128xi32>
    %roll3A_4521 = arith.constant 32 : i32
    %roll3A_4522 = tpu.dynamic_rotate %select_n3A_4511 by %roll3A_4521 dim 1 : vector<64x128xi32>, i32 -> vector<64x128xi32>
    %iota3A_4523 = tpu.iota {dimensions = array<i32: 1>} : vector<64x128xi32>
    %and3A_4524 = arith.constant 32 : i32
    %and3A_4525 = vector.broadcast %and3A_4524 : i32 to vector<64x128xi32>
    %and3A_4526 = arith.andi %iota3A_4523, %and3A_4525 : vector<64x128xi32>
    %eq3A_4527 = arith.constant 0 : i32
    %eq3A_4528 = vector.broadcast %eq3A_4527 : i32 to vector<64x128xi32>
    %eq3A_4529 = arith.cmpi eq, %and3A_4526, %eq3A_4528 : vector<64x128xi32>
    %select_n3A_4530 = arith.select %eq3A_4529, %roll3A_4520, %roll3A_4522 : vector<64x128xi1>, vector<64x128xi32>
    %roll3A_4531 = arith.constant 96 : i32
    %roll3A_4532 = tpu.dynamic_rotate %select_n3A_4512 by %roll3A_4531 dim 1 : vector<64x128xi32>, i32 -> vector<64x128xi32>
    %roll3A_4533 = arith.constant 32 : i32
    %roll3A_4534 = tpu.dynamic_rotate %select_n3A_4512 by %roll3A_4533 dim 1 : vector<64x128xi32>, i32 -> vector<64x128xi32>
    %iota3A_4535 = tpu.iota {dimensions = array<i32: 1>} : vector<64x128xi32>
    %and3A_4536 = arith.constant 32 : i32
    %and3A_4537 = vector.broadcast %and3A_4536 : i32 to vector<64x128xi32>
    %and3A_4538 = arith.andi %iota3A_4535, %and3A_4537 : vector<64x128xi32>
    %eq3A_4539 = arith.constant 0 : i32
    %eq3A_4540 = vector.broadcast %eq3A_4539 : i32 to vector<64x128xi32>
    %eq3A_4541 = arith.cmpi eq, %and3A_4538, %eq3A_4540 : vector<64x128xi32>
    %select_n3A_4542 = arith.select %eq3A_4541, %roll3A_4532, %roll3A_4534 : vector<64x128xi1>, vector<64x128xi32>
    %eq3A_4543 = arith.xori %eq3A_4254, %eq3A_4518 : vector<64x128xi1>
    %eq3A_4544 = arith.constant dense<true> : vector<64x128xi1>
    %eq3A_4545 = arith.xori %eq3A_4543, %eq3A_4544 : vector<64x128xi1>
    %gt3A_4546 = arith.cmpi sgt, %select_n3A_4511, %select_n3A_4530 : vector<64x128xi32>
    %eq3A_4547 = arith.cmpi eq, %select_n3A_4511, %select_n3A_4530 : vector<64x128xi32>
    %lt3A_4548 = arith.cmpi slt, %select_n3A_4512, %select_n3A_4542 : vector<64x128xi32>
    %and3A_4549 = arith.andi %eq3A_4547, %lt3A_4548 : vector<64x128xi1>
    %or3A_4550 = arith.ori %gt3A_4546, %and3A_4549 : vector<64x128xi1>
    %eq3A_4551 = arith.xori %eq3A_4545, %or3A_4550 : vector<64x128xi1>
    %eq3A_4552 = arith.constant dense<true> : vector<64x128xi1>
    %eq3A_4553 = arith.xori %eq3A_4551, %eq3A_4552 : vector<64x128xi1>
    %select_n3A_4554 = arith.select %eq3A_4553, %select_n3A_4511, %select_n3A_4530 : vector<64x128xi1>, vector<64x128xi32>
    %select_n3A_4555 = arith.select %eq3A_4553, %select_n3A_4512, %select_n3A_4542 : vector<64x128xi1>, vector<64x128xi32>
    %and3A_4556 = arith.constant 16 : i32
    %and3A_4557 = vector.broadcast %and3A_4556 : i32 to vector<64x128xi32>
    %and3A_4558 = arith.andi %iota3A_1344, %and3A_4557 : vector<64x128xi32>
    %eq3A_4559 = arith.constant 0 : i32
    %eq3A_4560 = vector.broadcast %eq3A_4559 : i32 to vector<64x128xi32>
    %eq3A_4561 = arith.cmpi eq, %and3A_4558, %eq3A_4560 : vector<64x128xi32>
    %roll3A_4562 = arith.constant 112 : i32
    %roll3A_4563 = tpu.dynamic_rotate %select_n3A_4554 by %roll3A_4562 dim 1 : vector<64x128xi32>, i32 -> vector<64x128xi32>
    %roll3A_4564 = arith.constant 16 : i32
    %roll3A_4565 = tpu.dynamic_rotate %select_n3A_4554 by %roll3A_4564 dim 1 : vector<64x128xi32>, i32 -> vector<64x128xi32>
    %iota3A_4566 = tpu.iota {dimensions = array<i32: 1>} : vector<64x128xi32>
    %and3A_4567 = arith.constant 16 : i32
    %and3A_4568 = vector.broadcast %and3A_4567 : i32 to vector<64x128xi32>
    %and3A_4569 = arith.andi %iota3A_4566, %and3A_4568 : vector<64x128xi32>
    %eq3A_4570 = arith.constant 0 : i32
    %eq3A_4571 = vector.broadcast %eq3A_4570 : i32 to vector<64x128xi32>
    %eq3A_4572 = arith.cmpi eq, %and3A_4569, %eq3A_4571 : vector<64x128xi32>
    %select_n3A_4573 = arith.select %eq3A_4572, %roll3A_4563, %roll3A_4565 : vector<64x128xi1>, vector<64x128xi32>
    %roll3A_4574 = arith.constant 112 : i32
    %roll3A_4575 = tpu.dynamic_rotate %select_n3A_4555 by %roll3A_4574 dim 1 : vector<64x128xi32>, i32 -> vector<64x128xi32>
    %roll3A_4576 = arith.constant 16 : i32
    %roll3A_4577 = tpu.dynamic_rotate %select_n3A_4555 by %roll3A_4576 dim 1 : vector<64x128xi32>, i32 -> vector<64x128xi32>
    %iota3A_4578 = tpu.iota {dimensions = array<i32: 1>} : vector<64x128xi32>
    %and3A_4579 = arith.constant 16 : i32
    %and3A_4580 = vector.broadcast %and3A_4579 : i32 to vector<64x128xi32>
    %and3A_4581 = arith.andi %iota3A_4578, %and3A_4580 : vector<64x128xi32>
    %eq3A_4582 = arith.constant 0 : i32
    %eq3A_4583 = vector.broadcast %eq3A_4582 : i32 to vector<64x128xi32>
    %eq3A_4584 = arith.cmpi eq, %and3A_4581, %eq3A_4583 : vector<64x128xi32>
    %select_n3A_4585 = arith.select %eq3A_4584, %roll3A_4575, %roll3A_4577 : vector<64x128xi1>, vector<64x128xi32>
    %eq3A_4586 = arith.xori %eq3A_4254, %eq3A_4561 : vector<64x128xi1>
    %eq3A_4587 = arith.constant dense<true> : vector<64x128xi1>
    %eq3A_4588 = arith.xori %eq3A_4586, %eq3A_4587 : vector<64x128xi1>
    %gt3A_4589 = arith.cmpi sgt, %select_n3A_4554, %select_n3A_4573 : vector<64x128xi32>
    %eq3A_4590 = arith.cmpi eq, %select_n3A_4554, %select_n3A_4573 : vector<64x128xi32>
    %lt3A_4591 = arith.cmpi slt, %select_n3A_4555, %select_n3A_4585 : vector<64x128xi32>
    %and3A_4592 = arith.andi %eq3A_4590, %lt3A_4591 : vector<64x128xi1>
    %or3A_4593 = arith.ori %gt3A_4589, %and3A_4592 : vector<64x128xi1>
    %eq3A_4594 = arith.xori %eq3A_4588, %or3A_4593 : vector<64x128xi1>
    %eq3A_4595 = arith.constant dense<true> : vector<64x128xi1>
    %eq3A_4596 = arith.xori %eq3A_4594, %eq3A_4595 : vector<64x128xi1>
    %select_n3A_4597 = arith.select %eq3A_4596, %select_n3A_4554, %select_n3A_4573 : vector<64x128xi1>, vector<64x128xi32>
    %select_n3A_4598 = arith.select %eq3A_4596, %select_n3A_4555, %select_n3A_4585 : vector<64x128xi1>, vector<64x128xi32>
    %and3A_4599 = arith.constant 8 : i32
    %and3A_4600 = vector.broadcast %and3A_4599 : i32 to vector<64x128xi32>
    %and3A_4601 = arith.andi %iota3A_1344, %and3A_4600 : vector<64x128xi32>
    %eq3A_4602 = arith.constant 0 : i32
    %eq3A_4603 = vector.broadcast %eq3A_4602 : i32 to vector<64x128xi32>
    %eq3A_4604 = arith.cmpi eq, %and3A_4601, %eq3A_4603 : vector<64x128xi32>
    %roll3A_4605 = arith.constant 120 : i32
    %roll3A_4606 = tpu.dynamic_rotate %select_n3A_4597 by %roll3A_4605 dim 1 : vector<64x128xi32>, i32 -> vector<64x128xi32>
    %roll3A_4607 = arith.constant 8 : i32
    %roll3A_4608 = tpu.dynamic_rotate %select_n3A_4597 by %roll3A_4607 dim 1 : vector<64x128xi32>, i32 -> vector<64x128xi32>
    %iota3A_4609 = tpu.iota {dimensions = array<i32: 1>} : vector<64x128xi32>
    %and3A_4610 = arith.constant 8 : i32
    %and3A_4611 = vector.broadcast %and3A_4610 : i32 to vector<64x128xi32>
    %and3A_4612 = arith.andi %iota3A_4609, %and3A_4611 : vector<64x128xi32>
    %eq3A_4613 = arith.constant 0 : i32
    %eq3A_4614 = vector.broadcast %eq3A_4613 : i32 to vector<64x128xi32>
    %eq3A_4615 = arith.cmpi eq, %and3A_4612, %eq3A_4614 : vector<64x128xi32>
    %select_n3A_4616 = arith.select %eq3A_4615, %roll3A_4606, %roll3A_4608 : vector<64x128xi1>, vector<64x128xi32>
    %roll3A_4617 = arith.constant 120 : i32
    %roll3A_4618 = tpu.dynamic_rotate %select_n3A_4598 by %roll3A_4617 dim 1 : vector<64x128xi32>, i32 -> vector<64x128xi32>
    %roll3A_4619 = arith.constant 8 : i32
    %roll3A_4620 = tpu.dynamic_rotate %select_n3A_4598 by %roll3A_4619 dim 1 : vector<64x128xi32>, i32 -> vector<64x128xi32>
    %iota3A_4621 = tpu.iota {dimensions = array<i32: 1>} : vector<64x128xi32>
    %and3A_4622 = arith.constant 8 : i32
    %and3A_4623 = vector.broadcast %and3A_4622 : i32 to vector<64x128xi32>
    %and3A_4624 = arith.andi %iota3A_4621, %and3A_4623 : vector<64x128xi32>
    %eq3A_4625 = arith.constant 0 : i32
    %eq3A_4626 = vector.broadcast %eq3A_4625 : i32 to vector<64x128xi32>
    %eq3A_4627 = arith.cmpi eq, %and3A_4624, %eq3A_4626 : vector<64x128xi32>
    %select_n3A_4628 = arith.select %eq3A_4627, %roll3A_4618, %roll3A_4620 : vector<64x128xi1>, vector<64x128xi32>
    %eq3A_4629 = arith.xori %eq3A_4254, %eq3A_4604 : vector<64x128xi1>
    %eq3A_4630 = arith.constant dense<true> : vector<64x128xi1>
    %eq3A_4631 = arith.xori %eq3A_4629, %eq3A_4630 : vector<64x128xi1>
    %gt3A_4632 = arith.cmpi sgt, %select_n3A_4597, %select_n3A_4616 : vector<64x128xi32>
    %eq3A_4633 = arith.cmpi eq, %select_n3A_4597, %select_n3A_4616 : vector<64x128xi32>
    %lt3A_4634 = arith.cmpi slt, %select_n3A_4598, %select_n3A_4628 : vector<64x128xi32>
    %and3A_4635 = arith.andi %eq3A_4633, %lt3A_4634 : vector<64x128xi1>
    %or3A_4636 = arith.ori %gt3A_4632, %and3A_4635 : vector<64x128xi1>
    %eq3A_4637 = arith.xori %eq3A_4631, %or3A_4636 : vector<64x128xi1>
    %eq3A_4638 = arith.constant dense<true> : vector<64x128xi1>
    %eq3A_4639 = arith.xori %eq3A_4637, %eq3A_4638 : vector<64x128xi1>
    %select_n3A_4640 = arith.select %eq3A_4639, %select_n3A_4597, %select_n3A_4616 : vector<64x128xi1>, vector<64x128xi32>
    %select_n3A_4641 = arith.select %eq3A_4639, %select_n3A_4598, %select_n3A_4628 : vector<64x128xi1>, vector<64x128xi32>
    %and3A_4642 = arith.constant 4 : i32
    %and3A_4643 = vector.broadcast %and3A_4642 : i32 to vector<64x128xi32>
    %and3A_4644 = arith.andi %iota3A_1344, %and3A_4643 : vector<64x128xi32>
    %eq3A_4645 = arith.constant 0 : i32
    %eq3A_4646 = vector.broadcast %eq3A_4645 : i32 to vector<64x128xi32>
    %eq3A_4647 = arith.cmpi eq, %and3A_4644, %eq3A_4646 : vector<64x128xi32>
    %roll3A_4648 = arith.constant 124 : i32
    %roll3A_4649 = tpu.dynamic_rotate %select_n3A_4640 by %roll3A_4648 dim 1 : vector<64x128xi32>, i32 -> vector<64x128xi32>
    %roll3A_4650 = arith.constant 4 : i32
    %roll3A_4651 = tpu.dynamic_rotate %select_n3A_4640 by %roll3A_4650 dim 1 : vector<64x128xi32>, i32 -> vector<64x128xi32>
    %iota3A_4652 = tpu.iota {dimensions = array<i32: 1>} : vector<64x128xi32>
    %and3A_4653 = arith.constant 4 : i32
    %and3A_4654 = vector.broadcast %and3A_4653 : i32 to vector<64x128xi32>
    %and3A_4655 = arith.andi %iota3A_4652, %and3A_4654 : vector<64x128xi32>
    %eq3A_4656 = arith.constant 0 : i32
    %eq3A_4657 = vector.broadcast %eq3A_4656 : i32 to vector<64x128xi32>
    %eq3A_4658 = arith.cmpi eq, %and3A_4655, %eq3A_4657 : vector<64x128xi32>
    %select_n3A_4659 = arith.select %eq3A_4658, %roll3A_4649, %roll3A_4651 : vector<64x128xi1>, vector<64x128xi32>
    %roll3A_4660 = arith.constant 124 : i32
    %roll3A_4661 = tpu.dynamic_rotate %select_n3A_4641 by %roll3A_4660 dim 1 : vector<64x128xi32>, i32 -> vector<64x128xi32>
    %roll3A_4662 = arith.constant 4 : i32
    %roll3A_4663 = tpu.dynamic_rotate %select_n3A_4641 by %roll3A_4662 dim 1 : vector<64x128xi32>, i32 -> vector<64x128xi32>
    %iota3A_4664 = tpu.iota {dimensions = array<i32: 1>} : vector<64x128xi32>
    %and3A_4665 = arith.constant 4 : i32
    %and3A_4666 = vector.broadcast %and3A_4665 : i32 to vector<64x128xi32>
    %and3A_4667 = arith.andi %iota3A_4664, %and3A_4666 : vector<64x128xi32>
    %eq3A_4668 = arith.constant 0 : i32
    %eq3A_4669 = vector.broadcast %eq3A_4668 : i32 to vector<64x128xi32>
    %eq3A_4670 = arith.cmpi eq, %and3A_4667, %eq3A_4669 : vector<64x128xi32>
    %select_n3A_4671 = arith.select %eq3A_4670, %roll3A_4661, %roll3A_4663 : vector<64x128xi1>, vector<64x128xi32>
    %eq3A_4672 = arith.xori %eq3A_4254, %eq3A_4647 : vector<64x128xi1>
    %eq3A_4673 = arith.constant dense<true> : vector<64x128xi1>
    %eq3A_4674 = arith.xori %eq3A_4672, %eq3A_4673 : vector<64x128xi1>
    %gt3A_4675 = arith.cmpi sgt, %select_n3A_4640, %select_n3A_4659 : vector<64x128xi32>
    %eq3A_4676 = arith.cmpi eq, %select_n3A_4640, %select_n3A_4659 : vector<64x128xi32>
    %lt3A_4677 = arith.cmpi slt, %select_n3A_4641, %select_n3A_4671 : vector<64x128xi32>
    %and3A_4678 = arith.andi %eq3A_4676, %lt3A_4677 : vector<64x128xi1>
    %or3A_4679 = arith.ori %gt3A_4675, %and3A_4678 : vector<64x128xi1>
    %eq3A_4680 = arith.xori %eq3A_4674, %or3A_4679 : vector<64x128xi1>
    %eq3A_4681 = arith.constant dense<true> : vector<64x128xi1>
    %eq3A_4682 = arith.xori %eq3A_4680, %eq3A_4681 : vector<64x128xi1>
    %select_n3A_4683 = arith.select %eq3A_4682, %select_n3A_4640, %select_n3A_4659 : vector<64x128xi1>, vector<64x128xi32>
    %select_n3A_4684 = arith.select %eq3A_4682, %select_n3A_4641, %select_n3A_4671 : vector<64x128xi1>, vector<64x128xi32>
    %and3A_4685 = arith.constant 2 : i32
    %and3A_4686 = vector.broadcast %and3A_4685 : i32 to vector<64x128xi32>
    %and3A_4687 = arith.andi %iota3A_1344, %and3A_4686 : vector<64x128xi32>
    %eq3A_4688 = arith.constant 0 : i32
    %eq3A_4689 = vector.broadcast %eq3A_4688 : i32 to vector<64x128xi32>
    %eq3A_4690 = arith.cmpi eq, %and3A_4687, %eq3A_4689 : vector<64x128xi32>
    %roll3A_4691 = arith.constant 126 : i32
    %roll3A_4692 = tpu.dynamic_rotate %select_n3A_4683 by %roll3A_4691 dim 1 : vector<64x128xi32>, i32 -> vector<64x128xi32>
    %roll3A_4693 = arith.constant 2 : i32
    %roll3A_4694 = tpu.dynamic_rotate %select_n3A_4683 by %roll3A_4693 dim 1 : vector<64x128xi32>, i32 -> vector<64x128xi32>
    %iota3A_4695 = tpu.iota {dimensions = array<i32: 1>} : vector<64x128xi32>
    %and3A_4696 = arith.constant 2 : i32
    %and3A_4697 = vector.broadcast %and3A_4696 : i32 to vector<64x128xi32>
    %and3A_4698 = arith.andi %iota3A_4695, %and3A_4697 : vector<64x128xi32>
    %eq3A_4699 = arith.constant 0 : i32
    %eq3A_4700 = vector.broadcast %eq3A_4699 : i32 to vector<64x128xi32>
    %eq3A_4701 = arith.cmpi eq, %and3A_4698, %eq3A_4700 : vector<64x128xi32>
    %select_n3A_4702 = arith.select %eq3A_4701, %roll3A_4692, %roll3A_4694 : vector<64x128xi1>, vector<64x128xi32>
    %roll3A_4703 = arith.constant 126 : i32
    %roll3A_4704 = tpu.dynamic_rotate %select_n3A_4684 by %roll3A_4703 dim 1 : vector<64x128xi32>, i32 -> vector<64x128xi32>
    %roll3A_4705 = arith.constant 2 : i32
    %roll3A_4706 = tpu.dynamic_rotate %select_n3A_4684 by %roll3A_4705 dim 1 : vector<64x128xi32>, i32 -> vector<64x128xi32>
    %iota3A_4707 = tpu.iota {dimensions = array<i32: 1>} : vector<64x128xi32>
    %and3A_4708 = arith.constant 2 : i32
    %and3A_4709 = vector.broadcast %and3A_4708 : i32 to vector<64x128xi32>
    %and3A_4710 = arith.andi %iota3A_4707, %and3A_4709 : vector<64x128xi32>
    %eq3A_4711 = arith.constant 0 : i32
    %eq3A_4712 = vector.broadcast %eq3A_4711 : i32 to vector<64x128xi32>
    %eq3A_4713 = arith.cmpi eq, %and3A_4710, %eq3A_4712 : vector<64x128xi32>
    %select_n3A_4714 = arith.select %eq3A_4713, %roll3A_4704, %roll3A_4706 : vector<64x128xi1>, vector<64x128xi32>
    %eq3A_4715 = arith.xori %eq3A_4254, %eq3A_4690 : vector<64x128xi1>
    %eq3A_4716 = arith.constant dense<true> : vector<64x128xi1>
    %eq3A_4717 = arith.xori %eq3A_4715, %eq3A_4716 : vector<64x128xi1>
    %gt3A_4718 = arith.cmpi sgt, %select_n3A_4683, %select_n3A_4702 : vector<64x128xi32>
    %eq3A_4719 = arith.cmpi eq, %select_n3A_4683, %select_n3A_4702 : vector<64x128xi32>
    %lt3A_4720 = arith.cmpi slt, %select_n3A_4684, %select_n3A_4714 : vector<64x128xi32>
    %and3A_4721 = arith.andi %eq3A_4719, %lt3A_4720 : vector<64x128xi1>
    %or3A_4722 = arith.ori %gt3A_4718, %and3A_4721 : vector<64x128xi1>
    %eq3A_4723 = arith.xori %eq3A_4717, %or3A_4722 : vector<64x128xi1>
    %eq3A_4724 = arith.constant dense<true> : vector<64x128xi1>
    %eq3A_4725 = arith.xori %eq3A_4723, %eq3A_4724 : vector<64x128xi1>
    %select_n3A_4726 = arith.select %eq3A_4725, %select_n3A_4683, %select_n3A_4702 : vector<64x128xi1>, vector<64x128xi32>
    %select_n3A_4727 = arith.select %eq3A_4725, %select_n3A_4684, %select_n3A_4714 : vector<64x128xi1>, vector<64x128xi32>
    %and3A_4728 = arith.constant 1 : i32
    %and3A_4729 = vector.broadcast %and3A_4728 : i32 to vector<64x128xi32>
    %and3A_4730 = arith.andi %iota3A_1344, %and3A_4729 : vector<64x128xi32>
    %eq3A_4731 = arith.constant 0 : i32
    %eq3A_4732 = vector.broadcast %eq3A_4731 : i32 to vector<64x128xi32>
    %eq3A_4733 = arith.cmpi eq, %and3A_4730, %eq3A_4732 : vector<64x128xi32>
    %roll3A_4734 = arith.constant 127 : i32
    %roll3A_4735 = tpu.dynamic_rotate %select_n3A_4726 by %roll3A_4734 dim 1 : vector<64x128xi32>, i32 -> vector<64x128xi32>
    %roll3A_4736 = arith.constant 1 : i32
    %roll3A_4737 = tpu.dynamic_rotate %select_n3A_4726 by %roll3A_4736 dim 1 : vector<64x128xi32>, i32 -> vector<64x128xi32>
    %iota3A_4738 = tpu.iota {dimensions = array<i32: 1>} : vector<64x128xi32>
    %and3A_4739 = arith.constant 1 : i32
    %and3A_4740 = vector.broadcast %and3A_4739 : i32 to vector<64x128xi32>
    %and3A_4741 = arith.andi %iota3A_4738, %and3A_4740 : vector<64x128xi32>
    %eq3A_4742 = arith.constant 0 : i32
    %eq3A_4743 = vector.broadcast %eq3A_4742 : i32 to vector<64x128xi32>
    %eq3A_4744 = arith.cmpi eq, %and3A_4741, %eq3A_4743 : vector<64x128xi32>
    %select_n3A_4745 = arith.select %eq3A_4744, %roll3A_4735, %roll3A_4737 : vector<64x128xi1>, vector<64x128xi32>
    %roll3A_4746 = arith.constant 127 : i32
    %roll3A_4747 = tpu.dynamic_rotate %select_n3A_4727 by %roll3A_4746 dim 1 : vector<64x128xi32>, i32 -> vector<64x128xi32>
    %roll3A_4748 = arith.constant 1 : i32
    %roll3A_4749 = tpu.dynamic_rotate %select_n3A_4727 by %roll3A_4748 dim 1 : vector<64x128xi32>, i32 -> vector<64x128xi32>
    %iota3A_4750 = tpu.iota {dimensions = array<i32: 1>} : vector<64x128xi32>
    %and3A_4751 = arith.constant 1 : i32
    %and3A_4752 = vector.broadcast %and3A_4751 : i32 to vector<64x128xi32>
    %and3A_4753 = arith.andi %iota3A_4750, %and3A_4752 : vector<64x128xi32>
    %eq3A_4754 = arith.constant 0 : i32
    %eq3A_4755 = vector.broadcast %eq3A_4754 : i32 to vector<64x128xi32>
    %eq3A_4756 = arith.cmpi eq, %and3A_4753, %eq3A_4755 : vector<64x128xi32>
    %select_n3A_4757 = arith.select %eq3A_4756, %roll3A_4747, %roll3A_4749 : vector<64x128xi1>, vector<64x128xi32>
    %eq3A_4758 = arith.xori %eq3A_4254, %eq3A_4733 : vector<64x128xi1>
    %eq3A_4759 = arith.constant dense<true> : vector<64x128xi1>
    %eq3A_4760 = arith.xori %eq3A_4758, %eq3A_4759 : vector<64x128xi1>
    %gt3A_4761 = arith.cmpi sgt, %select_n3A_4726, %select_n3A_4745 : vector<64x128xi32>
    %eq3A_4762 = arith.cmpi eq, %select_n3A_4726, %select_n3A_4745 : vector<64x128xi32>
    %lt3A_4763 = arith.cmpi slt, %select_n3A_4727, %select_n3A_4757 : vector<64x128xi32>
    %and3A_4764 = arith.andi %eq3A_4762, %lt3A_4763 : vector<64x128xi1>
    %or3A_4765 = arith.ori %gt3A_4761, %and3A_4764 : vector<64x128xi1>
    %eq3A_4766 = arith.xori %eq3A_4760, %or3A_4765 : vector<64x128xi1>
    %eq3A_4767 = arith.constant dense<true> : vector<64x128xi1>
    %eq3A_4768 = arith.xori %eq3A_4766, %eq3A_4767 : vector<64x128xi1>
    %select_n3A_4769 = arith.select %eq3A_4768, %select_n3A_4726, %select_n3A_4745 : vector<64x128xi1>, vector<64x128xi32>
    %select_n3A_4770 = arith.select %eq3A_4768, %select_n3A_4727, %select_n3A_4757 : vector<64x128xi1>, vector<64x128xi32>
    %and3A_4771 = arith.constant 64 : i32
    %and3A_4772 = vector.broadcast %and3A_4771 : i32 to vector<64x128xi32>
    %and3A_4773 = arith.andi %iota3A_1343, %and3A_4772 : vector<64x128xi32>
    %eq3A_4774 = arith.constant 0 : i32
    %eq3A_4775 = vector.broadcast %eq3A_4774 : i32 to vector<64x128xi32>
    %eq3A_4776 = arith.cmpi eq, %and3A_4773, %eq3A_4775 : vector<64x128xi32>
    %and3A_4777 = arith.constant 32 : i32
    %and3A_4778 = vector.broadcast %and3A_4777 : i32 to vector<64x128xi32>
    %and3A_4779 = arith.andi %iota3A_1343, %and3A_4778 : vector<64x128xi32>
    %eq3A_4780 = arith.constant 0 : i32
    %eq3A_4781 = vector.broadcast %eq3A_4780 : i32 to vector<64x128xi32>
    %eq3A_4782 = arith.cmpi eq, %and3A_4779, %eq3A_4781 : vector<64x128xi32>
    %roll3A_4783 = arith.constant 32 : i32
    %roll3A_4784 = tpu.dynamic_rotate %select_n3A_4769 by %roll3A_4783 dim 0 : vector<64x128xi32>, i32 -> vector<64x128xi32>
    %roll3A_4785 = arith.constant 32 : i32
    %roll3A_4786 = tpu.dynamic_rotate %select_n3A_4769 by %roll3A_4785 dim 0 : vector<64x128xi32>, i32 -> vector<64x128xi32>
    %iota3A_4787 = tpu.iota {dimensions = array<i32: 0>} : vector<64x128xi32>
    %and3A_4788 = arith.constant 32 : i32
    %and3A_4789 = vector.broadcast %and3A_4788 : i32 to vector<64x128xi32>
    %and3A_4790 = arith.andi %iota3A_4787, %and3A_4789 : vector<64x128xi32>
    %eq3A_4791 = arith.constant 0 : i32
    %eq3A_4792 = vector.broadcast %eq3A_4791 : i32 to vector<64x128xi32>
    %eq3A_4793 = arith.cmpi eq, %and3A_4790, %eq3A_4792 : vector<64x128xi32>
    %select_n3A_4794 = arith.select %eq3A_4793, %roll3A_4784, %roll3A_4786 : vector<64x128xi1>, vector<64x128xi32>
    %roll3A_4795 = arith.constant 32 : i32
    %roll3A_4796 = tpu.dynamic_rotate %select_n3A_4770 by %roll3A_4795 dim 0 : vector<64x128xi32>, i32 -> vector<64x128xi32>
    %roll3A_4797 = arith.constant 32 : i32
    %roll3A_4798 = tpu.dynamic_rotate %select_n3A_4770 by %roll3A_4797 dim 0 : vector<64x128xi32>, i32 -> vector<64x128xi32>
    %iota3A_4799 = tpu.iota {dimensions = array<i32: 0>} : vector<64x128xi32>
    %and3A_4800 = arith.constant 32 : i32
    %and3A_4801 = vector.broadcast %and3A_4800 : i32 to vector<64x128xi32>
    %and3A_4802 = arith.andi %iota3A_4799, %and3A_4801 : vector<64x128xi32>
    %eq3A_4803 = arith.constant 0 : i32
    %eq3A_4804 = vector.broadcast %eq3A_4803 : i32 to vector<64x128xi32>
    %eq3A_4805 = arith.cmpi eq, %and3A_4802, %eq3A_4804 : vector<64x128xi32>
    %select_n3A_4806 = arith.select %eq3A_4805, %roll3A_4796, %roll3A_4798 : vector<64x128xi1>, vector<64x128xi32>
    %eq3A_4807 = arith.xori %eq3A_4776, %eq3A_4782 : vector<64x128xi1>
    %eq3A_4808 = arith.constant dense<true> : vector<64x128xi1>
    %eq3A_4809 = arith.xori %eq3A_4807, %eq3A_4808 : vector<64x128xi1>
    %gt3A_4810 = arith.cmpi sgt, %select_n3A_4769, %select_n3A_4794 : vector<64x128xi32>
    %eq3A_4811 = arith.cmpi eq, %select_n3A_4769, %select_n3A_4794 : vector<64x128xi32>
    %lt3A_4812 = arith.cmpi slt, %select_n3A_4770, %select_n3A_4806 : vector<64x128xi32>
    %and3A_4813 = arith.andi %eq3A_4811, %lt3A_4812 : vector<64x128xi1>
    %or3A_4814 = arith.ori %gt3A_4810, %and3A_4813 : vector<64x128xi1>
    %eq3A_4815 = arith.xori %eq3A_4809, %or3A_4814 : vector<64x128xi1>
    %eq3A_4816 = arith.constant dense<true> : vector<64x128xi1>
    %eq3A_4817 = arith.xori %eq3A_4815, %eq3A_4816 : vector<64x128xi1>
    %select_n3A_4818 = arith.select %eq3A_4817, %select_n3A_4769, %select_n3A_4794 : vector<64x128xi1>, vector<64x128xi32>
    %select_n3A_4819 = arith.select %eq3A_4817, %select_n3A_4770, %select_n3A_4806 : vector<64x128xi1>, vector<64x128xi32>
    %and3A_4820 = arith.constant 16 : i32
    %and3A_4821 = vector.broadcast %and3A_4820 : i32 to vector<64x128xi32>
    %and3A_4822 = arith.andi %iota3A_1343, %and3A_4821 : vector<64x128xi32>
    %eq3A_4823 = arith.constant 0 : i32
    %eq3A_4824 = vector.broadcast %eq3A_4823 : i32 to vector<64x128xi32>
    %eq3A_4825 = arith.cmpi eq, %and3A_4822, %eq3A_4824 : vector<64x128xi32>
    %roll3A_4826 = arith.constant 48 : i32
    %roll3A_4827 = tpu.dynamic_rotate %select_n3A_4818 by %roll3A_4826 dim 0 : vector<64x128xi32>, i32 -> vector<64x128xi32>
    %roll3A_4828 = arith.constant 16 : i32
    %roll3A_4829 = tpu.dynamic_rotate %select_n3A_4818 by %roll3A_4828 dim 0 : vector<64x128xi32>, i32 -> vector<64x128xi32>
    %iota3A_4830 = tpu.iota {dimensions = array<i32: 0>} : vector<64x128xi32>
    %and3A_4831 = arith.constant 16 : i32
    %and3A_4832 = vector.broadcast %and3A_4831 : i32 to vector<64x128xi32>
    %and3A_4833 = arith.andi %iota3A_4830, %and3A_4832 : vector<64x128xi32>
    %eq3A_4834 = arith.constant 0 : i32
    %eq3A_4835 = vector.broadcast %eq3A_4834 : i32 to vector<64x128xi32>
    %eq3A_4836 = arith.cmpi eq, %and3A_4833, %eq3A_4835 : vector<64x128xi32>
    %select_n3A_4837 = arith.select %eq3A_4836, %roll3A_4827, %roll3A_4829 : vector<64x128xi1>, vector<64x128xi32>
    %roll3A_4838 = arith.constant 48 : i32
    %roll3A_4839 = tpu.dynamic_rotate %select_n3A_4819 by %roll3A_4838 dim 0 : vector<64x128xi32>, i32 -> vector<64x128xi32>
    %roll3A_4840 = arith.constant 16 : i32
    %roll3A_4841 = tpu.dynamic_rotate %select_n3A_4819 by %roll3A_4840 dim 0 : vector<64x128xi32>, i32 -> vector<64x128xi32>
    %iota3A_4842 = tpu.iota {dimensions = array<i32: 0>} : vector<64x128xi32>
    %and3A_4843 = arith.constant 16 : i32
    %and3A_4844 = vector.broadcast %and3A_4843 : i32 to vector<64x128xi32>
    %and3A_4845 = arith.andi %iota3A_4842, %and3A_4844 : vector<64x128xi32>
    %eq3A_4846 = arith.constant 0 : i32
    %eq3A_4847 = vector.broadcast %eq3A_4846 : i32 to vector<64x128xi32>
    %eq3A_4848 = arith.cmpi eq, %and3A_4845, %eq3A_4847 : vector<64x128xi32>
    %select_n3A_4849 = arith.select %eq3A_4848, %roll3A_4839, %roll3A_4841 : vector<64x128xi1>, vector<64x128xi32>
    %eq3A_4850 = arith.xori %eq3A_4776, %eq3A_4825 : vector<64x128xi1>
    %eq3A_4851 = arith.constant dense<true> : vector<64x128xi1>
    %eq3A_4852 = arith.xori %eq3A_4850, %eq3A_4851 : vector<64x128xi1>
    %gt3A_4853 = arith.cmpi sgt, %select_n3A_4818, %select_n3A_4837 : vector<64x128xi32>
    %eq3A_4854 = arith.cmpi eq, %select_n3A_4818, %select_n3A_4837 : vector<64x128xi32>
    %lt3A_4855 = arith.cmpi slt, %select_n3A_4819, %select_n3A_4849 : vector<64x128xi32>
    %and3A_4856 = arith.andi %eq3A_4854, %lt3A_4855 : vector<64x128xi1>
    %or3A_4857 = arith.ori %gt3A_4853, %and3A_4856 : vector<64x128xi1>
    %eq3A_4858 = arith.xori %eq3A_4852, %or3A_4857 : vector<64x128xi1>
    %eq3A_4859 = arith.constant dense<true> : vector<64x128xi1>
    %eq3A_4860 = arith.xori %eq3A_4858, %eq3A_4859 : vector<64x128xi1>
    %select_n3A_4861 = arith.select %eq3A_4860, %select_n3A_4818, %select_n3A_4837 : vector<64x128xi1>, vector<64x128xi32>
    %select_n3A_4862 = arith.select %eq3A_4860, %select_n3A_4819, %select_n3A_4849 : vector<64x128xi1>, vector<64x128xi32>
    %and3A_4863 = arith.constant 8 : i32
    %and3A_4864 = vector.broadcast %and3A_4863 : i32 to vector<64x128xi32>
    %and3A_4865 = arith.andi %iota3A_1343, %and3A_4864 : vector<64x128xi32>
    %eq3A_4866 = arith.constant 0 : i32
    %eq3A_4867 = vector.broadcast %eq3A_4866 : i32 to vector<64x128xi32>
    %eq3A_4868 = arith.cmpi eq, %and3A_4865, %eq3A_4867 : vector<64x128xi32>
    %roll3A_4869 = arith.constant 56 : i32
    %roll3A_4870 = tpu.dynamic_rotate %select_n3A_4861 by %roll3A_4869 dim 0 : vector<64x128xi32>, i32 -> vector<64x128xi32>
    %roll3A_4871 = arith.constant 8 : i32
    %roll3A_4872 = tpu.dynamic_rotate %select_n3A_4861 by %roll3A_4871 dim 0 : vector<64x128xi32>, i32 -> vector<64x128xi32>
    %iota3A_4873 = tpu.iota {dimensions = array<i32: 0>} : vector<64x128xi32>
    %and3A_4874 = arith.constant 8 : i32
    %and3A_4875 = vector.broadcast %and3A_4874 : i32 to vector<64x128xi32>
    %and3A_4876 = arith.andi %iota3A_4873, %and3A_4875 : vector<64x128xi32>
    %eq3A_4877 = arith.constant 0 : i32
    %eq3A_4878 = vector.broadcast %eq3A_4877 : i32 to vector<64x128xi32>
    %eq3A_4879 = arith.cmpi eq, %and3A_4876, %eq3A_4878 : vector<64x128xi32>
    %select_n3A_4880 = arith.select %eq3A_4879, %roll3A_4870, %roll3A_4872 : vector<64x128xi1>, vector<64x128xi32>
    %roll3A_4881 = arith.constant 56 : i32
    %roll3A_4882 = tpu.dynamic_rotate %select_n3A_4862 by %roll3A_4881 dim 0 : vector<64x128xi32>, i32 -> vector<64x128xi32>
    %roll3A_4883 = arith.constant 8 : i32
    %roll3A_4884 = tpu.dynamic_rotate %select_n3A_4862 by %roll3A_4883 dim 0 : vector<64x128xi32>, i32 -> vector<64x128xi32>
    %iota3A_4885 = tpu.iota {dimensions = array<i32: 0>} : vector<64x128xi32>
    %and3A_4886 = arith.constant 8 : i32
    %and3A_4887 = vector.broadcast %and3A_4886 : i32 to vector<64x128xi32>
    %and3A_4888 = arith.andi %iota3A_4885, %and3A_4887 : vector<64x128xi32>
    %eq3A_4889 = arith.constant 0 : i32
    %eq3A_4890 = vector.broadcast %eq3A_4889 : i32 to vector<64x128xi32>
    %eq3A_4891 = arith.cmpi eq, %and3A_4888, %eq3A_4890 : vector<64x128xi32>
    %select_n3A_4892 = arith.select %eq3A_4891, %roll3A_4882, %roll3A_4884 : vector<64x128xi1>, vector<64x128xi32>
    %eq3A_4893 = arith.xori %eq3A_4776, %eq3A_4868 : vector<64x128xi1>
    %eq3A_4894 = arith.constant dense<true> : vector<64x128xi1>
    %eq3A_4895 = arith.xori %eq3A_4893, %eq3A_4894 : vector<64x128xi1>
    %gt3A_4896 = arith.cmpi sgt, %select_n3A_4861, %select_n3A_4880 : vector<64x128xi32>
    %eq3A_4897 = arith.cmpi eq, %select_n3A_4861, %select_n3A_4880 : vector<64x128xi32>
    %lt3A_4898 = arith.cmpi slt, %select_n3A_4862, %select_n3A_4892 : vector<64x128xi32>
    %and3A_4899 = arith.andi %eq3A_4897, %lt3A_4898 : vector<64x128xi1>
    %or3A_4900 = arith.ori %gt3A_4896, %and3A_4899 : vector<64x128xi1>
    %eq3A_4901 = arith.xori %eq3A_4895, %or3A_4900 : vector<64x128xi1>
    %eq3A_4902 = arith.constant dense<true> : vector<64x128xi1>
    %eq3A_4903 = arith.xori %eq3A_4901, %eq3A_4902 : vector<64x128xi1>
    %select_n3A_4904 = arith.select %eq3A_4903, %select_n3A_4861, %select_n3A_4880 : vector<64x128xi1>, vector<64x128xi32>
    %select_n3A_4905 = arith.select %eq3A_4903, %select_n3A_4862, %select_n3A_4892 : vector<64x128xi1>, vector<64x128xi32>
    %and3A_4906 = arith.constant 4 : i32
    %and3A_4907 = vector.broadcast %and3A_4906 : i32 to vector<64x128xi32>
    %and3A_4908 = arith.andi %iota3A_1343, %and3A_4907 : vector<64x128xi32>
    %eq3A_4909 = arith.constant 0 : i32
    %eq3A_4910 = vector.broadcast %eq3A_4909 : i32 to vector<64x128xi32>
    %eq3A_4911 = arith.cmpi eq, %and3A_4908, %eq3A_4910 : vector<64x128xi32>
    %roll3A_4912 = arith.constant 60 : i32
    %roll3A_4913 = tpu.dynamic_rotate %select_n3A_4904 by %roll3A_4912 dim 0 : vector<64x128xi32>, i32 -> vector<64x128xi32>
    %roll3A_4914 = arith.constant 4 : i32
    %roll3A_4915 = tpu.dynamic_rotate %select_n3A_4904 by %roll3A_4914 dim 0 : vector<64x128xi32>, i32 -> vector<64x128xi32>
    %iota3A_4916 = tpu.iota {dimensions = array<i32: 0>} : vector<64x128xi32>
    %and3A_4917 = arith.constant 4 : i32
    %and3A_4918 = vector.broadcast %and3A_4917 : i32 to vector<64x128xi32>
    %and3A_4919 = arith.andi %iota3A_4916, %and3A_4918 : vector<64x128xi32>
    %eq3A_4920 = arith.constant 0 : i32
    %eq3A_4921 = vector.broadcast %eq3A_4920 : i32 to vector<64x128xi32>
    %eq3A_4922 = arith.cmpi eq, %and3A_4919, %eq3A_4921 : vector<64x128xi32>
    %select_n3A_4923 = arith.select %eq3A_4922, %roll3A_4913, %roll3A_4915 : vector<64x128xi1>, vector<64x128xi32>
    %roll3A_4924 = arith.constant 60 : i32
    %roll3A_4925 = tpu.dynamic_rotate %select_n3A_4905 by %roll3A_4924 dim 0 : vector<64x128xi32>, i32 -> vector<64x128xi32>
    %roll3A_4926 = arith.constant 4 : i32
    %roll3A_4927 = tpu.dynamic_rotate %select_n3A_4905 by %roll3A_4926 dim 0 : vector<64x128xi32>, i32 -> vector<64x128xi32>
    %iota3A_4928 = tpu.iota {dimensions = array<i32: 0>} : vector<64x128xi32>
    %and3A_4929 = arith.constant 4 : i32
    %and3A_4930 = vector.broadcast %and3A_4929 : i32 to vector<64x128xi32>
    %and3A_4931 = arith.andi %iota3A_4928, %and3A_4930 : vector<64x128xi32>
    %eq3A_4932 = arith.constant 0 : i32
    %eq3A_4933 = vector.broadcast %eq3A_4932 : i32 to vector<64x128xi32>
    %eq3A_4934 = arith.cmpi eq, %and3A_4931, %eq3A_4933 : vector<64x128xi32>
    %select_n3A_4935 = arith.select %eq3A_4934, %roll3A_4925, %roll3A_4927 : vector<64x128xi1>, vector<64x128xi32>
    %eq3A_4936 = arith.xori %eq3A_4776, %eq3A_4911 : vector<64x128xi1>
    %eq3A_4937 = arith.constant dense<true> : vector<64x128xi1>
    %eq3A_4938 = arith.xori %eq3A_4936, %eq3A_4937 : vector<64x128xi1>
    %gt3A_4939 = arith.cmpi sgt, %select_n3A_4904, %select_n3A_4923 : vector<64x128xi32>
    %eq3A_4940 = arith.cmpi eq, %select_n3A_4904, %select_n3A_4923 : vector<64x128xi32>
    %lt3A_4941 = arith.cmpi slt, %select_n3A_4905, %select_n3A_4935 : vector<64x128xi32>
    %and3A_4942 = arith.andi %eq3A_4940, %lt3A_4941 : vector<64x128xi1>
    %or3A_4943 = arith.ori %gt3A_4939, %and3A_4942 : vector<64x128xi1>
    %eq3A_4944 = arith.xori %eq3A_4938, %or3A_4943 : vector<64x128xi1>
    %eq3A_4945 = arith.constant dense<true> : vector<64x128xi1>
    %eq3A_4946 = arith.xori %eq3A_4944, %eq3A_4945 : vector<64x128xi1>
    %select_n3A_4947 = arith.select %eq3A_4946, %select_n3A_4904, %select_n3A_4923 : vector<64x128xi1>, vector<64x128xi32>
    %select_n3A_4948 = arith.select %eq3A_4946, %select_n3A_4905, %select_n3A_4935 : vector<64x128xi1>, vector<64x128xi32>
    %and3A_4949 = arith.constant 2 : i32
    %and3A_4950 = vector.broadcast %and3A_4949 : i32 to vector<64x128xi32>
    %and3A_4951 = arith.andi %iota3A_1343, %and3A_4950 : vector<64x128xi32>
    %eq3A_4952 = arith.constant 0 : i32
    %eq3A_4953 = vector.broadcast %eq3A_4952 : i32 to vector<64x128xi32>
    %eq3A_4954 = arith.cmpi eq, %and3A_4951, %eq3A_4953 : vector<64x128xi32>
    %roll3A_4955 = arith.constant 62 : i32
    %roll3A_4956 = tpu.dynamic_rotate %select_n3A_4947 by %roll3A_4955 dim 0 : vector<64x128xi32>, i32 -> vector<64x128xi32>
    %roll3A_4957 = arith.constant 2 : i32
    %roll3A_4958 = tpu.dynamic_rotate %select_n3A_4947 by %roll3A_4957 dim 0 : vector<64x128xi32>, i32 -> vector<64x128xi32>
    %iota3A_4959 = tpu.iota {dimensions = array<i32: 0>} : vector<64x128xi32>
    %and3A_4960 = arith.constant 2 : i32
    %and3A_4961 = vector.broadcast %and3A_4960 : i32 to vector<64x128xi32>
    %and3A_4962 = arith.andi %iota3A_4959, %and3A_4961 : vector<64x128xi32>
    %eq3A_4963 = arith.constant 0 : i32
    %eq3A_4964 = vector.broadcast %eq3A_4963 : i32 to vector<64x128xi32>
    %eq3A_4965 = arith.cmpi eq, %and3A_4962, %eq3A_4964 : vector<64x128xi32>
    %select_n3A_4966 = arith.select %eq3A_4965, %roll3A_4956, %roll3A_4958 : vector<64x128xi1>, vector<64x128xi32>
    %roll3A_4967 = arith.constant 62 : i32
    %roll3A_4968 = tpu.dynamic_rotate %select_n3A_4948 by %roll3A_4967 dim 0 : vector<64x128xi32>, i32 -> vector<64x128xi32>
    %roll3A_4969 = arith.constant 2 : i32
    %roll3A_4970 = tpu.dynamic_rotate %select_n3A_4948 by %roll3A_4969 dim 0 : vector<64x128xi32>, i32 -> vector<64x128xi32>
    %iota3A_4971 = tpu.iota {dimensions = array<i32: 0>} : vector<64x128xi32>
    %and3A_4972 = arith.constant 2 : i32
    %and3A_4973 = vector.broadcast %and3A_4972 : i32 to vector<64x128xi32>
    %and3A_4974 = arith.andi %iota3A_4971, %and3A_4973 : vector<64x128xi32>
    %eq3A_4975 = arith.constant 0 : i32
    %eq3A_4976 = vector.broadcast %eq3A_4975 : i32 to vector<64x128xi32>
    %eq3A_4977 = arith.cmpi eq, %and3A_4974, %eq3A_4976 : vector<64x128xi32>
    %select_n3A_4978 = arith.select %eq3A_4977, %roll3A_4968, %roll3A_4970 : vector<64x128xi1>, vector<64x128xi32>
    %eq3A_4979 = arith.xori %eq3A_4776, %eq3A_4954 : vector<64x128xi1>
    %eq3A_4980 = arith.constant dense<true> : vector<64x128xi1>
    %eq3A_4981 = arith.xori %eq3A_4979, %eq3A_4980 : vector<64x128xi1>
    %gt3A_4982 = arith.cmpi sgt, %select_n3A_4947, %select_n3A_4966 : vector<64x128xi32>
    %eq3A_4983 = arith.cmpi eq, %select_n3A_4947, %select_n3A_4966 : vector<64x128xi32>
    %lt3A_4984 = arith.cmpi slt, %select_n3A_4948, %select_n3A_4978 : vector<64x128xi32>
    %and3A_4985 = arith.andi %eq3A_4983, %lt3A_4984 : vector<64x128xi1>
    %or3A_4986 = arith.ori %gt3A_4982, %and3A_4985 : vector<64x128xi1>
    %eq3A_4987 = arith.xori %eq3A_4981, %or3A_4986 : vector<64x128xi1>
    %eq3A_4988 = arith.constant dense<true> : vector<64x128xi1>
    %eq3A_4989 = arith.xori %eq3A_4987, %eq3A_4988 : vector<64x128xi1>
    %select_n3A_4990 = arith.select %eq3A_4989, %select_n3A_4947, %select_n3A_4966 : vector<64x128xi1>, vector<64x128xi32>
    %select_n3A_4991 = arith.select %eq3A_4989, %select_n3A_4948, %select_n3A_4978 : vector<64x128xi1>, vector<64x128xi32>
    %and3A_4992 = arith.constant 1 : i32
    %and3A_4993 = vector.broadcast %and3A_4992 : i32 to vector<64x128xi32>
    %and3A_4994 = arith.andi %iota3A_1343, %and3A_4993 : vector<64x128xi32>
    %eq3A_4995 = arith.constant 0 : i32
    %eq3A_4996 = vector.broadcast %eq3A_4995 : i32 to vector<64x128xi32>
    %eq3A_4997 = arith.cmpi eq, %and3A_4994, %eq3A_4996 : vector<64x128xi32>
    %roll3A_4998 = arith.constant 63 : i32
    %roll3A_4999 = tpu.dynamic_rotate %select_n3A_4990 by %roll3A_4998 dim 0 : vector<64x128xi32>, i32 -> vector<64x128xi32>
    %roll3A_5000 = arith.constant 1 : i32
    %roll3A_5001 = tpu.dynamic_rotate %select_n3A_4990 by %roll3A_5000 dim 0 : vector<64x128xi32>, i32 -> vector<64x128xi32>
    %iota3A_5002 = tpu.iota {dimensions = array<i32: 0>} : vector<64x128xi32>
    %and3A_5003 = arith.constant 1 : i32
    %and3A_5004 = vector.broadcast %and3A_5003 : i32 to vector<64x128xi32>
    %and3A_5005 = arith.andi %iota3A_5002, %and3A_5004 : vector<64x128xi32>
    %eq3A_5006 = arith.constant 0 : i32
    %eq3A_5007 = vector.broadcast %eq3A_5006 : i32 to vector<64x128xi32>
    %eq3A_5008 = arith.cmpi eq, %and3A_5005, %eq3A_5007 : vector<64x128xi32>
    %select_n3A_5009 = arith.select %eq3A_5008, %roll3A_4999, %roll3A_5001 : vector<64x128xi1>, vector<64x128xi32>
    %roll3A_5010 = arith.constant 63 : i32
    %roll3A_5011 = tpu.dynamic_rotate %select_n3A_4991 by %roll3A_5010 dim 0 : vector<64x128xi32>, i32 -> vector<64x128xi32>
    %roll3A_5012 = arith.constant 1 : i32
    %roll3A_5013 = tpu.dynamic_rotate %select_n3A_4991 by %roll3A_5012 dim 0 : vector<64x128xi32>, i32 -> vector<64x128xi32>
    %iota3A_5014 = tpu.iota {dimensions = array<i32: 0>} : vector<64x128xi32>
    %and3A_5015 = arith.constant 1 : i32
    %and3A_5016 = vector.broadcast %and3A_5015 : i32 to vector<64x128xi32>
    %and3A_5017 = arith.andi %iota3A_5014, %and3A_5016 : vector<64x128xi32>
    %eq3A_5018 = arith.constant 0 : i32
    %eq3A_5019 = vector.broadcast %eq3A_5018 : i32 to vector<64x128xi32>
    %eq3A_5020 = arith.cmpi eq, %and3A_5017, %eq3A_5019 : vector<64x128xi32>
    %select_n3A_5021 = arith.select %eq3A_5020, %roll3A_5011, %roll3A_5013 : vector<64x128xi1>, vector<64x128xi32>
    %eq3A_5022 = arith.xori %eq3A_4776, %eq3A_4997 : vector<64x128xi1>
    %eq3A_5023 = arith.constant dense<true> : vector<64x128xi1>
    %eq3A_5024 = arith.xori %eq3A_5022, %eq3A_5023 : vector<64x128xi1>
    %gt3A_5025 = arith.cmpi sgt, %select_n3A_4990, %select_n3A_5009 : vector<64x128xi32>
    %eq3A_5026 = arith.cmpi eq, %select_n3A_4990, %select_n3A_5009 : vector<64x128xi32>
    %lt3A_5027 = arith.cmpi slt, %select_n3A_4991, %select_n3A_5021 : vector<64x128xi32>
    %and3A_5028 = arith.andi %eq3A_5026, %lt3A_5027 : vector<64x128xi1>
    %or3A_5029 = arith.ori %gt3A_5025, %and3A_5028 : vector<64x128xi1>
    %eq3A_5030 = arith.xori %eq3A_5024, %or3A_5029 : vector<64x128xi1>
    %eq3A_5031 = arith.constant dense<true> : vector<64x128xi1>
    %eq3A_5032 = arith.xori %eq3A_5030, %eq3A_5031 : vector<64x128xi1>
    %select_n3A_5033 = arith.select %eq3A_5032, %select_n3A_4990, %select_n3A_5009 : vector<64x128xi1>, vector<64x128xi32>
    %select_n3A_5034 = arith.select %eq3A_5032, %select_n3A_4991, %select_n3A_5021 : vector<64x128xi1>, vector<64x128xi32>
    %and3A_5035 = arith.constant 64 : i32
    %and3A_5036 = vector.broadcast %and3A_5035 : i32 to vector<64x128xi32>
    %and3A_5037 = arith.andi %iota3A_1344, %and3A_5036 : vector<64x128xi32>
    %eq3A_5038 = arith.constant 0 : i32
    %eq3A_5039 = vector.broadcast %eq3A_5038 : i32 to vector<64x128xi32>
    %eq3A_5040 = arith.cmpi eq, %and3A_5037, %eq3A_5039 : vector<64x128xi32>
    %roll3A_5041 = arith.constant 64 : i32
    %roll3A_5042 = tpu.dynamic_rotate %select_n3A_5033 by %roll3A_5041 dim 1 : vector<64x128xi32>, i32 -> vector<64x128xi32>
    %roll3A_5043 = arith.constant 64 : i32
    %roll3A_5044 = tpu.dynamic_rotate %select_n3A_5033 by %roll3A_5043 dim 1 : vector<64x128xi32>, i32 -> vector<64x128xi32>
    %iota3A_5045 = tpu.iota {dimensions = array<i32: 1>} : vector<64x128xi32>
    %and3A_5046 = arith.constant 64 : i32
    %and3A_5047 = vector.broadcast %and3A_5046 : i32 to vector<64x128xi32>
    %and3A_5048 = arith.andi %iota3A_5045, %and3A_5047 : vector<64x128xi32>
    %eq3A_5049 = arith.constant 0 : i32
    %eq3A_5050 = vector.broadcast %eq3A_5049 : i32 to vector<64x128xi32>
    %eq3A_5051 = arith.cmpi eq, %and3A_5048, %eq3A_5050 : vector<64x128xi32>
    %select_n3A_5052 = arith.select %eq3A_5051, %roll3A_5042, %roll3A_5044 : vector<64x128xi1>, vector<64x128xi32>
    %roll3A_5053 = arith.constant 64 : i32
    %roll3A_5054 = tpu.dynamic_rotate %select_n3A_5034 by %roll3A_5053 dim 1 : vector<64x128xi32>, i32 -> vector<64x128xi32>
    %roll3A_5055 = arith.constant 64 : i32
    %roll3A_5056 = tpu.dynamic_rotate %select_n3A_5034 by %roll3A_5055 dim 1 : vector<64x128xi32>, i32 -> vector<64x128xi32>
    %iota3A_5057 = tpu.iota {dimensions = array<i32: 1>} : vector<64x128xi32>
    %and3A_5058 = arith.constant 64 : i32
    %and3A_5059 = vector.broadcast %and3A_5058 : i32 to vector<64x128xi32>
    %and3A_5060 = arith.andi %iota3A_5057, %and3A_5059 : vector<64x128xi32>
    %eq3A_5061 = arith.constant 0 : i32
    %eq3A_5062 = vector.broadcast %eq3A_5061 : i32 to vector<64x128xi32>
    %eq3A_5063 = arith.cmpi eq, %and3A_5060, %eq3A_5062 : vector<64x128xi32>
    %select_n3A_5064 = arith.select %eq3A_5063, %roll3A_5054, %roll3A_5056 : vector<64x128xi1>, vector<64x128xi32>
    %eq3A_5065 = arith.xori %eq3A_4776, %eq3A_5040 : vector<64x128xi1>
    %eq3A_5066 = arith.constant dense<true> : vector<64x128xi1>
    %eq3A_5067 = arith.xori %eq3A_5065, %eq3A_5066 : vector<64x128xi1>
    %gt3A_5068 = arith.cmpi sgt, %select_n3A_5033, %select_n3A_5052 : vector<64x128xi32>
    %eq3A_5069 = arith.cmpi eq, %select_n3A_5033, %select_n3A_5052 : vector<64x128xi32>
    %lt3A_5070 = arith.cmpi slt, %select_n3A_5034, %select_n3A_5064 : vector<64x128xi32>
    %and3A_5071 = arith.andi %eq3A_5069, %lt3A_5070 : vector<64x128xi1>
    %or3A_5072 = arith.ori %gt3A_5068, %and3A_5071 : vector<64x128xi1>
    %eq3A_5073 = arith.xori %eq3A_5067, %or3A_5072 : vector<64x128xi1>
    %eq3A_5074 = arith.constant dense<true> : vector<64x128xi1>
    %eq3A_5075 = arith.xori %eq3A_5073, %eq3A_5074 : vector<64x128xi1>
    %select_n3A_5076 = arith.select %eq3A_5075, %select_n3A_5033, %select_n3A_5052 : vector<64x128xi1>, vector<64x128xi32>
    %select_n3A_5077 = arith.select %eq3A_5075, %select_n3A_5034, %select_n3A_5064 : vector<64x128xi1>, vector<64x128xi32>
    %and3A_5078 = arith.constant 32 : i32
    %and3A_5079 = vector.broadcast %and3A_5078 : i32 to vector<64x128xi32>
    %and3A_5080 = arith.andi %iota3A_1344, %and3A_5079 : vector<64x128xi32>
    %eq3A_5081 = arith.constant 0 : i32
    %eq3A_5082 = vector.broadcast %eq3A_5081 : i32 to vector<64x128xi32>
    %eq3A_5083 = arith.cmpi eq, %and3A_5080, %eq3A_5082 : vector<64x128xi32>
    %roll3A_5084 = arith.constant 96 : i32
    %roll3A_5085 = tpu.dynamic_rotate %select_n3A_5076 by %roll3A_5084 dim 1 : vector<64x128xi32>, i32 -> vector<64x128xi32>
    %roll3A_5086 = arith.constant 32 : i32
    %roll3A_5087 = tpu.dynamic_rotate %select_n3A_5076 by %roll3A_5086 dim 1 : vector<64x128xi32>, i32 -> vector<64x128xi32>
    %iota3A_5088 = tpu.iota {dimensions = array<i32: 1>} : vector<64x128xi32>
    %and3A_5089 = arith.constant 32 : i32
    %and3A_5090 = vector.broadcast %and3A_5089 : i32 to vector<64x128xi32>
    %and3A_5091 = arith.andi %iota3A_5088, %and3A_5090 : vector<64x128xi32>
    %eq3A_5092 = arith.constant 0 : i32
    %eq3A_5093 = vector.broadcast %eq3A_5092 : i32 to vector<64x128xi32>
    %eq3A_5094 = arith.cmpi eq, %and3A_5091, %eq3A_5093 : vector<64x128xi32>
    %select_n3A_5095 = arith.select %eq3A_5094, %roll3A_5085, %roll3A_5087 : vector<64x128xi1>, vector<64x128xi32>
    %roll3A_5096 = arith.constant 96 : i32
    %roll3A_5097 = tpu.dynamic_rotate %select_n3A_5077 by %roll3A_5096 dim 1 : vector<64x128xi32>, i32 -> vector<64x128xi32>
    %roll3A_5098 = arith.constant 32 : i32
    %roll3A_5099 = tpu.dynamic_rotate %select_n3A_5077 by %roll3A_5098 dim 1 : vector<64x128xi32>, i32 -> vector<64x128xi32>
    %iota3A_5100 = tpu.iota {dimensions = array<i32: 1>} : vector<64x128xi32>
    %and3A_5101 = arith.constant 32 : i32
    %and3A_5102 = vector.broadcast %and3A_5101 : i32 to vector<64x128xi32>
    %and3A_5103 = arith.andi %iota3A_5100, %and3A_5102 : vector<64x128xi32>
    %eq3A_5104 = arith.constant 0 : i32
    %eq3A_5105 = vector.broadcast %eq3A_5104 : i32 to vector<64x128xi32>
    %eq3A_5106 = arith.cmpi eq, %and3A_5103, %eq3A_5105 : vector<64x128xi32>
    %select_n3A_5107 = arith.select %eq3A_5106, %roll3A_5097, %roll3A_5099 : vector<64x128xi1>, vector<64x128xi32>
    %eq3A_5108 = arith.xori %eq3A_4776, %eq3A_5083 : vector<64x128xi1>
    %eq3A_5109 = arith.constant dense<true> : vector<64x128xi1>
    %eq3A_5110 = arith.xori %eq3A_5108, %eq3A_5109 : vector<64x128xi1>
    %gt3A_5111 = arith.cmpi sgt, %select_n3A_5076, %select_n3A_5095 : vector<64x128xi32>
    %eq3A_5112 = arith.cmpi eq, %select_n3A_5076, %select_n3A_5095 : vector<64x128xi32>
    %lt3A_5113 = arith.cmpi slt, %select_n3A_5077, %select_n3A_5107 : vector<64x128xi32>
    %and3A_5114 = arith.andi %eq3A_5112, %lt3A_5113 : vector<64x128xi1>
    %or3A_5115 = arith.ori %gt3A_5111, %and3A_5114 : vector<64x128xi1>
    %eq3A_5116 = arith.xori %eq3A_5110, %or3A_5115 : vector<64x128xi1>
    %eq3A_5117 = arith.constant dense<true> : vector<64x128xi1>
    %eq3A_5118 = arith.xori %eq3A_5116, %eq3A_5117 : vector<64x128xi1>
    %select_n3A_5119 = arith.select %eq3A_5118, %select_n3A_5076, %select_n3A_5095 : vector<64x128xi1>, vector<64x128xi32>
    %select_n3A_5120 = arith.select %eq3A_5118, %select_n3A_5077, %select_n3A_5107 : vector<64x128xi1>, vector<64x128xi32>
    %and3A_5121 = arith.constant 16 : i32
    %and3A_5122 = vector.broadcast %and3A_5121 : i32 to vector<64x128xi32>
    %and3A_5123 = arith.andi %iota3A_1344, %and3A_5122 : vector<64x128xi32>
    %eq3A_5124 = arith.constant 0 : i32
    %eq3A_5125 = vector.broadcast %eq3A_5124 : i32 to vector<64x128xi32>
    %eq3A_5126 = arith.cmpi eq, %and3A_5123, %eq3A_5125 : vector<64x128xi32>
    %roll3A_5127 = arith.constant 112 : i32
    %roll3A_5128 = tpu.dynamic_rotate %select_n3A_5119 by %roll3A_5127 dim 1 : vector<64x128xi32>, i32 -> vector<64x128xi32>
    %roll3A_5129 = arith.constant 16 : i32
    %roll3A_5130 = tpu.dynamic_rotate %select_n3A_5119 by %roll3A_5129 dim 1 : vector<64x128xi32>, i32 -> vector<64x128xi32>
    %iota3A_5131 = tpu.iota {dimensions = array<i32: 1>} : vector<64x128xi32>
    %and3A_5132 = arith.constant 16 : i32
    %and3A_5133 = vector.broadcast %and3A_5132 : i32 to vector<64x128xi32>
    %and3A_5134 = arith.andi %iota3A_5131, %and3A_5133 : vector<64x128xi32>
    %eq3A_5135 = arith.constant 0 : i32
    %eq3A_5136 = vector.broadcast %eq3A_5135 : i32 to vector<64x128xi32>
    %eq3A_5137 = arith.cmpi eq, %and3A_5134, %eq3A_5136 : vector<64x128xi32>
    %select_n3A_5138 = arith.select %eq3A_5137, %roll3A_5128, %roll3A_5130 : vector<64x128xi1>, vector<64x128xi32>
    %roll3A_5139 = arith.constant 112 : i32
    %roll3A_5140 = tpu.dynamic_rotate %select_n3A_5120 by %roll3A_5139 dim 1 : vector<64x128xi32>, i32 -> vector<64x128xi32>
    %roll3A_5141 = arith.constant 16 : i32
    %roll3A_5142 = tpu.dynamic_rotate %select_n3A_5120 by %roll3A_5141 dim 1 : vector<64x128xi32>, i32 -> vector<64x128xi32>
    %iota3A_5143 = tpu.iota {dimensions = array<i32: 1>} : vector<64x128xi32>
    %and3A_5144 = arith.constant 16 : i32
    %and3A_5145 = vector.broadcast %and3A_5144 : i32 to vector<64x128xi32>
    %and3A_5146 = arith.andi %iota3A_5143, %and3A_5145 : vector<64x128xi32>
    %eq3A_5147 = arith.constant 0 : i32
    %eq3A_5148 = vector.broadcast %eq3A_5147 : i32 to vector<64x128xi32>
    %eq3A_5149 = arith.cmpi eq, %and3A_5146, %eq3A_5148 : vector<64x128xi32>
    %select_n3A_5150 = arith.select %eq3A_5149, %roll3A_5140, %roll3A_5142 : vector<64x128xi1>, vector<64x128xi32>
    %eq3A_5151 = arith.xori %eq3A_4776, %eq3A_5126 : vector<64x128xi1>
    %eq3A_5152 = arith.constant dense<true> : vector<64x128xi1>
    %eq3A_5153 = arith.xori %eq3A_5151, %eq3A_5152 : vector<64x128xi1>
    %gt3A_5154 = arith.cmpi sgt, %select_n3A_5119, %select_n3A_5138 : vector<64x128xi32>
    %eq3A_5155 = arith.cmpi eq, %select_n3A_5119, %select_n3A_5138 : vector<64x128xi32>
    %lt3A_5156 = arith.cmpi slt, %select_n3A_5120, %select_n3A_5150 : vector<64x128xi32>
    %and3A_5157 = arith.andi %eq3A_5155, %lt3A_5156 : vector<64x128xi1>
    %or3A_5158 = arith.ori %gt3A_5154, %and3A_5157 : vector<64x128xi1>
    %eq3A_5159 = arith.xori %eq3A_5153, %or3A_5158 : vector<64x128xi1>
    %eq3A_5160 = arith.constant dense<true> : vector<64x128xi1>
    %eq3A_5161 = arith.xori %eq3A_5159, %eq3A_5160 : vector<64x128xi1>
    %select_n3A_5162 = arith.select %eq3A_5161, %select_n3A_5119, %select_n3A_5138 : vector<64x128xi1>, vector<64x128xi32>
    %select_n3A_5163 = arith.select %eq3A_5161, %select_n3A_5120, %select_n3A_5150 : vector<64x128xi1>, vector<64x128xi32>
    %and3A_5164 = arith.constant 8 : i32
    %and3A_5165 = vector.broadcast %and3A_5164 : i32 to vector<64x128xi32>
    %and3A_5166 = arith.andi %iota3A_1344, %and3A_5165 : vector<64x128xi32>
    %eq3A_5167 = arith.constant 0 : i32
    %eq3A_5168 = vector.broadcast %eq3A_5167 : i32 to vector<64x128xi32>
    %eq3A_5169 = arith.cmpi eq, %and3A_5166, %eq3A_5168 : vector<64x128xi32>
    %roll3A_5170 = arith.constant 120 : i32
    %roll3A_5171 = tpu.dynamic_rotate %select_n3A_5162 by %roll3A_5170 dim 1 : vector<64x128xi32>, i32 -> vector<64x128xi32>
    %roll3A_5172 = arith.constant 8 : i32
    %roll3A_5173 = tpu.dynamic_rotate %select_n3A_5162 by %roll3A_5172 dim 1 : vector<64x128xi32>, i32 -> vector<64x128xi32>
    %iota3A_5174 = tpu.iota {dimensions = array<i32: 1>} : vector<64x128xi32>
    %and3A_5175 = arith.constant 8 : i32
    %and3A_5176 = vector.broadcast %and3A_5175 : i32 to vector<64x128xi32>
    %and3A_5177 = arith.andi %iota3A_5174, %and3A_5176 : vector<64x128xi32>
    %eq3A_5178 = arith.constant 0 : i32
    %eq3A_5179 = vector.broadcast %eq3A_5178 : i32 to vector<64x128xi32>
    %eq3A_5180 = arith.cmpi eq, %and3A_5177, %eq3A_5179 : vector<64x128xi32>
    %select_n3A_5181 = arith.select %eq3A_5180, %roll3A_5171, %roll3A_5173 : vector<64x128xi1>, vector<64x128xi32>
    %roll3A_5182 = arith.constant 120 : i32
    %roll3A_5183 = tpu.dynamic_rotate %select_n3A_5163 by %roll3A_5182 dim 1 : vector<64x128xi32>, i32 -> vector<64x128xi32>
    %roll3A_5184 = arith.constant 8 : i32
    %roll3A_5185 = tpu.dynamic_rotate %select_n3A_5163 by %roll3A_5184 dim 1 : vector<64x128xi32>, i32 -> vector<64x128xi32>
    %iota3A_5186 = tpu.iota {dimensions = array<i32: 1>} : vector<64x128xi32>
    %and3A_5187 = arith.constant 8 : i32
    %and3A_5188 = vector.broadcast %and3A_5187 : i32 to vector<64x128xi32>
    %and3A_5189 = arith.andi %iota3A_5186, %and3A_5188 : vector<64x128xi32>
    %eq3A_5190 = arith.constant 0 : i32
    %eq3A_5191 = vector.broadcast %eq3A_5190 : i32 to vector<64x128xi32>
    %eq3A_5192 = arith.cmpi eq, %and3A_5189, %eq3A_5191 : vector<64x128xi32>
    %select_n3A_5193 = arith.select %eq3A_5192, %roll3A_5183, %roll3A_5185 : vector<64x128xi1>, vector<64x128xi32>
    %eq3A_5194 = arith.xori %eq3A_4776, %eq3A_5169 : vector<64x128xi1>
    %eq3A_5195 = arith.constant dense<true> : vector<64x128xi1>
    %eq3A_5196 = arith.xori %eq3A_5194, %eq3A_5195 : vector<64x128xi1>
    %gt3A_5197 = arith.cmpi sgt, %select_n3A_5162, %select_n3A_5181 : vector<64x128xi32>
    %eq3A_5198 = arith.cmpi eq, %select_n3A_5162, %select_n3A_5181 : vector<64x128xi32>
    %lt3A_5199 = arith.cmpi slt, %select_n3A_5163, %select_n3A_5193 : vector<64x128xi32>
    %and3A_5200 = arith.andi %eq3A_5198, %lt3A_5199 : vector<64x128xi1>
    %or3A_5201 = arith.ori %gt3A_5197, %and3A_5200 : vector<64x128xi1>
    %eq3A_5202 = arith.xori %eq3A_5196, %or3A_5201 : vector<64x128xi1>
    %eq3A_5203 = arith.constant dense<true> : vector<64x128xi1>
    %eq3A_5204 = arith.xori %eq3A_5202, %eq3A_5203 : vector<64x128xi1>
    %select_n3A_5205 = arith.select %eq3A_5204, %select_n3A_5162, %select_n3A_5181 : vector<64x128xi1>, vector<64x128xi32>
    %select_n3A_5206 = arith.select %eq3A_5204, %select_n3A_5163, %select_n3A_5193 : vector<64x128xi1>, vector<64x128xi32>
    %and3A_5207 = arith.constant 4 : i32
    %and3A_5208 = vector.broadcast %and3A_5207 : i32 to vector<64x128xi32>
    %and3A_5209 = arith.andi %iota3A_1344, %and3A_5208 : vector<64x128xi32>
    %eq3A_5210 = arith.constant 0 : i32
    %eq3A_5211 = vector.broadcast %eq3A_5210 : i32 to vector<64x128xi32>
    %eq3A_5212 = arith.cmpi eq, %and3A_5209, %eq3A_5211 : vector<64x128xi32>
    %roll3A_5213 = arith.constant 124 : i32
    %roll3A_5214 = tpu.dynamic_rotate %select_n3A_5205 by %roll3A_5213 dim 1 : vector<64x128xi32>, i32 -> vector<64x128xi32>
    %roll3A_5215 = arith.constant 4 : i32
    %roll3A_5216 = tpu.dynamic_rotate %select_n3A_5205 by %roll3A_5215 dim 1 : vector<64x128xi32>, i32 -> vector<64x128xi32>
    %iota3A_5217 = tpu.iota {dimensions = array<i32: 1>} : vector<64x128xi32>
    %and3A_5218 = arith.constant 4 : i32
    %and3A_5219 = vector.broadcast %and3A_5218 : i32 to vector<64x128xi32>
    %and3A_5220 = arith.andi %iota3A_5217, %and3A_5219 : vector<64x128xi32>
    %eq3A_5221 = arith.constant 0 : i32
    %eq3A_5222 = vector.broadcast %eq3A_5221 : i32 to vector<64x128xi32>
    %eq3A_5223 = arith.cmpi eq, %and3A_5220, %eq3A_5222 : vector<64x128xi32>
    %select_n3A_5224 = arith.select %eq3A_5223, %roll3A_5214, %roll3A_5216 : vector<64x128xi1>, vector<64x128xi32>
    %roll3A_5225 = arith.constant 124 : i32
    %roll3A_5226 = tpu.dynamic_rotate %select_n3A_5206 by %roll3A_5225 dim 1 : vector<64x128xi32>, i32 -> vector<64x128xi32>
    %roll3A_5227 = arith.constant 4 : i32
    %roll3A_5228 = tpu.dynamic_rotate %select_n3A_5206 by %roll3A_5227 dim 1 : vector<64x128xi32>, i32 -> vector<64x128xi32>
    %iota3A_5229 = tpu.iota {dimensions = array<i32: 1>} : vector<64x128xi32>
    %and3A_5230 = arith.constant 4 : i32
    %and3A_5231 = vector.broadcast %and3A_5230 : i32 to vector<64x128xi32>
    %and3A_5232 = arith.andi %iota3A_5229, %and3A_5231 : vector<64x128xi32>
    %eq3A_5233 = arith.constant 0 : i32
    %eq3A_5234 = vector.broadcast %eq3A_5233 : i32 to vector<64x128xi32>
    %eq3A_5235 = arith.cmpi eq, %and3A_5232, %eq3A_5234 : vector<64x128xi32>
    %select_n3A_5236 = arith.select %eq3A_5235, %roll3A_5226, %roll3A_5228 : vector<64x128xi1>, vector<64x128xi32>
    %eq3A_5237 = arith.xori %eq3A_4776, %eq3A_5212 : vector<64x128xi1>
    %eq3A_5238 = arith.constant dense<true> : vector<64x128xi1>
    %eq3A_5239 = arith.xori %eq3A_5237, %eq3A_5238 : vector<64x128xi1>
    %gt3A_5240 = arith.cmpi sgt, %select_n3A_5205, %select_n3A_5224 : vector<64x128xi32>
    %eq3A_5241 = arith.cmpi eq, %select_n3A_5205, %select_n3A_5224 : vector<64x128xi32>
    %lt3A_5242 = arith.cmpi slt, %select_n3A_5206, %select_n3A_5236 : vector<64x128xi32>
    %and3A_5243 = arith.andi %eq3A_5241, %lt3A_5242 : vector<64x128xi1>
    %or3A_5244 = arith.ori %gt3A_5240, %and3A_5243 : vector<64x128xi1>
    %eq3A_5245 = arith.xori %eq3A_5239, %or3A_5244 : vector<64x128xi1>
    %eq3A_5246 = arith.constant dense<true> : vector<64x128xi1>
    %eq3A_5247 = arith.xori %eq3A_5245, %eq3A_5246 : vector<64x128xi1>
    %select_n3A_5248 = arith.select %eq3A_5247, %select_n3A_5205, %select_n3A_5224 : vector<64x128xi1>, vector<64x128xi32>
    %select_n3A_5249 = arith.select %eq3A_5247, %select_n3A_5206, %select_n3A_5236 : vector<64x128xi1>, vector<64x128xi32>
    %and3A_5250 = arith.constant 2 : i32
    %and3A_5251 = vector.broadcast %and3A_5250 : i32 to vector<64x128xi32>
    %and3A_5252 = arith.andi %iota3A_1344, %and3A_5251 : vector<64x128xi32>
    %eq3A_5253 = arith.constant 0 : i32
    %eq3A_5254 = vector.broadcast %eq3A_5253 : i32 to vector<64x128xi32>
    %eq3A_5255 = arith.cmpi eq, %and3A_5252, %eq3A_5254 : vector<64x128xi32>
    %roll3A_5256 = arith.constant 126 : i32
    %roll3A_5257 = tpu.dynamic_rotate %select_n3A_5248 by %roll3A_5256 dim 1 : vector<64x128xi32>, i32 -> vector<64x128xi32>
    %roll3A_5258 = arith.constant 2 : i32
    %roll3A_5259 = tpu.dynamic_rotate %select_n3A_5248 by %roll3A_5258 dim 1 : vector<64x128xi32>, i32 -> vector<64x128xi32>
    %iota3A_5260 = tpu.iota {dimensions = array<i32: 1>} : vector<64x128xi32>
    %and3A_5261 = arith.constant 2 : i32
    %and3A_5262 = vector.broadcast %and3A_5261 : i32 to vector<64x128xi32>
    %and3A_5263 = arith.andi %iota3A_5260, %and3A_5262 : vector<64x128xi32>
    %eq3A_5264 = arith.constant 0 : i32
    %eq3A_5265 = vector.broadcast %eq3A_5264 : i32 to vector<64x128xi32>
    %eq3A_5266 = arith.cmpi eq, %and3A_5263, %eq3A_5265 : vector<64x128xi32>
    %select_n3A_5267 = arith.select %eq3A_5266, %roll3A_5257, %roll3A_5259 : vector<64x128xi1>, vector<64x128xi32>
    %roll3A_5268 = arith.constant 126 : i32
    %roll3A_5269 = tpu.dynamic_rotate %select_n3A_5249 by %roll3A_5268 dim 1 : vector<64x128xi32>, i32 -> vector<64x128xi32>
    %roll3A_5270 = arith.constant 2 : i32
    %roll3A_5271 = tpu.dynamic_rotate %select_n3A_5249 by %roll3A_5270 dim 1 : vector<64x128xi32>, i32 -> vector<64x128xi32>
    %iota3A_5272 = tpu.iota {dimensions = array<i32: 1>} : vector<64x128xi32>
    %and3A_5273 = arith.constant 2 : i32
    %and3A_5274 = vector.broadcast %and3A_5273 : i32 to vector<64x128xi32>
    %and3A_5275 = arith.andi %iota3A_5272, %and3A_5274 : vector<64x128xi32>
    %eq3A_5276 = arith.constant 0 : i32
    %eq3A_5277 = vector.broadcast %eq3A_5276 : i32 to vector<64x128xi32>
    %eq3A_5278 = arith.cmpi eq, %and3A_5275, %eq3A_5277 : vector<64x128xi32>
    %select_n3A_5279 = arith.select %eq3A_5278, %roll3A_5269, %roll3A_5271 : vector<64x128xi1>, vector<64x128xi32>
    %eq3A_5280 = arith.xori %eq3A_4776, %eq3A_5255 : vector<64x128xi1>
    %eq3A_5281 = arith.constant dense<true> : vector<64x128xi1>
    %eq3A_5282 = arith.xori %eq3A_5280, %eq3A_5281 : vector<64x128xi1>
    %gt3A_5283 = arith.cmpi sgt, %select_n3A_5248, %select_n3A_5267 : vector<64x128xi32>
    %eq3A_5284 = arith.cmpi eq, %select_n3A_5248, %select_n3A_5267 : vector<64x128xi32>
    %lt3A_5285 = arith.cmpi slt, %select_n3A_5249, %select_n3A_5279 : vector<64x128xi32>
    %and3A_5286 = arith.andi %eq3A_5284, %lt3A_5285 : vector<64x128xi1>
    %or3A_5287 = arith.ori %gt3A_5283, %and3A_5286 : vector<64x128xi1>
    %eq3A_5288 = arith.xori %eq3A_5282, %or3A_5287 : vector<64x128xi1>
    %eq3A_5289 = arith.constant dense<true> : vector<64x128xi1>
    %eq3A_5290 = arith.xori %eq3A_5288, %eq3A_5289 : vector<64x128xi1>
    %select_n3A_5291 = arith.select %eq3A_5290, %select_n3A_5248, %select_n3A_5267 : vector<64x128xi1>, vector<64x128xi32>
    %select_n3A_5292 = arith.select %eq3A_5290, %select_n3A_5249, %select_n3A_5279 : vector<64x128xi1>, vector<64x128xi32>
    %and3A_5293 = arith.constant 1 : i32
    %and3A_5294 = vector.broadcast %and3A_5293 : i32 to vector<64x128xi32>
    %and3A_5295 = arith.andi %iota3A_1344, %and3A_5294 : vector<64x128xi32>
    %eq3A_5296 = arith.constant 0 : i32
    %eq3A_5297 = vector.broadcast %eq3A_5296 : i32 to vector<64x128xi32>
    %eq3A_5298 = arith.cmpi eq, %and3A_5295, %eq3A_5297 : vector<64x128xi32>
    %roll3A_5299 = arith.constant 127 : i32
    %roll3A_5300 = tpu.dynamic_rotate %select_n3A_5291 by %roll3A_5299 dim 1 : vector<64x128xi32>, i32 -> vector<64x128xi32>
    %roll3A_5301 = arith.constant 1 : i32
    %roll3A_5302 = tpu.dynamic_rotate %select_n3A_5291 by %roll3A_5301 dim 1 : vector<64x128xi32>, i32 -> vector<64x128xi32>
    %iota3A_5303 = tpu.iota {dimensions = array<i32: 1>} : vector<64x128xi32>
    %and3A_5304 = arith.constant 1 : i32
    %and3A_5305 = vector.broadcast %and3A_5304 : i32 to vector<64x128xi32>
    %and3A_5306 = arith.andi %iota3A_5303, %and3A_5305 : vector<64x128xi32>
    %eq3A_5307 = arith.constant 0 : i32
    %eq3A_5308 = vector.broadcast %eq3A_5307 : i32 to vector<64x128xi32>
    %eq3A_5309 = arith.cmpi eq, %and3A_5306, %eq3A_5308 : vector<64x128xi32>
    %select_n3A_5310 = arith.select %eq3A_5309, %roll3A_5300, %roll3A_5302 : vector<64x128xi1>, vector<64x128xi32>
    %roll3A_5311 = arith.constant 127 : i32
    %roll3A_5312 = tpu.dynamic_rotate %select_n3A_5292 by %roll3A_5311 dim 1 : vector<64x128xi32>, i32 -> vector<64x128xi32>
    %roll3A_5313 = arith.constant 1 : i32
    %roll3A_5314 = tpu.dynamic_rotate %select_n3A_5292 by %roll3A_5313 dim 1 : vector<64x128xi32>, i32 -> vector<64x128xi32>
    %iota3A_5315 = tpu.iota {dimensions = array<i32: 1>} : vector<64x128xi32>
    %and3A_5316 = arith.constant 1 : i32
    %and3A_5317 = vector.broadcast %and3A_5316 : i32 to vector<64x128xi32>
    %and3A_5318 = arith.andi %iota3A_5315, %and3A_5317 : vector<64x128xi32>
    %eq3A_5319 = arith.constant 0 : i32
    %eq3A_5320 = vector.broadcast %eq3A_5319 : i32 to vector<64x128xi32>
    %eq3A_5321 = arith.cmpi eq, %and3A_5318, %eq3A_5320 : vector<64x128xi32>
    %select_n3A_5322 = arith.select %eq3A_5321, %roll3A_5312, %roll3A_5314 : vector<64x128xi1>, vector<64x128xi32>
    %eq3A_5323 = arith.xori %eq3A_4776, %eq3A_5298 : vector<64x128xi1>
    %eq3A_5324 = arith.constant dense<true> : vector<64x128xi1>
    %eq3A_5325 = arith.xori %eq3A_5323, %eq3A_5324 : vector<64x128xi1>
    %gt3A_5326 = arith.cmpi sgt, %select_n3A_5291, %select_n3A_5310 : vector<64x128xi32>
    %eq3A_5327 = arith.cmpi eq, %select_n3A_5291, %select_n3A_5310 : vector<64x128xi32>
    %lt3A_5328 = arith.cmpi slt, %select_n3A_5292, %select_n3A_5322 : vector<64x128xi32>
    %and3A_5329 = arith.andi %eq3A_5327, %lt3A_5328 : vector<64x128xi1>
    %or3A_5330 = arith.ori %gt3A_5326, %and3A_5329 : vector<64x128xi1>
    %eq3A_5331 = arith.xori %eq3A_5325, %or3A_5330 : vector<64x128xi1>
    %eq3A_5332 = arith.constant dense<true> : vector<64x128xi1>
    %eq3A_5333 = arith.xori %eq3A_5331, %eq3A_5332 : vector<64x128xi1>
    %select_n3A_5334 = arith.select %eq3A_5333, %select_n3A_5292, %select_n3A_5322 : vector<64x128xi1>, vector<64x128xi32>
    %swap3A = arith.constant 0 : index
    %swap3A_5335 = arith.constant 0 : index
    %swap3A_5336 = vector.load %arg1[%swap3A, %swap3A_5335] : memref<64x128xi32, #tpu.memory_space<vmem>>, vector<64x128xi32>
    tpu.vector_store %arg1[%swap3A, %swap3A_5335], %select_n3A_5334 {strides = array<i32>} : memref<64x128xi32, #tpu.memory_space<vmem>>, vector<64x128xi32>,
    return
  }
}

</mosaic_0001>

<sc_bundles>
// kernel: kernel.5.cloned.1.call-start
scs
__scs_entry_jumppad:
0x0: {  	(pc) =	sbr.rel $0x88, $3  }
0x1: {  	(tag) =	ssettag $0x0;
	lr =	simm.s32 $0x1  }
0x2: {  	[smem:$0x3F9B] =	sst lr;
	_ =	strace $0xD0000000  }
0x3: {  	_ = 	snop  }
0x4: {  	_ = 	snop  }
0x5: {  	_ = 	snop  }
0x6: {  	_ = 	snop  }
0x7: {  	_ = 	snop  }
__scs_overlays_trampoline_lowered:
0x8: {  	[smem:$0x3FAA] =	sst s0  }
0x9: {  	[smem:$0x3FAB] =	sst s1  }
0xa: {  	[smem:$0x3FAC] =	sst s2  }
0xb: {  	[smem:$0x3FAD] =	sst s3  }
0xc: {  	[smem:$0x3FAE] =	sst s4  }
0xd: {  	[smem:$0x3FAF] =	sst s5  }
0xe: {  	[smem:$0x3FB0] =	sst s6  }
0xf: {  	[smem:$0x3FB1] =	sst s7  }
0x10: {  	[smem:$0x3FB2] =	sst s8  }
0x11: {  	[smem:$0x3FB3] =	sst s9;
	s0 =	simm.s32 @!p0 $0x0  }
0x12: {  	s1 =	sld [smem:$0x3F99];
	s0 =	simm.s32 @p0 $0x1  }
0x13: {  	[smem:$0x3FB4] =	sst s0;
	s0 =	simm.s32 @!p1 $0x0  }
0x14: {  	s2 =	sld [smem:$0x3F98];
	s0 =	simm.s32 @p1 $0x1  }
0x15: {  	[smem:$0x3FB5] =	sst s0;
	s0 =	simm.s32 @!p2 $0x0  }
0x16: {  	s3 =	sld [smem:$0x3FDB];
	s0 =	simm.s32 @p2 $0x1  }
0x17: {  	s4 =	simm.s32 $0x1BF5;
	[smem:$0x3FB7] =	sst s0  }
0x18: {  	s0 =	sld [smem:$0x3F9A];
	_ =	swait.ge [sflag:s4], $0x0  }
0x19: {  	s7 =	sld [smem:$0x3F9B]  }
0x1a: {  	s8 =	sadd.s32 $0xFFFFE003, lr  }
0x1b: {  	s9 =	sadd.s32 $0xFFFFFEF7, lr;
	s5 =	simm.s32 $0xFFFFFFFF;
	p2 =	slt.u32 s8, $0xFFFFF086  }
0x1c: {  	p1 =	slt.u32 s9, $0xF7A;
	s5 =	simm.s32 @!p2 $0x0  }
0x1d: {  	s5 =	simm.s32 @p1 $0x1;
	p0 =	seq.s32 s7, s2  }
0x1e: {  	s7 =	smul.u32 @!p0 $0xF7A, s2;
	p2 =	seq.s32 @!p0 s5, $0x0  }
0x1f: {  	s9 =	smul.u32 $0xF7A, s1;
	s8 =	simm.s32 @!p0 $0x1BF5;
	p2 =	por !p2, p0  }
0x20: {  	[sflag:s8] =	ssyncset.s32 @!p0 $0xFFFFF086;
	s6 =	sadd.s32 @!p0 s3, s7;
	s7 =	simm.s32 @!p0 $0x108  }
0x21: {  	s3 =	sadd.s32 s3, s9;
	s6 =	sadd.s32 @!p0 $0x88, s6;
	s7 =	simm.s32 @p2 $0x1082  }
0x22: {  	[simem:s7], [sflag:s8] =	dma.local @!p0 [hbm:s6], $0xF7A  }
0x23: {  	s9 =	sor.u32 $0xD0000000, s2;
	s6 =	simm.s32 $0x108;
	_ =	swait.ge @!p0 [sflag:s8], $0x0  }
0x24: {  	s3 =	sadd.s32 $0x88, s3;
	s6 =	simm.s32 @!p1 $0x1082;
	[sflag:s4] =	ssyncset.s32 $0xFFFFF086  }
0x25: {  	[simem:s6], [sflag:s4] =	dma.local [hbm:s3], $0xF7A  }
0x26: {  	[smem:$0x3F9B] =	sst s1;
	(tag) =	ssettag s2;
	_ =	strace s9  }
0x27: {  	s1 =	sld [smem:$0x3FAB]  }
0x28: {  	s2 =	sld [smem:$0x3FAC]  }
0x29: {  	s4 =	sld [smem:$0x3FAE]  }
0x2a: {  	p0 =	seq.s32 s5, $0x0;
	s5 =	sld [smem:$0x3FAF]  }
0x2b: {  	s6 =	sld [smem:$0x3FB0]  }
0x2c: {  	s7 =	sld [smem:$0x3FB1]  }
0x2d: {  	s3 =	simm.s32 $0x108;
	s8 =	sld [smem:$0x3FB2]  }
0x2e: {  	s3 =	simm.s32 @!p0 $0x1082;
	s9 =	sld [smem:$0x3FB3]  }
0x2f: {  	lr =	sadd.s32 s0, s3;
	s0 =	sld [smem:$0x3FAA]  }
0x30: {  	s3 =	sld [smem:$0x3FAD]  }
0x31: {  	[smem:$0x3FB6] =	sst s10  }
0x32: {  	s10 =	sld [smem:$0x3FB4];
	_ =	sdelay $0x3  }
0x33: {  	p0 =	seq.s32 s10, $0x1;
	s10 =	sld [smem:$0x3FB6];
	_ =	sdelay $0x3  }
0x34: {  	[smem:$0x3FB6] =	sst s10  }
0x35: {  	s10 =	sld [smem:$0x3FB5];
	_ =	sdelay $0x3  }
0x36: {  	p1 =	seq.s32 s10, $0x1;
	s10 =	sld [smem:$0x3FB6];
	_ =	sdelay $0x3  }
0x37: {  	[smem:$0x3FB6] =	sst s10  }
0x38: {  	s10 =	sld [smem:$0x3FB7]  }
0x39: {  	_ = 	snop;
	(pc) =	sbr.ind lr, $3  }
0x3a: {  	_ = 	snop  }
0x3b: {  	_ = 	snop  }
0x3c: {  	p2 =	seq.s32 s10, $0x1;
	s10 =	sld [smem:$0x3FB6]  }
0x3d: {  	_ =	shalt  }
0x3e: {  	_ =	shalt  }
0x3f: {  	_ =	shalt  }
0x40: {  	_ =	shalt  }
0x41: {  	_ =	shalt  }
0x42: {  	_ =	shalt  }
0x43: {  	_ =	shalt  }
0x44: {  	_ =	shalt  }
0x45: {  	_ =	shalt  }
0x46: {  	_ =	shalt  }
0x47: {  	_ =	shalt  }
0x48: {  	_ =	shalt  }
0x49: {  	_ =	shalt  }
0x4a: {  	_ =	shalt  }
0x4b: {  	_ =	shalt  }
0x4c: {  	_ =	shalt  }
0x4d: {  	_ =	shalt  }
0x4e: {  	_ =	shalt  }
0x4f: {  	_ =	shalt  }
0x50: {  	_ =	shalt  }
0x51: {  	_ =	shalt  }
0x52: {  	_ =	shalt  }
0x53: {  	_ =	shalt  }
0x54: {  	_ =	shalt  }
0x55: {  	_ =	shalt  }
0x56: {  	_ =	shalt  }
0x57: {  	_ =	shalt  }
0x58: {  	_ =	shalt  }
0x59: {  	_ =	shalt  }
0x5a: {  	_ =	shalt  }
0x5b: {  	_ =	shalt  }
0x5c: {  	_ =	shalt  }
0x5d: {  	_ =	shalt  }
0x5e: {  	_ =	shalt  }
0x5f: {  	_ =	shalt  }
0x60: {  	_ =	shalt  }
0x61: {  	_ =	shalt  }
0x62: {  	_ =	shalt  }
0x63: {  	_ =	shalt  }
0x64: {  	_ =	shalt  }
0x65: {  	_ =	shalt  }
0x66: {  	_ =	shalt  }
0x67: {  	_ =	shalt  }
0x68: {  	_ =	shalt  }
0x69: {  	_ =	shalt  }
0x6a: {  	_ =	shalt  }
0x6b: {  	_ =	shalt  }
0x6c: {  	_ =	shalt  }
0x6d: {  	_ =	shalt  }
0x6e: {  	_ =	shalt  }
0x6f: {  	_ =	shalt  }
0x70: {  	_ =	shalt  }
0x71: {  	_ =	shalt  }
0x72: {  	_ =	shalt  }
0x73: {  	_ =	shalt  }
0x74: {  	_ =	shalt  }
0x75: {  	_ =	shalt  }
0x76: {  	_ =	shalt  }
0x77: {  	_ =	shalt  }
0x78: {  	_ =	shalt  }
0x79: {  	_ =	shalt  }
0x7a: {  	_ =	shalt  }
0x7b: {  	_ =	shalt  }
0x7c: {  	_ =	shalt  }
0x7d: {  	_ =	shalt  }
0x7e: {  	_ =	shalt  }
0x7f: {  	_ =	shalt  }
0x80: {  	_ =	shalt  }
0x81: {  	_ =	shalt  }
0x82: {  	_ =	shalt  }
0x83: {  	_ =	shalt  }
0x84: {  	_ =	shalt  }
0x85: {  	_ =	shalt  }
0x86: {  	_ =	shalt  }
0x87: {  	_ =	shalt  }
.Lfunc_end0:
.L_simem_size_0:
called_computation_lowered:
.L_overlay_start_0:
0x88: {  	s2 =	sld [smem:$0x3FD9]  }
0x89: {  	s3 =	sld [smem:$0x3FFE];
	_ =	sdelay $0x1  }
0x8a: {  	s1 =	srdreg.scid  }
0x8b: {  	s0 =	sand.u32 $0x1, s1  }
0x8c: {  	s14 =	sshll.u32 s0, $0xA;
	s2 =	sadd.s32 s3, s2  }
0x8d: {  	s2 =	sadd.s32 s2, s14  }
0x8e: {  	[smem:$0x3FC2] =	sst s2  }
0x8f: {  	_ = 	snop  }
0x90: {  	s2 =	sld [smem:$0x3FD0];
	_ =	sdelay $0x2  }
0x91: {  	s4 =	simm.s32 $0xA;
	s5 =	simm.s32 $0x10;
	s15 =	sld [smem:$0x3FC9]  }
0x92: {  	[smem:s5], [sflag:s4] =	dma.local [hbm:s2], $0x1  }
0x93: {  	_ =	swait.eq [sflag:s4], $0x1  }
0x94: {  	[sflag:s4] =	ssyncset.done $0x0  }
0x95: {  	s16 =	sld [smem:$0x10];
	[sflag:s4] =	ssyncadd.s32 $0xFFFFFFFF  }
0x96: {  	s17 =	sld [smem:$0x11];
	(tm) =	ssettm $0x1  }
0x97: {  	s18 =	sld [smem:$0x3FFB];
	_ =	sdelay $0x3  }
0x98: {  	_ =	strace s18  }
0x99: {  	s5 =	sld [smem:$0x3FFC];
	_ =	sdelay $0x3  }
0x9a: {  	_ =	strace s5  }
0x9b: {  	s5 =	sld [smem:$0x3FFD];
	_ =	sdelay $0x3  }
0x9c: {  	_ =	strace s5  }
0x9d: {  	_ =	strace $0x8FFFFFFF  }
0x9e: {  	s19 =	sld [smem:$0x3FDB];
	_ =	sdelay $0x1  }
0x9f: {  	s6 =	simm.s32 $_scs_section_size  }
0xa0: {  	s7 =	simm.s32 $_size__tile_overlayer_lowered;
	s8 =	simm.s32 $_tile_overlayer_lowered  }
0xa1: {  	s22 =	simm.s32 $0x1BFF;
	s21 =	sshll.u32 s8, $0x1;
	s5 =	sadd.s32 s6, s19  }
0xa2: {  	s9 =	simm.s32 $0x0;
	s20 =	sshll.u32 s7, $0x1;
	s7 =	sadd.s32 s21, s5  }
0xa3: {  	[timem:s9], [sflag:s22] =	dma.local [hbm:s7], s20  }
0xa4: {  	_ =	swait.ge [sflag:s22], s20  }
0xa5: {  	s6 =	ssub.s32 $0x0, s20;
	[sflag:s22] =	ssyncset.done $0x0  }
0xa6: {  	[sflag:s22] =	ssyncadd.s32 s6;
	_ =	sdelay $0x1  }
0xa7: {  	s23 =	simm.s32 $0x1B8B  }
0xa8: {  	_ =	swait.ge [sflag:s23], $0x1  }
0xa9: {  	[sflag:s23] =	ssyncset.done $0x0  }
0xaa: {  	s25 =	simm.s32 $0x1B8E;
	s24 =	sld [smem:$0x3FFE];
	[sflag:s23] =	ssyncadd.s32 $0xFFFFFFFF  }
0xab: {  	s26 =	simm.s32 $execute0_lowered;
	[smem:$0x3FD2] =	sst s25  }
0xac: {  	s7 =	sshll.u32 s26, $0x1;
	_ =	strace $0x80000046;
	[dreg:$0x1] =	wrdreg $0xFFFFFFFF  }
0xad: {  	s28 =	simm.s32 $_size_execute0_lowered;
	s5 =	sadd.s32 s5, s7;
	[dreg:$0x0] =	wrdreg $0x0  }
0xae: {  	s7 =	sshll.u32 s28, $0x1;
	[dreg:$0x2] =	wrdreg s5  }
0xaf: {  	[dreg:$0x3] =	wrdreg s7  }
0xb0: {  	[dreg:$0x4] =	wrdreg $0xC0  }
0xb1: {  	_ =	task [dreg:s9], $0x5FFFF  }
0xb2: {  	[dreg:$0x1] =	wrdreg $0xFFFFFFFF  }
0xb3: {  	[dreg:$0x0] =	wrdreg $0x60  }
0xb4: {  	[dreg:$0x2] =	wrdreg s15  }
0xb5: {  	[dreg:$0x3] =	wrdreg s24  }
0xb6: {  	[dreg:$0x4] =	wrdreg s17  }
0xb7: {  	[dreg:$0x5] =	wrdreg s16  }
0xb8: {  	[dreg:$0x6] =	wrdreg $0x9  }
0xb9: {  	_ =	task.clear_ibuf [dreg:s9], $0x7FFFF;
	_ =	strace $0x90000046  }
0xba: {  	s29 =	simm.s32 $0x9;
	_ =	strace $0x80000048  }
0xbb: {  	_ =	swait.ge [sflag:s29], $0x1  }
0xbc: {  	[sflag:s29] =	ssyncadd.s32 $0xFFFFFFFF  }
0xbd: {  	_ =	strace $0x90000048  }
0xbe: {  	_ =	sfence  }
0xbf: {  	s30 =	sld [smem:$0x0];
	_ =	sdelay $0x2  }
0xc0: {  	s31 =	sshll.u32 s1, $0xD;
	s1 =	sshrl.u32 s1, $0x2  }
0xc1: {  	s3 =	sand.u32 $0x4000, s31;
	s1 =	sadd.s32 s1, s30  }
0xc2: {  	s0 =	sor.u32 s3, s0;
	s1 =	sshll.u32 s1, $0x11  }
0xc3: {  	s0 =	sor.u32 s1, s0  }
0xc4: {  	s0 =	sadd.s32 $0x8F2B, s0  }
0xc5: {  	[sflag:s0] =	ssyncadd.remote.s32 $0x1  }
0xc6: {  	_ =	sfence.sel $0xFFFF  }
0xc7: {  	[dreg:$0x0] =	wrdreg $0xFFFFFFFF;
	(pc) =	sbr.abs _section_cstart, $3  }
0xc8: {  	[dreg:$0x1] =	wrdreg $0xFFFFFFFF  }
0xc9: {  	_ =	task.clear_ibuf [dreg:s9], $0x2FFFF;
	_ =	strace $0x9FFFFFFF  }
0xca: {  	(tm) =	ssettm $0x7FFFFFFF  }
0xcb: {  	_ =	shalt  }
tec
execute0_lowered:
.L_overlay_start_1:
0x0: {  	(tag) =	ssettag $0x1  }
0x1: {  	s1 =	rddreg [dreg:$0x0]  }
0x2: {  	s0 =	rddreg [dreg:$0x1]  }
0x3: {  	s2 =	rddreg [dreg:$0x2]  }
0x4: {  	s5 =	rddreg [dreg:$0x3]  }
0x5: {  	s3 =	srdreg.scid;
	s4 =	stileid.u32  }
0x6: {  	s26 =	simm.s32 $0x14100;
	s20 =	simm.s32 $0x2;
	s28 =	simm.s32 $0x3100  }
0x7: {  	s29 =	simm.s32 $0x3900;
	s30 =	simm.s32 $0x4100;
	s31 =	simm.s32 $0x4900  }
0x8: {  	s10 =	simm.s32 $0x6100;
	s11 =	simm.s32 $0x6900;
	s12 =	simm.s32 $0x7100  }
0x9: {  	s13 =	simm.s32 $0x8100;
	s14 =	simm.s32 $0x8900;
	s15 =	simm.s32 $0x9100  }
0xa: {  	s16 =	simm.s32 $0x9900;
	s18 =	simm.s32 $0xA100;
	s19 =	simm.s32 $0xA900  }
0xb: {  	s6 =	sand.u32 $0x1, s3;
	s3 =	simm.s32 $0x0;
	s4 =	sshll.u32 s4, $0x9  }
0xc: {  	s22 =	sadd.s32 $0x101000, s0;
	s7 =	sshll.u32 s6, $0x8;
	[smem:$0x7FF] =	sst s3  }
0xd: {  	s6 =	ssub.s32 $0x2, s6;
	_ =	strace $0x80000047;
	[dreg:$0xa] =	wrdreg s22  }
0xe: {  	s7 =	sor.u32 s7, s4;
	s24 =	sshrl.u32 s6, $0x1;
	[dreg:$0x8] =	wrdreg s26  }
0xf: {  	s22 =	simm.s32 $0x900;
	s26 =	simm.s32 $0x2900;
	s4 =	simm.s32 $0xB100  }
0x10: {  	s8 =	sshll.u32 s7, $0x4;
	s23 =	sshrl.u32 s7, $0x3;
	s7 =	sshll.u32 s7, $0x6  }
0x11: {  	s0 =	sadd.s32 s8, s0;
	s2 =	sadd.s32 s2, s23;
	s7 =	sadd.s32 s5, s7  }
0x12: {  	s5 =	ssub.s32 s6, s24;
	s6 =	sadd.s32 $0x100, s1;
	s8 =	simm.s32 $0x3  }
0x13: {  	s23 =	simm.s32 $0x1100;
	s24 =	simm.s32 $0x1900;
	[dreg:$0x5] =	wrdreg s2  }
0x14: {  	v2 =	vlaneseq.u32;
	[dreg:$0x9] =	wrdreg s7;
	s25 =	sadd.s32 $0x2000, s7;
	s0 =	sadd.s32 $0x1000, s0  }
0x15: {  	vm0 =	vmmov $0xffff;
	v1 =	vshrl.u32 v2, $0x3;
	s7 =	smax.u32 s5, $0x1;
	s2 =	simm.s32 $0x1;
	[dreg:$0x6] =	wrdreg s25  }
0x16: {  	v0 =	vand.u32 $0x7, v2;
	v2 =	vor.u32 $0x8, v2;
	v1 =	vmul.u32 $0x8, v1;
	s5 =	simm.s32 $0x7900;
	[dreg:$0x7] =	wrdreg s0;
	s25 =	simm.s32 $0x2100  }
.LBB2_1:
0x17: {  	s21 =	rddreg [dreg:$0x5]  }
0x18: {  	[tilespmem:s3], [sflag:$0x3] =	stream.linear.gather [hbm4b:s21+s3], $0x100, $0x38;
	[tilespmem:$0x18100] =	vst v63  }
0x19: {  	_ =	swait.ge [sflag:s8], $0x100  }
0x1a: {  	[sflag:s8] =	ssyncset.done $0x0  }
0x1b: {  	[sflag:s8] =	ssyncadd.s32 $0xFFFFFF00  }
0x1c: {  	v3 =	vld [tilespmem:$0x0];
	_ =	sdelay $0x4  }
0x1d: {  	v4 =	vshll.u32 v3, $0x2  }
0x1e: {  	v3 =	vand.u32 $0x7, v3;
	v4 =	vand.u32 $0xFFFFFFE0, v4  }
0x1f: {  	v3 =	vor.u32 v3, v4  }
0x20: {  	v4 =	vperm.xlane v3, v0;
	_ =	sdelay $0x1  }
0x21: {  	v4 =	vadd.s32 v1, v4;
	_ =	sdelay $0x1  }
0x22: {  	v3 =	vperm.xlane v3, v2;
	_ =	sdelay $0x1  }
0x23: {  	s0 =	simm.s32 $0x100;
	v3 =	vadd.s32 v1, v3  }
0x24: {  	[tilespmem:s0], [sflag:$0x1] =	stream.indirect_vreg.gather [hbm4b:s1+s3], $0x80, v4, vm0, $0xb8;
	[tilespmem:$0x18100] =	vst v63  }
0x25: {  	_ = 	snop  }
0x26: {  	[tilespmem:s22], [sflag:$0x1] =	stream.indirect_vreg.gather [hbm4b:s6+s3], $0x80, v4, vm0, $0xb8;
	[tilespmem:$0x18100] =	vst v63  }
0x27: {  	_ = 	snop  }
0x28: {  	[tilespmem:s23], [sflag:$0x1] =	stream.indirect_vreg.gather [hbm4b:s1+s3], $0x80, v3, vm0, $0xb8;
	[tilespmem:$0x18100] =	vst v63  }
0x29: {  	_ = 	snop  }
0x2a: {  	[tilespmem:s24], [sflag:$0x1] =	stream.indirect_vreg.gather [hbm4b:s6+s3], $0x80, v3, vm0, $0xb8;
	[tilespmem:$0x18100] =	vst v63  }
0x2b: {  	v3 =	vld [tilespmem:$0x10];
	_ =	sdelay $0x4  }
0x2c: {  	v49 =	vshll.u32 v3, $0x2  }
0x2d: {  	v3 =	vand.u32 $0x7, v3;
	v4 =	vand.u32 $0xFFFFFFE0, v49  }
0x2e: {  	v3 =	vor.u32 v3, v4  }
0x2f: {  	v4 =	vperm.xlane v3, v0;
	_ =	sdelay $0x1  }
0x30: {  	v4 =	vadd.s32 v1, v4;
	_ =	sdelay $0x1  }
0x31: {  	v3 =	vperm.xlane v3, v2;
	_ =	sdelay $0x1  }
0x32: {  	v3 =	vadd.s32 v1, v3  }
0x33: {  	[tilespmem:s25], [sflag:$0x1] =	stream.indirect_vreg.gather [hbm4b:s1+s3], $0x80, v4, vm0, $0xb8;
	[tilespmem:$0x18100] =	vst v63  }
0x34: {  	_ = 	snop  }
0x35: {  	[tilespmem:s26], [sflag:$0x1] =	stream.indirect_vreg.gather [hbm4b:s6+s3], $0x80, v4, vm0, $0xb8;
	[tilespmem:$0x18100] =	vst v63  }
0x36: {  	_ = 	snop  }
0x37: {  	[tilespmem:s28], [sflag:$0x1] =	stream.indirect_vreg.gather [hbm4b:s1+s3], $0x80, v3, vm0, $0xb8;
	[tilespmem:$0x18100] =	vst v63  }
0x38: {  	_ = 	snop  }
0x39: {  	[tilespmem:s29], [sflag:$0x1] =	stream.indirect_vreg.gather [hbm4b:s6+s3], $0x80, v3, vm0, $0xb8;
	[tilespmem:$0x18100] =	vst v63  }
0x3a: {  	v3 =	vld [tilespmem:$0x20];
	_ =	sdelay $0x4  }
0x3b: {  	v50 =	vshll.u32 v3, $0x2  }
0x3c: {  	v3 =	vand.u32 $0x7, v3;
	v4 =	vand.u32 $0xFFFFFFE0, v50  }
0x3d: {  	v3 =	vor.u32 v3, v4  }
0x3e: {  	v4 =	vperm.xlane v3, v0;
	_ =	sdelay $0x1  }
0x3f: {  	v4 =	vadd.s32 v1, v4;
	_ =	sdelay $0x1  }
0x40: {  	v3 =	vperm.xlane v3, v2;
	_ =	sdelay $0x1  }
0x41: {  	v3 =	vadd.s32 v1, v3  }
0x42: {  	[tilespmem:s30], [sflag:$0x1] =	stream.indirect_vreg.gather [hbm4b:s1+s3], $0x80, v4, vm0, $0xb8;
	[tilespmem:$0x18100] =	vst v63  }
0x43: {  	_ = 	snop  }
0x44: {  	[tilespmem:s31], [sflag:$0x1] =	stream.indirect_vreg.gather [hbm4b:s6+s3], $0x80, v4, vm0, $0xb8;
	[tilespmem:$0x18100] =	vst v63  }
0x45: {  	s21 =	simm.s32 $0x5100  }
0x46: {  	[tilespmem:s21], [sflag:$0x1] =	stream.indirect_vreg.gather [hbm4b:s1+s3], $0x80, v3, vm0, $0xb8;
	[tilespmem:$0x18100] =	vst v63  }
0x47: {  	s9 =	simm.s32 $0x5900  }
0x48: {  	[tilespmem:s9], [sflag:$0x1] =	stream.indirect_vreg.gather [hbm4b:s6+s3], $0x80, v3, vm0, $0xb8;
	[tilespmem:$0x18100] =	vst v63  }
0x49: {  	v3 =	vld [tilespmem:$0x30];
	_ =	sdelay $0x4  }
0x4a: {  	v51 =	vshll.u32 v3, $0x2  }
0x4b: {  	v3 =	vand.u32 $0x7, v3;
	v4 =	vand.u32 $0xFFFFFFE0, v51  }
0x4c: {  	v3 =	vor.u32 v3, v4  }
0x4d: {  	v4 =	vperm.xlane v3, v0;
	_ =	sdelay $0x1  }
0x4e: {  	v4 =	vadd.s32 v1, v4;
	_ =	sdelay $0x1  }
0x4f: {  	v3 =	vperm.xlane v3, v2;
	_ =	sdelay $0x1  }
0x50: {  	v3 =	vadd.s32 v1, v3  }
0x51: {  	[tilespmem:s10], [sflag:$0x1] =	stream.indirect_vreg.gather [hbm4b:s1+s3], $0x80, v4, vm0, $0xb8;
	[tilespmem:$0x18100] =	vst v63  }
0x52: {  	_ = 	snop  }
0x53: {  	[tilespmem:s11], [sflag:$0x1] =	stream.indirect_vreg.gather [hbm4b:s6+s3], $0x80, v4, vm0, $0xb8;
	[tilespmem:$0x18100] =	vst v63  }
0x54: {  	_ = 	snop  }
0x55: {  	[tilespmem:s12], [sflag:$0x1] =	stream.indirect_vreg.gather [hbm4b:s1+s3], $0x80, v3, vm0, $0xb8;
	[tilespmem:$0x18100] =	vst v63  }
0x56: {  	_ = 	snop  }
0x57: {  	[tilespmem:s5], [sflag:$0x1] =	stream.indirect_vreg.gather [hbm4b:s6+s3], $0x80, v3, vm0, $0xb8;
	[tilespmem:$0x18100] =	vst v63  }
0x58: {  	v3 =	vld [tilespmem:$0x40];
	_ =	sdelay $0x4  }
0x59: {  	v52 =	vshll.u32 v3, $0x2  }
0x5a: {  	v3 =	vand.u32 $0x7, v3;
	v4 =	vand.u32 $0xFFFFFFE0, v52  }
0x5b: {  	v3 =	vor.u32 v3, v4  }
0x5c: {  	v4 =	vperm.xlane v3, v0;
	_ =	sdelay $0x1  }
0x5d: {  	v4 =	vadd.s32 v1, v4;
	_ =	sdelay $0x1  }
0x5e: {  	v3 =	vperm.xlane v3, v2;
	_ =	sdelay $0x1  }
0x5f: {  	v3 =	vadd.s32 v1, v3  }
0x60: {  	[tilespmem:s13], [sflag:$0x1] =	stream.indirect_vreg.gather [hbm4b:s1+s3], $0x80, v4, vm0, $0xb8;
	[tilespmem:$0x18100] =	vst v63  }
0x61: {  	_ = 	snop  }
0x62: {  	[tilespmem:s14], [sflag:$0x1] =	stream.indirect_vreg.gather [hbm4b:s6+s3], $0x80, v4, vm0, $0xb8;
	[tilespmem:$0x18100] =	vst v63  }
0x63: {  	_ = 	snop  }
0x64: {  	[tilespmem:s15], [sflag:$0x1] =	stream.indirect_vreg.gather [hbm4b:s1+s3], $0x80, v3, vm0, $0xb8;
	[tilespmem:$0x18100] =	vst v63  }
0x65: {  	_ = 	snop  }
0x66: {  	[tilespmem:s16], [sflag:$0x1] =	stream.indirect_vreg.gather [hbm4b:s6+s3], $0x80, v3, vm0, $0xb8;
	[tilespmem:$0x18100] =	vst v63  }
0x67: {  	v3 =	vld [tilespmem:$0x50];
	_ =	sdelay $0x4  }
0x68: {  	v53 =	vshll.u32 v3, $0x2  }
0x69: {  	v3 =	vand.u32 $0x7, v3;
	v4 =	vand.u32 $0xFFFFFFE0, v53  }
0x6a: {  	v3 =	vor.u32 v3, v4  }
0x6b: {  	v4 =	vperm.xlane v3, v0;
	_ =	sdelay $0x1  }
0x6c: {  	v4 =	vadd.s32 v1, v4;
	_ =	sdelay $0x1  }
0x6d: {  	v3 =	vperm.xlane v3, v2;
	_ =	sdelay $0x1  }
0x6e: {  	v3 =	vadd.s32 v1, v3  }
0x6f: {  	[tilespmem:s18], [sflag:$0x1] =	stream.indirect_vreg.gather [hbm4b:s1+s3], $0x80, v4, vm0, $0xb8;
	[tilespmem:$0x18100] =	vst v63  }
0x70: {  	_ = 	snop  }
0x71: {  	[tilespmem:s19], [sflag:$0x1] =	stream.indirect_vreg.gather [hbm4b:s6+s3], $0x80, v4, vm0, $0xb8;
	[tilespmem:$0x18100] =	vst v63  }
0x72: {  	_ = 	snop  }
0x73: {  	[tilespmem:s4], [sflag:$0x1] =	stream.indirect_vreg.gather [hbm4b:s1+s3], $0x80, v3, vm0, $0xb8;
	[tilespmem:$0x18100] =	vst v63  }
0x74: {  	s17 =	simm.s32 $0xB900  }
0x75: {  	[tilespmem:s17], [sflag:$0x1] =	stream.indirect_vreg.gather [hbm4b:s6+s3], $0x80, v3, vm0, $0xb8;
	[tilespmem:$0x18100] =	vst v63  }
0x76: {  	v3 =	vld [tilespmem:$0x60];
	_ =	sdelay $0x4  }
0x77: {  	v54 =	vshll.u32 v3, $0x2  }
0x78: {  	v3 =	vand.u32 $0x7, v3;
	v4 =	vand.u32 $0xFFFFFFE0, v54  }
0x79: {  	v3 =	vor.u32 v3, v4  }
0x7a: {  	v4 =	vperm.xlane v3, v0;
	_ =	sdelay $0x1  }
0x7b: {  	v4 =	vadd.s32 v1, v4;
	_ =	sdelay $0x1  }
0x7c: {  	v3 =	vperm.xlane v3, v2;
	_ =	sdelay $0x1  }
0x7d: {  	s21 =	simm.s32 $0xC100;
	v3 =	vadd.s32 v1, v3  }
0x7e: {  	[tilespmem:s21], [sflag:$0x1] =	stream.indirect_vreg.gather [hbm4b:s1+s3], $0x80, v4, vm0, $0xb8;
	[tilespmem:$0x18100] =	vst v63  }
0x7f: {  	s9 =	simm.s32 $0xC900  }
0x80: {  	[tilespmem:s9], [sflag:$0x1] =	stream.indirect_vreg.gather [hbm4b:s6+s3], $0x80, v4, vm0, $0xb8;
	[tilespmem:$0x18100] =	vst v63  }
0x81: {  	s17 =	simm.s32 $0xD100  }
0x82: {  	[tilespmem:s17], [sflag:$0x1] =	stream.indirect_vreg.gather [hbm4b:s1+s3], $0x80, v3, vm0, $0xb8;
	[tilespmem:$0x18100] =	vst v63  }
0x83: {  	s21 =	simm.s32 $0xD900  }
0x84: {  	[tilespmem:s21], [sflag:$0x1] =	stream.indirect_vreg.gather [hbm4b:s6+s3], $0x80, v3, vm0, $0xb8;
	[tilespmem:$0x18100] =	vst v63  }
0x85: {  	v3 =	vld [tilespmem:$0x70];
	_ =	sdelay $0x4  }
0x86: {  	v55 =	vshll.u32 v3, $0x2  }
0x87: {  	v3 =	vand.u32 $0x7, v3;
	v4 =	vand.u32 $0xFFFFFFE0, v55  }
0x88: {  	v3 =	vor.u32 v3, v4  }
0x89: {  	v4 =	vperm.xlane v3, v0;
	_ =	sdelay $0x1  }
0x8a: {  	v4 =	vadd.s32 v1, v4;
	_ =	sdelay $0x1  }
0x8b: {  	v3 =	vperm.xlane v3, v2;
	_ =	sdelay $0x1  }
0x8c: {  	s9 =	simm.s32 $0xE100;
	v3 =	vadd.s32 v1, v3  }
0x8d: {  	[tilespmem:s9], [sflag:$0x1] =	stream.indirect_vreg.gather [hbm4b:s1+s3], $0x80, v4, vm0, $0xb8;
	[tilespmem:$0x18100] =	vst v63  }
0x8e: {  	s17 =	simm.s32 $0xE900  }
0x8f: {  	[tilespmem:s17], [sflag:$0x1] =	stream.indirect_vreg.gather [hbm4b:s6+s3], $0x80, v4, vm0, $0xb8;
	[tilespmem:$0x18100] =	vst v63  }
0x90: {  	s21 =	simm.s32 $0xF100  }
0x91: {  	[tilespmem:s21], [sflag:$0x1] =	stream.indirect_vreg.gather [hbm4b:s1+s3], $0x80, v3, vm0, $0xb8;
	[tilespmem:$0x18100] =	vst v63  }
0x92: {  	s9 =	simm.s32 $0xF900  }
0x93: {  	[tilespmem:s9], [sflag:$0x1] =	stream.indirect_vreg.gather [hbm4b:s6+s3], $0x80, v3, vm0, $0xb8;
	[tilespmem:$0x18100] =	vst v63  }
0x94: {  	_ =	swait.ge [sflag:s2], $0x10000  }
0x95: {  	[sflag:s2] =	ssyncset.done $0x0  }
0x96: {  	s0 =	simm.s32 $0x100;
	s17 =	rddreg [dreg:$0x9];
	[sflag:s2] =	ssyncadd.s32 $0xFFFF0000  }
0x97: {  	[hbm4b:s17+s3] =	stream.linear.scatter [tilespmem:s0], [sflag:$0x3], $0x10000, $0x38;
	[tilespmem:$0x18100] =	vst v63  }
0x98: {  	_ =	swait.ge [sflag:s8], $0x10000  }
0x99: {  	s21 =	simm.s32 $0x10100;
	[sflag:s8] =	ssyncset.done $0x0  }
0x9a: {  	s17 =	simm.s32 $0x80;
	s9 =	rddreg [dreg:$0xa];
	[sflag:s8] =	ssyncadd.s32 $0xFFFF0000  }
0x9b: {  	[tilespmem:s21], [sflag:$0x2] =	stream.indirect.gather [hbm4b:s9+s17], $0x80, s3, s17, $0xb8;
	[tilespmem:$0x18100] =	vst v63  }
0x9c: {  	_ =	swait.ge [sflag:s20], $0x4000  }
0x9d: {  	[sflag:s20] =	ssyncset.done $0x0  }
0x9e: {  	[sflag:s20] =	ssyncadd.s32 $0xFFFFC000  }
0x9f: {  	v3 =	vld [tilespmem:$0x80];
	_ =	sdelay $0x4  }
0xa0: {  	v56 =	vshll.u32 v3, $0x2  }
0xa1: {  	v3 =	vand.u32 $0x7, v3;
	v4 =	vand.u32 $0xFFFFFFE0, v56  }
0xa2: {  	v3 =	vor.u32 v3, v4  }
0xa3: {  	v4 =	vperm.xlane v3, v0;
	_ =	sdelay $0x1  }
0xa4: {  	v4 =	vadd.s32 v1, v4;
	_ =	sdelay $0x1  }
0xa5: {  	v3 =	vperm.xlane v3, v2;
	_ =	sdelay $0x1  }
0xa6: {  	v3 =	vadd.s32 v1, v3  }
0xa7: {  	[tilespmem:s0], [sflag:$0x1] =	stream.indirect_vreg.gather [hbm4b:s1+s3], $0x80, v4, vm0, $0xb8;
	[tilespmem:$0x18100] =	vst v63  }
0xa8: {  	_ = 	snop  }
0xa9: {  	[tilespmem:s22], [sflag:$0x1] =	stream.indirect_vreg.gather [hbm4b:s6+s3], $0x80, v4, vm0, $0xb8;
	[tilespmem:$0x18100] =	vst v63  }
0xaa: {  	_ = 	snop  }
0xab: {  	[tilespmem:s23], [sflag:$0x1] =	stream.indirect_vreg.gather [hbm4b:s1+s3], $0x80, v3, vm0, $0xb8;
	[tilespmem:$0x18100] =	vst v63  }
0xac: {  	_ = 	snop  }
0xad: {  	[tilespmem:s24], [sflag:$0x1] =	stream.indirect_vreg.gather [hbm4b:s6+s3], $0x80, v3, vm0, $0xb8;
	[tilespmem:$0x18100] =	vst v63  }
0xae: {  	v3 =	vld [tilespmem:$0x90];
	_ =	sdelay $0x4  }
0xaf: {  	v57 =	vshll.u32 v3, $0x2  }
0xb0: {  	v3 =	vand.u32 $0x7, v3;
	v4 =	vand.u32 $0xFFFFFFE0, v57  }
0xb1: {  	v3 =	vor.u32 v3, v4  }
0xb2: {  	v4 =	vperm.xlane v3, v0;
	_ =	sdelay $0x1  }
0xb3: {  	v4 =	vadd.s32 v1, v4;
	_ =	sdelay $0x1  }
0xb4: {  	v3 =	vperm.xlane v3, v2;
	_ =	sdelay $0x1  }
0xb5: {  	v3 =	vadd.s32 v1, v3  }
0xb6: {  	[tilespmem:s25], [sflag:$0x1] =	stream.indirect_vreg.gather [hbm4b:s1+s3], $0x80, v4, vm0, $0xb8;
	[tilespmem:$0x18100] =	vst v63  }
0xb7: {  	_ = 	snop  }
0xb8: {  	[tilespmem:s26], [sflag:$0x1] =	stream.indirect_vreg.gather [hbm4b:s6+s3], $0x80, v4, vm0, $0xb8;
	[tilespmem:$0x18100] =	vst v63  }
0xb9: {  	_ = 	snop  }
0xba: {  	[tilespmem:s28], [sflag:$0x1] =	stream.indirect_vreg.gather [hbm4b:s1+s3], $0x80, v3, vm0, $0xb8;
	[tilespmem:$0x18100] =	vst v63  }
0xbb: {  	_ = 	snop  }
0xbc: {  	[tilespmem:s29], [sflag:$0x1] =	stream.indirect_vreg.gather [hbm4b:s6+s3], $0x80, v3, vm0, $0xb8;
	[tilespmem:$0x18100] =	vst v63  }
0xbd: {  	v3 =	vld [tilespmem:$0xA0];
	_ =	sdelay $0x4  }
0xbe: {  	v58 =	vshll.u32 v3, $0x2  }
0xbf: {  	v3 =	vand.u32 $0x7, v3;
	v4 =	vand.u32 $0xFFFFFFE0, v58  }
0xc0: {  	v3 =	vor.u32 v3, v4  }
0xc1: {  	v4 =	vperm.xlane v3, v0;
	_ =	sdelay $0x1  }
0xc2: {  	v4 =	vadd.s32 v1, v4;
	_ =	sdelay $0x1  }
0xc3: {  	v3 =	vperm.xlane v3, v2;
	_ =	sdelay $0x1  }
0xc4: {  	v3 =	vadd.s32 v1, v3  }
0xc5: {  	[tilespmem:s30], [sflag:$0x1] =	stream.indirect_vreg.gather [hbm4b:s1+s3], $0x80, v4, vm0, $0xb8;
	[tilespmem:$0x18100] =	vst v63  }
0xc6: {  	_ = 	snop  }
0xc7: {  	[tilespmem:s31], [sflag:$0x1] =	stream.indirect_vreg.gather [hbm4b:s6+s3], $0x80, v4, vm0, $0xb8;
	[tilespmem:$0x18100] =	vst v63  }
0xc8: {  	s21 =	simm.s32 $0x5100  }
0xc9: {  	[tilespmem:s21], [sflag:$0x1] =	stream.indirect_vreg.gather [hbm4b:s1+s3], $0x80, v3, vm0, $0xb8;
	[tilespmem:$0x18100] =	vst v63  }
0xca: {  	s21 =	simm.s32 $0x5900  }
0xcb: {  	[tilespmem:s21], [sflag:$0x1] =	stream.indirect_vreg.gather [hbm4b:s6+s3], $0x80, v3, vm0, $0xb8;
	[tilespmem:$0x18100] =	vst v63  }
0xcc: {  	v3 =	vld [tilespmem:$0xB0];
	_ =	sdelay $0x4  }
0xcd: {  	v59 =	vshll.u32 v3, $0x2  }
0xce: {  	v3 =	vand.u32 $0x7, v3;
	v4 =	vand.u32 $0xFFFFFFE0, v59  }
0xcf: {  	v3 =	vor.u32 v3, v4  }
0xd0: {  	v4 =	vperm.xlane v3, v0;
	_ =	sdelay $0x1  }
0xd1: {  	v4 =	vadd.s32 v1, v4;
	_ =	sdelay $0x1  }
0xd2: {  	v3 =	vperm.xlane v3, v2;
	_ =	sdelay $0x1  }
0xd3: {  	v3 =	vadd.s32 v1, v3  }
0xd4: {  	[tilespmem:s10], [sflag:$0x1] =	stream.indirect_vreg.gather [hbm4b:s1+s3], $0x80, v4, vm0, $0xb8;
	[tilespmem:$0x18100] =	vst v63  }
0xd5: {  	_ = 	snop  }
0xd6: {  	[tilespmem:s11], [sflag:$0x1] =	stream.indirect_vreg.gather [hbm4b:s6+s3], $0x80, v4, vm0, $0xb8;
	[tilespmem:$0x18100] =	vst v63  }
0xd7: {  	_ = 	snop  }
0xd8: {  	[tilespmem:s12], [sflag:$0x1] =	stream.indirect_vreg.gather [hbm4b:s1+s3], $0x80, v3, vm0, $0xb8;
	[tilespmem:$0x18100] =	vst v63  }
0xd9: {  	_ = 	snop  }
0xda: {  	[tilespmem:s5], [sflag:$0x1] =	stream.indirect_vreg.gather [hbm4b:s6+s3], $0x80, v3, vm0, $0xb8;
	[tilespmem:$0x18100] =	vst v63  }
0xdb: {  	v3 =	vld [tilespmem:$0xC0];
	_ =	sdelay $0x4  }
0xdc: {  	v60 =	vshll.u32 v3, $0x2  }
0xdd: {  	v3 =	vand.u32 $0x7, v3;
	v4 =	vand.u32 $0xFFFFFFE0, v60  }
0xde: {  	v3 =	vor.u32 v3, v4  }
0xdf: {  	v4 =	vperm.xlane v3, v0;
	_ =	sdelay $0x1  }
0xe0: {  	v4 =	vadd.s32 v1, v4;
	_ =	sdelay $0x1  }
0xe1: {  	v3 =	vperm.xlane v3, v2;
	_ =	sdelay $0x1  }
0xe2: {  	v3 =	vadd.s32 v1, v3  }
0xe3: {  	[tilespmem:s13], [sflag:$0x1] =	stream.indirect_vreg.gather [hbm4b:s1+s3], $0x80, v4, vm0, $0xb8;
	[tilespmem:$0x18100] =	vst v63  }
0xe4: {  	_ = 	snop  }
0xe5: {  	[tilespmem:s14], [sflag:$0x1] =	stream.indirect_vreg.gather [hbm4b:s6+s3], $0x80, v4, vm0, $0xb8;
	[tilespmem:$0x18100] =	vst v63  }
0xe6: {  	_ = 	snop  }
0xe7: {  	[tilespmem:s15], [sflag:$0x1] =	stream.indirect_vreg.gather [hbm4b:s1+s3], $0x80, v3, vm0, $0xb8;
	[tilespmem:$0x18100] =	vst v63  }
0xe8: {  	_ = 	snop  }
0xe9: {  	[tilespmem:s16], [sflag:$0x1] =	stream.indirect_vreg.gather [hbm4b:s6+s3], $0x80, v3, vm0, $0xb8;
	[tilespmem:$0x18100] =	vst v63  }
0xea: {  	v3 =	vld [tilespmem:$0xD0];
	_ =	sdelay $0x4  }
0xeb: {  	v61 =	vshll.u32 v3, $0x2  }
0xec: {  	v3 =	vand.u32 $0x7, v3;
	v4 =	vand.u32 $0xFFFFFFE0, v61  }
0xed: {  	v3 =	vor.u32 v3, v4  }
0xee: {  	v4 =	vperm.xlane v3, v0;
	_ =	sdelay $0x1  }
0xef: {  	v4 =	vadd.s32 v1, v4;
	_ =	sdelay $0x1  }
0xf0: {  	v3 =	vperm.xlane v3, v2;
	_ =	sdelay $0x1  }
0xf1: {  	v3 =	vadd.s32 v1, v3  }
0xf2: {  	[tilespmem:s18], [sflag:$0x1] =	stream.indirect_vreg.gather [hbm4b:s1+s3], $0x80, v4, vm0, $0xb8;
	[tilespmem:$0x18100] =	vst v63  }
0xf3: {  	_ = 	snop  }
0xf4: {  	[tilespmem:s19], [sflag:$0x1] =	stream.indirect_vreg.gather [hbm4b:s6+s3], $0x80, v4, vm0, $0xb8;
	[tilespmem:$0x18100] =	vst v63  }
0xf5: {  	_ = 	snop  }
0xf6: {  	[tilespmem:s4], [sflag:$0x1] =	stream.indirect_vreg.gather [hbm4b:s1+s3], $0x80, v3, vm0, $0xb8;
	[tilespmem:$0x18100] =	vst v63  }
0xf7: {  	s21 =	simm.s32 $0xB900  }
0xf8: {  	[tilespmem:s21], [sflag:$0x1] =	stream.indirect_vreg.gather [hbm4b:s6+s3], $0x80, v3, vm0, $0xb8;
	[tilespmem:$0x18100] =	vst v63  }
0xf9: {  	v3 =	vld [tilespmem:$0xE0];
	_ =	sdelay $0x4  }
0xfa: {  	v62 =	vshll.u32 v3, $0x2  }
0xfb: {  	v3 =	vand.u32 $0x7, v3;
	v4 =	vand.u32 $0xFFFFFFE0, v62  }
0xfc: {  	v3 =	vor.u32 v3, v4  }
0xfd: {  	v4 =	vperm.xlane v3, v0;
	_ =	sdelay $0x1  }
0xfe: {  	v4 =	vadd.s32 v1, v4;
	_ =	sdelay $0x1  }
0xff: {  	v3 =	vperm.xlane v3, v2;
	_ =	sdelay $0x1  }
0x100: {  	s21 =	simm.s32 $0xC100;
	v3 =	vadd.s32 v1, v3  }
0x101: {  	[tilespmem:s21], [sflag:$0x1] =	stream.indirect_vreg.gather [hbm4b:s1+s3], $0x80, v4, vm0, $0xb8;
	[tilespmem:$0x18100] =	vst v63  }
0x102: {  	s21 =	simm.s32 $0xC900  }
0x103: {  	[tilespmem:s21], [sflag:$0x1] =	stream.indirect_vreg.gather [hbm4b:s6+s3], $0x80, v4, vm0, $0xb8;
	[tilespmem:$0x18100] =	vst v63  }
0x104: {  	s21 =	simm.s32 $0xD100  }
0x105: {  	[tilespmem:s21], [sflag:$0x1] =	stream.indirect_vreg.gather [hbm4b:s1+s3], $0x80, v3, vm0, $0xb8;
	[tilespmem:$0x18100] =	vst v63  }
0x106: {  	s21 =	simm.s32 $0xD900  }
0x107: {  	[tilespmem:s21], [sflag:$0x1] =	stream.indirect_vreg.gather [hbm4b:s6+s3], $0x80, v3, vm0, $0xb8;
	[tilespmem:$0x18100] =	vst v63  }
0x108: {  	v3 =	vld [tilespmem:$0xF0];
	_ =	sdelay $0x4  }
0x109: {  	v63 =	vshll.u32 v3, $0x2  }
0x10a: {  	v3 =	vand.u32 $0x7, v3;
	v4 =	vand.u32 $0xFFFFFFE0, v63  }
0x10b: {  	v3 =	vor.u32 v3, v4  }
0x10c: {  	v4 =	vperm.xlane v3, v0;
	_ =	sdelay $0x1  }
0x10d: {  	v4 =	vadd.s32 v1, v4;
	_ =	sdelay $0x1  }
0x10e: {  	v3 =	vperm.xlane v3, v2;
	_ =	sdelay $0x1  }
0x10f: {  	s21 =	simm.s32 $0xE100;
	v3 =	vadd.s32 v1, v3  }
0x110: {  	[tilespmem:s21], [sflag:$0x1] =	stream.indirect_vreg.gather [hbm4b:s1+s3], $0x80, v4, vm0, $0xb8;
	[tilespmem:$0x18100] =	vst v63  }
0x111: {  	s21 =	simm.s32 $0xE900  }
0x112: {  	[tilespmem:s21], [sflag:$0x1] =	stream.indirect_vreg.gather [hbm4b:s6+s3], $0x80, v4, vm0, $0xb8;
	[tilespmem:$0x18100] =	vst v63  }
0x113: {  	s21 =	simm.s32 $0xF100  }
0x114: {  	[tilespmem:s21], [sflag:$0x1] =	stream.indirect_vreg.gather [hbm4b:s1+s3], $0x80, v3, vm0, $0xb8;
	[tilespmem:$0x18100] =	vst v63  }
0x115: {  	s21 =	simm.s32 $0xF900  }
0x116: {  	[tilespmem:s21], [sflag:$0x1] =	stream.indirect_vreg.gather [hbm4b:s6+s3], $0x80, v3, vm0, $0xb8;
	[tilespmem:$0x18100] =	vst v63  }
0x117: {  	_ =	swait.ge [sflag:s2], $0x10000  }
0x118: {  	[sflag:s2] =	ssyncset.done $0x0  }
0x119: {  	s0 =	simm.s32 $0x100;
	s21 =	rddreg [dreg:$0x6];
	[sflag:s2] =	ssyncadd.s32 $0xFFFF0000  }
0x11a: {  	[hbm4b:s21+s3] =	stream.linear.scatter [tilespmem:s0], [sflag:$0x3], $0x10000, $0x38;
	[tilespmem:$0x18100] =	vst v63  }
0x11b: {  	_ =	swait.ge [sflag:s8], $0x10000  }
0x11c: {  	[sflag:s8] =	ssyncset.done $0x0  }
0x11d: {  	s17 =	simm.s32 $0x80;
	s0 =	rddreg [dreg:$0x8];
	[sflag:s8] =	ssyncadd.s32 $0xFFFF0000  }
0x11e: {  	[tilespmem:s0], [sflag:$0x2] =	stream.indirect.gather [hbm4b:s9+s17], $0x80, s17, s17, $0xb8;
	[tilespmem:$0x18100] =	vst v63  }
0x11f: {  	_ =	swait.ge [sflag:s20], $0x4000  }
0x120: {  	p0 =	sne.s32 s7, $0x1;
	s17 =	simm.s32 $0x10100;
	[sflag:s20] =	ssyncset.done $0x0  }
.Ltmp0:
0x121: {  	s9 =	rddreg [dreg:$0x7];
	[sflag:s20] =	ssyncadd.s32 $0xFFFFC000;
	(pc) =	sbr.rel @p0 .LBB2_1-.Ltmp0, $4  }
0x122: {  	[hbm4b:s9+s3] =	stream.linear.scatter [tilespmem:s17], [sflag:$0x3], $0x8000, $0x38;
	[tilespmem:$0x18100] =	vst v63  }
0x123: {  	_ =	swait.ge [sflag:s8], $0x8000  }
0x124: {  	[sflag:s8] =	ssyncset.done $0x0  }
0x125: {  	s7 =	sadd.s32 $0xFFFFFFFF, s7;
	[sflag:s8] =	ssyncadd.s32 $0xFFFF8000  }
0x126: {  	_ =	sfence.sel $0x180000  }
0x127: {  	[bflag:$0x0] =	sbarrier.arrive $0xFFFF  }
0x128: {  	_ =	strace $0x90000047  }
0x129: {  	s0 =	stileid.u32;
	[bflag:$0x2] =	sbarrier.arrive $0xFFFF  }
0x12a: {  	p0 =	sne.s32 s0, $0x0;
	s0 =	rddreg [dreg:$0x4]  }
0x12b: {  	s0 =	sadd.s32 @!p0 $0x100000, s0  }
0x12c: {  	[sflag:s0] =	ssyncadd.tile.s32 @!p0 $0x1;
	_ =	shalt  }
.Lfunc_end2:
_tile_overlayer_lowered:
.L_overlay_start_2:
0x12d: {  	(tag) =	ssettag $0x2  }
0x12e: {  	s0 =	rddreg [dreg:$0x0];
	s2 =	stileid.u32  }
0x12f: {  	s1 =	rddreg [dreg:$0x1];
	p0 =	sne.s32 s2, $0x0  }
0x130: {  	s3 =	rddreg [dreg:$0x2];
	[bflag:$0x3] =	sbarrier.arrive $0xFFFF;
	s2 =	simm.s32 @!p0 $0x1C03  }
0x131: {  	[timem:s3], [sflag:s2] =	dma.local @!p0 [hbm:s0], s1  }
0x132: {  	s0 =	simm.s32 @!p0 $0x3  }
0x133: {  	_ =	swait.ge @!p0 [sflag:s0], s1  }
0x134: {  	s1 =	ssub.s32 @!p0 $0x0, s1;
	[sflag:s0] =	ssyncset.done @!p0 $0x0  }
0x135: {  	[sflag:s0] =	ssyncadd.s32 @!p0 s1  }
0x136: {  	[bflag:$0x3] =	sbarrier.arrive $0xFFFF  }
0x137: {  	_ =	shalt  }

</sc_bundles>
